<compile_context>
chip_gen: v7x
topology: tpu7x:2x2x1
jax: 0.10.2.dev20260603
libtpu: 0.0.44.dev20260713+nightly
codegen_flags: <defaults>
</compile_context>

<pallas_src>
import functools

import jax
import jax.numpy as jnp
from jax import lax
from jax.experimental import pallas as pl
from jax.experimental.pallas import tpu as pltpu
from jax.experimental.pallas import tpu_sc as plsc

NUM_BUCKETS = 1000000
OUT_CH = 64
B, C, L = 4096, 26, 20
LP = 24
NLANE = 16
NCH = OUT_CH // NLANE

NC, NS = 2, 16
NW = NC * NS
B_PER_W = B // NW
CB = 32
SUB = B_PER_W // CB
N_CHUNK = C * SUB

assert B % NW == 0 and B_PER_W % CB == 0 and N_CHUNK % 2 == 0

_mesh = plsc.VectorSubcoreMesh(core_axis_name="c", subcore_axis_name="s")


@functools.partial(
    pl.kernel,
    out_type=jax.ShapeDtypeStruct((C, B, 2 * OUT_CH), jnp.float32),
    mesh=_mesh,
    scratch_types=[
        pltpu.VMEM((L, CB), jnp.int32),
        pltpu.VMEM((L, CB), jnp.int32),
        pltpu.VMEM((L, CB, OUT_CH), jnp.float32),
        pltpu.VMEM((L, CB, OUT_CH), jnp.float32),
        pltpu.VMEM((CB, OUT_CH), jnp.float32),
        pltpu.SemaphoreType.DMA,
        pltpu.SemaphoreType.DMA,
        pltpu.SemaphoreType.DMA,
        pltpu.SemaphoreType.DMA,
    ],
    compiler_params=pltpu.CompilerParams(use_tc_tiling_on_sc=False),
)
def _sc_sum(w_hbm, xf_hbm, out_hbm, idx0, idx1, rows0, rows1, ob,
            sem0, sem1, isem0, isem1):
    wid = lax.axis_index("s") * NC + lax.axis_index("c")
    b_base = wid * B_PER_W

    def chunk_pos(k):
        c = k // SUB
        b0 = b_base + (k % SUB) * CB
        return c, b0

    def load_idx(k, idx_ref):
        c, b0 = chunk_pos(k)
        pltpu.sync_copy(xf_hbm.at[c, pl.ds(0, L), pl.ds(b0, CB)], idx_ref)

    def start_idx(k, idx_ref, isem):
        c, b0 = chunk_pos(k)
        pltpu.async_copy(xf_hbm.at[c, pl.ds(0, L), pl.ds(b0, CB)], idx_ref,
                         isem)

    def wait_idx(k, idx_ref, isem):
        c, b0 = chunk_pos(k)
        pltpu.make_async_copy(xf_hbm.at[c, pl.ds(0, L), pl.ds(b0, CB)],
                              idx_ref, isem).wait()

    def fire_gather(idx_ref, rows_ref, sem):
        for l in range(L):
            pltpu.async_copy(w_hbm.at[idx_ref.at[l]], rows_ref.at[l], sem)

    def wait_gather(idx_ref, rows_ref, sem):
        for l in range(L):
            pltpu.make_async_copy(w_hbm.at[idx_ref.at[l]], rows_ref.at[l],
                                  sem).wait()

    def compute_store(k, rows_ref):
        c, b0 = chunk_pos(k)

        def cell(s, carry):
            accs = [rows_ref[0, s, pl.ds(j * NLANE, NLANE)]
                    for j in range(NCH)]
            for l in range(1, L):
                for j in range(NCH):
                    accs[j] = accs[j] + rows_ref[l, s,
                                                 pl.ds(j * NLANE, NLANE)]
            for j in range(NCH):
                ob[s, pl.ds(j * NLANE, NLANE)] = accs[j]
            return carry

        lax.fori_loop(0, CB, cell, 0)
        pltpu.sync_copy(ob, out_hbm.at[c, pl.ds(b0, CB), pl.ds(0, OUT_CH)])

    load_idx(0, idx0)
    fire_gather(idx0, rows0, sem0)
    start_idx(1, idx1, isem1)

    bufs = ((idx0, rows0, sem0, isem0), (idx1, rows1, sem1, isem1))

    def pair(p, carry):
        for b in range(2):
            k = 2 * p + b
            idx_a, rows_a, sem_a, isem_a = bufs[b]
            idx_n, rows_n, sem_n, isem_n = bufs[1 - b]
            wait_gather(idx_a, rows_a, sem_a)
            if b == 0:
                wait_idx(k + 1, idx_n, isem_n)
                fire_gather(idx_n, rows_n, sem_n)
            else:
                @pl.when(k < N_CHUNK - 1)
                def _():
                    wait_idx(k + 1, idx_n, isem_n)
                    fire_gather(idx_n, rows_n, sem_n)

            @pl.when(k + 2 < N_CHUNK)
            def _():
                start_idx(k + 2, idx_a, isem_a)
            compute_store(k, rows_a)
        return carry

    lax.fori_loop(0, N_CHUNK // 2, pair, 0)


_TC_BLK = 2048


def _mean_body(x_ref, s_ref, o_ref):
    cnt = jnp.sum((x_ref[0] > 0).astype(jnp.float32), axis=0,
                  keepdims=True)
    s = s_ref[0][:, :OUT_CH]
    o_ref[0] = jnp.swapaxes(s, 0, 1) * (1.0 / jnp.maximum(cnt, 1.0))


_tc_mean = pl.pallas_call(
    _mean_body,
    grid=(C, B // _TC_BLK),
    in_specs=[
        pl.BlockSpec((1, LP, _TC_BLK), lambda i, j: (i, 0, j)),
        pl.BlockSpec((1, _TC_BLK, 2 * OUT_CH), lambda i, j: (i, j, 0)),
    ],
    out_specs=pl.BlockSpec((1, OUT_CH, _TC_BLK), lambda i, j: (i, 0, j)),
    out_shape=jax.ShapeDtypeStruct((C, OUT_CH, B), jnp.float32),
)


def kernel(x, W):
    assert x.shape == (B, C, L) and W.shape == (NUM_BUCKETS, OUT_CH)
    xp = jnp.pad(jnp.transpose(x, (1, 2, 0)), ((0, 0), (0, LP - L), (0, 0)))
    sums = _sc_sum(W, xp)
    out_t = _tc_mean(xp, sums)
    return jnp.transpose(out_t, (2, 0, 1))

# --- scband reference (transcript-rebuilt; emitter-appended) ---
"""Pipeline reference for scband-shared-multi-categorical-encoder-9938554322950 (READ-ONLY COPY).

The authoritative reference and input builder live on the scoring server;
editing this copy changes nothing except your own understanding.
"""

import jax, jax.numpy as jnp
import numpy as np

NUM_BUCKETS = 1000000
OUT_CH = 64
B, C, L = 4096, 26, 20


def setup_inputs(seed: int = 0) -> dict:
    key = jax.random.key(seed)
    k1, k2 = jax.random.split(key)
    # list-of-categories per cell, dense padded layout [B, C, L]; 0 = padding
    x = jax.random.randint(k1, (B, C, L), 0, NUM_BUCKETS, dtype=jnp.int32)
    W = jax.random.normal(k2, (NUM_BUCKETS, OUT_CH), dtype=jnp.float32) * 0.02
    W = W.at[0].set(0.0)  # padding_idx=0
    return {"x": x, "W": W}


def reference(x, W):
    # dense (non-nested) path of SharedMultiCategoricalEncoder.forward
    Bv = x.shape[0]
    Cv = x.shape[1]
    xv = x.reshape(Bv, Cv, -1)
    # torch.nan_to_num is a no-op on integer tensors; relu clamps negatives
    xv = jnp.maximum(xv, 0)
    hashed = xv.astype(jnp.int32) % NUM_BUCKETS
    emb = jnp.take(W, hashed, axis=0)  # [B, C, L, D] gather
    mask = (xv > 0).astype(jnp.float32)[..., None]  # [B, C, L, 1]
    sum_emb = (emb * mask).sum(axis=2)  # [B, C, D]
    counts = jnp.clip(mask.sum(axis=2), 1.0, None)  # [B, C, 1]
    return sum_emb / counts

if __name__ == "__main__":
    import jax
    _d = setup_inputs()
    print(jax.jit(kernel)(*tuple(_d.values())))

</pallas_src>

<mosaic_0001>
#map = affine_map<(d0, d1) -> (0, 0)>
#map1 = affine_map<(d0, d1) -> (0, 0, 0)>
module attributes {stable_mosaic.version = 14 : i64} {
  func.func @_sc_sum(%arg0: i32, %arg1: i32, %arg2: memref<1000000x64xf32, #tpu.memory_space<hbm>>, %arg3: memref<26x24x4096xi32, #tpu.memory_space<hbm>>, %arg4: memref<26x4096x128xf32, #tpu.memory_space<hbm>>, %arg5: memref<20x32xi32, #tpu.memory_space<vmem>>, %arg6: memref<20x32xi32, #tpu.memory_space<vmem>>, %arg7: memref<20x32x64xf32, #tpu.memory_space<vmem>>, %arg8: memref<20x32x64xf32, #tpu.memory_space<vmem>>, %arg9: memref<32x64xf32, #tpu.memory_space<vmem>>, %arg10: memref<!tpu.dma_semaphore, #tpu.memory_space<semaphore_mem>>, %arg11: memref<!tpu.dma_semaphore, #tpu.memory_space<semaphore_mem>>, %arg12: memref<!tpu.dma_semaphore, #tpu.memory_space<semaphore_mem>>, %arg13: memref<!tpu.dma_semaphore, #tpu.memory_space<semaphore_mem>>) attributes {dimension_semantics = [#tpu.dimension_semantics<core_parallel>, #tpu.dimension_semantics<subcore_parallel>], iteration_bounds = array<i64: 2, 16>, scalar_prefetch = 0 : i64, scratch_operands = 9 : i64, tpu.core_type = #tpu.core_type<sc_vector_subcore>, window_params = [{transform_indices = #map}, {transform_indices = #map1}, {transform_indices = #map1}]} {
    %mul3A = arith.constant 2 : i32
    %mul3A_0 = arith.muli %arg1, %mul3A : i32
    %add3A = arith.addi %mul3A_0, %arg0 : i32
    %mul3A_1 = arith.constant 128 : i32
    %mul3A_2 = arith.muli %add3A, %mul3A_1 : i32
    %add3A_3 = arith.constant 0 : i32
    %add3A_4 = arith.addi %mul3A_2, %add3A_3 : i32
    %run_scoped3A = arith.constant 0 : i32
    "tpu.region"() ({
      %run_scoped3A_258 = tpu.sem_alloc : memref<!tpu.dma_semaphore, #tpu.memory_space<semaphore_mem>>
      %dma_start3A_259 = arith.constant 0 : i32
      %dma_start3A_260 = tpu.memref_slice %arg3[%run_scoped3A, %dma_start3A_259, %add3A_4] : memref<26x24x4096xi32, #tpu.memory_space<hbm>> -> memref<1x20x32xi32, #tpu.memory_space<hbm>>
      %dma_start3A_261 = tpu.memref_squeeze %dma_start3A_260 : memref<1x20x32xi32, #tpu.memory_space<hbm>> -> memref<20x32xi32, #tpu.memory_space<hbm>>
      %dma_start3A_262 = arith.constant 0 : i32
      %dma_start3A_263 = tpu.memref_slice %arg3[%run_scoped3A, %dma_start3A_262, %add3A_4] : memref<26x24x4096xi32, #tpu.memory_space<hbm>> -> memref<1x20x32xi32, #tpu.memory_space<hbm>>
      %dma_start3A_264 = tpu.memref_squeeze %dma_start3A_263 : memref<1x20x32xi32, #tpu.memory_space<hbm>> -> memref<20x32xi32, #tpu.memory_space<hbm>>
      tpu.enqueue_dma source(%dma_start3A_264 : memref<20x32xi32, #tpu.memory_space<hbm>>) target(%arg5 : memref<20x32xi32, #tpu.memory_space<vmem>>) target_semaphore(%run_scoped3A_258 : memref<!tpu.dma_semaphore, #tpu.memory_space<semaphore_mem>>)
      %dma_wait3A = arith.constant 0 : i32
      %dma_wait3A_265 = tpu.memref_slice %arg3[%run_scoped3A, %dma_wait3A, %add3A_4] : memref<26x24x4096xi32, #tpu.memory_space<hbm>> -> memref<1x20x32xi32, #tpu.memory_space<hbm>>
      %dma_wait3A_266 = tpu.memref_squeeze %dma_wait3A_265 : memref<1x20x32xi32, #tpu.memory_space<hbm>> -> memref<20x32xi32, #tpu.memory_space<hbm>>
      %dma_wait3A_267 = arith.constant 0 : i32
      %dma_wait3A_268 = tpu.memref_slice %arg3[%run_scoped3A, %dma_wait3A_267, %add3A_4] : memref<26x24x4096xi32, #tpu.memory_space<hbm>> -> memref<1x20x32xi32, #tpu.memory_space<hbm>>
      %dma_wait3A_269 = tpu.memref_squeeze %dma_wait3A_268 : memref<1x20x32xi32, #tpu.memory_space<hbm>> -> memref<20x32xi32, #tpu.memory_space<hbm>>
      tpu.wait_dma2 semaphore(%run_scoped3A_258 : memref<!tpu.dma_semaphore, #tpu.memory_space<semaphore_mem>>) src(%dma_wait3A_269 : memref<20x32xi32, #tpu.memory_space<hbm>>) dst(%arg5 : memref<20x32xi32, #tpu.memory_space<vmem>>)
      tpu.yield
    }) : () -> ()
    %dma_start3A = arith.constant 0 : i32
    %dma_start3A_5 = arith.constant 0 : i32
    %dma_start3A_6 = arith.constant 0 : i32
    %dma_start3A_7 = arith.constant 0 : i32
    %dma_start3A_8 = tpu.memref_slice %arg7[%dma_start3A_5, %dma_start3A_6, %dma_start3A_7] : memref<20x32x64xf32, #tpu.memory_space<vmem>> -> memref<1x32x64xf32, #tpu.memory_space<vmem>>
    %dma_start3A_9 = tpu.memref_squeeze %dma_start3A_8 : memref<1x32x64xf32, #tpu.memory_space<vmem>> -> memref<32x64xf32, #tpu.memory_space<vmem>>
    %dma_start3A_10 = arith.constant 0 : i32
    %dma_start3A_11 = tpu.memref_slice %arg5[%dma_start3A, %dma_start3A_10] : memref<20x32xi32, #tpu.memory_space<vmem>> -> memref<1x32xi32, #tpu.memory_space<vmem>>
    %dma_start3A_12 = tpu.memref_squeeze %dma_start3A_11 : memref<1x32xi32, #tpu.memory_space<vmem>> -> memref<32xi32, #tpu.memory_space<vmem>>
    %dma_start3A_13 = arith.constant 0 : i32
    %dma_start3A_14 = arith.constant 0 : i32
    %dma_start3A_15 = tpu.memref_slice %arg2[%dma_start3A_13, %dma_start3A_14] : memref<1000000x64xf32, #tpu.memory_space<hbm>> -> memref<1000000x64xf32, #tpu.memory_space<hbm>>
    tpu.enqueue_indirect_dma source(%dma_start3A_15 : memref<1000000x64xf32, #tpu.memory_space<hbm>>) target(%dma_start3A_9 : memref<32x64xf32, #tpu.memory_space<vmem>>) offsets(%dma_start3A_12 : memref<32xi32, #tpu.memory_space<vmem>>) semaphore(%arg10 : memref<!tpu.dma_semaphore, #tpu.memory_space<semaphore_mem>>)
    %dma_start3A_16 = arith.constant 1 : i32
    %dma_start3A_17 = arith.constant 1 : i32
    %dma_start3A_18 = arith.constant 0 : i32
    %dma_start3A_19 = arith.constant 0 : i32
    %dma_start3A_20 = tpu.memref_slice %arg7[%dma_start3A_17, %dma_start3A_18, %dma_start3A_19] : memref<20x32x64xf32, #tpu.memory_space<vmem>> -> memref<1x32x64xf32, #tpu.memory_space<vmem>>
    %dma_start3A_21 = tpu.memref_squeeze %dma_start3A_20 : memref<1x32x64xf32, #tpu.memory_space<vmem>> -> memref<32x64xf32, #tpu.memory_space<vmem>>
    %dma_start3A_22 = arith.constant 0 : i32
    %dma_start3A_23 = tpu.memref_slice %arg5[%dma_start3A_16, %dma_start3A_22] : memref<20x32xi32, #tpu.memory_space<vmem>> -> memref<1x32xi32, #tpu.memory_space<vmem>>
    %dma_start3A_24 = tpu.memref_squeeze %dma_start3A_23 : memref<1x32xi32, #tpu.memory_space<vmem>> -> memref<32xi32, #tpu.memory_space<vmem>>
    %dma_start3A_25 = arith.constant 0 : i32
    %dma_start3A_26 = arith.constant 0 : i32
    %dma_start3A_27 = tpu.memref_slice %arg2[%dma_start3A_25, %dma_start3A_26] : memref<1000000x64xf32, #tpu.memory_space<hbm>> -> memref<1000000x64xf32, #tpu.memory_space<hbm>>
    tpu.enqueue_indirect_dma source(%dma_start3A_27 : memref<1000000x64xf32, #tpu.memory_space<hbm>>) target(%dma_start3A_21 : memref<32x64xf32, #tpu.memory_space<vmem>>) offsets(%dma_start3A_24 : memref<32xi32, #tpu.memory_space<vmem>>) semaphore(%arg10 : memref<!tpu.dma_semaphore, #tpu.memory_space<semaphore_mem>>)
    %dma_start3A_28 = arith.constant 2 : i32
    %dma_start3A_29 = arith.constant 2 : i32
    %dma_start3A_30 = arith.constant 0 : i32
    %dma_start3A_31 = arith.constant 0 : i32
    %dma_start3A_32 = tpu.memref_slice %arg7[%dma_start3A_29, %dma_start3A_30, %dma_start3A_31] : memref<20x32x64xf32, #tpu.memory_space<vmem>> -> memref<1x32x64xf32, #tpu.memory_space<vmem>>
    %dma_start3A_33 = tpu.memref_squeeze %dma_start3A_32 : memref<1x32x64xf32, #tpu.memory_space<vmem>> -> memref<32x64xf32, #tpu.memory_space<vmem>>
    %dma_start3A_34 = arith.constant 0 : i32
    %dma_start3A_35 = tpu.memref_slice %arg5[%dma_start3A_28, %dma_start3A_34] : memref<20x32xi32, #tpu.memory_space<vmem>> -> memref<1x32xi32, #tpu.memory_space<vmem>>
    %dma_start3A_36 = tpu.memref_squeeze %dma_start3A_35 : memref<1x32xi32, #tpu.memory_space<vmem>> -> memref<32xi32, #tpu.memory_space<vmem>>
    %dma_start3A_37 = arith.constant 0 : i32
    %dma_start3A_38 = arith.constant 0 : i32
    %dma_start3A_39 = tpu.memref_slice %arg2[%dma_start3A_37, %dma_start3A_38] : memref<1000000x64xf32, #tpu.memory_space<hbm>> -> memref<1000000x64xf32, #tpu.memory_space<hbm>>
    tpu.enqueue_indirect_dma source(%dma_start3A_39 : memref<1000000x64xf32, #tpu.memory_space<hbm>>) target(%dma_start3A_33 : memref<32x64xf32, #tpu.memory_space<vmem>>) offsets(%dma_start3A_36 : memref<32xi32, #tpu.memory_space<vmem>>) semaphore(%arg10 : memref<!tpu.dma_semaphore, #tpu.memory_space<semaphore_mem>>)
    %dma_start3A_40 = arith.constant 3 : i32
    %dma_start3A_41 = arith.constant 3 : i32
    %dma_start3A_42 = arith.constant 0 : i32
    %dma_start3A_43 = arith.constant 0 : i32
    %dma_start3A_44 = tpu.memref_slice %arg7[%dma_start3A_41, %dma_start3A_42, %dma_start3A_43] : memref<20x32x64xf32, #tpu.memory_space<vmem>> -> memref<1x32x64xf32, #tpu.memory_space<vmem>>
    %dma_start3A_45 = tpu.memref_squeeze %dma_start3A_44 : memref<1x32x64xf32, #tpu.memory_space<vmem>> -> memref<32x64xf32, #tpu.memory_space<vmem>>
    %dma_start3A_46 = arith.constant 0 : i32
    %dma_start3A_47 = tpu.memref_slice %arg5[%dma_start3A_40, %dma_start3A_46] : memref<20x32xi32, #tpu.memory_space<vmem>> -> memref<1x32xi32, #tpu.memory_space<vmem>>
    %dma_start3A_48 = tpu.memref_squeeze %dma_start3A_47 : memref<1x32xi32, #tpu.memory_space<vmem>> -> memref<32xi32, #tpu.memory_space<vmem>>
    %dma_start3A_49 = arith.constant 0 : i32
    %dma_start3A_50 = arith.constant 0 : i32
    %dma_start3A_51 = tpu.memref_slice %arg2[%dma_start3A_49, %dma_start3A_50] : memref<1000000x64xf32, #tpu.memory_space<hbm>> -> memref<1000000x64xf32, #tpu.memory_space<hbm>>
    tpu.enqueue_indirect_dma source(%dma_start3A_51 : memref<1000000x64xf32, #tpu.memory_space<hbm>>) target(%dma_start3A_45 : memref<32x64xf32, #tpu.memory_space<vmem>>) offsets(%dma_start3A_48 : memref<32xi32, #tpu.memory_space<vmem>>) semaphore(%arg10 : memref<!tpu.dma_semaphore, #tpu.memory_space<semaphore_mem>>)
    %dma_start3A_52 = arith.constant 4 : i32
    %dma_start3A_53 = arith.constant 4 : i32
    %dma_start3A_54 = arith.constant 0 : i32
    %dma_start3A_55 = arith.constant 0 : i32
    %dma_start3A_56 = tpu.memref_slice %arg7[%dma_start3A_53, %dma_start3A_54, %dma_start3A_55] : memref<20x32x64xf32, #tpu.memory_space<vmem>> -> memref<1x32x64xf32, #tpu.memory_space<vmem>>
    %dma_start3A_57 = tpu.memref_squeeze %dma_start3A_56 : memref<1x32x64xf32, #tpu.memory_space<vmem>> -> memref<32x64xf32, #tpu.memory_space<vmem>>
    %dma_start3A_58 = arith.constant 0 : i32
    %dma_start3A_59 = tpu.memref_slice %arg5[%dma_start3A_52, %dma_start3A_58] : memref<20x32xi32, #tpu.memory_space<vmem>> -> memref<1x32xi32, #tpu.memory_space<vmem>>
    %dma_start3A_60 = tpu.memref_squeeze %dma_start3A_59 : memref<1x32xi32, #tpu.memory_space<vmem>> -> memref<32xi32, #tpu.memory_space<vmem>>
    %dma_start3A_61 = arith.constant 0 : i32
    %dma_start3A_62 = arith.constant 0 : i32
    %dma_start3A_63 = tpu.memref_slice %arg2[%dma_start3A_61, %dma_start3A_62] : memref<1000000x64xf32, #tpu.memory_space<hbm>> -> memref<1000000x64xf32, #tpu.memory_space<hbm>>
    tpu.enqueue_indirect_dma source(%dma_start3A_63 : memref<1000000x64xf32, #tpu.memory_space<hbm>>) target(%dma_start3A_57 : memref<32x64xf32, #tpu.memory_space<vmem>>) offsets(%dma_start3A_60 : memref<32xi32, #tpu.memory_space<vmem>>) semaphore(%arg10 : memref<!tpu.dma_semaphore, #tpu.memory_space<semaphore_mem>>)
    %dma_start3A_64 = arith.constant 5 : i32
    %dma_start3A_65 = arith.constant 5 : i32
    %dma_start3A_66 = arith.constant 0 : i32
    %dma_start3A_67 = arith.constant 0 : i32
    %dma_start3A_68 = tpu.memref_slice %arg7[%dma_start3A_65, %dma_start3A_66, %dma_start3A_67] : memref<20x32x64xf32, #tpu.memory_space<vmem>> -> memref<1x32x64xf32, #tpu.memory_space<vmem>>
    %dma_start3A_69 = tpu.memref_squeeze %dma_start3A_68 : memref<1x32x64xf32, #tpu.memory_space<vmem>> -> memref<32x64xf32, #tpu.memory_space<vmem>>
    %dma_start3A_70 = arith.constant 0 : i32
    %dma_start3A_71 = tpu.memref_slice %arg5[%dma_start3A_64, %dma_start3A_70] : memref<20x32xi32, #tpu.memory_space<vmem>> -> memref<1x32xi32, #tpu.memory_space<vmem>>
    %dma_start3A_72 = tpu.memref_squeeze %dma_start3A_71 : memref<1x32xi32, #tpu.memory_space<vmem>> -> memref<32xi32, #tpu.memory_space<vmem>>
    %dma_start3A_73 = arith.constant 0 : i32
    %dma_start3A_74 = arith.constant 0 : i32
    %dma_start3A_75 = tpu.memref_slice %arg2[%dma_start3A_73, %dma_start3A_74] : memref<1000000x64xf32, #tpu.memory_space<hbm>> -> memref<1000000x64xf32, #tpu.memory_space<hbm>>
    tpu.enqueue_indirect_dma source(%dma_start3A_75 : memref<1000000x64xf32, #tpu.memory_space<hbm>>) target(%dma_start3A_69 : memref<32x64xf32, #tpu.memory_space<vmem>>) offsets(%dma_start3A_72 : memref<32xi32, #tpu.memory_space<vmem>>) semaphore(%arg10 : memref<!tpu.dma_semaphore, #tpu.memory_space<semaphore_mem>>)
    %dma_start3A_76 = arith.constant 6 : i32
    %dma_start3A_77 = arith.constant 6 : i32
    %dma_start3A_78 = arith.constant 0 : i32
    %dma_start3A_79 = arith.constant 0 : i32
    %dma_start3A_80 = tpu.memref_slice %arg7[%dma_start3A_77, %dma_start3A_78, %dma_start3A_79] : memref<20x32x64xf32, #tpu.memory_space<vmem>> -> memref<1x32x64xf32, #tpu.memory_space<vmem>>
    %dma_start3A_81 = tpu.memref_squeeze %dma_start3A_80 : memref<1x32x64xf32, #tpu.memory_space<vmem>> -> memref<32x64xf32, #tpu.memory_space<vmem>>
    %dma_start3A_82 = arith.constant 0 : i32
    %dma_start3A_83 = tpu.memref_slice %arg5[%dma_start3A_76, %dma_start3A_82] : memref<20x32xi32, #tpu.memory_space<vmem>> -> memref<1x32xi32, #tpu.memory_space<vmem>>
    %dma_start3A_84 = tpu.memref_squeeze %dma_start3A_83 : memref<1x32xi32, #tpu.memory_space<vmem>> -> memref<32xi32, #tpu.memory_space<vmem>>
    %dma_start3A_85 = arith.constant 0 : i32
    %dma_start3A_86 = arith.constant 0 : i32
    %dma_start3A_87 = tpu.memref_slice %arg2[%dma_start3A_85, %dma_start3A_86] : memref<1000000x64xf32, #tpu.memory_space<hbm>> -> memref<1000000x64xf32, #tpu.memory_space<hbm>>
    tpu.enqueue_indirect_dma source(%dma_start3A_87 : memref<1000000x64xf32, #tpu.memory_space<hbm>>) target(%dma_start3A_81 : memref<32x64xf32, #tpu.memory_space<vmem>>) offsets(%dma_start3A_84 : memref<32xi32, #tpu.memory_space<vmem>>) semaphore(%arg10 : memref<!tpu.dma_semaphore, #tpu.memory_space<semaphore_mem>>)
    %dma_start3A_88 = arith.constant 7 : i32
    %dma_start3A_89 = arith.constant 7 : i32
    %dma_start3A_90 = arith.constant 0 : i32
    %dma_start3A_91 = arith.constant 0 : i32
    %dma_start3A_92 = tpu.memref_slice %arg7[%dma_start3A_89, %dma_start3A_90, %dma_start3A_91] : memref<20x32x64xf32, #tpu.memory_space<vmem>> -> memref<1x32x64xf32, #tpu.memory_space<vmem>>
    %dma_start3A_93 = tpu.memref_squeeze %dma_start3A_92 : memref<1x32x64xf32, #tpu.memory_space<vmem>> -> memref<32x64xf32, #tpu.memory_space<vmem>>
    %dma_start3A_94 = arith.constant 0 : i32
    %dma_start3A_95 = tpu.memref_slice %arg5[%dma_start3A_88, %dma_start3A_94] : memref<20x32xi32, #tpu.memory_space<vmem>> -> memref<1x32xi32, #tpu.memory_space<vmem>>
    %dma_start3A_96 = tpu.memref_squeeze %dma_start3A_95 : memref<1x32xi32, #tpu.memory_space<vmem>> -> memref<32xi32, #tpu.memory_space<vmem>>
    %dma_start3A_97 = arith.constant 0 : i32
    %dma_start3A_98 = arith.constant 0 : i32
    %dma_start3A_99 = tpu.memref_slice %arg2[%dma_start3A_97, %dma_start3A_98] : memref<1000000x64xf32, #tpu.memory_space<hbm>> -> memref<1000000x64xf32, #tpu.memory_space<hbm>>
    tpu.enqueue_indirect_dma source(%dma_start3A_99 : memref<1000000x64xf32, #tpu.memory_space<hbm>>) target(%dma_start3A_93 : memref<32x64xf32, #tpu.memory_space<vmem>>) offsets(%dma_start3A_96 : memref<32xi32, #tpu.memory_space<vmem>>) semaphore(%arg10 : memref<!tpu.dma_semaphore, #tpu.memory_space<semaphore_mem>>)
    %dma_start3A_100 = arith.constant 8 : i32
    %dma_start3A_101 = arith.constant 8 : i32
    %dma_start3A_102 = arith.constant 0 : i32
    %dma_start3A_103 = arith.constant 0 : i32
    %dma_start3A_104 = tpu.memref_slice %arg7[%dma_start3A_101, %dma_start3A_102, %dma_start3A_103] : memref<20x32x64xf32, #tpu.memory_space<vmem>> -> memref<1x32x64xf32, #tpu.memory_space<vmem>>
    %dma_start3A_105 = tpu.memref_squeeze %dma_start3A_104 : memref<1x32x64xf32, #tpu.memory_space<vmem>> -> memref<32x64xf32, #tpu.memory_space<vmem>>
    %dma_start3A_106 = arith.constant 0 : i32
    %dma_start3A_107 = tpu.memref_slice %arg5[%dma_start3A_100, %dma_start3A_106] : memref<20x32xi32, #tpu.memory_space<vmem>> -> memref<1x32xi32, #tpu.memory_space<vmem>>
    %dma_start3A_108 = tpu.memref_squeeze %dma_start3A_107 : memref<1x32xi32, #tpu.memory_space<vmem>> -> memref<32xi32, #tpu.memory_space<vmem>>
    %dma_start3A_109 = arith.constant 0 : i32
    %dma_start3A_110 = arith.constant 0 : i32
    %dma_start3A_111 = tpu.memref_slice %arg2[%dma_start3A_109, %dma_start3A_110] : memref<1000000x64xf32, #tpu.memory_space<hbm>> -> memref<1000000x64xf32, #tpu.memory_space<hbm>>
    tpu.enqueue_indirect_dma source(%dma_start3A_111 : memref<1000000x64xf32, #tpu.memory_space<hbm>>) target(%dma_start3A_105 : memref<32x64xf32, #tpu.memory_space<vmem>>) offsets(%dma_start3A_108 : memref<32xi32, #tpu.memory_space<vmem>>) semaphore(%arg10 : memref<!tpu.dma_semaphore, #tpu.memory_space<semaphore_mem>>)
    %dma_start3A_112 = arith.constant 9 : i32
    %dma_start3A_113 = arith.constant 9 : i32
    %dma_start3A_114 = arith.constant 0 : i32
    %dma_start3A_115 = arith.constant 0 : i32
    %dma_start3A_116 = tpu.memref_slice %arg7[%dma_start3A_113, %dma_start3A_114, %dma_start3A_115] : memref<20x32x64xf32, #tpu.memory_space<vmem>> -> memref<1x32x64xf32, #tpu.memory_space<vmem>>
    %dma_start3A_117 = tpu.memref_squeeze %dma_start3A_116 : memref<1x32x64xf32, #tpu.memory_space<vmem>> -> memref<32x64xf32, #tpu.memory_space<vmem>>
    %dma_start3A_118 = arith.constant 0 : i32
    %dma_start3A_119 = tpu.memref_slice %arg5[%dma_start3A_112, %dma_start3A_118] : memref<20x32xi32, #tpu.memory_space<vmem>> -> memref<1x32xi32, #tpu.memory_space<vmem>>
    %dma_start3A_120 = tpu.memref_squeeze %dma_start3A_119 : memref<1x32xi32, #tpu.memory_space<vmem>> -> memref<32xi32, #tpu.memory_space<vmem>>
    %dma_start3A_121 = arith.constant 0 : i32
    %dma_start3A_122 = arith.constant 0 : i32
    %dma_start3A_123 = tpu.memref_slice %arg2[%dma_start3A_121, %dma_start3A_122] : memref<1000000x64xf32, #tpu.memory_space<hbm>> -> memref<1000000x64xf32, #tpu.memory_space<hbm>>
    tpu.enqueue_indirect_dma source(%dma_start3A_123 : memref<1000000x64xf32, #tpu.memory_space<hbm>>) target(%dma_start3A_117 : memref<32x64xf32, #tpu.memory_space<vmem>>) offsets(%dma_start3A_120 : memref<32xi32, #tpu.memory_space<vmem>>) semaphore(%arg10 : memref<!tpu.dma_semaphore, #tpu.memory_space<semaphore_mem>>)
    %dma_start3A_124 = arith.constant 10 : i32
    %dma_start3A_125 = arith.constant 10 : i32
    %dma_start3A_126 = arith.constant 0 : i32
    %dma_start3A_127 = arith.constant 0 : i32
    %dma_start3A_128 = tpu.memref_slice %arg7[%dma_start3A_125, %dma_start3A_126, %dma_start3A_127] : memref<20x32x64xf32, #tpu.memory_space<vmem>> -> memref<1x32x64xf32, #tpu.memory_space<vmem>>
    %dma_start3A_129 = tpu.memref_squeeze %dma_start3A_128 : memref<1x32x64xf32, #tpu.memory_space<vmem>> -> memref<32x64xf32, #tpu.memory_space<vmem>>
    %dma_start3A_130 = arith.constant 0 : i32
    %dma_start3A_131 = tpu.memref_slice %arg5[%dma_start3A_124, %dma_start3A_130] : memref<20x32xi32, #tpu.memory_space<vmem>> -> memref<1x32xi32, #tpu.memory_space<vmem>>
    %dma_start3A_132 = tpu.memref_squeeze %dma_start3A_131 : memref<1x32xi32, #tpu.memory_space<vmem>> -> memref<32xi32, #tpu.memory_space<vmem>>
    %dma_start3A_133 = arith.constant 0 : i32
    %dma_start3A_134 = arith.constant 0 : i32
    %dma_start3A_135 = tpu.memref_slice %arg2[%dma_start3A_133, %dma_start3A_134] : memref<1000000x64xf32, #tpu.memory_space<hbm>> -> memref<1000000x64xf32, #tpu.memory_space<hbm>>
    tpu.enqueue_indirect_dma source(%dma_start3A_135 : memref<1000000x64xf32, #tpu.memory_space<hbm>>) target(%dma_start3A_129 : memref<32x64xf32, #tpu.memory_space<vmem>>) offsets(%dma_start3A_132 : memref<32xi32, #tpu.memory_space<vmem>>) semaphore(%arg10 : memref<!tpu.dma_semaphore, #tpu.memory_space<semaphore_mem>>)
    %dma_start3A_136 = arith.constant 11 : i32
    %dma_start3A_137 = arith.constant 11 : i32
    %dma_start3A_138 = arith.constant 0 : i32
    %dma_start3A_139 = arith.constant 0 : i32
    %dma_start3A_140 = tpu.memref_slice %arg7[%dma_start3A_137, %dma_start3A_138, %dma_start3A_139] : memref<20x32x64xf32, #tpu.memory_space<vmem>> -> memref<1x32x64xf32, #tpu.memory_space<vmem>>
    %dma_start3A_141 = tpu.memref_squeeze %dma_start3A_140 : memref<1x32x64xf32, #tpu.memory_space<vmem>> -> memref<32x64xf32, #tpu.memory_space<vmem>>
    %dma_start3A_142 = arith.constant 0 : i32
    %dma_start3A_143 = tpu.memref_slice %arg5[%dma_start3A_136, %dma_start3A_142] : memref<20x32xi32, #tpu.memory_space<vmem>> -> memref<1x32xi32, #tpu.memory_space<vmem>>
    %dma_start3A_144 = tpu.memref_squeeze %dma_start3A_143 : memref<1x32xi32, #tpu.memory_space<vmem>> -> memref<32xi32, #tpu.memory_space<vmem>>
    %dma_start3A_145 = arith.constant 0 : i32
    %dma_start3A_146 = arith.constant 0 : i32
    %dma_start3A_147 = tpu.memref_slice %arg2[%dma_start3A_145, %dma_start3A_146] : memref<1000000x64xf32, #tpu.memory_space<hbm>> -> memref<1000000x64xf32, #tpu.memory_space<hbm>>
    tpu.enqueue_indirect_dma source(%dma_start3A_147 : memref<1000000x64xf32, #tpu.memory_space<hbm>>) target(%dma_start3A_141 : memref<32x64xf32, #tpu.memory_space<vmem>>) offsets(%dma_start3A_144 : memref<32xi32, #tpu.memory_space<vmem>>) semaphore(%arg10 : memref<!tpu.dma_semaphore, #tpu.memory_space<semaphore_mem>>)
    %dma_start3A_148 = arith.constant 12 : i32
    %dma_start3A_149 = arith.constant 12 : i32
    %dma_start3A_150 = arith.constant 0 : i32
    %dma_start3A_151 = arith.constant 0 : i32
    %dma_start3A_152 = tpu.memref_slice %arg7[%dma_start3A_149, %dma_start3A_150, %dma_start3A_151] : memref<20x32x64xf32, #tpu.memory_space<vmem>> -> memref<1x32x64xf32, #tpu.memory_space<vmem>>
    %dma_start3A_153 = tpu.memref_squeeze %dma_start3A_152 : memref<1x32x64xf32, #tpu.memory_space<vmem>> -> memref<32x64xf32, #tpu.memory_space<vmem>>
    %dma_start3A_154 = arith.constant 0 : i32
    %dma_start3A_155 = tpu.memref_slice %arg5[%dma_start3A_148, %dma_start3A_154] : memref<20x32xi32, #tpu.memory_space<vmem>> -> memref<1x32xi32, #tpu.memory_space<vmem>>
    %dma_start3A_156 = tpu.memref_squeeze %dma_start3A_155 : memref<1x32xi32, #tpu.memory_space<vmem>> -> memref<32xi32, #tpu.memory_space<vmem>>
    %dma_start3A_157 = arith.constant 0 : i32
    %dma_start3A_158 = arith.constant 0 : i32
    %dma_start3A_159 = tpu.memref_slice %arg2[%dma_start3A_157, %dma_start3A_158] : memref<1000000x64xf32, #tpu.memory_space<hbm>> -> memref<1000000x64xf32, #tpu.memory_space<hbm>>
    tpu.enqueue_indirect_dma source(%dma_start3A_159 : memref<1000000x64xf32, #tpu.memory_space<hbm>>) target(%dma_start3A_153 : memref<32x64xf32, #tpu.memory_space<vmem>>) offsets(%dma_start3A_156 : memref<32xi32, #tpu.memory_space<vmem>>) semaphore(%arg10 : memref<!tpu.dma_semaphore, #tpu.memory_space<semaphore_mem>>)
    %dma_start3A_160 = arith.constant 13 : i32
    %dma_start3A_161 = arith.constant 13 : i32
    %dma_start3A_162 = arith.constant 0 : i32
    %dma_start3A_163 = arith.constant 0 : i32
    %dma_start3A_164 = tpu.memref_slice %arg7[%dma_start3A_161, %dma_start3A_162, %dma_start3A_163] : memref<20x32x64xf32, #tpu.memory_space<vmem>> -> memref<1x32x64xf32, #tpu.memory_space<vmem>>
    %dma_start3A_165 = tpu.memref_squeeze %dma_start3A_164 : memref<1x32x64xf32, #tpu.memory_space<vmem>> -> memref<32x64xf32, #tpu.memory_space<vmem>>
    %dma_start3A_166 = arith.constant 0 : i32
    %dma_start3A_167 = tpu.memref_slice %arg5[%dma_start3A_160, %dma_start3A_166] : memref<20x32xi32, #tpu.memory_space<vmem>> -> memref<1x32xi32, #tpu.memory_space<vmem>>
    %dma_start3A_168 = tpu.memref_squeeze %dma_start3A_167 : memref<1x32xi32, #tpu.memory_space<vmem>> -> memref<32xi32, #tpu.memory_space<vmem>>
    %dma_start3A_169 = arith.constant 0 : i32
    %dma_start3A_170 = arith.constant 0 : i32
    %dma_start3A_171 = tpu.memref_slice %arg2[%dma_start3A_169, %dma_start3A_170] : memref<1000000x64xf32, #tpu.memory_space<hbm>> -> memref<1000000x64xf32, #tpu.memory_space<hbm>>
    tpu.enqueue_indirect_dma source(%dma_start3A_171 : memref<1000000x64xf32, #tpu.memory_space<hbm>>) target(%dma_start3A_165 : memref<32x64xf32, #tpu.memory_space<vmem>>) offsets(%dma_start3A_168 : memref<32xi32, #tpu.memory_space<vmem>>) semaphore(%arg10 : memref<!tpu.dma_semaphore, #tpu.memory_space<semaphore_mem>>)
    %dma_start3A_172 = arith.constant 14 : i32
    %dma_start3A_173 = arith.constant 14 : i32
    %dma_start3A_174 = arith.constant 0 : i32
    %dma_start3A_175 = arith.constant 0 : i32
    %dma_start3A_176 = tpu.memref_slice %arg7[%dma_start3A_173, %dma_start3A_174, %dma_start3A_175] : memref<20x32x64xf32, #tpu.memory_space<vmem>> -> memref<1x32x64xf32, #tpu.memory_space<vmem>>
    %dma_start3A_177 = tpu.memref_squeeze %dma_start3A_176 : memref<1x32x64xf32, #tpu.memory_space<vmem>> -> memref<32x64xf32, #tpu.memory_space<vmem>>
    %dma_start3A_178 = arith.constant 0 : i32
    %dma_start3A_179 = tpu.memref_slice %arg5[%dma_start3A_172, %dma_start3A_178] : memref<20x32xi32, #tpu.memory_space<vmem>> -> memref<1x32xi32, #tpu.memory_space<vmem>>
    %dma_start3A_180 = tpu.memref_squeeze %dma_start3A_179 : memref<1x32xi32, #tpu.memory_space<vmem>> -> memref<32xi32, #tpu.memory_space<vmem>>
    %dma_start3A_181 = arith.constant 0 : i32
    %dma_start3A_182 = arith.constant 0 : i32
    %dma_start3A_183 = tpu.memref_slice %arg2[%dma_start3A_181, %dma_start3A_182] : memref<1000000x64xf32, #tpu.memory_space<hbm>> -> memref<1000000x64xf32, #tpu.memory_space<hbm>>
    tpu.enqueue_indirect_dma source(%dma_start3A_183 : memref<1000000x64xf32, #tpu.memory_space<hbm>>) target(%dma_start3A_177 : memref<32x64xf32, #tpu.memory_space<vmem>>) offsets(%dma_start3A_180 : memref<32xi32, #tpu.memory_space<vmem>>) semaphore(%arg10 : memref<!tpu.dma_semaphore, #tpu.memory_space<semaphore_mem>>)
    %dma_start3A_184 = arith.constant 15 : i32
    %dma_start3A_185 = arith.constant 15 : i32
    %dma_start3A_186 = arith.constant 0 : i32
    %dma_start3A_187 = arith.constant 0 : i32
    %dma_start3A_188 = tpu.memref_slice %arg7[%dma_start3A_185, %dma_start3A_186, %dma_start3A_187] : memref<20x32x64xf32, #tpu.memory_space<vmem>> -> memref<1x32x64xf32, #tpu.memory_space<vmem>>
    %dma_start3A_189 = tpu.memref_squeeze %dma_start3A_188 : memref<1x32x64xf32, #tpu.memory_space<vmem>> -> memref<32x64xf32, #tpu.memory_space<vmem>>
    %dma_start3A_190 = arith.constant 0 : i32
    %dma_start3A_191 = tpu.memref_slice %arg5[%dma_start3A_184, %dma_start3A_190] : memref<20x32xi32, #tpu.memory_space<vmem>> -> memref<1x32xi32, #tpu.memory_space<vmem>>
    %dma_start3A_192 = tpu.memref_squeeze %dma_start3A_191 : memref<1x32xi32, #tpu.memory_space<vmem>> -> memref<32xi32, #tpu.memory_space<vmem>>
    %dma_start3A_193 = arith.constant 0 : i32
    %dma_start3A_194 = arith.constant 0 : i32
    %dma_start3A_195 = tpu.memref_slice %arg2[%dma_start3A_193, %dma_start3A_194] : memref<1000000x64xf32, #tpu.memory_space<hbm>> -> memref<1000000x64xf32, #tpu.memory_space<hbm>>
    tpu.enqueue_indirect_dma source(%dma_start3A_195 : memref<1000000x64xf32, #tpu.memory_space<hbm>>) target(%dma_start3A_189 : memref<32x64xf32, #tpu.memory_space<vmem>>) offsets(%dma_start3A_192 : memref<32xi32, #tpu.memory_space<vmem>>) semaphore(%arg10 : memref<!tpu.dma_semaphore, #tpu.memory_space<semaphore_mem>>)
    %dma_start3A_196 = arith.constant 16 : i32
    %dma_start3A_197 = arith.constant 16 : i32
    %dma_start3A_198 = arith.constant 0 : i32
    %dma_start3A_199 = arith.constant 0 : i32
    %dma_start3A_200 = tpu.memref_slice %arg7[%dma_start3A_197, %dma_start3A_198, %dma_start3A_199] : memref<20x32x64xf32, #tpu.memory_space<vmem>> -> memref<1x32x64xf32, #tpu.memory_space<vmem>>
    %dma_start3A_201 = tpu.memref_squeeze %dma_start3A_200 : memref<1x32x64xf32, #tpu.memory_space<vmem>> -> memref<32x64xf32, #tpu.memory_space<vmem>>
    %dma_start3A_202 = arith.constant 0 : i32
    %dma_start3A_203 = tpu.memref_slice %arg5[%dma_start3A_196, %dma_start3A_202] : memref<20x32xi32, #tpu.memory_space<vmem>> -> memref<1x32xi32, #tpu.memory_space<vmem>>
    %dma_start3A_204 = tpu.memref_squeeze %dma_start3A_203 : memref<1x32xi32, #tpu.memory_space<vmem>> -> memref<32xi32, #tpu.memory_space<vmem>>
    %dma_start3A_205 = arith.constant 0 : i32
    %dma_start3A_206 = arith.constant 0 : i32
    %dma_start3A_207 = tpu.memref_slice %arg2[%dma_start3A_205, %dma_start3A_206] : memref<1000000x64xf32, #tpu.memory_space<hbm>> -> memref<1000000x64xf32, #tpu.memory_space<hbm>>
    tpu.enqueue_indirect_dma source(%dma_start3A_207 : memref<1000000x64xf32, #tpu.memory_space<hbm>>) target(%dma_start3A_201 : memref<32x64xf32, #tpu.memory_space<vmem>>) offsets(%dma_start3A_204 : memref<32xi32, #tpu.memory_space<vmem>>) semaphore(%arg10 : memref<!tpu.dma_semaphore, #tpu.memory_space<semaphore_mem>>)
    %dma_start3A_208 = arith.constant 17 : i32
    %dma_start3A_209 = arith.constant 17 : i32
    %dma_start3A_210 = arith.constant 0 : i32
    %dma_start3A_211 = arith.constant 0 : i32
    %dma_start3A_212 = tpu.memref_slice %arg7[%dma_start3A_209, %dma_start3A_210, %dma_start3A_211] : memref<20x32x64xf32, #tpu.memory_space<vmem>> -> memref<1x32x64xf32, #tpu.memory_space<vmem>>
    %dma_start3A_213 = tpu.memref_squeeze %dma_start3A_212 : memref<1x32x64xf32, #tpu.memory_space<vmem>> -> memref<32x64xf32, #tpu.memory_space<vmem>>
    %dma_start3A_214 = arith.constant 0 : i32
    %dma_start3A_215 = tpu.memref_slice %arg5[%dma_start3A_208, %dma_start3A_214] : memref<20x32xi32, #tpu.memory_space<vmem>> -> memref<1x32xi32, #tpu.memory_space<vmem>>
    %dma_start3A_216 = tpu.memref_squeeze %dma_start3A_215 : memref<1x32xi32, #tpu.memory_space<vmem>> -> memref<32xi32, #tpu.memory_space<vmem>>
    %dma_start3A_217 = arith.constant 0 : i32
    %dma_start3A_218 = arith.constant 0 : i32
    %dma_start3A_219 = tpu.memref_slice %arg2[%dma_start3A_217, %dma_start3A_218] : memref<1000000x64xf32, #tpu.memory_space<hbm>> -> memref<1000000x64xf32, #tpu.memory_space<hbm>>
    tpu.enqueue_indirect_dma source(%dma_start3A_219 : memref<1000000x64xf32, #tpu.memory_space<hbm>>) target(%dma_start3A_213 : memref<32x64xf32, #tpu.memory_space<vmem>>) offsets(%dma_start3A_216 : memref<32xi32, #tpu.memory_space<vmem>>) semaphore(%arg10 : memref<!tpu.dma_semaphore, #tpu.memory_space<semaphore_mem>>)
    %dma_start3A_220 = arith.constant 18 : i32
    %dma_start3A_221 = arith.constant 18 : i32
    %dma_start3A_222 = arith.constant 0 : i32
    %dma_start3A_223 = arith.constant 0 : i32
    %dma_start3A_224 = tpu.memref_slice %arg7[%dma_start3A_221, %dma_start3A_222, %dma_start3A_223] : memref<20x32x64xf32, #tpu.memory_space<vmem>> -> memref<1x32x64xf32, #tpu.memory_space<vmem>>
    %dma_start3A_225 = tpu.memref_squeeze %dma_start3A_224 : memref<1x32x64xf32, #tpu.memory_space<vmem>> -> memref<32x64xf32, #tpu.memory_space<vmem>>
    %dma_start3A_226 = arith.constant 0 : i32
    %dma_start3A_227 = tpu.memref_slice %arg5[%dma_start3A_220, %dma_start3A_226] : memref<20x32xi32, #tpu.memory_space<vmem>> -> memref<1x32xi32, #tpu.memory_space<vmem>>
    %dma_start3A_228 = tpu.memref_squeeze %dma_start3A_227 : memref<1x32xi32, #tpu.memory_space<vmem>> -> memref<32xi32, #tpu.memory_space<vmem>>
    %dma_start3A_229 = arith.constant 0 : i32
    %dma_start3A_230 = arith.constant 0 : i32
    %dma_start3A_231 = tpu.memref_slice %arg2[%dma_start3A_229, %dma_start3A_230] : memref<1000000x64xf32, #tpu.memory_space<hbm>> -> memref<1000000x64xf32, #tpu.memory_space<hbm>>
    tpu.enqueue_indirect_dma source(%dma_start3A_231 : memref<1000000x64xf32, #tpu.memory_space<hbm>>) target(%dma_start3A_225 : memref<32x64xf32, #tpu.memory_space<vmem>>) offsets(%dma_start3A_228 : memref<32xi32, #tpu.memory_space<vmem>>) semaphore(%arg10 : memref<!tpu.dma_semaphore, #tpu.memory_space<semaphore_mem>>)
    %dma_start3A_232 = arith.constant 19 : i32
    %dma_start3A_233 = arith.constant 19 : i32
    %dma_start3A_234 = arith.constant 0 : i32
    %dma_start3A_235 = arith.constant 0 : i32
    %dma_start3A_236 = tpu.memref_slice %arg7[%dma_start3A_233, %dma_start3A_234, %dma_start3A_235] : memref<20x32x64xf32, #tpu.memory_space<vmem>> -> memref<1x32x64xf32, #tpu.memory_space<vmem>>
    %dma_start3A_237 = tpu.memref_squeeze %dma_start3A_236 : memref<1x32x64xf32, #tpu.memory_space<vmem>> -> memref<32x64xf32, #tpu.memory_space<vmem>>
    %dma_start3A_238 = arith.constant 0 : i32
    %dma_start3A_239 = tpu.memref_slice %arg5[%dma_start3A_232, %dma_start3A_238] : memref<20x32xi32, #tpu.memory_space<vmem>> -> memref<1x32xi32, #tpu.memory_space<vmem>>
    %dma_start3A_240 = tpu.memref_squeeze %dma_start3A_239 : memref<1x32xi32, #tpu.memory_space<vmem>> -> memref<32xi32, #tpu.memory_space<vmem>>
    %dma_start3A_241 = arith.constant 0 : i32
    %dma_start3A_242 = arith.constant 0 : i32
    %dma_start3A_243 = tpu.memref_slice %arg2[%dma_start3A_241, %dma_start3A_242] : memref<1000000x64xf32, #tpu.memory_space<hbm>> -> memref<1000000x64xf32, #tpu.memory_space<hbm>>
    tpu.enqueue_indirect_dma source(%dma_start3A_243 : memref<1000000x64xf32, #tpu.memory_space<hbm>>) target(%dma_start3A_237 : memref<32x64xf32, #tpu.memory_space<vmem>>) offsets(%dma_start3A_240 : memref<32xi32, #tpu.memory_space<vmem>>) semaphore(%arg10 : memref<!tpu.dma_semaphore, #tpu.memory_space<semaphore_mem>>)
    %add3A_244 = arith.constant 32 : i32
    %add3A_245 = arith.addi %mul3A_2, %add3A_244 : i32
    %dma_start3A_246 = arith.constant 0 : i32
    %dma_start3A_247 = arith.constant 0 : i32
    %dma_start3A_248 = tpu.memref_slice %arg3[%dma_start3A_246, %dma_start3A_247, %add3A_245] : memref<26x24x4096xi32, #tpu.memory_space<hbm>> -> memref<1x20x32xi32, #tpu.memory_space<hbm>>
    %dma_start3A_249 = tpu.memref_squeeze %dma_start3A_248 : memref<1x20x32xi32, #tpu.memory_space<hbm>> -> memref<20x32xi32, #tpu.memory_space<hbm>>
    %dma_start3A_250 = arith.constant 0 : i32
    %dma_start3A_251 = tpu.memref_slice %arg3[%dma_start3A_246, %dma_start3A_250, %add3A_245] : memref<26x24x4096xi32, #tpu.memory_space<hbm>> -> memref<1x20x32xi32, #tpu.memory_space<hbm>>
    %dma_start3A_252 = tpu.memref_squeeze %dma_start3A_251 : memref<1x20x32xi32, #tpu.memory_space<hbm>> -> memref<20x32xi32, #tpu.memory_space<hbm>>
    tpu.enqueue_dma source(%dma_start3A_252 : memref<20x32xi32, #tpu.memory_space<hbm>>) target(%arg6 : memref<20x32xi32, #tpu.memory_space<vmem>>) target_semaphore(%arg13 : memref<!tpu.dma_semaphore, #tpu.memory_space<semaphore_mem>>)
    %scan3A = arith.constant 0 : i32
    %scan3A_253 = arith.constant 0 : i32
    %scan3A_254 = arith.constant 52 : i32
    %scan3A_255 = arith.addi %scan3A_253, %scan3A_254 : i32
    %scan3A_256 = arith.constant 1 : i32
    scf.for %scan3A_258 = %scan3A_253 to %scan3A_255 step %scan3A_256  : i32 {
      %mul3A_259 = arith.constant 2 : i32
      %mul3A_260 = arith.muli %mul3A_259, %scan3A_258 : i32
      %add3A_261 = arith.constant 0 : i32
      %add3A_262 = arith.addi %mul3A_260, %add3A_261 : i32
      %dma_wait3A = arith.constant 0 : i32
      %dma_wait3A_263 = arith.constant 0 : i32
      %dma_wait3A_264 = arith.constant 0 : i32
      %dma_wait3A_265 = arith.constant 0 : i32
      %dma_wait3A_266 = tpu.memref_slice %arg7[%dma_wait3A_263, %dma_wait3A_264, %dma_wait3A_265] : memref<20x32x64xf32, #tpu.memory_space<vmem>> -> memref<1x32x64xf32, #tpu.memory_space<vmem>>
      %dma_wait3A_267 = tpu.memref_squeeze %dma_wait3A_266 : memref<1x32x64xf32, #tpu.memory_space<vmem>> -> memref<32x64xf32, #tpu.memory_space<vmem>>
      %dma_wait3A_268 = arith.constant 0 : i32
      %dma_wait3A_269 = tpu.memref_slice %arg5[%dma_wait3A, %dma_wait3A_268] : memref<20x32xi32, #tpu.memory_space<vmem>> -> memref<1x32xi32, #tpu.memory_space<vmem>>
      %dma_wait3A_270 = tpu.memref_squeeze %dma_wait3A_269 : memref<1x32xi32, #tpu.memory_space<vmem>> -> memref<32xi32, #tpu.memory_space<vmem>>
      %dma_wait3A_271 = arith.constant 0 : i32
      %dma_wait3A_272 = arith.constant 0 : i32
      %dma_wait3A_273 = tpu.memref_slice %arg2[%dma_wait3A_271, %dma_wait3A_272] : memref<1000000x64xf32, #tpu.memory_space<hbm>> -> memref<1000000x64xf32, #tpu.memory_space<hbm>>
      tpu.wait_indirect_dma semaphore(%arg10 : memref<!tpu.dma_semaphore, #tpu.memory_space<semaphore_mem>>) src(%dma_wait3A_273 : memref<1000000x64xf32, #tpu.memory_space<hbm>>) dst(%dma_wait3A_267 : memref<32x64xf32, #tpu.memory_space<vmem>>)
      %dma_wait3A_274 = arith.constant 1 : i32
      %dma_wait3A_275 = arith.constant 1 : i32
      %dma_wait3A_276 = arith.constant 0 : i32
      %dma_wait3A_277 = arith.constant 0 : i32
      %dma_wait3A_278 = tpu.memref_slice %arg7[%dma_wait3A_275, %dma_wait3A_276, %dma_wait3A_277] : memref<20x32x64xf32, #tpu.memory_space<vmem>> -> memref<1x32x64xf32, #tpu.memory_space<vmem>>
      %dma_wait3A_279 = tpu.memref_squeeze %dma_wait3A_278 : memref<1x32x64xf32, #tpu.memory_space<vmem>> -> memref<32x64xf32, #tpu.memory_space<vmem>>
      %dma_wait3A_280 = arith.constant 0 : i32
      %dma_wait3A_281 = tpu.memref_slice %arg5[%dma_wait3A_274, %dma_wait3A_280] : memref<20x32xi32, #tpu.memory_space<vmem>> -> memref<1x32xi32, #tpu.memory_space<vmem>>
      %dma_wait3A_282 = tpu.memref_squeeze %dma_wait3A_281 : memref<1x32xi32, #tpu.memory_space<vmem>> -> memref<32xi32, #tpu.memory_space<vmem>>
      %dma_wait3A_283 = arith.constant 0 : i32
      %dma_wait3A_284 = arith.constant 0 : i32
      %dma_wait3A_285 = tpu.memref_slice %arg2[%dma_wait3A_283, %dma_wait3A_284] : memref<1000000x64xf32, #tpu.memory_space<hbm>> -> memref<1000000x64xf32, #tpu.memory_space<hbm>>
      tpu.wait_indirect_dma semaphore(%arg10 : memref<!tpu.dma_semaphore, #tpu.memory_space<semaphore_mem>>) src(%dma_wait3A_285 : memref<1000000x64xf32, #tpu.memory_space<hbm>>) dst(%dma_wait3A_279 : memref<32x64xf32, #tpu.memory_space<vmem>>)
      %dma_wait3A_286 = arith.constant 2 : i32
      %dma_wait3A_287 = arith.constant 2 : i32
      %dma_wait3A_288 = arith.constant 0 : i32
      %dma_wait3A_289 = arith.constant 0 : i32
      %dma_wait3A_290 = tpu.memref_slice %arg7[%dma_wait3A_287, %dma_wait3A_288, %dma_wait3A_289] : memref<20x32x64xf32, #tpu.memory_space<vmem>> -> memref<1x32x64xf32, #tpu.memory_space<vmem>>
      %dma_wait3A_291 = tpu.memref_squeeze %dma_wait3A_290 : memref<1x32x64xf32, #tpu.memory_space<vmem>> -> memref<32x64xf32, #tpu.memory_space<vmem>>
      %dma_wait3A_292 = arith.constant 0 : i32
      %dma_wait3A_293 = tpu.memref_slice %arg5[%dma_wait3A_286, %dma_wait3A_292] : memref<20x32xi32, #tpu.memory_space<vmem>> -> memref<1x32xi32, #tpu.memory_space<vmem>>
      %dma_wait3A_294 = tpu.memref_squeeze %dma_wait3A_293 : memref<1x32xi32, #tpu.memory_space<vmem>> -> memref<32xi32, #tpu.memory_space<vmem>>
      %dma_wait3A_295 = arith.constant 0 : i32
      %dma_wait3A_296 = arith.constant 0 : i32
      %dma_wait3A_297 = tpu.memref_slice %arg2[%dma_wait3A_295, %dma_wait3A_296] : memref<1000000x64xf32, #tpu.memory_space<hbm>> -> memref<1000000x64xf32, #tpu.memory_space<hbm>>
      tpu.wait_indirect_dma semaphore(%arg10 : memref<!tpu.dma_semaphore, #tpu.memory_space<semaphore_mem>>) src(%dma_wait3A_297 : memref<1000000x64xf32, #tpu.memory_space<hbm>>) dst(%dma_wait3A_291 : memref<32x64xf32, #tpu.memory_space<vmem>>)
      %dma_wait3A_298 = arith.constant 3 : i32
      %dma_wait3A_299 = arith.constant 3 : i32
      %dma_wait3A_300 = arith.constant 0 : i32
      %dma_wait3A_301 = arith.constant 0 : i32
      %dma_wait3A_302 = tpu.memref_slice %arg7[%dma_wait3A_299, %dma_wait3A_300, %dma_wait3A_301] : memref<20x32x64xf32, #tpu.memory_space<vmem>> -> memref<1x32x64xf32, #tpu.memory_space<vmem>>
      %dma_wait3A_303 = tpu.memref_squeeze %dma_wait3A_302 : memref<1x32x64xf32, #tpu.memory_space<vmem>> -> memref<32x64xf32, #tpu.memory_space<vmem>>
      %dma_wait3A_304 = arith.constant 0 : i32
      %dma_wait3A_305 = tpu.memref_slice %arg5[%dma_wait3A_298, %dma_wait3A_304] : memref<20x32xi32, #tpu.memory_space<vmem>> -> memref<1x32xi32, #tpu.memory_space<vmem>>
      %dma_wait3A_306 = tpu.memref_squeeze %dma_wait3A_305 : memref<1x32xi32, #tpu.memory_space<vmem>> -> memref<32xi32, #tpu.memory_space<vmem>>
      %dma_wait3A_307 = arith.constant 0 : i32
      %dma_wait3A_308 = arith.constant 0 : i32
      %dma_wait3A_309 = tpu.memref_slice %arg2[%dma_wait3A_307, %dma_wait3A_308] : memref<1000000x64xf32, #tpu.memory_space<hbm>> -> memref<1000000x64xf32, #tpu.memory_space<hbm>>
      tpu.wait_indirect_dma semaphore(%arg10 : memref<!tpu.dma_semaphore, #tpu.memory_space<semaphore_mem>>) src(%dma_wait3A_309 : memref<1000000x64xf32, #tpu.memory_space<hbm>>) dst(%dma_wait3A_303 : memref<32x64xf32, #tpu.memory_space<vmem>>)
      %dma_wait3A_310 = arith.constant 4 : i32
      %dma_wait3A_311 = arith.constant 4 : i32
      %dma_wait3A_312 = arith.constant 0 : i32
      %dma_wait3A_313 = arith.constant 0 : i32
      %dma_wait3A_314 = tpu.memref_slice %arg7[%dma_wait3A_311, %dma_wait3A_312, %dma_wait3A_313] : memref<20x32x64xf32, #tpu.memory_space<vmem>> -> memref<1x32x64xf32, #tpu.memory_space<vmem>>
      %dma_wait3A_315 = tpu.memref_squeeze %dma_wait3A_314 : memref<1x32x64xf32, #tpu.memory_space<vmem>> -> memref<32x64xf32, #tpu.memory_space<vmem>>
      %dma_wait3A_316 = arith.constant 0 : i32
      %dma_wait3A_317 = tpu.memref_slice %arg5[%dma_wait3A_310, %dma_wait3A_316] : memref<20x32xi32, #tpu.memory_space<vmem>> -> memref<1x32xi32, #tpu.memory_space<vmem>>
      %dma_wait3A_318 = tpu.memref_squeeze %dma_wait3A_317 : memref<1x32xi32, #tpu.memory_space<vmem>> -> memref<32xi32, #tpu.memory_space<vmem>>
      %dma_wait3A_319 = arith.constant 0 : i32
      %dma_wait3A_320 = arith.constant 0 : i32
      %dma_wait3A_321 = tpu.memref_slice %arg2[%dma_wait3A_319, %dma_wait3A_320] : memref<1000000x64xf32, #tpu.memory_space<hbm>> -> memref<1000000x64xf32, #tpu.memory_space<hbm>>
      tpu.wait_indirect_dma semaphore(%arg10 : memref<!tpu.dma_semaphore, #tpu.memory_space<semaphore_mem>>) src(%dma_wait3A_321 : memref<1000000x64xf32, #tpu.memory_space<hbm>>) dst(%dma_wait3A_315 : memref<32x64xf32, #tpu.memory_space<vmem>>)
      %dma_wait3A_322 = arith.constant 5 : i32
      %dma_wait3A_323 = arith.constant 5 : i32
      %dma_wait3A_324 = arith.constant 0 : i32
      %dma_wait3A_325 = arith.constant 0 : i32
      %dma_wait3A_326 = tpu.memref_slice %arg7[%dma_wait3A_323, %dma_wait3A_324, %dma_wait3A_325] : memref<20x32x64xf32, #tpu.memory_space<vmem>> -> memref<1x32x64xf32, #tpu.memory_space<vmem>>
      %dma_wait3A_327 = tpu.memref_squeeze %dma_wait3A_326 : memref<1x32x64xf32, #tpu.memory_space<vmem>> -> memref<32x64xf32, #tpu.memory_space<vmem>>
      %dma_wait3A_328 = arith.constant 0 : i32
      %dma_wait3A_329 = tpu.memref_slice %arg5[%dma_wait3A_322, %dma_wait3A_328] : memref<20x32xi32, #tpu.memory_space<vmem>> -> memref<1x32xi32, #tpu.memory_space<vmem>>
      %dma_wait3A_330 = tpu.memref_squeeze %dma_wait3A_329 : memref<1x32xi32, #tpu.memory_space<vmem>> -> memref<32xi32, #tpu.memory_space<vmem>>
      %dma_wait3A_331 = arith.constant 0 : i32
      %dma_wait3A_332 = arith.constant 0 : i32
      %dma_wait3A_333 = tpu.memref_slice %arg2[%dma_wait3A_331, %dma_wait3A_332] : memref<1000000x64xf32, #tpu.memory_space<hbm>> -> memref<1000000x64xf32, #tpu.memory_space<hbm>>
      tpu.wait_indirect_dma semaphore(%arg10 : memref<!tpu.dma_semaphore, #tpu.memory_space<semaphore_mem>>) src(%dma_wait3A_333 : memref<1000000x64xf32, #tpu.memory_space<hbm>>) dst(%dma_wait3A_327 : memref<32x64xf32, #tpu.memory_space<vmem>>)
      %dma_wait3A_334 = arith.constant 6 : i32
      %dma_wait3A_335 = arith.constant 6 : i32
      %dma_wait3A_336 = arith.constant 0 : i32
      %dma_wait3A_337 = arith.constant 0 : i32
      %dma_wait3A_338 = tpu.memref_slice %arg7[%dma_wait3A_335, %dma_wait3A_336, %dma_wait3A_337] : memref<20x32x64xf32, #tpu.memory_space<vmem>> -> memref<1x32x64xf32, #tpu.memory_space<vmem>>
      %dma_wait3A_339 = tpu.memref_squeeze %dma_wait3A_338 : memref<1x32x64xf32, #tpu.memory_space<vmem>> -> memref<32x64xf32, #tpu.memory_space<vmem>>
      %dma_wait3A_340 = arith.constant 0 : i32
      %dma_wait3A_341 = tpu.memref_slice %arg5[%dma_wait3A_334, %dma_wait3A_340] : memref<20x32xi32, #tpu.memory_space<vmem>> -> memref<1x32xi32, #tpu.memory_space<vmem>>
      %dma_wait3A_342 = tpu.memref_squeeze %dma_wait3A_341 : memref<1x32xi32, #tpu.memory_space<vmem>> -> memref<32xi32, #tpu.memory_space<vmem>>
      %dma_wait3A_343 = arith.constant 0 : i32
      %dma_wait3A_344 = arith.constant 0 : i32
      %dma_wait3A_345 = tpu.memref_slice %arg2[%dma_wait3A_343, %dma_wait3A_344] : memref<1000000x64xf32, #tpu.memory_space<hbm>> -> memref<1000000x64xf32, #tpu.memory_space<hbm>>
      tpu.wait_indirect_dma semaphore(%arg10 : memref<!tpu.dma_semaphore, #tpu.memory_space<semaphore_mem>>) src(%dma_wait3A_345 : memref<1000000x64xf32, #tpu.memory_space<hbm>>) dst(%dma_wait3A_339 : memref<32x64xf32, #tpu.memory_space<vmem>>)
      %dma_wait3A_346 = arith.constant 7 : i32
      %dma_wait3A_347 = arith.constant 7 : i32
      %dma_wait3A_348 = arith.constant 0 : i32
      %dma_wait3A_349 = arith.constant 0 : i32
      %dma_wait3A_350 = tpu.memref_slice %arg7[%dma_wait3A_347, %dma_wait3A_348, %dma_wait3A_349] : memref<20x32x64xf32, #tpu.memory_space<vmem>> -> memref<1x32x64xf32, #tpu.memory_space<vmem>>
      %dma_wait3A_351 = tpu.memref_squeeze %dma_wait3A_350 : memref<1x32x64xf32, #tpu.memory_space<vmem>> -> memref<32x64xf32, #tpu.memory_space<vmem>>
      %dma_wait3A_352 = arith.constant 0 : i32
      %dma_wait3A_353 = tpu.memref_slice %arg5[%dma_wait3A_346, %dma_wait3A_352] : memref<20x32xi32, #tpu.memory_space<vmem>> -> memref<1x32xi32, #tpu.memory_space<vmem>>
      %dma_wait3A_354 = tpu.memref_squeeze %dma_wait3A_353 : memref<1x32xi32, #tpu.memory_space<vmem>> -> memref<32xi32, #tpu.memory_space<vmem>>
      %dma_wait3A_355 = arith.constant 0 : i32
      %dma_wait3A_356 = arith.constant 0 : i32
      %dma_wait3A_357 = tpu.memref_slice %arg2[%dma_wait3A_355, %dma_wait3A_356] : memref<1000000x64xf32, #tpu.memory_space<hbm>> -> memref<1000000x64xf32, #tpu.memory_space<hbm>>
      tpu.wait_indirect_dma semaphore(%arg10 : memref<!tpu.dma_semaphore, #tpu.memory_space<semaphore_mem>>) src(%dma_wait3A_357 : memref<1000000x64xf32, #tpu.memory_space<hbm>>) dst(%dma_wait3A_351 : memref<32x64xf32, #tpu.memory_space<vmem>>)
      %dma_wait3A_358 = arith.constant 8 : i32
      %dma_wait3A_359 = arith.constant 8 : i32
      %dma_wait3A_360 = arith.constant 0 : i32
      %dma_wait3A_361 = arith.constant 0 : i32
      %dma_wait3A_362 = tpu.memref_slice %arg7[%dma_wait3A_359, %dma_wait3A_360, %dma_wait3A_361] : memref<20x32x64xf32, #tpu.memory_space<vmem>> -> memref<1x32x64xf32, #tpu.memory_space<vmem>>
      %dma_wait3A_363 = tpu.memref_squeeze %dma_wait3A_362 : memref<1x32x64xf32, #tpu.memory_space<vmem>> -> memref<32x64xf32, #tpu.memory_space<vmem>>
      %dma_wait3A_364 = arith.constant 0 : i32
      %dma_wait3A_365 = tpu.memref_slice %arg5[%dma_wait3A_358, %dma_wait3A_364] : memref<20x32xi32, #tpu.memory_space<vmem>> -> memref<1x32xi32, #tpu.memory_space<vmem>>
      %dma_wait3A_366 = tpu.memref_squeeze %dma_wait3A_365 : memref<1x32xi32, #tpu.memory_space<vmem>> -> memref<32xi32, #tpu.memory_space<vmem>>
      %dma_wait3A_367 = arith.constant 0 : i32
      %dma_wait3A_368 = arith.constant 0 : i32
      %dma_wait3A_369 = tpu.memref_slice %arg2[%dma_wait3A_367, %dma_wait3A_368] : memref<1000000x64xf32, #tpu.memory_space<hbm>> -> memref<1000000x64xf32, #tpu.memory_space<hbm>>
      tpu.wait_indirect_dma semaphore(%arg10 : memref<!tpu.dma_semaphore, #tpu.memory_space<semaphore_mem>>) src(%dma_wait3A_369 : memref<1000000x64xf32, #tpu.memory_space<hbm>>) dst(%dma_wait3A_363 : memref<32x64xf32, #tpu.memory_space<vmem>>)
      %dma_wait3A_370 = arith.constant 9 : i32
      %dma_wait3A_371 = arith.constant 9 : i32
      %dma_wait3A_372 = arith.constant 0 : i32
      %dma_wait3A_373 = arith.constant 0 : i32
      %dma_wait3A_374 = tpu.memref_slice %arg7[%dma_wait3A_371, %dma_wait3A_372, %dma_wait3A_373] : memref<20x32x64xf32, #tpu.memory_space<vmem>> -> memref<1x32x64xf32, #tpu.memory_space<vmem>>
      %dma_wait3A_375 = tpu.memref_squeeze %dma_wait3A_374 : memref<1x32x64xf32, #tpu.memory_space<vmem>> -> memref<32x64xf32, #tpu.memory_space<vmem>>
      %dma_wait3A_376 = arith.constant 0 : i32
      %dma_wait3A_377 = tpu.memref_slice %arg5[%dma_wait3A_370, %dma_wait3A_376] : memref<20x32xi32, #tpu.memory_space<vmem>> -> memref<1x32xi32, #tpu.memory_space<vmem>>
      %dma_wait3A_378 = tpu.memref_squeeze %dma_wait3A_377 : memref<1x32xi32, #tpu.memory_space<vmem>> -> memref<32xi32, #tpu.memory_space<vmem>>
      %dma_wait3A_379 = arith.constant 0 : i32
      %dma_wait3A_380 = arith.constant 0 : i32
      %dma_wait3A_381 = tpu.memref_slice %arg2[%dma_wait3A_379, %dma_wait3A_380] : memref<1000000x64xf32, #tpu.memory_space<hbm>> -> memref<1000000x64xf32, #tpu.memory_space<hbm>>
      tpu.wait_indirect_dma semaphore(%arg10 : memref<!tpu.dma_semaphore, #tpu.memory_space<semaphore_mem>>) src(%dma_wait3A_381 : memref<1000000x64xf32, #tpu.memory_space<hbm>>) dst(%dma_wait3A_375 : memref<32x64xf32, #tpu.memory_space<vmem>>)
      %dma_wait3A_382 = arith.constant 10 : i32
      %dma_wait3A_383 = arith.constant 10 : i32
      %dma_wait3A_384 = arith.constant 0 : i32
      %dma_wait3A_385 = arith.constant 0 : i32
      %dma_wait3A_386 = tpu.memref_slice %arg7[%dma_wait3A_383, %dma_wait3A_384, %dma_wait3A_385] : memref<20x32x64xf32, #tpu.memory_space<vmem>> -> memref<1x32x64xf32, #tpu.memory_space<vmem>>
      %dma_wait3A_387 = tpu.memref_squeeze %dma_wait3A_386 : memref<1x32x64xf32, #tpu.memory_space<vmem>> -> memref<32x64xf32, #tpu.memory_space<vmem>>
      %dma_wait3A_388 = arith.constant 0 : i32
      %dma_wait3A_389 = tpu.memref_slice %arg5[%dma_wait3A_382, %dma_wait3A_388] : memref<20x32xi32, #tpu.memory_space<vmem>> -> memref<1x32xi32, #tpu.memory_space<vmem>>
      %dma_wait3A_390 = tpu.memref_squeeze %dma_wait3A_389 : memref<1x32xi32, #tpu.memory_space<vmem>> -> memref<32xi32, #tpu.memory_space<vmem>>
      %dma_wait3A_391 = arith.constant 0 : i32
      %dma_wait3A_392 = arith.constant 0 : i32
      %dma_wait3A_393 = tpu.memref_slice %arg2[%dma_wait3A_391, %dma_wait3A_392] : memref<1000000x64xf32, #tpu.memory_space<hbm>> -> memref<1000000x64xf32, #tpu.memory_space<hbm>>
      tpu.wait_indirect_dma semaphore(%arg10 : memref<!tpu.dma_semaphore, #tpu.memory_space<semaphore_mem>>) src(%dma_wait3A_393 : memref<1000000x64xf32, #tpu.memory_space<hbm>>) dst(%dma_wait3A_387 : memref<32x64xf32, #tpu.memory_space<vmem>>)
      %dma_wait3A_394 = arith.constant 11 : i32
      %dma_wait3A_395 = arith.constant 11 : i32
      %dma_wait3A_396 = arith.constant 0 : i32
      %dma_wait3A_397 = arith.constant 0 : i32
      %dma_wait3A_398 = tpu.memref_slice %arg7[%dma_wait3A_395, %dma_wait3A_396, %dma_wait3A_397] : memref<20x32x64xf32, #tpu.memory_space<vmem>> -> memref<1x32x64xf32, #tpu.memory_space<vmem>>
      %dma_wait3A_399 = tpu.memref_squeeze %dma_wait3A_398 : memref<1x32x64xf32, #tpu.memory_space<vmem>> -> memref<32x64xf32, #tpu.memory_space<vmem>>
      %dma_wait3A_400 = arith.constant 0 : i32
      %dma_wait3A_401 = tpu.memref_slice %arg5[%dma_wait3A_394, %dma_wait3A_400] : memref<20x32xi32, #tpu.memory_space<vmem>> -> memref<1x32xi32, #tpu.memory_space<vmem>>
      %dma_wait3A_402 = tpu.memref_squeeze %dma_wait3A_401 : memref<1x32xi32, #tpu.memory_space<vmem>> -> memref<32xi32, #tpu.memory_space<vmem>>
      %dma_wait3A_403 = arith.constant 0 : i32
      %dma_wait3A_404 = arith.constant 0 : i32
      %dma_wait3A_405 = tpu.memref_slice %arg2[%dma_wait3A_403, %dma_wait3A_404] : memref<1000000x64xf32, #tpu.memory_space<hbm>> -> memref<1000000x64xf32, #tpu.memory_space<hbm>>
      tpu.wait_indirect_dma semaphore(%arg10 : memref<!tpu.dma_semaphore, #tpu.memory_space<semaphore_mem>>) src(%dma_wait3A_405 : memref<1000000x64xf32, #tpu.memory_space<hbm>>) dst(%dma_wait3A_399 : memref<32x64xf32, #tpu.memory_space<vmem>>)
      %dma_wait3A_406 = arith.constant 12 : i32
      %dma_wait3A_407 = arith.constant 12 : i32
      %dma_wait3A_408 = arith.constant 0 : i32
      %dma_wait3A_409 = arith.constant 0 : i32
      %dma_wait3A_410 = tpu.memref_slice %arg7[%dma_wait3A_407, %dma_wait3A_408, %dma_wait3A_409] : memref<20x32x64xf32, #tpu.memory_space<vmem>> -> memref<1x32x64xf32, #tpu.memory_space<vmem>>
      %dma_wait3A_411 = tpu.memref_squeeze %dma_wait3A_410 : memref<1x32x64xf32, #tpu.memory_space<vmem>> -> memref<32x64xf32, #tpu.memory_space<vmem>>
      %dma_wait3A_412 = arith.constant 0 : i32
      %dma_wait3A_413 = tpu.memref_slice %arg5[%dma_wait3A_406, %dma_wait3A_412] : memref<20x32xi32, #tpu.memory_space<vmem>> -> memref<1x32xi32, #tpu.memory_space<vmem>>
      %dma_wait3A_414 = tpu.memref_squeeze %dma_wait3A_413 : memref<1x32xi32, #tpu.memory_space<vmem>> -> memref<32xi32, #tpu.memory_space<vmem>>
      %dma_wait3A_415 = arith.constant 0 : i32
      %dma_wait3A_416 = arith.constant 0 : i32
      %dma_wait3A_417 = tpu.memref_slice %arg2[%dma_wait3A_415, %dma_wait3A_416] : memref<1000000x64xf32, #tpu.memory_space<hbm>> -> memref<1000000x64xf32, #tpu.memory_space<hbm>>
      tpu.wait_indirect_dma semaphore(%arg10 : memref<!tpu.dma_semaphore, #tpu.memory_space<semaphore_mem>>) src(%dma_wait3A_417 : memref<1000000x64xf32, #tpu.memory_space<hbm>>) dst(%dma_wait3A_411 : memref<32x64xf32, #tpu.memory_space<vmem>>)
      %dma_wait3A_418 = arith.constant 13 : i32
      %dma_wait3A_419 = arith.constant 13 : i32
      %dma_wait3A_420 = arith.constant 0 : i32
      %dma_wait3A_421 = arith.constant 0 : i32
      %dma_wait3A_422 = tpu.memref_slice %arg7[%dma_wait3A_419, %dma_wait3A_420, %dma_wait3A_421] : memref<20x32x64xf32, #tpu.memory_space<vmem>> -> memref<1x32x64xf32, #tpu.memory_space<vmem>>
      %dma_wait3A_423 = tpu.memref_squeeze %dma_wait3A_422 : memref<1x32x64xf32, #tpu.memory_space<vmem>> -> memref<32x64xf32, #tpu.memory_space<vmem>>
      %dma_wait3A_424 = arith.constant 0 : i32
      %dma_wait3A_425 = tpu.memref_slice %arg5[%dma_wait3A_418, %dma_wait3A_424] : memref<20x32xi32, #tpu.memory_space<vmem>> -> memref<1x32xi32, #tpu.memory_space<vmem>>
      %dma_wait3A_426 = tpu.memref_squeeze %dma_wait3A_425 : memref<1x32xi32, #tpu.memory_space<vmem>> -> memref<32xi32, #tpu.memory_space<vmem>>
      %dma_wait3A_427 = arith.constant 0 : i32
      %dma_wait3A_428 = arith.constant 0 : i32
      %dma_wait3A_429 = tpu.memref_slice %arg2[%dma_wait3A_427, %dma_wait3A_428] : memref<1000000x64xf32, #tpu.memory_space<hbm>> -> memref<1000000x64xf32, #tpu.memory_space<hbm>>
      tpu.wait_indirect_dma semaphore(%arg10 : memref<!tpu.dma_semaphore, #tpu.memory_space<semaphore_mem>>) src(%dma_wait3A_429 : memref<1000000x64xf32, #tpu.memory_space<hbm>>) dst(%dma_wait3A_423 : memref<32x64xf32, #tpu.memory_space<vmem>>)
      %dma_wait3A_430 = arith.constant 14 : i32
      %dma_wait3A_431 = arith.constant 14 : i32
      %dma_wait3A_432 = arith.constant 0 : i32
      %dma_wait3A_433 = arith.constant 0 : i32
      %dma_wait3A_434 = tpu.memref_slice %arg7[%dma_wait3A_431, %dma_wait3A_432, %dma_wait3A_433] : memref<20x32x64xf32, #tpu.memory_space<vmem>> -> memref<1x32x64xf32, #tpu.memory_space<vmem>>
      %dma_wait3A_435 = tpu.memref_squeeze %dma_wait3A_434 : memref<1x32x64xf32, #tpu.memory_space<vmem>> -> memref<32x64xf32, #tpu.memory_space<vmem>>
      %dma_wait3A_436 = arith.constant 0 : i32
      %dma_wait3A_437 = tpu.memref_slice %arg5[%dma_wait3A_430, %dma_wait3A_436] : memref<20x32xi32, #tpu.memory_space<vmem>> -> memref<1x32xi32, #tpu.memory_space<vmem>>
      %dma_wait3A_438 = tpu.memref_squeeze %dma_wait3A_437 : memref<1x32xi32, #tpu.memory_space<vmem>> -> memref<32xi32, #tpu.memory_space<vmem>>
      %dma_wait3A_439 = arith.constant 0 : i32
      %dma_wait3A_440 = arith.constant 0 : i32
      %dma_wait3A_441 = tpu.memref_slice %arg2[%dma_wait3A_439, %dma_wait3A_440] : memref<1000000x64xf32, #tpu.memory_space<hbm>> -> memref<1000000x64xf32, #tpu.memory_space<hbm>>
      tpu.wait_indirect_dma semaphore(%arg10 : memref<!tpu.dma_semaphore, #tpu.memory_space<semaphore_mem>>) src(%dma_wait3A_441 : memref<1000000x64xf32, #tpu.memory_space<hbm>>) dst(%dma_wait3A_435 : memref<32x64xf32, #tpu.memory_space<vmem>>)
      %dma_wait3A_442 = arith.constant 15 : i32
      %dma_wait3A_443 = arith.constant 15 : i32
      %dma_wait3A_444 = arith.constant 0 : i32
      %dma_wait3A_445 = arith.constant 0 : i32
      %dma_wait3A_446 = tpu.memref_slice %arg7[%dma_wait3A_443, %dma_wait3A_444, %dma_wait3A_445] : memref<20x32x64xf32, #tpu.memory_space<vmem>> -> memref<1x32x64xf32, #tpu.memory_space<vmem>>
      %dma_wait3A_447 = tpu.memref_squeeze %dma_wait3A_446 : memref<1x32x64xf32, #tpu.memory_space<vmem>> -> memref<32x64xf32, #tpu.memory_space<vmem>>
      %dma_wait3A_448 = arith.constant 0 : i32
      %dma_wait3A_449 = tpu.memref_slice %arg5[%dma_wait3A_442, %dma_wait3A_448] : memref<20x32xi32, #tpu.memory_space<vmem>> -> memref<1x32xi32, #tpu.memory_space<vmem>>
      %dma_wait3A_450 = tpu.memref_squeeze %dma_wait3A_449 : memref<1x32xi32, #tpu.memory_space<vmem>> -> memref<32xi32, #tpu.memory_space<vmem>>
      %dma_wait3A_451 = arith.constant 0 : i32
      %dma_wait3A_452 = arith.constant 0 : i32
      %dma_wait3A_453 = tpu.memref_slice %arg2[%dma_wait3A_451, %dma_wait3A_452] : memref<1000000x64xf32, #tpu.memory_space<hbm>> -> memref<1000000x64xf32, #tpu.memory_space<hbm>>
      tpu.wait_indirect_dma semaphore(%arg10 : memref<!tpu.dma_semaphore, #tpu.memory_space<semaphore_mem>>) src(%dma_wait3A_453 : memref<1000000x64xf32, #tpu.memory_space<hbm>>) dst(%dma_wait3A_447 : memref<32x64xf32, #tpu.memory_space<vmem>>)
      %dma_wait3A_454 = arith.constant 16 : i32
      %dma_wait3A_455 = arith.constant 16 : i32
      %dma_wait3A_456 = arith.constant 0 : i32
      %dma_wait3A_457 = arith.constant 0 : i32
      %dma_wait3A_458 = tpu.memref_slice %arg7[%dma_wait3A_455, %dma_wait3A_456, %dma_wait3A_457] : memref<20x32x64xf32, #tpu.memory_space<vmem>> -> memref<1x32x64xf32, #tpu.memory_space<vmem>>
      %dma_wait3A_459 = tpu.memref_squeeze %dma_wait3A_458 : memref<1x32x64xf32, #tpu.memory_space<vmem>> -> memref<32x64xf32, #tpu.memory_space<vmem>>
      %dma_wait3A_460 = arith.constant 0 : i32
      %dma_wait3A_461 = tpu.memref_slice %arg5[%dma_wait3A_454, %dma_wait3A_460] : memref<20x32xi32, #tpu.memory_space<vmem>> -> memref<1x32xi32, #tpu.memory_space<vmem>>
      %dma_wait3A_462 = tpu.memref_squeeze %dma_wait3A_461 : memref<1x32xi32, #tpu.memory_space<vmem>> -> memref<32xi32, #tpu.memory_space<vmem>>
      %dma_wait3A_463 = arith.constant 0 : i32
      %dma_wait3A_464 = arith.constant 0 : i32
      %dma_wait3A_465 = tpu.memref_slice %arg2[%dma_wait3A_463, %dma_wait3A_464] : memref<1000000x64xf32, #tpu.memory_space<hbm>> -> memref<1000000x64xf32, #tpu.memory_space<hbm>>
      tpu.wait_indirect_dma semaphore(%arg10 : memref<!tpu.dma_semaphore, #tpu.memory_space<semaphore_mem>>) src(%dma_wait3A_465 : memref<1000000x64xf32, #tpu.memory_space<hbm>>) dst(%dma_wait3A_459 : memref<32x64xf32, #tpu.memory_space<vmem>>)
      %dma_wait3A_466 = arith.constant 17 : i32
      %dma_wait3A_467 = arith.constant 17 : i32
      %dma_wait3A_468 = arith.constant 0 : i32
      %dma_wait3A_469 = arith.constant 0 : i32
      %dma_wait3A_470 = tpu.memref_slice %arg7[%dma_wait3A_467, %dma_wait3A_468, %dma_wait3A_469] : memref<20x32x64xf32, #tpu.memory_space<vmem>> -> memref<1x32x64xf32, #tpu.memory_space<vmem>>
      %dma_wait3A_471 = tpu.memref_squeeze %dma_wait3A_470 : memref<1x32x64xf32, #tpu.memory_space<vmem>> -> memref<32x64xf32, #tpu.memory_space<vmem>>
      %dma_wait3A_472 = arith.constant 0 : i32
      %dma_wait3A_473 = tpu.memref_slice %arg5[%dma_wait3A_466, %dma_wait3A_472] : memref<20x32xi32, #tpu.memory_space<vmem>> -> memref<1x32xi32, #tpu.memory_space<vmem>>
      %dma_wait3A_474 = tpu.memref_squeeze %dma_wait3A_473 : memref<1x32xi32, #tpu.memory_space<vmem>> -> memref<32xi32, #tpu.memory_space<vmem>>
      %dma_wait3A_475 = arith.constant 0 : i32
      %dma_wait3A_476 = arith.constant 0 : i32
      %dma_wait3A_477 = tpu.memref_slice %arg2[%dma_wait3A_475, %dma_wait3A_476] : memref<1000000x64xf32, #tpu.memory_space<hbm>> -> memref<1000000x64xf32, #tpu.memory_space<hbm>>
      tpu.wait_indirect_dma semaphore(%arg10 : memref<!tpu.dma_semaphore, #tpu.memory_space<semaphore_mem>>) src(%dma_wait3A_477 : memref<1000000x64xf32, #tpu.memory_space<hbm>>) dst(%dma_wait3A_471 : memref<32x64xf32, #tpu.memory_space<vmem>>)
      %dma_wait3A_478 = arith.constant 18 : i32
      %dma_wait3A_479 = arith.constant 18 : i32
      %dma_wait3A_480 = arith.constant 0 : i32
      %dma_wait3A_481 = arith.constant 0 : i32
      %dma_wait3A_482 = tpu.memref_slice %arg7[%dma_wait3A_479, %dma_wait3A_480, %dma_wait3A_481] : memref<20x32x64xf32, #tpu.memory_space<vmem>> -> memref<1x32x64xf32, #tpu.memory_space<vmem>>
      %dma_wait3A_483 = tpu.memref_squeeze %dma_wait3A_482 : memref<1x32x64xf32, #tpu.memory_space<vmem>> -> memref<32x64xf32, #tpu.memory_space<vmem>>
      %dma_wait3A_484 = arith.constant 0 : i32
      %dma_wait3A_485 = tpu.memref_slice %arg5[%dma_wait3A_478, %dma_wait3A_484] : memref<20x32xi32, #tpu.memory_space<vmem>> -> memref<1x32xi32, #tpu.memory_space<vmem>>
      %dma_wait3A_486 = tpu.memref_squeeze %dma_wait3A_485 : memref<1x32xi32, #tpu.memory_space<vmem>> -> memref<32xi32, #tpu.memory_space<vmem>>
      %dma_wait3A_487 = arith.constant 0 : i32
      %dma_wait3A_488 = arith.constant 0 : i32
      %dma_wait3A_489 = tpu.memref_slice %arg2[%dma_wait3A_487, %dma_wait3A_488] : memref<1000000x64xf32, #tpu.memory_space<hbm>> -> memref<1000000x64xf32, #tpu.memory_space<hbm>>
      tpu.wait_indirect_dma semaphore(%arg10 : memref<!tpu.dma_semaphore, #tpu.memory_space<semaphore_mem>>) src(%dma_wait3A_489 : memref<1000000x64xf32, #tpu.memory_space<hbm>>) dst(%dma_wait3A_483 : memref<32x64xf32, #tpu.memory_space<vmem>>)
      %dma_wait3A_490 = arith.constant 19 : i32
      %dma_wait3A_491 = arith.constant 19 : i32
      %dma_wait3A_492 = arith.constant 0 : i32
      %dma_wait3A_493 = arith.constant 0 : i32
      %dma_wait3A_494 = tpu.memref_slice %arg7[%dma_wait3A_491, %dma_wait3A_492, %dma_wait3A_493] : memref<20x32x64xf32, #tpu.memory_space<vmem>> -> memref<1x32x64xf32, #tpu.memory_space<vmem>>
      %dma_wait3A_495 = tpu.memref_squeeze %dma_wait3A_494 : memref<1x32x64xf32, #tpu.memory_space<vmem>> -> memref<32x64xf32, #tpu.memory_space<vmem>>
      %dma_wait3A_496 = arith.constant 0 : i32
      %dma_wait3A_497 = tpu.memref_slice %arg5[%dma_wait3A_490, %dma_wait3A_496] : memref<20x32xi32, #tpu.memory_space<vmem>> -> memref<1x32xi32, #tpu.memory_space<vmem>>
      %dma_wait3A_498 = tpu.memref_squeeze %dma_wait3A_497 : memref<1x32xi32, #tpu.memory_space<vmem>> -> memref<32xi32, #tpu.memory_space<vmem>>
      %dma_wait3A_499 = arith.constant 0 : i32
      %dma_wait3A_500 = arith.constant 0 : i32
      %dma_wait3A_501 = tpu.memref_slice %arg2[%dma_wait3A_499, %dma_wait3A_500] : memref<1000000x64xf32, #tpu.memory_space<hbm>> -> memref<1000000x64xf32, #tpu.memory_space<hbm>>
      tpu.wait_indirect_dma semaphore(%arg10 : memref<!tpu.dma_semaphore, #tpu.memory_space<semaphore_mem>>) src(%dma_wait3A_501 : memref<1000000x64xf32, #tpu.memory_space<hbm>>) dst(%dma_wait3A_495 : memref<32x64xf32, #tpu.memory_space<vmem>>)
      %add3A_502 = arith.constant 1 : i32
      %add3A_503 = arith.addi %add3A_262, %add3A_502 : i32
      %jit3A = arith.constant 4 : i32
      %div3A = arith.divsi %add3A_503, %jit3A : i32
      %sign3A = arith.constant 0 : i32
      %sign3A_504 = arith.cmpi sgt, %add3A_503, %sign3A : i32
      %sign3A_505 = arith.extui %sign3A_504 : i1 to i32
      %sign3A_506 = arith.constant 0 : i32
      %sign3A_507 = arith.cmpi slt, %add3A_503, %sign3A_506 : i32
      %sign3A_508 = arith.extui %sign3A_507 : i1 to i32
      %sign3A_509 = arith.subi %sign3A_505, %sign3A_508 : i32
      %sign3A_510 = arith.constant 0 : i32
      %sign3A_511 = arith.cmpi sgt, %jit3A, %sign3A_510 : i32
      %sign3A_512 = arith.extui %sign3A_511 : i1 to i32
      %sign3A_513 = arith.constant 0 : i32
      %sign3A_514 = arith.cmpi slt, %jit3A, %sign3A_513 : i32
      %sign3A_515 = arith.extui %sign3A_514 : i1 to i32
      %sign3A_516 = arith.subi %sign3A_512, %sign3A_515 : i32
      %ne3A = arith.cmpi ne, %sign3A_509, %sign3A_516 : i32
      %rem3A = arith.remsi %add3A_503, %jit3A : i32
      %ne3A_517 = arith.constant 0 : i32
      %ne3A_518 = arith.cmpi ne, %rem3A, %ne3A_517 : i32
      %and3A = arith.andi %ne3A, %ne3A_518 : i1
      %sub3A = arith.constant 1 : i32
      %sub3A_519 = arith.subi %div3A, %sub3A : i32
      %select_n3A = arith.select %and3A, %sub3A_519, %div3A : i32
      %jit3A_520 = arith.constant 4 : i32
      %eq3A = arith.constant 0 : i32
      %eq3A_521 = arith.cmpi eq, %jit3A_520, %eq3A : i32
      %jit3A_522 = arith.constant 1 : i32
      %select_n3A_523 = arith.select %eq3A_521, %jit3A_522, %jit3A_520 : i32
      %rem3A_524 = arith.remsi %add3A_503, %select_n3A_523 : i32
      %ne3A_525 = arith.constant 0 : i32
      %ne3A_526 = arith.cmpi ne, %rem3A_524, %ne3A_525 : i32
      %lt3A = arith.constant 0 : i32
      %lt3A_527 = arith.cmpi slt, %rem3A_524, %lt3A : i32
      %lt3A_528 = arith.constant 0 : i32
      %lt3A_529 = arith.cmpi slt, %select_n3A_523, %lt3A_528 : i32
      %ne3A_530 = arith.xori %lt3A_527, %lt3A_529 : i1
      %and3A_531 = arith.andi %ne3A_530, %ne3A_526 : i1
      %add3A_532 = arith.addi %rem3A_524, %select_n3A_523 : i32
      %select_n3A_533 = arith.select %and3A_531, %add3A_532, %rem3A_524 : i32
      %mul3A_534 = arith.constant 32 : i32
      %mul3A_535 = arith.muli %select_n3A_533, %mul3A_534 : i32
      %add3A_536 = arith.addi %mul3A_2, %mul3A_535 : i32
      %dma_wait3A_537 = arith.constant 0 : i32
      %dma_wait3A_538 = tpu.memref_slice %arg3[%select_n3A, %dma_wait3A_537, %add3A_536] : memref<26x24x4096xi32, #tpu.memory_space<hbm>> -> memref<1x20x32xi32, #tpu.memory_space<hbm>>
      %dma_wait3A_539 = tpu.memref_squeeze %dma_wait3A_538 : memref<1x20x32xi32, #tpu.memory_space<hbm>> -> memref<20x32xi32, #tpu.memory_space<hbm>>
      %dma_wait3A_540 = arith.constant 0 : i32
      %dma_wait3A_541 = tpu.memref_slice %arg3[%select_n3A, %dma_wait3A_540, %add3A_536] : memref<26x24x4096xi32, #tpu.memory_space<hbm>> -> memref<1x20x32xi32, #tpu.memory_space<hbm>>
      %dma_wait3A_542 = tpu.memref_squeeze %dma_wait3A_541 : memref<1x20x32xi32, #tpu.memory_space<hbm>> -> memref<20x32xi32, #tpu.memory_space<hbm>>
      tpu.wait_dma2 semaphore(%arg13 : memref<!tpu.dma_semaphore, #tpu.memory_space<semaphore_mem>>) src(%dma_wait3A_542 : memref<20x32xi32, #tpu.memory_space<hbm>>) dst(%arg6 : memref<20x32xi32, #tpu.memory_space<vmem>>)
      %dma_start3A_543 = arith.constant 0 : i32
      %dma_start3A_544 = arith.constant 0 : i32
      %dma_start3A_545 = arith.constant 0 : i32
      %dma_start3A_546 = arith.constant 0 : i32
      %dma_start3A_547 = tpu.memref_slice %arg8[%dma_start3A_544, %dma_start3A_545, %dma_start3A_546] : memref<20x32x64xf32, #tpu.memory_space<vmem>> -> memref<1x32x64xf32, #tpu.memory_space<vmem>>
      %dma_start3A_548 = tpu.memref_squeeze %dma_start3A_547 : memref<1x32x64xf32, #tpu.memory_space<vmem>> -> memref<32x64xf32, #tpu.memory_space<vmem>>
      %dma_start3A_549 = arith.constant 0 : i32
      %dma_start3A_550 = tpu.memref_slice %arg6[%dma_start3A_543, %dma_start3A_549] : memref<20x32xi32, #tpu.memory_space<vmem>> -> memref<1x32xi32, #tpu.memory_space<vmem>>
      %dma_start3A_551 = tpu.memref_squeeze %dma_start3A_550 : memref<1x32xi32, #tpu.memory_space<vmem>> -> memref<32xi32, #tpu.memory_space<vmem>>
      %dma_start3A_552 = arith.constant 0 : i32
      %dma_start3A_553 = arith.constant 0 : i32
      %dma_start3A_554 = tpu.memref_slice %arg2[%dma_start3A_552, %dma_start3A_553] : memref<1000000x64xf32, #tpu.memory_space<hbm>> -> memref<1000000x64xf32, #tpu.memory_space<hbm>>
      tpu.enqueue_indirect_dma source(%dma_start3A_554 : memref<1000000x64xf32, #tpu.memory_space<hbm>>) target(%dma_start3A_548 : memref<32x64xf32, #tpu.memory_space<vmem>>) offsets(%dma_start3A_551 : memref<32xi32, #tpu.memory_space<vmem>>) semaphore(%arg11 : memref<!tpu.dma_semaphore, #tpu.memory_space<semaphore_mem>>)
      %dma_start3A_555 = arith.constant 1 : i32
      %dma_start3A_556 = arith.constant 1 : i32
      %dma_start3A_557 = arith.constant 0 : i32
      %dma_start3A_558 = arith.constant 0 : i32
      %dma_start3A_559 = tpu.memref_slice %arg8[%dma_start3A_556, %dma_start3A_557, %dma_start3A_558] : memref<20x32x64xf32, #tpu.memory_space<vmem>> -> memref<1x32x64xf32, #tpu.memory_space<vmem>>
      %dma_start3A_560 = tpu.memref_squeeze %dma_start3A_559 : memref<1x32x64xf32, #tpu.memory_space<vmem>> -> memref<32x64xf32, #tpu.memory_space<vmem>>
      %dma_start3A_561 = arith.constant 0 : i32
      %dma_start3A_562 = tpu.memref_slice %arg6[%dma_start3A_555, %dma_start3A_561] : memref<20x32xi32, #tpu.memory_space<vmem>> -> memref<1x32xi32, #tpu.memory_space<vmem>>
      %dma_start3A_563 = tpu.memref_squeeze %dma_start3A_562 : memref<1x32xi32, #tpu.memory_space<vmem>> -> memref<32xi32, #tpu.memory_space<vmem>>
      %dma_start3A_564 = arith.constant 0 : i32
      %dma_start3A_565 = arith.constant 0 : i32
      %dma_start3A_566 = tpu.memref_slice %arg2[%dma_start3A_564, %dma_start3A_565] : memref<1000000x64xf32, #tpu.memory_space<hbm>> -> memref<1000000x64xf32, #tpu.memory_space<hbm>>
      tpu.enqueue_indirect_dma source(%dma_start3A_566 : memref<1000000x64xf32, #tpu.memory_space<hbm>>) target(%dma_start3A_560 : memref<32x64xf32, #tpu.memory_space<vmem>>) offsets(%dma_start3A_563 : memref<32xi32, #tpu.memory_space<vmem>>) semaphore(%arg11 : memref<!tpu.dma_semaphore, #tpu.memory_space<semaphore_mem>>)
      %dma_start3A_567 = arith.constant 2 : i32
      %dma_start3A_568 = arith.constant 2 : i32
      %dma_start3A_569 = arith.constant 0 : i32
      %dma_start3A_570 = arith.constant 0 : i32
      %dma_start3A_571 = tpu.memref_slice %arg8[%dma_start3A_568, %dma_start3A_569, %dma_start3A_570] : memref<20x32x64xf32, #tpu.memory_space<vmem>> -> memref<1x32x64xf32, #tpu.memory_space<vmem>>
      %dma_start3A_572 = tpu.memref_squeeze %dma_start3A_571 : memref<1x32x64xf32, #tpu.memory_space<vmem>> -> memref<32x64xf32, #tpu.memory_space<vmem>>
      %dma_start3A_573 = arith.constant 0 : i32
      %dma_start3A_574 = tpu.memref_slice %arg6[%dma_start3A_567, %dma_start3A_573] : memref<20x32xi32, #tpu.memory_space<vmem>> -> memref<1x32xi32, #tpu.memory_space<vmem>>
      %dma_start3A_575 = tpu.memref_squeeze %dma_start3A_574 : memref<1x32xi32, #tpu.memory_space<vmem>> -> memref<32xi32, #tpu.memory_space<vmem>>
      %dma_start3A_576 = arith.constant 0 : i32
      %dma_start3A_577 = arith.constant 0 : i32
      %dma_start3A_578 = tpu.memref_slice %arg2[%dma_start3A_576, %dma_start3A_577] : memref<1000000x64xf32, #tpu.memory_space<hbm>> -> memref<1000000x64xf32, #tpu.memory_space<hbm>>
      tpu.enqueue_indirect_dma source(%dma_start3A_578 : memref<1000000x64xf32, #tpu.memory_space<hbm>>) target(%dma_start3A_572 : memref<32x64xf32, #tpu.memory_space<vmem>>) offsets(%dma_start3A_575 : memref<32xi32, #tpu.memory_space<vmem>>) semaphore(%arg11 : memref<!tpu.dma_semaphore, #tpu.memory_space<semaphore_mem>>)
      %dma_start3A_579 = arith.constant 3 : i32
      %dma_start3A_580 = arith.constant 3 : i32
      %dma_start3A_581 = arith.constant 0 : i32
      %dma_start3A_582 = arith.constant 0 : i32
      %dma_start3A_583 = tpu.memref_slice %arg8[%dma_start3A_580, %dma_start3A_581, %dma_start3A_582] : memref<20x32x64xf32, #tpu.memory_space<vmem>> -> memref<1x32x64xf32, #tpu.memory_space<vmem>>
      %dma_start3A_584 = tpu.memref_squeeze %dma_start3A_583 : memref<1x32x64xf32, #tpu.memory_space<vmem>> -> memref<32x64xf32, #tpu.memory_space<vmem>>
      %dma_start3A_585 = arith.constant 0 : i32
      %dma_start3A_586 = tpu.memref_slice %arg6[%dma_start3A_579, %dma_start3A_585] : memref<20x32xi32, #tpu.memory_space<vmem>> -> memref<1x32xi32, #tpu.memory_space<vmem>>
      %dma_start3A_587 = tpu.memref_squeeze %dma_start3A_586 : memref<1x32xi32, #tpu.memory_space<vmem>> -> memref<32xi32, #tpu.memory_space<vmem>>
      %dma_start3A_588 = arith.constant 0 : i32
      %dma_start3A_589 = arith.constant 0 : i32
      %dma_start3A_590 = tpu.memref_slice %arg2[%dma_start3A_588, %dma_start3A_589] : memref<1000000x64xf32, #tpu.memory_space<hbm>> -> memref<1000000x64xf32, #tpu.memory_space<hbm>>
      tpu.enqueue_indirect_dma source(%dma_start3A_590 : memref<1000000x64xf32, #tpu.memory_space<hbm>>) target(%dma_start3A_584 : memref<32x64xf32, #tpu.memory_space<vmem>>) offsets(%dma_start3A_587 : memref<32xi32, #tpu.memory_space<vmem>>) semaphore(%arg11 : memref<!tpu.dma_semaphore, #tpu.memory_space<semaphore_mem>>)
      %dma_start3A_591 = arith.constant 4 : i32
      %dma_start3A_592 = arith.constant 4 : i32
      %dma_start3A_593 = arith.constant 0 : i32
      %dma_start3A_594 = arith.constant 0 : i32
      %dma_start3A_595 = tpu.memref_slice %arg8[%dma_start3A_592, %dma_start3A_593, %dma_start3A_594] : memref<20x32x64xf32, #tpu.memory_space<vmem>> -> memref<1x32x64xf32, #tpu.memory_space<vmem>>
      %dma_start3A_596 = tpu.memref_squeeze %dma_start3A_595 : memref<1x32x64xf32, #tpu.memory_space<vmem>> -> memref<32x64xf32, #tpu.memory_space<vmem>>
      %dma_start3A_597 = arith.constant 0 : i32
      %dma_start3A_598 = tpu.memref_slice %arg6[%dma_start3A_591, %dma_start3A_597] : memref<20x32xi32, #tpu.memory_space<vmem>> -> memref<1x32xi32, #tpu.memory_space<vmem>>
      %dma_start3A_599 = tpu.memref_squeeze %dma_start3A_598 : memref<1x32xi32, #tpu.memory_space<vmem>> -> memref<32xi32, #tpu.memory_space<vmem>>
      %dma_start3A_600 = arith.constant 0 : i32
      %dma_start3A_601 = arith.constant 0 : i32
      %dma_start3A_602 = tpu.memref_slice %arg2[%dma_start3A_600, %dma_start3A_601] : memref<1000000x64xf32, #tpu.memory_space<hbm>> -> memref<1000000x64xf32, #tpu.memory_space<hbm>>
      tpu.enqueue_indirect_dma source(%dma_start3A_602 : memref<1000000x64xf32, #tpu.memory_space<hbm>>) target(%dma_start3A_596 : memref<32x64xf32, #tpu.memory_space<vmem>>) offsets(%dma_start3A_599 : memref<32xi32, #tpu.memory_space<vmem>>) semaphore(%arg11 : memref<!tpu.dma_semaphore, #tpu.memory_space<semaphore_mem>>)
      %dma_start3A_603 = arith.constant 5 : i32
      %dma_start3A_604 = arith.constant 5 : i32
      %dma_start3A_605 = arith.constant 0 : i32
      %dma_start3A_606 = arith.constant 0 : i32
      %dma_start3A_607 = tpu.memref_slice %arg8[%dma_start3A_604, %dma_start3A_605, %dma_start3A_606] : memref<20x32x64xf32, #tpu.memory_space<vmem>> -> memref<1x32x64xf32, #tpu.memory_space<vmem>>
      %dma_start3A_608 = tpu.memref_squeeze %dma_start3A_607 : memref<1x32x64xf32, #tpu.memory_space<vmem>> -> memref<32x64xf32, #tpu.memory_space<vmem>>
      %dma_start3A_609 = arith.constant 0 : i32
      %dma_start3A_610 = tpu.memref_slice %arg6[%dma_start3A_603, %dma_start3A_609] : memref<20x32xi32, #tpu.memory_space<vmem>> -> memref<1x32xi32, #tpu.memory_space<vmem>>
      %dma_start3A_611 = tpu.memref_squeeze %dma_start3A_610 : memref<1x32xi32, #tpu.memory_space<vmem>> -> memref<32xi32, #tpu.memory_space<vmem>>
      %dma_start3A_612 = arith.constant 0 : i32
      %dma_start3A_613 = arith.constant 0 : i32
      %dma_start3A_614 = tpu.memref_slice %arg2[%dma_start3A_612, %dma_start3A_613] : memref<1000000x64xf32, #tpu.memory_space<hbm>> -> memref<1000000x64xf32, #tpu.memory_space<hbm>>
      tpu.enqueue_indirect_dma source(%dma_start3A_614 : memref<1000000x64xf32, #tpu.memory_space<hbm>>) target(%dma_start3A_608 : memref<32x64xf32, #tpu.memory_space<vmem>>) offsets(%dma_start3A_611 : memref<32xi32, #tpu.memory_space<vmem>>) semaphore(%arg11 : memref<!tpu.dma_semaphore, #tpu.memory_space<semaphore_mem>>)
      %dma_start3A_615 = arith.constant 6 : i32
      %dma_start3A_616 = arith.constant 6 : i32
      %dma_start3A_617 = arith.constant 0 : i32
      %dma_start3A_618 = arith.constant 0 : i32
      %dma_start3A_619 = tpu.memref_slice %arg8[%dma_start3A_616, %dma_start3A_617, %dma_start3A_618] : memref<20x32x64xf32, #tpu.memory_space<vmem>> -> memref<1x32x64xf32, #tpu.memory_space<vmem>>
      %dma_start3A_620 = tpu.memref_squeeze %dma_start3A_619 : memref<1x32x64xf32, #tpu.memory_space<vmem>> -> memref<32x64xf32, #tpu.memory_space<vmem>>
      %dma_start3A_621 = arith.constant 0 : i32
      %dma_start3A_622 = tpu.memref_slice %arg6[%dma_start3A_615, %dma_start3A_621] : memref<20x32xi32, #tpu.memory_space<vmem>> -> memref<1x32xi32, #tpu.memory_space<vmem>>
      %dma_start3A_623 = tpu.memref_squeeze %dma_start3A_622 : memref<1x32xi32, #tpu.memory_space<vmem>> -> memref<32xi32, #tpu.memory_space<vmem>>
      %dma_start3A_624 = arith.constant 0 : i32
      %dma_start3A_625 = arith.constant 0 : i32
      %dma_start3A_626 = tpu.memref_slice %arg2[%dma_start3A_624, %dma_start3A_625] : memref<1000000x64xf32, #tpu.memory_space<hbm>> -> memref<1000000x64xf32, #tpu.memory_space<hbm>>
      tpu.enqueue_indirect_dma source(%dma_start3A_626 : memref<1000000x64xf32, #tpu.memory_space<hbm>>) target(%dma_start3A_620 : memref<32x64xf32, #tpu.memory_space<vmem>>) offsets(%dma_start3A_623 : memref<32xi32, #tpu.memory_space<vmem>>) semaphore(%arg11 : memref<!tpu.dma_semaphore, #tpu.memory_space<semaphore_mem>>)
      %dma_start3A_627 = arith.constant 7 : i32
      %dma_start3A_628 = arith.constant 7 : i32
      %dma_start3A_629 = arith.constant 0 : i32
      %dma_start3A_630 = arith.constant 0 : i32
      %dma_start3A_631 = tpu.memref_slice %arg8[%dma_start3A_628, %dma_start3A_629, %dma_start3A_630] : memref<20x32x64xf32, #tpu.memory_space<vmem>> -> memref<1x32x64xf32, #tpu.memory_space<vmem>>
      %dma_start3A_632 = tpu.memref_squeeze %dma_start3A_631 : memref<1x32x64xf32, #tpu.memory_space<vmem>> -> memref<32x64xf32, #tpu.memory_space<vmem>>
      %dma_start3A_633 = arith.constant 0 : i32
      %dma_start3A_634 = tpu.memref_slice %arg6[%dma_start3A_627, %dma_start3A_633] : memref<20x32xi32, #tpu.memory_space<vmem>> -> memref<1x32xi32, #tpu.memory_space<vmem>>
      %dma_start3A_635 = tpu.memref_squeeze %dma_start3A_634 : memref<1x32xi32, #tpu.memory_space<vmem>> -> memref<32xi32, #tpu.memory_space<vmem>>
      %dma_start3A_636 = arith.constant 0 : i32
      %dma_start3A_637 = arith.constant 0 : i32
      %dma_start3A_638 = tpu.memref_slice %arg2[%dma_start3A_636, %dma_start3A_637] : memref<1000000x64xf32, #tpu.memory_space<hbm>> -> memref<1000000x64xf32, #tpu.memory_space<hbm>>
      tpu.enqueue_indirect_dma source(%dma_start3A_638 : memref<1000000x64xf32, #tpu.memory_space<hbm>>) target(%dma_start3A_632 : memref<32x64xf32, #tpu.memory_space<vmem>>) offsets(%dma_start3A_635 : memref<32xi32, #tpu.memory_space<vmem>>) semaphore(%arg11 : memref<!tpu.dma_semaphore, #tpu.memory_space<semaphore_mem>>)
      %dma_start3A_639 = arith.constant 8 : i32
      %dma_start3A_640 = arith.constant 8 : i32
      %dma_start3A_641 = arith.constant 0 : i32
      %dma_start3A_642 = arith.constant 0 : i32
      %dma_start3A_643 = tpu.memref_slice %arg8[%dma_start3A_640, %dma_start3A_641, %dma_start3A_642] : memref<20x32x64xf32, #tpu.memory_space<vmem>> -> memref<1x32x64xf32, #tpu.memory_space<vmem>>
      %dma_start3A_644 = tpu.memref_squeeze %dma_start3A_643 : memref<1x32x64xf32, #tpu.memory_space<vmem>> -> memref<32x64xf32, #tpu.memory_space<vmem>>
      %dma_start3A_645 = arith.constant 0 : i32
      %dma_start3A_646 = tpu.memref_slice %arg6[%dma_start3A_639, %dma_start3A_645] : memref<20x32xi32, #tpu.memory_space<vmem>> -> memref<1x32xi32, #tpu.memory_space<vmem>>
      %dma_start3A_647 = tpu.memref_squeeze %dma_start3A_646 : memref<1x32xi32, #tpu.memory_space<vmem>> -> memref<32xi32, #tpu.memory_space<vmem>>
      %dma_start3A_648 = arith.constant 0 : i32
      %dma_start3A_649 = arith.constant 0 : i32
      %dma_start3A_650 = tpu.memref_slice %arg2[%dma_start3A_648, %dma_start3A_649] : memref<1000000x64xf32, #tpu.memory_space<hbm>> -> memref<1000000x64xf32, #tpu.memory_space<hbm>>
      tpu.enqueue_indirect_dma source(%dma_start3A_650 : memref<1000000x64xf32, #tpu.memory_space<hbm>>) target(%dma_start3A_644 : memref<32x64xf32, #tpu.memory_space<vmem>>) offsets(%dma_start3A_647 : memref<32xi32, #tpu.memory_space<vmem>>) semaphore(%arg11 : memref<!tpu.dma_semaphore, #tpu.memory_space<semaphore_mem>>)
      %dma_start3A_651 = arith.constant 9 : i32
      %dma_start3A_652 = arith.constant 9 : i32
      %dma_start3A_653 = arith.constant 0 : i32
      %dma_start3A_654 = arith.constant 0 : i32
      %dma_start3A_655 = tpu.memref_slice %arg8[%dma_start3A_652, %dma_start3A_653, %dma_start3A_654] : memref<20x32x64xf32, #tpu.memory_space<vmem>> -> memref<1x32x64xf32, #tpu.memory_space<vmem>>
      %dma_start3A_656 = tpu.memref_squeeze %dma_start3A_655 : memref<1x32x64xf32, #tpu.memory_space<vmem>> -> memref<32x64xf32, #tpu.memory_space<vmem>>
      %dma_start3A_657 = arith.constant 0 : i32
      %dma_start3A_658 = tpu.memref_slice %arg6[%dma_start3A_651, %dma_start3A_657] : memref<20x32xi32, #tpu.memory_space<vmem>> -> memref<1x32xi32, #tpu.memory_space<vmem>>
      %dma_start3A_659 = tpu.memref_squeeze %dma_start3A_658 : memref<1x32xi32, #tpu.memory_space<vmem>> -> memref<32xi32, #tpu.memory_space<vmem>>
      %dma_start3A_660 = arith.constant 0 : i32
      %dma_start3A_661 = arith.constant 0 : i32
      %dma_start3A_662 = tpu.memref_slice %arg2[%dma_start3A_660, %dma_start3A_661] : memref<1000000x64xf32, #tpu.memory_space<hbm>> -> memref<1000000x64xf32, #tpu.memory_space<hbm>>
      tpu.enqueue_indirect_dma source(%dma_start3A_662 : memref<1000000x64xf32, #tpu.memory_space<hbm>>) target(%dma_start3A_656 : memref<32x64xf32, #tpu.memory_space<vmem>>) offsets(%dma_start3A_659 : memref<32xi32, #tpu.memory_space<vmem>>) semaphore(%arg11 : memref<!tpu.dma_semaphore, #tpu.memory_space<semaphore_mem>>)
      %dma_start3A_663 = arith.constant 10 : i32
      %dma_start3A_664 = arith.constant 10 : i32
      %dma_start3A_665 = arith.constant 0 : i32
      %dma_start3A_666 = arith.constant 0 : i32
      %dma_start3A_667 = tpu.memref_slice %arg8[%dma_start3A_664, %dma_start3A_665, %dma_start3A_666] : memref<20x32x64xf32, #tpu.memory_space<vmem>> -> memref<1x32x64xf32, #tpu.memory_space<vmem>>
      %dma_start3A_668 = tpu.memref_squeeze %dma_start3A_667 : memref<1x32x64xf32, #tpu.memory_space<vmem>> -> memref<32x64xf32, #tpu.memory_space<vmem>>
      %dma_start3A_669 = arith.constant 0 : i32
      %dma_start3A_670 = tpu.memref_slice %arg6[%dma_start3A_663, %dma_start3A_669] : memref<20x32xi32, #tpu.memory_space<vmem>> -> memref<1x32xi32, #tpu.memory_space<vmem>>
      %dma_start3A_671 = tpu.memref_squeeze %dma_start3A_670 : memref<1x32xi32, #tpu.memory_space<vmem>> -> memref<32xi32, #tpu.memory_space<vmem>>
      %dma_start3A_672 = arith.constant 0 : i32
      %dma_start3A_673 = arith.constant 0 : i32
      %dma_start3A_674 = tpu.memref_slice %arg2[%dma_start3A_672, %dma_start3A_673] : memref<1000000x64xf32, #tpu.memory_space<hbm>> -> memref<1000000x64xf32, #tpu.memory_space<hbm>>
      tpu.enqueue_indirect_dma source(%dma_start3A_674 : memref<1000000x64xf32, #tpu.memory_space<hbm>>) target(%dma_start3A_668 : memref<32x64xf32, #tpu.memory_space<vmem>>) offsets(%dma_start3A_671 : memref<32xi32, #tpu.memory_space<vmem>>) semaphore(%arg11 : memref<!tpu.dma_semaphore, #tpu.memory_space<semaphore_mem>>)
      %dma_start3A_675 = arith.constant 11 : i32
      %dma_start3A_676 = arith.constant 11 : i32
      %dma_start3A_677 = arith.constant 0 : i32
      %dma_start3A_678 = arith.constant 0 : i32
      %dma_start3A_679 = tpu.memref_slice %arg8[%dma_start3A_676, %dma_start3A_677, %dma_start3A_678] : memref<20x32x64xf32, #tpu.memory_space<vmem>> -> memref<1x32x64xf32, #tpu.memory_space<vmem>>
      %dma_start3A_680 = tpu.memref_squeeze %dma_start3A_679 : memref<1x32x64xf32, #tpu.memory_space<vmem>> -> memref<32x64xf32, #tpu.memory_space<vmem>>
      %dma_start3A_681 = arith.constant 0 : i32
      %dma_start3A_682 = tpu.memref_slice %arg6[%dma_start3A_675, %dma_start3A_681] : memref<20x32xi32, #tpu.memory_space<vmem>> -> memref<1x32xi32, #tpu.memory_space<vmem>>
      %dma_start3A_683 = tpu.memref_squeeze %dma_start3A_682 : memref<1x32xi32, #tpu.memory_space<vmem>> -> memref<32xi32, #tpu.memory_space<vmem>>
      %dma_start3A_684 = arith.constant 0 : i32
      %dma_start3A_685 = arith.constant 0 : i32
      %dma_start3A_686 = tpu.memref_slice %arg2[%dma_start3A_684, %dma_start3A_685] : memref<1000000x64xf32, #tpu.memory_space<hbm>> -> memref<1000000x64xf32, #tpu.memory_space<hbm>>
      tpu.enqueue_indirect_dma source(%dma_start3A_686 : memref<1000000x64xf32, #tpu.memory_space<hbm>>) target(%dma_start3A_680 : memref<32x64xf32, #tpu.memory_space<vmem>>) offsets(%dma_start3A_683 : memref<32xi32, #tpu.memory_space<vmem>>) semaphore(%arg11 : memref<!tpu.dma_semaphore, #tpu.memory_space<semaphore_mem>>)
      %dma_start3A_687 = arith.constant 12 : i32
      %dma_start3A_688 = arith.constant 12 : i32
      %dma_start3A_689 = arith.constant 0 : i32
      %dma_start3A_690 = arith.constant 0 : i32
      %dma_start3A_691 = tpu.memref_slice %arg8[%dma_start3A_688, %dma_start3A_689, %dma_start3A_690] : memref<20x32x64xf32, #tpu.memory_space<vmem>> -> memref<1x32x64xf32, #tpu.memory_space<vmem>>
      %dma_start3A_692 = tpu.memref_squeeze %dma_start3A_691 : memref<1x32x64xf32, #tpu.memory_space<vmem>> -> memref<32x64xf32, #tpu.memory_space<vmem>>
      %dma_start3A_693 = arith.constant 0 : i32
      %dma_start3A_694 = tpu.memref_slice %arg6[%dma_start3A_687, %dma_start3A_693] : memref<20x32xi32, #tpu.memory_space<vmem>> -> memref<1x32xi32, #tpu.memory_space<vmem>>
      %dma_start3A_695 = tpu.memref_squeeze %dma_start3A_694 : memref<1x32xi32, #tpu.memory_space<vmem>> -> memref<32xi32, #tpu.memory_space<vmem>>
      %dma_start3A_696 = arith.constant 0 : i32
      %dma_start3A_697 = arith.constant 0 : i32
      %dma_start3A_698 = tpu.memref_slice %arg2[%dma_start3A_696, %dma_start3A_697] : memref<1000000x64xf32, #tpu.memory_space<hbm>> -> memref<1000000x64xf32, #tpu.memory_space<hbm>>
      tpu.enqueue_indirect_dma source(%dma_start3A_698 : memref<1000000x64xf32, #tpu.memory_space<hbm>>) target(%dma_start3A_692 : memref<32x64xf32, #tpu.memory_space<vmem>>) offsets(%dma_start3A_695 : memref<32xi32, #tpu.memory_space<vmem>>) semaphore(%arg11 : memref<!tpu.dma_semaphore, #tpu.memory_space<semaphore_mem>>)
      %dma_start3A_699 = arith.constant 13 : i32
      %dma_start3A_700 = arith.constant 13 : i32
      %dma_start3A_701 = arith.constant 0 : i32
      %dma_start3A_702 = arith.constant 0 : i32
      %dma_start3A_703 = tpu.memref_slice %arg8[%dma_start3A_700, %dma_start3A_701, %dma_start3A_702] : memref<20x32x64xf32, #tpu.memory_space<vmem>> -> memref<1x32x64xf32, #tpu.memory_space<vmem>>
      %dma_start3A_704 = tpu.memref_squeeze %dma_start3A_703 : memref<1x32x64xf32, #tpu.memory_space<vmem>> -> memref<32x64xf32, #tpu.memory_space<vmem>>
      %dma_start3A_705 = arith.constant 0 : i32
      %dma_start3A_706 = tpu.memref_slice %arg6[%dma_start3A_699, %dma_start3A_705] : memref<20x32xi32, #tpu.memory_space<vmem>> -> memref<1x32xi32, #tpu.memory_space<vmem>>
      %dma_start3A_707 = tpu.memref_squeeze %dma_start3A_706 : memref<1x32xi32, #tpu.memory_space<vmem>> -> memref<32xi32, #tpu.memory_space<vmem>>
      %dma_start3A_708 = arith.constant 0 : i32
      %dma_start3A_709 = arith.constant 0 : i32
      %dma_start3A_710 = tpu.memref_slice %arg2[%dma_start3A_708, %dma_start3A_709] : memref<1000000x64xf32, #tpu.memory_space<hbm>> -> memref<1000000x64xf32, #tpu.memory_space<hbm>>
      tpu.enqueue_indirect_dma source(%dma_start3A_710 : memref<1000000x64xf32, #tpu.memory_space<hbm>>) target(%dma_start3A_704 : memref<32x64xf32, #tpu.memory_space<vmem>>) offsets(%dma_start3A_707 : memref<32xi32, #tpu.memory_space<vmem>>) semaphore(%arg11 : memref<!tpu.dma_semaphore, #tpu.memory_space<semaphore_mem>>)
      %dma_start3A_711 = arith.constant 14 : i32
      %dma_start3A_712 = arith.constant 14 : i32
      %dma_start3A_713 = arith.constant 0 : i32
      %dma_start3A_714 = arith.constant 0 : i32
      %dma_start3A_715 = tpu.memref_slice %arg8[%dma_start3A_712, %dma_start3A_713, %dma_start3A_714] : memref<20x32x64xf32, #tpu.memory_space<vmem>> -> memref<1x32x64xf32, #tpu.memory_space<vmem>>
      %dma_start3A_716 = tpu.memref_squeeze %dma_start3A_715 : memref<1x32x64xf32, #tpu.memory_space<vmem>> -> memref<32x64xf32, #tpu.memory_space<vmem>>
      %dma_start3A_717 = arith.constant 0 : i32
      %dma_start3A_718 = tpu.memref_slice %arg6[%dma_start3A_711, %dma_start3A_717] : memref<20x32xi32, #tpu.memory_space<vmem>> -> memref<1x32xi32, #tpu.memory_space<vmem>>
      %dma_start3A_719 = tpu.memref_squeeze %dma_start3A_718 : memref<1x32xi32, #tpu.memory_space<vmem>> -> memref<32xi32, #tpu.memory_space<vmem>>
      %dma_start3A_720 = arith.constant 0 : i32
      %dma_start3A_721 = arith.constant 0 : i32
      %dma_start3A_722 = tpu.memref_slice %arg2[%dma_start3A_720, %dma_start3A_721] : memref<1000000x64xf32, #tpu.memory_space<hbm>> -> memref<1000000x64xf32, #tpu.memory_space<hbm>>
      tpu.enqueue_indirect_dma source(%dma_start3A_722 : memref<1000000x64xf32, #tpu.memory_space<hbm>>) target(%dma_start3A_716 : memref<32x64xf32, #tpu.memory_space<vmem>>) offsets(%dma_start3A_719 : memref<32xi32, #tpu.memory_space<vmem>>) semaphore(%arg11 : memref<!tpu.dma_semaphore, #tpu.memory_space<semaphore_mem>>)
      %dma_start3A_723 = arith.constant 15 : i32
      %dma_start3A_724 = arith.constant 15 : i32
      %dma_start3A_725 = arith.constant 0 : i32
      %dma_start3A_726 = arith.constant 0 : i32
      %dma_start3A_727 = tpu.memref_slice %arg8[%dma_start3A_724, %dma_start3A_725, %dma_start3A_726] : memref<20x32x64xf32, #tpu.memory_space<vmem>> -> memref<1x32x64xf32, #tpu.memory_space<vmem>>
      %dma_start3A_728 = tpu.memref_squeeze %dma_start3A_727 : memref<1x32x64xf32, #tpu.memory_space<vmem>> -> memref<32x64xf32, #tpu.memory_space<vmem>>
      %dma_start3A_729 = arith.constant 0 : i32
      %dma_start3A_730 = tpu.memref_slice %arg6[%dma_start3A_723, %dma_start3A_729] : memref<20x32xi32, #tpu.memory_space<vmem>> -> memref<1x32xi32, #tpu.memory_space<vmem>>
      %dma_start3A_731 = tpu.memref_squeeze %dma_start3A_730 : memref<1x32xi32, #tpu.memory_space<vmem>> -> memref<32xi32, #tpu.memory_space<vmem>>
      %dma_start3A_732 = arith.constant 0 : i32
      %dma_start3A_733 = arith.constant 0 : i32
      %dma_start3A_734 = tpu.memref_slice %arg2[%dma_start3A_732, %dma_start3A_733] : memref<1000000x64xf32, #tpu.memory_space<hbm>> -> memref<1000000x64xf32, #tpu.memory_space<hbm>>
      tpu.enqueue_indirect_dma source(%dma_start3A_734 : memref<1000000x64xf32, #tpu.memory_space<hbm>>) target(%dma_start3A_728 : memref<32x64xf32, #tpu.memory_space<vmem>>) offsets(%dma_start3A_731 : memref<32xi32, #tpu.memory_space<vmem>>) semaphore(%arg11 : memref<!tpu.dma_semaphore, #tpu.memory_space<semaphore_mem>>)
      %dma_start3A_735 = arith.constant 16 : i32
      %dma_start3A_736 = arith.constant 16 : i32
      %dma_start3A_737 = arith.constant 0 : i32
      %dma_start3A_738 = arith.constant 0 : i32
      %dma_start3A_739 = tpu.memref_slice %arg8[%dma_start3A_736, %dma_start3A_737, %dma_start3A_738] : memref<20x32x64xf32, #tpu.memory_space<vmem>> -> memref<1x32x64xf32, #tpu.memory_space<vmem>>
      %dma_start3A_740 = tpu.memref_squeeze %dma_start3A_739 : memref<1x32x64xf32, #tpu.memory_space<vmem>> -> memref<32x64xf32, #tpu.memory_space<vmem>>
      %dma_start3A_741 = arith.constant 0 : i32
      %dma_start3A_742 = tpu.memref_slice %arg6[%dma_start3A_735, %dma_start3A_741] : memref<20x32xi32, #tpu.memory_space<vmem>> -> memref<1x32xi32, #tpu.memory_space<vmem>>
      %dma_start3A_743 = tpu.memref_squeeze %dma_start3A_742 : memref<1x32xi32, #tpu.memory_space<vmem>> -> memref<32xi32, #tpu.memory_space<vmem>>
      %dma_start3A_744 = arith.constant 0 : i32
      %dma_start3A_745 = arith.constant 0 : i32
      %dma_start3A_746 = tpu.memref_slice %arg2[%dma_start3A_744, %dma_start3A_745] : memref<1000000x64xf32, #tpu.memory_space<hbm>> -> memref<1000000x64xf32, #tpu.memory_space<hbm>>
      tpu.enqueue_indirect_dma source(%dma_start3A_746 : memref<1000000x64xf32, #tpu.memory_space<hbm>>) target(%dma_start3A_740 : memref<32x64xf32, #tpu.memory_space<vmem>>) offsets(%dma_start3A_743 : memref<32xi32, #tpu.memory_space<vmem>>) semaphore(%arg11 : memref<!tpu.dma_semaphore, #tpu.memory_space<semaphore_mem>>)
      %dma_start3A_747 = arith.constant 17 : i32
      %dma_start3A_748 = arith.constant 17 : i32
      %dma_start3A_749 = arith.constant 0 : i32
      %dma_start3A_750 = arith.constant 0 : i32
      %dma_start3A_751 = tpu.memref_slice %arg8[%dma_start3A_748, %dma_start3A_749, %dma_start3A_750] : memref<20x32x64xf32, #tpu.memory_space<vmem>> -> memref<1x32x64xf32, #tpu.memory_space<vmem>>
      %dma_start3A_752 = tpu.memref_squeeze %dma_start3A_751 : memref<1x32x64xf32, #tpu.memory_space<vmem>> -> memref<32x64xf32, #tpu.memory_space<vmem>>
      %dma_start3A_753 = arith.constant 0 : i32
      %dma_start3A_754 = tpu.memref_slice %arg6[%dma_start3A_747, %dma_start3A_753] : memref<20x32xi32, #tpu.memory_space<vmem>> -> memref<1x32xi32, #tpu.memory_space<vmem>>
      %dma_start3A_755 = tpu.memref_squeeze %dma_start3A_754 : memref<1x32xi32, #tpu.memory_space<vmem>> -> memref<32xi32, #tpu.memory_space<vmem>>
      %dma_start3A_756 = arith.constant 0 : i32
      %dma_start3A_757 = arith.constant 0 : i32
      %dma_start3A_758 = tpu.memref_slice %arg2[%dma_start3A_756, %dma_start3A_757] : memref<1000000x64xf32, #tpu.memory_space<hbm>> -> memref<1000000x64xf32, #tpu.memory_space<hbm>>
      tpu.enqueue_indirect_dma source(%dma_start3A_758 : memref<1000000x64xf32, #tpu.memory_space<hbm>>) target(%dma_start3A_752 : memref<32x64xf32, #tpu.memory_space<vmem>>) offsets(%dma_start3A_755 : memref<32xi32, #tpu.memory_space<vmem>>) semaphore(%arg11 : memref<!tpu.dma_semaphore, #tpu.memory_space<semaphore_mem>>)
      %dma_start3A_759 = arith.constant 18 : i32
      %dma_start3A_760 = arith.constant 18 : i32
      %dma_start3A_761 = arith.constant 0 : i32
      %dma_start3A_762 = arith.constant 0 : i32
      %dma_start3A_763 = tpu.memref_slice %arg8[%dma_start3A_760, %dma_start3A_761, %dma_start3A_762] : memref<20x32x64xf32, #tpu.memory_space<vmem>> -> memref<1x32x64xf32, #tpu.memory_space<vmem>>
      %dma_start3A_764 = tpu.memref_squeeze %dma_start3A_763 : memref<1x32x64xf32, #tpu.memory_space<vmem>> -> memref<32x64xf32, #tpu.memory_space<vmem>>
      %dma_start3A_765 = arith.constant 0 : i32
      %dma_start3A_766 = tpu.memref_slice %arg6[%dma_start3A_759, %dma_start3A_765] : memref<20x32xi32, #tpu.memory_space<vmem>> -> memref<1x32xi32, #tpu.memory_space<vmem>>
      %dma_start3A_767 = tpu.memref_squeeze %dma_start3A_766 : memref<1x32xi32, #tpu.memory_space<vmem>> -> memref<32xi32, #tpu.memory_space<vmem>>
      %dma_start3A_768 = arith.constant 0 : i32
      %dma_start3A_769 = arith.constant 0 : i32
      %dma_start3A_770 = tpu.memref_slice %arg2[%dma_start3A_768, %dma_start3A_769] : memref<1000000x64xf32, #tpu.memory_space<hbm>> -> memref<1000000x64xf32, #tpu.memory_space<hbm>>
      tpu.enqueue_indirect_dma source(%dma_start3A_770 : memref<1000000x64xf32, #tpu.memory_space<hbm>>) target(%dma_start3A_764 : memref<32x64xf32, #tpu.memory_space<vmem>>) offsets(%dma_start3A_767 : memref<32xi32, #tpu.memory_space<vmem>>) semaphore(%arg11 : memref<!tpu.dma_semaphore, #tpu.memory_space<semaphore_mem>>)
      %dma_start3A_771 = arith.constant 19 : i32
      %dma_start3A_772 = arith.constant 19 : i32
      %dma_start3A_773 = arith.constant 0 : i32
      %dma_start3A_774 = arith.constant 0 : i32
      %dma_start3A_775 = tpu.memref_slice %arg8[%dma_start3A_772, %dma_start3A_773, %dma_start3A_774] : memref<20x32x64xf32, #tpu.memory_space<vmem>> -> memref<1x32x64xf32, #tpu.memory_space<vmem>>
      %dma_start3A_776 = tpu.memref_squeeze %dma_start3A_775 : memref<1x32x64xf32, #tpu.memory_space<vmem>> -> memref<32x64xf32, #tpu.memory_space<vmem>>
      %dma_start3A_777 = arith.constant 0 : i32
      %dma_start3A_778 = tpu.memref_slice %arg6[%dma_start3A_771, %dma_start3A_777] : memref<20x32xi32, #tpu.memory_space<vmem>> -> memref<1x32xi32, #tpu.memory_space<vmem>>
      %dma_start3A_779 = tpu.memref_squeeze %dma_start3A_778 : memref<1x32xi32, #tpu.memory_space<vmem>> -> memref<32xi32, #tpu.memory_space<vmem>>
      %dma_start3A_780 = arith.constant 0 : i32
      %dma_start3A_781 = arith.constant 0 : i32
      %dma_start3A_782 = tpu.memref_slice %arg2[%dma_start3A_780, %dma_start3A_781] : memref<1000000x64xf32, #tpu.memory_space<hbm>> -> memref<1000000x64xf32, #tpu.memory_space<hbm>>
      tpu.enqueue_indirect_dma source(%dma_start3A_782 : memref<1000000x64xf32, #tpu.memory_space<hbm>>) target(%dma_start3A_776 : memref<32x64xf32, #tpu.memory_space<vmem>>) offsets(%dma_start3A_779 : memref<32xi32, #tpu.memory_space<vmem>>) semaphore(%arg11 : memref<!tpu.dma_semaphore, #tpu.memory_space<semaphore_mem>>)
      %add3A_783 = arith.constant 2 : i32
      %add3A_784 = arith.addi %add3A_262, %add3A_783 : i32
      %lt3A_785 = arith.constant 104 : i32
      %lt3A_786 = arith.cmpi slt, %add3A_784, %lt3A_785 : i32
      %convert_element_type3A = arith.extui %lt3A_786 : i1 to i32
      %cond3A = arith.constant 0 : i32
      %cond3A_787 = arith.cmpi ne, %convert_element_type3A, %cond3A : i32
      scf.if %cond3A_787 {
        %add3A_1142 = arith.constant 2 : i32
        %add3A_1143 = arith.addi %add3A_262, %add3A_1142 : i32
        %jit3A_1144 = arith.constant 4 : i32
        %div3A_1145 = arith.divsi %add3A_1143, %jit3A_1144 : i32
        %sign3A_1146 = arith.constant 0 : i32
        %sign3A_1147 = arith.cmpi sgt, %add3A_1143, %sign3A_1146 : i32
        %sign3A_1148 = arith.extui %sign3A_1147 : i1 to i32
        %sign3A_1149 = arith.constant 0 : i32
        %sign3A_1150 = arith.cmpi slt, %add3A_1143, %sign3A_1149 : i32
        %sign3A_1151 = arith.extui %sign3A_1150 : i1 to i32
        %sign3A_1152 = arith.subi %sign3A_1148, %sign3A_1151 : i32
        %sign3A_1153 = arith.constant 0 : i32
        %sign3A_1154 = arith.cmpi sgt, %jit3A_1144, %sign3A_1153 : i32
        %sign3A_1155 = arith.extui %sign3A_1154 : i1 to i32
        %sign3A_1156 = arith.constant 0 : i32
        %sign3A_1157 = arith.cmpi slt, %jit3A_1144, %sign3A_1156 : i32
        %sign3A_1158 = arith.extui %sign3A_1157 : i1 to i32
        %sign3A_1159 = arith.subi %sign3A_1155, %sign3A_1158 : i32
        %ne3A_1160 = arith.cmpi ne, %sign3A_1152, %sign3A_1159 : i32
        %rem3A_1161 = arith.remsi %add3A_1143, %jit3A_1144 : i32
        %ne3A_1162 = arith.constant 0 : i32
        %ne3A_1163 = arith.cmpi ne, %rem3A_1161, %ne3A_1162 : i32
        %and3A_1164 = arith.andi %ne3A_1160, %ne3A_1163 : i1
        %sub3A_1165 = arith.constant 1 : i32
        %sub3A_1166 = arith.subi %div3A_1145, %sub3A_1165 : i32
        %select_n3A_1167 = arith.select %and3A_1164, %sub3A_1166, %div3A_1145 : i32
        %jit3A_1168 = arith.constant 4 : i32
        %eq3A_1169 = arith.constant 0 : i32
        %eq3A_1170 = arith.cmpi eq, %jit3A_1168, %eq3A_1169 : i32
        %jit3A_1171 = arith.constant 1 : i32
        %select_n3A_1172 = arith.select %eq3A_1170, %jit3A_1171, %jit3A_1168 : i32
        %rem3A_1173 = arith.remsi %add3A_1143, %select_n3A_1172 : i32
        %ne3A_1174 = arith.constant 0 : i32
        %ne3A_1175 = arith.cmpi ne, %rem3A_1173, %ne3A_1174 : i32
        %lt3A_1176 = arith.constant 0 : i32
        %lt3A_1177 = arith.cmpi slt, %rem3A_1173, %lt3A_1176 : i32
        %lt3A_1178 = arith.constant 0 : i32
        %lt3A_1179 = arith.cmpi slt, %select_n3A_1172, %lt3A_1178 : i32
        %ne3A_1180 = arith.xori %lt3A_1177, %lt3A_1179 : i1
        %and3A_1181 = arith.andi %ne3A_1180, %ne3A_1175 : i1
        %add3A_1182 = arith.addi %rem3A_1173, %select_n3A_1172 : i32
        %select_n3A_1183 = arith.select %and3A_1181, %add3A_1182, %rem3A_1173 : i32
        %mul3A_1184 = arith.constant 32 : i32
        %mul3A_1185 = arith.muli %select_n3A_1183, %mul3A_1184 : i32
        %add3A_1186 = arith.addi %mul3A_2, %mul3A_1185 : i32
        %dma_start3A_1187 = arith.constant 0 : i32
        %dma_start3A_1188 = tpu.memref_slice %arg3[%select_n3A_1167, %dma_start3A_1187, %add3A_1186] : memref<26x24x4096xi32, #tpu.memory_space<hbm>> -> memref<1x20x32xi32, #tpu.memory_space<hbm>>
        %dma_start3A_1189 = tpu.memref_squeeze %dma_start3A_1188 : memref<1x20x32xi32, #tpu.memory_space<hbm>> -> memref<20x32xi32, #tpu.memory_space<hbm>>
        %dma_start3A_1190 = arith.constant 0 : i32
        %dma_start3A_1191 = tpu.memref_slice %arg3[%select_n3A_1167, %dma_start3A_1190, %add3A_1186] : memref<26x24x4096xi32, #tpu.memory_space<hbm>> -> memref<1x20x32xi32, #tpu.memory_space<hbm>>
        %dma_start3A_1192 = tpu.memref_squeeze %dma_start3A_1191 : memref<1x20x32xi32, #tpu.memory_space<hbm>> -> memref<20x32xi32, #tpu.memory_space<hbm>>
        tpu.enqueue_dma source(%dma_start3A_1192 : memref<20x32xi32, #tpu.memory_space<hbm>>) target(%arg5 : memref<20x32xi32, #tpu.memory_space<vmem>>) target_semaphore(%arg12 : memref<!tpu.dma_semaphore, #tpu.memory_space<semaphore_mem>>)
      } else {
      }
      %jit3A_788 = arith.constant 4 : i32
      %div3A_789 = arith.divsi %add3A_262, %jit3A_788 : i32
      %sign3A_790 = arith.constant 0 : i32
      %sign3A_791 = arith.cmpi sgt, %add3A_262, %sign3A_790 : i32
      %sign3A_792 = arith.extui %sign3A_791 : i1 to i32
      %sign3A_793 = arith.constant 0 : i32
      %sign3A_794 = arith.cmpi slt, %add3A_262, %sign3A_793 : i32
      %sign3A_795 = arith.extui %sign3A_794 : i1 to i32
      %sign3A_796 = arith.subi %sign3A_792, %sign3A_795 : i32
      %sign3A_797 = arith.constant 0 : i32
      %sign3A_798 = arith.cmpi sgt, %jit3A_788, %sign3A_797 : i32
      %sign3A_799 = arith.extui %sign3A_798 : i1 to i32
      %sign3A_800 = arith.constant 0 : i32
      %sign3A_801 = arith.cmpi slt, %jit3A_788, %sign3A_800 : i32
      %sign3A_802 = arith.extui %sign3A_801 : i1 to i32
      %sign3A_803 = arith.subi %sign3A_799, %sign3A_802 : i32
      %ne3A_804 = arith.cmpi ne, %sign3A_796, %sign3A_803 : i32
      %rem3A_805 = arith.remsi %add3A_262, %jit3A_788 : i32
      %ne3A_806 = arith.constant 0 : i32
      %ne3A_807 = arith.cmpi ne, %rem3A_805, %ne3A_806 : i32
      %and3A_808 = arith.andi %ne3A_804, %ne3A_807 : i1
      %sub3A_809 = arith.constant 1 : i32
      %sub3A_810 = arith.subi %div3A_789, %sub3A_809 : i32
      %select_n3A_811 = arith.select %and3A_808, %sub3A_810, %div3A_789 : i32
      %jit3A_812 = arith.constant 4 : i32
      %eq3A_813 = arith.constant 0 : i32
      %eq3A_814 = arith.cmpi eq, %jit3A_812, %eq3A_813 : i32
      %jit3A_815 = arith.constant 1 : i32
      %select_n3A_816 = arith.select %eq3A_814, %jit3A_815, %jit3A_812 : i32
      %rem3A_817 = arith.remsi %add3A_262, %select_n3A_816 : i32
      %ne3A_818 = arith.constant 0 : i32
      %ne3A_819 = arith.cmpi ne, %rem3A_817, %ne3A_818 : i32
      %lt3A_820 = arith.constant 0 : i32
      %lt3A_821 = arith.cmpi slt, %rem3A_817, %lt3A_820 : i32
      %lt3A_822 = arith.constant 0 : i32
      %lt3A_823 = arith.cmpi slt, %select_n3A_816, %lt3A_822 : i32
      %ne3A_824 = arith.xori %lt3A_821, %lt3A_823 : i1
      %and3A_825 = arith.andi %ne3A_824, %ne3A_819 : i1
      %add3A_826 = arith.addi %rem3A_817, %select_n3A_816 : i32
      %select_n3A_827 = arith.select %and3A_825, %add3A_826, %rem3A_817 : i32
      %mul3A_828 = arith.constant 32 : i32
      %mul3A_829 = arith.muli %select_n3A_827, %mul3A_828 : i32
      %add3A_830 = arith.addi %mul3A_2, %mul3A_829 : i32
      %scan3A_831 = arith.constant 0 : i32
      %scan3A_832 = arith.constant 0 : i32
      %scan3A_833 = arith.constant 32 : i32
      %scan3A_834 = arith.addi %scan3A_832, %scan3A_833 : i32
      %scan3A_835 = arith.constant 1 : i32
      scf.for %scan3A_1142 = %scan3A_832 to %scan3A_834 step %scan3A_835  : i32 {
        %get3A = arith.constant 0 : i32
        %get3A_1143 = arith.index_cast %get3A : i32 to index
        %get3A_1144 = arith.index_cast %scan3A_1142 : i32 to index
        %get3A_1145 = arith.constant 0 : index
        %get3A_1146 = tpu.vector_load %arg7[%get3A_1143, %get3A_1144, %get3A_1145] {strides = array<i32>} : memref<20x32x64xf32, #tpu.memory_space<vmem>>, vector<1x1x16xf32>,
        %get3A_1147 = vector.shape_cast %get3A_1146 : vector<1x1x16xf32> to vector<16xf32>
        %get3A_1148 = arith.constant 0 : i32
        %get3A_1149 = arith.index_cast %get3A_1148 : i32 to index
        %get3A_1150 = arith.index_cast %scan3A_1142 : i32 to index
        %get3A_1151 = arith.constant 16 : index
        %get3A_1152 = tpu.vector_load %arg7[%get3A_1149, %get3A_1150, %get3A_1151] {strides = array<i32>} : memref<20x32x64xf32, #tpu.memory_space<vmem>>, vector<1x1x16xf32>,
        %get3A_1153 = vector.shape_cast %get3A_1152 : vector<1x1x16xf32> to vector<16xf32>
        %get3A_1154 = arith.constant 0 : i32
        %get3A_1155 = arith.index_cast %get3A_1154 : i32 to index
        %get3A_1156 = arith.index_cast %scan3A_1142 : i32 to index
        %get3A_1157 = arith.constant 32 : index
        %get3A_1158 = tpu.vector_load %arg7[%get3A_1155, %get3A_1156, %get3A_1157] {strides = array<i32>} : memref<20x32x64xf32, #tpu.memory_space<vmem>>, vector<1x1x16xf32>,
        %get3A_1159 = vector.shape_cast %get3A_1158 : vector<1x1x16xf32> to vector<16xf32>
        %get3A_1160 = arith.constant 0 : i32
        %get3A_1161 = arith.index_cast %get3A_1160 : i32 to index
        %get3A_1162 = arith.index_cast %scan3A_1142 : i32 to index
        %get3A_1163 = arith.constant 48 : index
        %get3A_1164 = tpu.vector_load %arg7[%get3A_1161, %get3A_1162, %get3A_1163] {strides = array<i32>} : memref<20x32x64xf32, #tpu.memory_space<vmem>>, vector<1x1x16xf32>,
        %get3A_1165 = vector.shape_cast %get3A_1164 : vector<1x1x16xf32> to vector<16xf32>
        %get3A_1166 = arith.constant 1 : i32
        %get3A_1167 = arith.index_cast %get3A_1166 : i32 to index
        %get3A_1168 = arith.index_cast %scan3A_1142 : i32 to index
        %get3A_1169 = arith.constant 0 : index
        %get3A_1170 = tpu.vector_load %arg7[%get3A_1167, %get3A_1168, %get3A_1169] {strides = array<i32>} : memref<20x32x64xf32, #tpu.memory_space<vmem>>, vector<1x1x16xf32>,
        %get3A_1171 = vector.shape_cast %get3A_1170 : vector<1x1x16xf32> to vector<16xf32>
        %add3A_1172 = arith.addf %get3A_1147, %get3A_1171 : vector<16xf32>
        %get3A_1173 = arith.constant 1 : i32
        %get3A_1174 = arith.index_cast %get3A_1173 : i32 to index
        %get3A_1175 = arith.index_cast %scan3A_1142 : i32 to index
        %get3A_1176 = arith.constant 16 : index
        %get3A_1177 = tpu.vector_load %arg7[%get3A_1174, %get3A_1175, %get3A_1176] {strides = array<i32>} : memref<20x32x64xf32, #tpu.memory_space<vmem>>, vector<1x1x16xf32>,
        %get3A_1178 = vector.shape_cast %get3A_1177 : vector<1x1x16xf32> to vector<16xf32>
        %add3A_1179 = arith.addf %get3A_1153, %get3A_1178 : vector<16xf32>
        %get3A_1180 = arith.constant 1 : i32
        %get3A_1181 = arith.index_cast %get3A_1180 : i32 to index
        %get3A_1182 = arith.index_cast %scan3A_1142 : i32 to index
        %get3A_1183 = arith.constant 32 : index
        %get3A_1184 = tpu.vector_load %arg7[%get3A_1181, %get3A_1182, %get3A_1183] {strides = array<i32>} : memref<20x32x64xf32, #tpu.memory_space<vmem>>, vector<1x1x16xf32>,
        %get3A_1185 = vector.shape_cast %get3A_1184 : vector<1x1x16xf32> to vector<16xf32>
        %add3A_1186 = arith.addf %get3A_1159, %get3A_1185 : vector<16xf32>
        %get3A_1187 = arith.constant 1 : i32
        %get3A_1188 = arith.index_cast %get3A_1187 : i32 to index
        %get3A_1189 = arith.index_cast %scan3A_1142 : i32 to index
        %get3A_1190 = arith.constant 48 : index
        %get3A_1191 = tpu.vector_load %arg7[%get3A_1188, %get3A_1189, %get3A_1190] {strides = array<i32>} : memref<20x32x64xf32, #tpu.memory_space<vmem>>, vector<1x1x16xf32>,
        %get3A_1192 = vector.shape_cast %get3A_1191 : vector<1x1x16xf32> to vector<16xf32>
        %add3A_1193 = arith.addf %get3A_1165, %get3A_1192 : vector<16xf32>
        %get3A_1194 = arith.constant 2 : i32
        %get3A_1195 = arith.index_cast %get3A_1194 : i32 to index
        %get3A_1196 = arith.index_cast %scan3A_1142 : i32 to index
        %get3A_1197 = arith.constant 0 : index
        %get3A_1198 = tpu.vector_load %arg7[%get3A_1195, %get3A_1196, %get3A_1197] {strides = array<i32>} : memref<20x32x64xf32, #tpu.memory_space<vmem>>, vector<1x1x16xf32>,
        %get3A_1199 = vector.shape_cast %get3A_1198 : vector<1x1x16xf32> to vector<16xf32>
        %add3A_1200 = arith.addf %add3A_1172, %get3A_1199 : vector<16xf32>
        %get3A_1201 = arith.constant 2 : i32
        %get3A_1202 = arith.index_cast %get3A_1201 : i32 to index
        %get3A_1203 = arith.index_cast %scan3A_1142 : i32 to index
        %get3A_1204 = arith.constant 16 : index
        %get3A_1205 = tpu.vector_load %arg7[%get3A_1202, %get3A_1203, %get3A_1204] {strides = array<i32>} : memref<20x32x64xf32, #tpu.memory_space<vmem>>, vector<1x1x16xf32>,
        %get3A_1206 = vector.shape_cast %get3A_1205 : vector<1x1x16xf32> to vector<16xf32>
        %add3A_1207 = arith.addf %add3A_1179, %get3A_1206 : vector<16xf32>
        %get3A_1208 = arith.constant 2 : i32
        %get3A_1209 = arith.index_cast %get3A_1208 : i32 to index
        %get3A_1210 = arith.index_cast %scan3A_1142 : i32 to index
        %get3A_1211 = arith.constant 32 : index
        %get3A_1212 = tpu.vector_load %arg7[%get3A_1209, %get3A_1210, %get3A_1211] {strides = array<i32>} : memref<20x32x64xf32, #tpu.memory_space<vmem>>, vector<1x1x16xf32>,
        %get3A_1213 = vector.shape_cast %get3A_1212 : vector<1x1x16xf32> to vector<16xf32>
        %add3A_1214 = arith.addf %add3A_1186, %get3A_1213 : vector<16xf32>
        %get3A_1215 = arith.constant 2 : i32
        %get3A_1216 = arith.index_cast %get3A_1215 : i32 to index
        %get3A_1217 = arith.index_cast %scan3A_1142 : i32 to index
        %get3A_1218 = arith.constant 48 : index
        %get3A_1219 = tpu.vector_load %arg7[%get3A_1216, %get3A_1217, %get3A_1218] {strides = array<i32>} : memref<20x32x64xf32, #tpu.memory_space<vmem>>, vector<1x1x16xf32>,
        %get3A_1220 = vector.shape_cast %get3A_1219 : vector<1x1x16xf32> to vector<16xf32>
        %add3A_1221 = arith.addf %add3A_1193, %get3A_1220 : vector<16xf32>
        %get3A_1222 = arith.constant 3 : i32
        %get3A_1223 = arith.index_cast %get3A_1222 : i32 to index
        %get3A_1224 = arith.index_cast %scan3A_1142 : i32 to index
        %get3A_1225 = arith.constant 0 : index
        %get3A_1226 = tpu.vector_load %arg7[%get3A_1223, %get3A_1224, %get3A_1225] {strides = array<i32>} : memref<20x32x64xf32, #tpu.memory_space<vmem>>, vector<1x1x16xf32>,
        %get3A_1227 = vector.shape_cast %get3A_1226 : vector<1x1x16xf32> to vector<16xf32>
        %add3A_1228 = arith.addf %add3A_1200, %get3A_1227 : vector<16xf32>
        %get3A_1229 = arith.constant 3 : i32
        %get3A_1230 = arith.index_cast %get3A_1229 : i32 to index
        %get3A_1231 = arith.index_cast %scan3A_1142 : i32 to index
        %get3A_1232 = arith.constant 16 : index
        %get3A_1233 = tpu.vector_load %arg7[%get3A_1230, %get3A_1231, %get3A_1232] {strides = array<i32>} : memref<20x32x64xf32, #tpu.memory_space<vmem>>, vector<1x1x16xf32>,
        %get3A_1234 = vector.shape_cast %get3A_1233 : vector<1x1x16xf32> to vector<16xf32>
        %add3A_1235 = arith.addf %add3A_1207, %get3A_1234 : vector<16xf32>
        %get3A_1236 = arith.constant 3 : i32
        %get3A_1237 = arith.index_cast %get3A_1236 : i32 to index
        %get3A_1238 = arith.index_cast %scan3A_1142 : i32 to index
        %get3A_1239 = arith.constant 32 : index
        %get3A_1240 = tpu.vector_load %arg7[%get3A_1237, %get3A_1238, %get3A_1239] {strides = array<i32>} : memref<20x32x64xf32, #tpu.memory_space<vmem>>, vector<1x1x16xf32>,
        %get3A_1241 = vector.shape_cast %get3A_1240 : vector<1x1x16xf32> to vector<16xf32>
        %add3A_1242 = arith.addf %add3A_1214, %get3A_1241 : vector<16xf32>
        %get3A_1243 = arith.constant 3 : i32
        %get3A_1244 = arith.index_cast %get3A_1243 : i32 to index
        %get3A_1245 = arith.index_cast %scan3A_1142 : i32 to index
        %get3A_1246 = arith.constant 48 : index
        %get3A_1247 = tpu.vector_load %arg7[%get3A_1244, %get3A_1245, %get3A_1246] {strides = array<i32>} : memref<20x32x64xf32, #tpu.memory_space<vmem>>, vector<1x1x16xf32>,
        %get3A_1248 = vector.shape_cast %get3A_1247 : vector<1x1x16xf32> to vector<16xf32>
        %add3A_1249 = arith.addf %add3A_1221, %get3A_1248 : vector<16xf32>
        %get3A_1250 = arith.constant 4 : i32
        %get3A_1251 = arith.index_cast %get3A_1250 : i32 to index
        %get3A_1252 = arith.index_cast %scan3A_1142 : i32 to index
        %get3A_1253 = arith.constant 0 : index
        %get3A_1254 = tpu.vector_load %arg7[%get3A_1251, %get3A_1252, %get3A_1253] {strides = array<i32>} : memref<20x32x64xf32, #tpu.memory_space<vmem>>, vector<1x1x16xf32>,
        %get3A_1255 = vector.shape_cast %get3A_1254 : vector<1x1x16xf32> to vector<16xf32>
        %add3A_1256 = arith.addf %add3A_1228, %get3A_1255 : vector<16xf32>
        %get3A_1257 = arith.constant 4 : i32
        %get3A_1258 = arith.index_cast %get3A_1257 : i32 to index
        %get3A_1259 = arith.index_cast %scan3A_1142 : i32 to index
        %get3A_1260 = arith.constant 16 : index
        %get3A_1261 = tpu.vector_load %arg7[%get3A_1258, %get3A_1259, %get3A_1260] {strides = array<i32>} : memref<20x32x64xf32, #tpu.memory_space<vmem>>, vector<1x1x16xf32>,
        %get3A_1262 = vector.shape_cast %get3A_1261 : vector<1x1x16xf32> to vector<16xf32>
        %add3A_1263 = arith.addf %add3A_1235, %get3A_1262 : vector<16xf32>
        %get3A_1264 = arith.constant 4 : i32
        %get3A_1265 = arith.index_cast %get3A_1264 : i32 to index
        %get3A_1266 = arith.index_cast %scan3A_1142 : i32 to index
        %get3A_1267 = arith.constant 32 : index
        %get3A_1268 = tpu.vector_load %arg7[%get3A_1265, %get3A_1266, %get3A_1267] {strides = array<i32>} : memref<20x32x64xf32, #tpu.memory_space<vmem>>, vector<1x1x16xf32>,
        %get3A_1269 = vector.shape_cast %get3A_1268 : vector<1x1x16xf32> to vector<16xf32>
        %add3A_1270 = arith.addf %add3A_1242, %get3A_1269 : vector<16xf32>
        %get3A_1271 = arith.constant 4 : i32
        %get3A_1272 = arith.index_cast %get3A_1271 : i32 to index
        %get3A_1273 = arith.index_cast %scan3A_1142 : i32 to index
        %get3A_1274 = arith.constant 48 : index
        %get3A_1275 = tpu.vector_load %arg7[%get3A_1272, %get3A_1273, %get3A_1274] {strides = array<i32>} : memref<20x32x64xf32, #tpu.memory_space<vmem>>, vector<1x1x16xf32>,
        %get3A_1276 = vector.shape_cast %get3A_1275 : vector<1x1x16xf32> to vector<16xf32>
        %add3A_1277 = arith.addf %add3A_1249, %get3A_1276 : vector<16xf32>
        %get3A_1278 = arith.constant 5 : i32
        %get3A_1279 = arith.index_cast %get3A_1278 : i32 to index
        %get3A_1280 = arith.index_cast %scan3A_1142 : i32 to index
        %get3A_1281 = arith.constant 0 : index
        %get3A_1282 = tpu.vector_load %arg7[%get3A_1279, %get3A_1280, %get3A_1281] {strides = array<i32>} : memref<20x32x64xf32, #tpu.memory_space<vmem>>, vector<1x1x16xf32>,
        %get3A_1283 = vector.shape_cast %get3A_1282 : vector<1x1x16xf32> to vector<16xf32>
        %add3A_1284 = arith.addf %add3A_1256, %get3A_1283 : vector<16xf32>
        %get3A_1285 = arith.constant 5 : i32
        %get3A_1286 = arith.index_cast %get3A_1285 : i32 to index
        %get3A_1287 = arith.index_cast %scan3A_1142 : i32 to index
        %get3A_1288 = arith.constant 16 : index
        %get3A_1289 = tpu.vector_load %arg7[%get3A_1286, %get3A_1287, %get3A_1288] {strides = array<i32>} : memref<20x32x64xf32, #tpu.memory_space<vmem>>, vector<1x1x16xf32>,
        %get3A_1290 = vector.shape_cast %get3A_1289 : vector<1x1x16xf32> to vector<16xf32>
        %add3A_1291 = arith.addf %add3A_1263, %get3A_1290 : vector<16xf32>
        %get3A_1292 = arith.constant 5 : i32
        %get3A_1293 = arith.index_cast %get3A_1292 : i32 to index
        %get3A_1294 = arith.index_cast %scan3A_1142 : i32 to index
        %get3A_1295 = arith.constant 32 : index
        %get3A_1296 = tpu.vector_load %arg7[%get3A_1293, %get3A_1294, %get3A_1295] {strides = array<i32>} : memref<20x32x64xf32, #tpu.memory_space<vmem>>, vector<1x1x16xf32>,
        %get3A_1297 = vector.shape_cast %get3A_1296 : vector<1x1x16xf32> to vector<16xf32>
        %add3A_1298 = arith.addf %add3A_1270, %get3A_1297 : vector<16xf32>
        %get3A_1299 = arith.constant 5 : i32
        %get3A_1300 = arith.index_cast %get3A_1299 : i32 to index
        %get3A_1301 = arith.index_cast %scan3A_1142 : i32 to index
        %get3A_1302 = arith.constant 48 : index
        %get3A_1303 = tpu.vector_load %arg7[%get3A_1300, %get3A_1301, %get3A_1302] {strides = array<i32>} : memref<20x32x64xf32, #tpu.memory_space<vmem>>, vector<1x1x16xf32>,
        %get3A_1304 = vector.shape_cast %get3A_1303 : vector<1x1x16xf32> to vector<16xf32>
        %add3A_1305 = arith.addf %add3A_1277, %get3A_1304 : vector<16xf32>
        %get3A_1306 = arith.constant 6 : i32
        %get3A_1307 = arith.index_cast %get3A_1306 : i32 to index
        %get3A_1308 = arith.index_cast %scan3A_1142 : i32 to index
        %get3A_1309 = arith.constant 0 : index
        %get3A_1310 = tpu.vector_load %arg7[%get3A_1307, %get3A_1308, %get3A_1309] {strides = array<i32>} : memref<20x32x64xf32, #tpu.memory_space<vmem>>, vector<1x1x16xf32>,
        %get3A_1311 = vector.shape_cast %get3A_1310 : vector<1x1x16xf32> to vector<16xf32>
        %add3A_1312 = arith.addf %add3A_1284, %get3A_1311 : vector<16xf32>
        %get3A_1313 = arith.constant 6 : i32
        %get3A_1314 = arith.index_cast %get3A_1313 : i32 to index
        %get3A_1315 = arith.index_cast %scan3A_1142 : i32 to index
        %get3A_1316 = arith.constant 16 : index
        %get3A_1317 = tpu.vector_load %arg7[%get3A_1314, %get3A_1315, %get3A_1316] {strides = array<i32>} : memref<20x32x64xf32, #tpu.memory_space<vmem>>, vector<1x1x16xf32>,
        %get3A_1318 = vector.shape_cast %get3A_1317 : vector<1x1x16xf32> to vector<16xf32>
        %add3A_1319 = arith.addf %add3A_1291, %get3A_1318 : vector<16xf32>
        %get3A_1320 = arith.constant 6 : i32
        %get3A_1321 = arith.index_cast %get3A_1320 : i32 to index
        %get3A_1322 = arith.index_cast %scan3A_1142 : i32 to index
        %get3A_1323 = arith.constant 32 : index
        %get3A_1324 = tpu.vector_load %arg7[%get3A_1321, %get3A_1322, %get3A_1323] {strides = array<i32>} : memref<20x32x64xf32, #tpu.memory_space<vmem>>, vector<1x1x16xf32>,
        %get3A_1325 = vector.shape_cast %get3A_1324 : vector<1x1x16xf32> to vector<16xf32>
        %add3A_1326 = arith.addf %add3A_1298, %get3A_1325 : vector<16xf32>
        %get3A_1327 = arith.constant 6 : i32
        %get3A_1328 = arith.index_cast %get3A_1327 : i32 to index
        %get3A_1329 = arith.index_cast %scan3A_1142 : i32 to index
        %get3A_1330 = arith.constant 48 : index
        %get3A_1331 = tpu.vector_load %arg7[%get3A_1328, %get3A_1329, %get3A_1330] {strides = array<i32>} : memref<20x32x64xf32, #tpu.memory_space<vmem>>, vector<1x1x16xf32>,
        %get3A_1332 = vector.shape_cast %get3A_1331 : vector<1x1x16xf32> to vector<16xf32>
        %add3A_1333 = arith.addf %add3A_1305, %get3A_1332 : vector<16xf32>
        %get3A_1334 = arith.constant 7 : i32
        %get3A_1335 = arith.index_cast %get3A_1334 : i32 to index
        %get3A_1336 = arith.index_cast %scan3A_1142 : i32 to index
        %get3A_1337 = arith.constant 0 : index
        %get3A_1338 = tpu.vector_load %arg7[%get3A_1335, %get3A_1336, %get3A_1337] {strides = array<i32>} : memref<20x32x64xf32, #tpu.memory_space<vmem>>, vector<1x1x16xf32>,
        %get3A_1339 = vector.shape_cast %get3A_1338 : vector<1x1x16xf32> to vector<16xf32>
        %add3A_1340 = arith.addf %add3A_1312, %get3A_1339 : vector<16xf32>
        %get3A_1341 = arith.constant 7 : i32
        %get3A_1342 = arith.index_cast %get3A_1341 : i32 to index
        %get3A_1343 = arith.index_cast %scan3A_1142 : i32 to index
        %get3A_1344 = arith.constant 16 : index
        %get3A_1345 = tpu.vector_load %arg7[%get3A_1342, %get3A_1343, %get3A_1344] {strides = array<i32>} : memref<20x32x64xf32, #tpu.memory_space<vmem>>, vector<1x1x16xf32>,
        %get3A_1346 = vector.shape_cast %get3A_1345 : vector<1x1x16xf32> to vector<16xf32>
        %add3A_1347 = arith.addf %add3A_1319, %get3A_1346 : vector<16xf32>
        %get3A_1348 = arith.constant 7 : i32
        %get3A_1349 = arith.index_cast %get3A_1348 : i32 to index
        %get3A_1350 = arith.index_cast %scan3A_1142 : i32 to index
        %get3A_1351 = arith.constant 32 : index
        %get3A_1352 = tpu.vector_load %arg7[%get3A_1349, %get3A_1350, %get3A_1351] {strides = array<i32>} : memref<20x32x64xf32, #tpu.memory_space<vmem>>, vector<1x1x16xf32>,
        %get3A_1353 = vector.shape_cast %get3A_1352 : vector<1x1x16xf32> to vector<16xf32>
        %add3A_1354 = arith.addf %add3A_1326, %get3A_1353 : vector<16xf32>
        %get3A_1355 = arith.constant 7 : i32
        %get3A_1356 = arith.index_cast %get3A_1355 : i32 to index
        %get3A_1357 = arith.index_cast %scan3A_1142 : i32 to index
        %get3A_1358 = arith.constant 48 : index
        %get3A_1359 = tpu.vector_load %arg7[%get3A_1356, %get3A_1357, %get3A_1358] {strides = array<i32>} : memref<20x32x64xf32, #tpu.memory_space<vmem>>, vector<1x1x16xf32>,
        %get3A_1360 = vector.shape_cast %get3A_1359 : vector<1x1x16xf32> to vector<16xf32>
        %add3A_1361 = arith.addf %add3A_1333, %get3A_1360 : vector<16xf32>
        %get3A_1362 = arith.constant 8 : i32
        %get3A_1363 = arith.index_cast %get3A_1362 : i32 to index
        %get3A_1364 = arith.index_cast %scan3A_1142 : i32 to index
        %get3A_1365 = arith.constant 0 : index
        %get3A_1366 = tpu.vector_load %arg7[%get3A_1363, %get3A_1364, %get3A_1365] {strides = array<i32>} : memref<20x32x64xf32, #tpu.memory_space<vmem>>, vector<1x1x16xf32>,
        %get3A_1367 = vector.shape_cast %get3A_1366 : vector<1x1x16xf32> to vector<16xf32>
        %add3A_1368 = arith.addf %add3A_1340, %get3A_1367 : vector<16xf32>
        %get3A_1369 = arith.constant 8 : i32
        %get3A_1370 = arith.index_cast %get3A_1369 : i32 to index
        %get3A_1371 = arith.index_cast %scan3A_1142 : i32 to index
        %get3A_1372 = arith.constant 16 : index
        %get3A_1373 = tpu.vector_load %arg7[%get3A_1370, %get3A_1371, %get3A_1372] {strides = array<i32>} : memref<20x32x64xf32, #tpu.memory_space<vmem>>, vector<1x1x16xf32>,
        %get3A_1374 = vector.shape_cast %get3A_1373 : vector<1x1x16xf32> to vector<16xf32>
        %add3A_1375 = arith.addf %add3A_1347, %get3A_1374 : vector<16xf32>
        %get3A_1376 = arith.constant 8 : i32
        %get3A_1377 = arith.index_cast %get3A_1376 : i32 to index
        %get3A_1378 = arith.index_cast %scan3A_1142 : i32 to index
        %get3A_1379 = arith.constant 32 : index
        %get3A_1380 = tpu.vector_load %arg7[%get3A_1377, %get3A_1378, %get3A_1379] {strides = array<i32>} : memref<20x32x64xf32, #tpu.memory_space<vmem>>, vector<1x1x16xf32>,
        %get3A_1381 = vector.shape_cast %get3A_1380 : vector<1x1x16xf32> to vector<16xf32>
        %add3A_1382 = arith.addf %add3A_1354, %get3A_1381 : vector<16xf32>
        %get3A_1383 = arith.constant 8 : i32
        %get3A_1384 = arith.index_cast %get3A_1383 : i32 to index
        %get3A_1385 = arith.index_cast %scan3A_1142 : i32 to index
        %get3A_1386 = arith.constant 48 : index
        %get3A_1387 = tpu.vector_load %arg7[%get3A_1384, %get3A_1385, %get3A_1386] {strides = array<i32>} : memref<20x32x64xf32, #tpu.memory_space<vmem>>, vector<1x1x16xf32>,
        %get3A_1388 = vector.shape_cast %get3A_1387 : vector<1x1x16xf32> to vector<16xf32>
        %add3A_1389 = arith.addf %add3A_1361, %get3A_1388 : vector<16xf32>
        %get3A_1390 = arith.constant 9 : i32
        %get3A_1391 = arith.index_cast %get3A_1390 : i32 to index
        %get3A_1392 = arith.index_cast %scan3A_1142 : i32 to index
        %get3A_1393 = arith.constant 0 : index
        %get3A_1394 = tpu.vector_load %arg7[%get3A_1391, %get3A_1392, %get3A_1393] {strides = array<i32>} : memref<20x32x64xf32, #tpu.memory_space<vmem>>, vector<1x1x16xf32>,
        %get3A_1395 = vector.shape_cast %get3A_1394 : vector<1x1x16xf32> to vector<16xf32>
        %add3A_1396 = arith.addf %add3A_1368, %get3A_1395 : vector<16xf32>
        %get3A_1397 = arith.constant 9 : i32
        %get3A_1398 = arith.index_cast %get3A_1397 : i32 to index
        %get3A_1399 = arith.index_cast %scan3A_1142 : i32 to index
        %get3A_1400 = arith.constant 16 : index
        %get3A_1401 = tpu.vector_load %arg7[%get3A_1398, %get3A_1399, %get3A_1400] {strides = array<i32>} : memref<20x32x64xf32, #tpu.memory_space<vmem>>, vector<1x1x16xf32>,
        %get3A_1402 = vector.shape_cast %get3A_1401 : vector<1x1x16xf32> to vector<16xf32>
        %add3A_1403 = arith.addf %add3A_1375, %get3A_1402 : vector<16xf32>
        %get3A_1404 = arith.constant 9 : i32
        %get3A_1405 = arith.index_cast %get3A_1404 : i32 to index
        %get3A_1406 = arith.index_cast %scan3A_1142 : i32 to index
        %get3A_1407 = arith.constant 32 : index
        %get3A_1408 = tpu.vector_load %arg7[%get3A_1405, %get3A_1406, %get3A_1407] {strides = array<i32>} : memref<20x32x64xf32, #tpu.memory_space<vmem>>, vector<1x1x16xf32>,
        %get3A_1409 = vector.shape_cast %get3A_1408 : vector<1x1x16xf32> to vector<16xf32>
        %add3A_1410 = arith.addf %add3A_1382, %get3A_1409 : vector<16xf32>
        %get3A_1411 = arith.constant 9 : i32
        %get3A_1412 = arith.index_cast %get3A_1411 : i32 to index
        %get3A_1413 = arith.index_cast %scan3A_1142 : i32 to index
        %get3A_1414 = arith.constant 48 : index
        %get3A_1415 = tpu.vector_load %arg7[%get3A_1412, %get3A_1413, %get3A_1414] {strides = array<i32>} : memref<20x32x64xf32, #tpu.memory_space<vmem>>, vector<1x1x16xf32>,
        %get3A_1416 = vector.shape_cast %get3A_1415 : vector<1x1x16xf32> to vector<16xf32>
        %add3A_1417 = arith.addf %add3A_1389, %get3A_1416 : vector<16xf32>
        %get3A_1418 = arith.constant 10 : i32
        %get3A_1419 = arith.index_cast %get3A_1418 : i32 to index
        %get3A_1420 = arith.index_cast %scan3A_1142 : i32 to index
        %get3A_1421 = arith.constant 0 : index
        %get3A_1422 = tpu.vector_load %arg7[%get3A_1419, %get3A_1420, %get3A_1421] {strides = array<i32>} : memref<20x32x64xf32, #tpu.memory_space<vmem>>, vector<1x1x16xf32>,
        %get3A_1423 = vector.shape_cast %get3A_1422 : vector<1x1x16xf32> to vector<16xf32>
        %add3A_1424 = arith.addf %add3A_1396, %get3A_1423 : vector<16xf32>
        %get3A_1425 = arith.constant 10 : i32
        %get3A_1426 = arith.index_cast %get3A_1425 : i32 to index
        %get3A_1427 = arith.index_cast %scan3A_1142 : i32 to index
        %get3A_1428 = arith.constant 16 : index
        %get3A_1429 = tpu.vector_load %arg7[%get3A_1426, %get3A_1427, %get3A_1428] {strides = array<i32>} : memref<20x32x64xf32, #tpu.memory_space<vmem>>, vector<1x1x16xf32>,
        %get3A_1430 = vector.shape_cast %get3A_1429 : vector<1x1x16xf32> to vector<16xf32>
        %add3A_1431 = arith.addf %add3A_1403, %get3A_1430 : vector<16xf32>
        %get3A_1432 = arith.constant 10 : i32
        %get3A_1433 = arith.index_cast %get3A_1432 : i32 to index
        %get3A_1434 = arith.index_cast %scan3A_1142 : i32 to index
        %get3A_1435 = arith.constant 32 : index
        %get3A_1436 = tpu.vector_load %arg7[%get3A_1433, %get3A_1434, %get3A_1435] {strides = array<i32>} : memref<20x32x64xf32, #tpu.memory_space<vmem>>, vector<1x1x16xf32>,
        %get3A_1437 = vector.shape_cast %get3A_1436 : vector<1x1x16xf32> to vector<16xf32>
        %add3A_1438 = arith.addf %add3A_1410, %get3A_1437 : vector<16xf32>
        %get3A_1439 = arith.constant 10 : i32
        %get3A_1440 = arith.index_cast %get3A_1439 : i32 to index
        %get3A_1441 = arith.index_cast %scan3A_1142 : i32 to index
        %get3A_1442 = arith.constant 48 : index
        %get3A_1443 = tpu.vector_load %arg7[%get3A_1440, %get3A_1441, %get3A_1442] {strides = array<i32>} : memref<20x32x64xf32, #tpu.memory_space<vmem>>, vector<1x1x16xf32>,
        %get3A_1444 = vector.shape_cast %get3A_1443 : vector<1x1x16xf32> to vector<16xf32>
        %add3A_1445 = arith.addf %add3A_1417, %get3A_1444 : vector<16xf32>
        %get3A_1446 = arith.constant 11 : i32
        %get3A_1447 = arith.index_cast %get3A_1446 : i32 to index
        %get3A_1448 = arith.index_cast %scan3A_1142 : i32 to index
        %get3A_1449 = arith.constant 0 : index
        %get3A_1450 = tpu.vector_load %arg7[%get3A_1447, %get3A_1448, %get3A_1449] {strides = array<i32>} : memref<20x32x64xf32, #tpu.memory_space<vmem>>, vector<1x1x16xf32>,
        %get3A_1451 = vector.shape_cast %get3A_1450 : vector<1x1x16xf32> to vector<16xf32>
        %add3A_1452 = arith.addf %add3A_1424, %get3A_1451 : vector<16xf32>
        %get3A_1453 = arith.constant 11 : i32
        %get3A_1454 = arith.index_cast %get3A_1453 : i32 to index
        %get3A_1455 = arith.index_cast %scan3A_1142 : i32 to index
        %get3A_1456 = arith.constant 16 : index
        %get3A_1457 = tpu.vector_load %arg7[%get3A_1454, %get3A_1455, %get3A_1456] {strides = array<i32>} : memref<20x32x64xf32, #tpu.memory_space<vmem>>, vector<1x1x16xf32>,
        %get3A_1458 = vector.shape_cast %get3A_1457 : vector<1x1x16xf32> to vector<16xf32>
        %add3A_1459 = arith.addf %add3A_1431, %get3A_1458 : vector<16xf32>
        %get3A_1460 = arith.constant 11 : i32
        %get3A_1461 = arith.index_cast %get3A_1460 : i32 to index
        %get3A_1462 = arith.index_cast %scan3A_1142 : i32 to index
        %get3A_1463 = arith.constant 32 : index
        %get3A_1464 = tpu.vector_load %arg7[%get3A_1461, %get3A_1462, %get3A_1463] {strides = array<i32>} : memref<20x32x64xf32, #tpu.memory_space<vmem>>, vector<1x1x16xf32>,
        %get3A_1465 = vector.shape_cast %get3A_1464 : vector<1x1x16xf32> to vector<16xf32>
        %add3A_1466 = arith.addf %add3A_1438, %get3A_1465 : vector<16xf32>
        %get3A_1467 = arith.constant 11 : i32
        %get3A_1468 = arith.index_cast %get3A_1467 : i32 to index
        %get3A_1469 = arith.index_cast %scan3A_1142 : i32 to index
        %get3A_1470 = arith.constant 48 : index
        %get3A_1471 = tpu.vector_load %arg7[%get3A_1468, %get3A_1469, %get3A_1470] {strides = array<i32>} : memref<20x32x64xf32, #tpu.memory_space<vmem>>, vector<1x1x16xf32>,
        %get3A_1472 = vector.shape_cast %get3A_1471 : vector<1x1x16xf32> to vector<16xf32>
        %add3A_1473 = arith.addf %add3A_1445, %get3A_1472 : vector<16xf32>
        %get3A_1474 = arith.constant 12 : i32
        %get3A_1475 = arith.index_cast %get3A_1474 : i32 to index
        %get3A_1476 = arith.index_cast %scan3A_1142 : i32 to index
        %get3A_1477 = arith.constant 0 : index
        %get3A_1478 = tpu.vector_load %arg7[%get3A_1475, %get3A_1476, %get3A_1477] {strides = array<i32>} : memref<20x32x64xf32, #tpu.memory_space<vmem>>, vector<1x1x16xf32>,
        %get3A_1479 = vector.shape_cast %get3A_1478 : vector<1x1x16xf32> to vector<16xf32>
        %add3A_1480 = arith.addf %add3A_1452, %get3A_1479 : vector<16xf32>
        %get3A_1481 = arith.constant 12 : i32
        %get3A_1482 = arith.index_cast %get3A_1481 : i32 to index
        %get3A_1483 = arith.index_cast %scan3A_1142 : i32 to index
        %get3A_1484 = arith.constant 16 : index
        %get3A_1485 = tpu.vector_load %arg7[%get3A_1482, %get3A_1483, %get3A_1484] {strides = array<i32>} : memref<20x32x64xf32, #tpu.memory_space<vmem>>, vector<1x1x16xf32>,
        %get3A_1486 = vector.shape_cast %get3A_1485 : vector<1x1x16xf32> to vector<16xf32>
        %add3A_1487 = arith.addf %add3A_1459, %get3A_1486 : vector<16xf32>
        %get3A_1488 = arith.constant 12 : i32
        %get3A_1489 = arith.index_cast %get3A_1488 : i32 to index
        %get3A_1490 = arith.index_cast %scan3A_1142 : i32 to index
        %get3A_1491 = arith.constant 32 : index
        %get3A_1492 = tpu.vector_load %arg7[%get3A_1489, %get3A_1490, %get3A_1491] {strides = array<i32>} : memref<20x32x64xf32, #tpu.memory_space<vmem>>, vector<1x1x16xf32>,
        %get3A_1493 = vector.shape_cast %get3A_1492 : vector<1x1x16xf32> to vector<16xf32>
        %add3A_1494 = arith.addf %add3A_1466, %get3A_1493 : vector<16xf32>
        %get3A_1495 = arith.constant 12 : i32
        %get3A_1496 = arith.index_cast %get3A_1495 : i32 to index
        %get3A_1497 = arith.index_cast %scan3A_1142 : i32 to index
        %get3A_1498 = arith.constant 48 : index
        %get3A_1499 = tpu.vector_load %arg7[%get3A_1496, %get3A_1497, %get3A_1498] {strides = array<i32>} : memref<20x32x64xf32, #tpu.memory_space<vmem>>, vector<1x1x16xf32>,
        %get3A_1500 = vector.shape_cast %get3A_1499 : vector<1x1x16xf32> to vector<16xf32>
        %add3A_1501 = arith.addf %add3A_1473, %get3A_1500 : vector<16xf32>
        %get3A_1502 = arith.constant 13 : i32
        %get3A_1503 = arith.index_cast %get3A_1502 : i32 to index
        %get3A_1504 = arith.index_cast %scan3A_1142 : i32 to index
        %get3A_1505 = arith.constant 0 : index
        %get3A_1506 = tpu.vector_load %arg7[%get3A_1503, %get3A_1504, %get3A_1505] {strides = array<i32>} : memref<20x32x64xf32, #tpu.memory_space<vmem>>, vector<1x1x16xf32>,
        %get3A_1507 = vector.shape_cast %get3A_1506 : vector<1x1x16xf32> to vector<16xf32>
        %add3A_1508 = arith.addf %add3A_1480, %get3A_1507 : vector<16xf32>
        %get3A_1509 = arith.constant 13 : i32
        %get3A_1510 = arith.index_cast %get3A_1509 : i32 to index
        %get3A_1511 = arith.index_cast %scan3A_1142 : i32 to index
        %get3A_1512 = arith.constant 16 : index
        %get3A_1513 = tpu.vector_load %arg7[%get3A_1510, %get3A_1511, %get3A_1512] {strides = array<i32>} : memref<20x32x64xf32, #tpu.memory_space<vmem>>, vector<1x1x16xf32>,
        %get3A_1514 = vector.shape_cast %get3A_1513 : vector<1x1x16xf32> to vector<16xf32>
        %add3A_1515 = arith.addf %add3A_1487, %get3A_1514 : vector<16xf32>
        %get3A_1516 = arith.constant 13 : i32
        %get3A_1517 = arith.index_cast %get3A_1516 : i32 to index
        %get3A_1518 = arith.index_cast %scan3A_1142 : i32 to index
        %get3A_1519 = arith.constant 32 : index
        %get3A_1520 = tpu.vector_load %arg7[%get3A_1517, %get3A_1518, %get3A_1519] {strides = array<i32>} : memref<20x32x64xf32, #tpu.memory_space<vmem>>, vector<1x1x16xf32>,
        %get3A_1521 = vector.shape_cast %get3A_1520 : vector<1x1x16xf32> to vector<16xf32>
        %add3A_1522 = arith.addf %add3A_1494, %get3A_1521 : vector<16xf32>
        %get3A_1523 = arith.constant 13 : i32
        %get3A_1524 = arith.index_cast %get3A_1523 : i32 to index
        %get3A_1525 = arith.index_cast %scan3A_1142 : i32 to index
        %get3A_1526 = arith.constant 48 : index
        %get3A_1527 = tpu.vector_load %arg7[%get3A_1524, %get3A_1525, %get3A_1526] {strides = array<i32>} : memref<20x32x64xf32, #tpu.memory_space<vmem>>, vector<1x1x16xf32>,
        %get3A_1528 = vector.shape_cast %get3A_1527 : vector<1x1x16xf32> to vector<16xf32>
        %add3A_1529 = arith.addf %add3A_1501, %get3A_1528 : vector<16xf32>
        %get3A_1530 = arith.constant 14 : i32
        %get3A_1531 = arith.index_cast %get3A_1530 : i32 to index
        %get3A_1532 = arith.index_cast %scan3A_1142 : i32 to index
        %get3A_1533 = arith.constant 0 : index
        %get3A_1534 = tpu.vector_load %arg7[%get3A_1531, %get3A_1532, %get3A_1533] {strides = array<i32>} : memref<20x32x64xf32, #tpu.memory_space<vmem>>, vector<1x1x16xf32>,
        %get3A_1535 = vector.shape_cast %get3A_1534 : vector<1x1x16xf32> to vector<16xf32>
        %add3A_1536 = arith.addf %add3A_1508, %get3A_1535 : vector<16xf32>
        %get3A_1537 = arith.constant 14 : i32
        %get3A_1538 = arith.index_cast %get3A_1537 : i32 to index
        %get3A_1539 = arith.index_cast %scan3A_1142 : i32 to index
        %get3A_1540 = arith.constant 16 : index
        %get3A_1541 = tpu.vector_load %arg7[%get3A_1538, %get3A_1539, %get3A_1540] {strides = array<i32>} : memref<20x32x64xf32, #tpu.memory_space<vmem>>, vector<1x1x16xf32>,
        %get3A_1542 = vector.shape_cast %get3A_1541 : vector<1x1x16xf32> to vector<16xf32>
        %add3A_1543 = arith.addf %add3A_1515, %get3A_1542 : vector<16xf32>
        %get3A_1544 = arith.constant 14 : i32
        %get3A_1545 = arith.index_cast %get3A_1544 : i32 to index
        %get3A_1546 = arith.index_cast %scan3A_1142 : i32 to index
        %get3A_1547 = arith.constant 32 : index
        %get3A_1548 = tpu.vector_load %arg7[%get3A_1545, %get3A_1546, %get3A_1547] {strides = array<i32>} : memref<20x32x64xf32, #tpu.memory_space<vmem>>, vector<1x1x16xf32>,
        %get3A_1549 = vector.shape_cast %get3A_1548 : vector<1x1x16xf32> to vector<16xf32>
        %add3A_1550 = arith.addf %add3A_1522, %get3A_1549 : vector<16xf32>
        %get3A_1551 = arith.constant 14 : i32
        %get3A_1552 = arith.index_cast %get3A_1551 : i32 to index
        %get3A_1553 = arith.index_cast %scan3A_1142 : i32 to index
        %get3A_1554 = arith.constant 48 : index
        %get3A_1555 = tpu.vector_load %arg7[%get3A_1552, %get3A_1553, %get3A_1554] {strides = array<i32>} : memref<20x32x64xf32, #tpu.memory_space<vmem>>, vector<1x1x16xf32>,
        %get3A_1556 = vector.shape_cast %get3A_1555 : vector<1x1x16xf32> to vector<16xf32>
        %add3A_1557 = arith.addf %add3A_1529, %get3A_1556 : vector<16xf32>
        %get3A_1558 = arith.constant 15 : i32
        %get3A_1559 = arith.index_cast %get3A_1558 : i32 to index
        %get3A_1560 = arith.index_cast %scan3A_1142 : i32 to index
        %get3A_1561 = arith.constant 0 : index
        %get3A_1562 = tpu.vector_load %arg7[%get3A_1559, %get3A_1560, %get3A_1561] {strides = array<i32>} : memref<20x32x64xf32, #tpu.memory_space<vmem>>, vector<1x1x16xf32>,
        %get3A_1563 = vector.shape_cast %get3A_1562 : vector<1x1x16xf32> to vector<16xf32>
        %add3A_1564 = arith.addf %add3A_1536, %get3A_1563 : vector<16xf32>
        %get3A_1565 = arith.constant 15 : i32
        %get3A_1566 = arith.index_cast %get3A_1565 : i32 to index
        %get3A_1567 = arith.index_cast %scan3A_1142 : i32 to index
        %get3A_1568 = arith.constant 16 : index
        %get3A_1569 = tpu.vector_load %arg7[%get3A_1566, %get3A_1567, %get3A_1568] {strides = array<i32>} : memref<20x32x64xf32, #tpu.memory_space<vmem>>, vector<1x1x16xf32>,
        %get3A_1570 = vector.shape_cast %get3A_1569 : vector<1x1x16xf32> to vector<16xf32>
        %add3A_1571 = arith.addf %add3A_1543, %get3A_1570 : vector<16xf32>
        %get3A_1572 = arith.constant 15 : i32
        %get3A_1573 = arith.index_cast %get3A_1572 : i32 to index
        %get3A_1574 = arith.index_cast %scan3A_1142 : i32 to index
        %get3A_1575 = arith.constant 32 : index
        %get3A_1576 = tpu.vector_load %arg7[%get3A_1573, %get3A_1574, %get3A_1575] {strides = array<i32>} : memref<20x32x64xf32, #tpu.memory_space<vmem>>, vector<1x1x16xf32>,
        %get3A_1577 = vector.shape_cast %get3A_1576 : vector<1x1x16xf32> to vector<16xf32>
        %add3A_1578 = arith.addf %add3A_1550, %get3A_1577 : vector<16xf32>
        %get3A_1579 = arith.constant 15 : i32
        %get3A_1580 = arith.index_cast %get3A_1579 : i32 to index
        %get3A_1581 = arith.index_cast %scan3A_1142 : i32 to index
        %get3A_1582 = arith.constant 48 : index
        %get3A_1583 = tpu.vector_load %arg7[%get3A_1580, %get3A_1581, %get3A_1582] {strides = array<i32>} : memref<20x32x64xf32, #tpu.memory_space<vmem>>, vector<1x1x16xf32>,
        %get3A_1584 = vector.shape_cast %get3A_1583 : vector<1x1x16xf32> to vector<16xf32>
        %add3A_1585 = arith.addf %add3A_1557, %get3A_1584 : vector<16xf32>
        %get3A_1586 = arith.constant 16 : i32
        %get3A_1587 = arith.index_cast %get3A_1586 : i32 to index
        %get3A_1588 = arith.index_cast %scan3A_1142 : i32 to index
        %get3A_1589 = arith.constant 0 : index
        %get3A_1590 = tpu.vector_load %arg7[%get3A_1587, %get3A_1588, %get3A_1589] {strides = array<i32>} : memref<20x32x64xf32, #tpu.memory_space<vmem>>, vector<1x1x16xf32>,
        %get3A_1591 = vector.shape_cast %get3A_1590 : vector<1x1x16xf32> to vector<16xf32>
        %add3A_1592 = arith.addf %add3A_1564, %get3A_1591 : vector<16xf32>
        %get3A_1593 = arith.constant 16 : i32
        %get3A_1594 = arith.index_cast %get3A_1593 : i32 to index
        %get3A_1595 = arith.index_cast %scan3A_1142 : i32 to index
        %get3A_1596 = arith.constant 16 : index
        %get3A_1597 = tpu.vector_load %arg7[%get3A_1594, %get3A_1595, %get3A_1596] {strides = array<i32>} : memref<20x32x64xf32, #tpu.memory_space<vmem>>, vector<1x1x16xf32>,
        %get3A_1598 = vector.shape_cast %get3A_1597 : vector<1x1x16xf32> to vector<16xf32>
        %add3A_1599 = arith.addf %add3A_1571, %get3A_1598 : vector<16xf32>
        %get3A_1600 = arith.constant 16 : i32
        %get3A_1601 = arith.index_cast %get3A_1600 : i32 to index
        %get3A_1602 = arith.index_cast %scan3A_1142 : i32 to index
        %get3A_1603 = arith.constant 32 : index
        %get3A_1604 = tpu.vector_load %arg7[%get3A_1601, %get3A_1602, %get3A_1603] {strides = array<i32>} : memref<20x32x64xf32, #tpu.memory_space<vmem>>, vector<1x1x16xf32>,
        %get3A_1605 = vector.shape_cast %get3A_1604 : vector<1x1x16xf32> to vector<16xf32>
        %add3A_1606 = arith.addf %add3A_1578, %get3A_1605 : vector<16xf32>
        %get3A_1607 = arith.constant 16 : i32
        %get3A_1608 = arith.index_cast %get3A_1607 : i32 to index
        %get3A_1609 = arith.index_cast %scan3A_1142 : i32 to index
        %get3A_1610 = arith.constant 48 : index
        %get3A_1611 = tpu.vector_load %arg7[%get3A_1608, %get3A_1609, %get3A_1610] {strides = array<i32>} : memref<20x32x64xf32, #tpu.memory_space<vmem>>, vector<1x1x16xf32>,
        %get3A_1612 = vector.shape_cast %get3A_1611 : vector<1x1x16xf32> to vector<16xf32>
        %add3A_1613 = arith.addf %add3A_1585, %get3A_1612 : vector<16xf32>
        %get3A_1614 = arith.constant 17 : i32
        %get3A_1615 = arith.index_cast %get3A_1614 : i32 to index
        %get3A_1616 = arith.index_cast %scan3A_1142 : i32 to index
        %get3A_1617 = arith.constant 0 : index
        %get3A_1618 = tpu.vector_load %arg7[%get3A_1615, %get3A_1616, %get3A_1617] {strides = array<i32>} : memref<20x32x64xf32, #tpu.memory_space<vmem>>, vector<1x1x16xf32>,
        %get3A_1619 = vector.shape_cast %get3A_1618 : vector<1x1x16xf32> to vector<16xf32>
        %add3A_1620 = arith.addf %add3A_1592, %get3A_1619 : vector<16xf32>
        %get3A_1621 = arith.constant 17 : i32
        %get3A_1622 = arith.index_cast %get3A_1621 : i32 to index
        %get3A_1623 = arith.index_cast %scan3A_1142 : i32 to index
        %get3A_1624 = arith.constant 16 : index
        %get3A_1625 = tpu.vector_load %arg7[%get3A_1622, %get3A_1623, %get3A_1624] {strides = array<i32>} : memref<20x32x64xf32, #tpu.memory_space<vmem>>, vector<1x1x16xf32>,
        %get3A_1626 = vector.shape_cast %get3A_1625 : vector<1x1x16xf32> to vector<16xf32>
        %add3A_1627 = arith.addf %add3A_1599, %get3A_1626 : vector<16xf32>
        %get3A_1628 = arith.constant 17 : i32
        %get3A_1629 = arith.index_cast %get3A_1628 : i32 to index
        %get3A_1630 = arith.index_cast %scan3A_1142 : i32 to index
        %get3A_1631 = arith.constant 32 : index
        %get3A_1632 = tpu.vector_load %arg7[%get3A_1629, %get3A_1630, %get3A_1631] {strides = array<i32>} : memref<20x32x64xf32, #tpu.memory_space<vmem>>, vector<1x1x16xf32>,
        %get3A_1633 = vector.shape_cast %get3A_1632 : vector<1x1x16xf32> to vector<16xf32>
        %add3A_1634 = arith.addf %add3A_1606, %get3A_1633 : vector<16xf32>
        %get3A_1635 = arith.constant 17 : i32
        %get3A_1636 = arith.index_cast %get3A_1635 : i32 to index
        %get3A_1637 = arith.index_cast %scan3A_1142 : i32 to index
        %get3A_1638 = arith.constant 48 : index
        %get3A_1639 = tpu.vector_load %arg7[%get3A_1636, %get3A_1637, %get3A_1638] {strides = array<i32>} : memref<20x32x64xf32, #tpu.memory_space<vmem>>, vector<1x1x16xf32>,
        %get3A_1640 = vector.shape_cast %get3A_1639 : vector<1x1x16xf32> to vector<16xf32>
        %add3A_1641 = arith.addf %add3A_1613, %get3A_1640 : vector<16xf32>
        %get3A_1642 = arith.constant 18 : i32
        %get3A_1643 = arith.index_cast %get3A_1642 : i32 to index
        %get3A_1644 = arith.index_cast %scan3A_1142 : i32 to index
        %get3A_1645 = arith.constant 0 : index
        %get3A_1646 = tpu.vector_load %arg7[%get3A_1643, %get3A_1644, %get3A_1645] {strides = array<i32>} : memref<20x32x64xf32, #tpu.memory_space<vmem>>, vector<1x1x16xf32>,
        %get3A_1647 = vector.shape_cast %get3A_1646 : vector<1x1x16xf32> to vector<16xf32>
        %add3A_1648 = arith.addf %add3A_1620, %get3A_1647 : vector<16xf32>
        %get3A_1649 = arith.constant 18 : i32
        %get3A_1650 = arith.index_cast %get3A_1649 : i32 to index
        %get3A_1651 = arith.index_cast %scan3A_1142 : i32 to index
        %get3A_1652 = arith.constant 16 : index
        %get3A_1653 = tpu.vector_load %arg7[%get3A_1650, %get3A_1651, %get3A_1652] {strides = array<i32>} : memref<20x32x64xf32, #tpu.memory_space<vmem>>, vector<1x1x16xf32>,
        %get3A_1654 = vector.shape_cast %get3A_1653 : vector<1x1x16xf32> to vector<16xf32>
        %add3A_1655 = arith.addf %add3A_1627, %get3A_1654 : vector<16xf32>
        %get3A_1656 = arith.constant 18 : i32
        %get3A_1657 = arith.index_cast %get3A_1656 : i32 to index
        %get3A_1658 = arith.index_cast %scan3A_1142 : i32 to index
        %get3A_1659 = arith.constant 32 : index
        %get3A_1660 = tpu.vector_load %arg7[%get3A_1657, %get3A_1658, %get3A_1659] {strides = array<i32>} : memref<20x32x64xf32, #tpu.memory_space<vmem>>, vector<1x1x16xf32>,
        %get3A_1661 = vector.shape_cast %get3A_1660 : vector<1x1x16xf32> to vector<16xf32>
        %add3A_1662 = arith.addf %add3A_1634, %get3A_1661 : vector<16xf32>
        %get3A_1663 = arith.constant 18 : i32
        %get3A_1664 = arith.index_cast %get3A_1663 : i32 to index
        %get3A_1665 = arith.index_cast %scan3A_1142 : i32 to index
        %get3A_1666 = arith.constant 48 : index
        %get3A_1667 = tpu.vector_load %arg7[%get3A_1664, %get3A_1665, %get3A_1666] {strides = array<i32>} : memref<20x32x64xf32, #tpu.memory_space<vmem>>, vector<1x1x16xf32>,
        %get3A_1668 = vector.shape_cast %get3A_1667 : vector<1x1x16xf32> to vector<16xf32>
        %add3A_1669 = arith.addf %add3A_1641, %get3A_1668 : vector<16xf32>
        %get3A_1670 = arith.constant 19 : i32
        %get3A_1671 = arith.index_cast %get3A_1670 : i32 to index
        %get3A_1672 = arith.index_cast %scan3A_1142 : i32 to index
        %get3A_1673 = arith.constant 0 : index
        %get3A_1674 = tpu.vector_load %arg7[%get3A_1671, %get3A_1672, %get3A_1673] {strides = array<i32>} : memref<20x32x64xf32, #tpu.memory_space<vmem>>, vector<1x1x16xf32>,
        %get3A_1675 = vector.shape_cast %get3A_1674 : vector<1x1x16xf32> to vector<16xf32>
        %add3A_1676 = arith.addf %add3A_1648, %get3A_1675 : vector<16xf32>
        %get3A_1677 = arith.constant 19 : i32
        %get3A_1678 = arith.index_cast %get3A_1677 : i32 to index
        %get3A_1679 = arith.index_cast %scan3A_1142 : i32 to index
        %get3A_1680 = arith.constant 16 : index
        %get3A_1681 = tpu.vector_load %arg7[%get3A_1678, %get3A_1679, %get3A_1680] {strides = array<i32>} : memref<20x32x64xf32, #tpu.memory_space<vmem>>, vector<1x1x16xf32>,
        %get3A_1682 = vector.shape_cast %get3A_1681 : vector<1x1x16xf32> to vector<16xf32>
        %add3A_1683 = arith.addf %add3A_1655, %get3A_1682 : vector<16xf32>
        %get3A_1684 = arith.constant 19 : i32
        %get3A_1685 = arith.index_cast %get3A_1684 : i32 to index
        %get3A_1686 = arith.index_cast %scan3A_1142 : i32 to index
        %get3A_1687 = arith.constant 32 : index
        %get3A_1688 = tpu.vector_load %arg7[%get3A_1685, %get3A_1686, %get3A_1687] {strides = array<i32>} : memref<20x32x64xf32, #tpu.memory_space<vmem>>, vector<1x1x16xf32>,
        %get3A_1689 = vector.shape_cast %get3A_1688 : vector<1x1x16xf32> to vector<16xf32>
        %add3A_1690 = arith.addf %add3A_1662, %get3A_1689 : vector<16xf32>
        %get3A_1691 = arith.constant 19 : i32
        %get3A_1692 = arith.index_cast %get3A_1691 : i32 to index
        %get3A_1693 = arith.index_cast %scan3A_1142 : i32 to index
        %get3A_1694 = arith.constant 48 : index
        %get3A_1695 = tpu.vector_load %arg7[%get3A_1692, %get3A_1693, %get3A_1694] {strides = array<i32>} : memref<20x32x64xf32, #tpu.memory_space<vmem>>, vector<1x1x16xf32>,
        %get3A_1696 = vector.shape_cast %get3A_1695 : vector<1x1x16xf32> to vector<16xf32>
        %add3A_1697 = arith.addf %add3A_1669, %get3A_1696 : vector<16xf32>
        %swap3A = arith.index_cast %scan3A_1142 : i32 to index
        %swap3A_1698 = arith.constant 0 : index
        %swap3A_1699 = tpu.vector_load %arg9[%swap3A, %swap3A_1698] {strides = array<i32>} : memref<32x64xf32, #tpu.memory_space<vmem>>, vector<1x16xf32>,
        %swap3A_1700 = vector.shape_cast %swap3A_1699 : vector<1x16xf32> to vector<16xf32>
        %swap3A_1701 = vector.shape_cast %add3A_1676 : vector<16xf32> to vector<1x16xf32>
        tpu.vector_store %arg9[%swap3A, %swap3A_1698], %swap3A_1701 {strides = array<i32>} : memref<32x64xf32, #tpu.memory_space<vmem>>, vector<1x16xf32>,
        %swap3A_1702 = arith.index_cast %scan3A_1142 : i32 to index
        %swap3A_1703 = arith.constant 16 : index
        %swap3A_1704 = tpu.vector_load %arg9[%swap3A_1702, %swap3A_1703] {strides = array<i32>} : memref<32x64xf32, #tpu.memory_space<vmem>>, vector<1x16xf32>,
        %swap3A_1705 = vector.shape_cast %swap3A_1704 : vector<1x16xf32> to vector<16xf32>
        %swap3A_1706 = vector.shape_cast %add3A_1683 : vector<16xf32> to vector<1x16xf32>
        tpu.vector_store %arg9[%swap3A_1702, %swap3A_1703], %swap3A_1706 {strides = array<i32>} : memref<32x64xf32, #tpu.memory_space<vmem>>, vector<1x16xf32>,
        %swap3A_1707 = arith.index_cast %scan3A_1142 : i32 to index
        %swap3A_1708 = arith.constant 32 : index
        %swap3A_1709 = tpu.vector_load %arg9[%swap3A_1707, %swap3A_1708] {strides = array<i32>} : memref<32x64xf32, #tpu.memory_space<vmem>>, vector<1x16xf32>,
        %swap3A_1710 = vector.shape_cast %swap3A_1709 : vector<1x16xf32> to vector<16xf32>
        %swap3A_1711 = vector.shape_cast %add3A_1690 : vector<16xf32> to vector<1x16xf32>
        tpu.vector_store %arg9[%swap3A_1707, %swap3A_1708], %swap3A_1711 {strides = array<i32>} : memref<32x64xf32, #tpu.memory_space<vmem>>, vector<1x16xf32>,
        %swap3A_1712 = arith.index_cast %scan3A_1142 : i32 to index
        %swap3A_1713 = arith.constant 48 : index
        %swap3A_1714 = tpu.vector_load %arg9[%swap3A_1712, %swap3A_1713] {strides = array<i32>} : memref<32x64xf32, #tpu.memory_space<vmem>>, vector<1x16xf32>,
        %swap3A_1715 = vector.shape_cast %swap3A_1714 : vector<1x16xf32> to vector<16xf32>
        %swap3A_1716 = vector.shape_cast %add3A_1697 : vector<16xf32> to vector<1x16xf32>
        tpu.vector_store %arg9[%swap3A_1712, %swap3A_1713], %swap3A_1716 {strides = array<i32>} : memref<32x64xf32, #tpu.memory_space<vmem>>, vector<1x16xf32>,
      }
      %scan3A_836 = arith.constant 32 : i32
      "tpu.region"() ({
        %run_scoped3A_1142 = tpu.sem_alloc : memref<!tpu.dma_semaphore, #tpu.memory_space<semaphore_mem>>
        %dma_start3A_1143 = arith.constant 0 : i32
        %dma_start3A_1144 = tpu.memref_slice %arg4[%select_n3A_811, %add3A_830, %dma_start3A_1143] : memref<26x4096x128xf32, #tpu.memory_space<hbm>> -> memref<1x32x64xf32, #tpu.memory_space<hbm>>
        %dma_start3A_1145 = tpu.memref_squeeze %dma_start3A_1144 : memref<1x32x64xf32, #tpu.memory_space<hbm>> -> memref<32x64xf32, #tpu.memory_space<hbm>>
        %dma_start3A_1146 = arith.constant 0 : i32
        %dma_start3A_1147 = tpu.memref_slice %arg4[%select_n3A_811, %add3A_830, %dma_start3A_1146] : memref<26x4096x128xf32, #tpu.memory_space<hbm>> -> memref<1x32x64xf32, #tpu.memory_space<hbm>>
        %dma_start3A_1148 = tpu.memref_squeeze %dma_start3A_1147 : memref<1x32x64xf32, #tpu.memory_space<hbm>> -> memref<32x64xf32, #tpu.memory_space<hbm>>
        tpu.enqueue_dma source(%arg9 : memref<32x64xf32, #tpu.memory_space<vmem>>) target(%dma_start3A_1148 : memref<32x64xf32, #tpu.memory_space<hbm>>) target_semaphore(%run_scoped3A_1142 : memref<!tpu.dma_semaphore, #tpu.memory_space<semaphore_mem>>)
        %dma_wait3A_1149 = arith.constant 0 : i32
        %dma_wait3A_1150 = tpu.memref_slice %arg4[%select_n3A_811, %add3A_830, %dma_wait3A_1149] : memref<26x4096x128xf32, #tpu.memory_space<hbm>> -> memref<1x32x64xf32, #tpu.memory_space<hbm>>
        %dma_wait3A_1151 = tpu.memref_squeeze %dma_wait3A_1150 : memref<1x32x64xf32, #tpu.memory_space<hbm>> -> memref<32x64xf32, #tpu.memory_space<hbm>>
        %dma_wait3A_1152 = arith.constant 0 : i32
        %dma_wait3A_1153 = tpu.memref_slice %arg4[%select_n3A_811, %add3A_830, %dma_wait3A_1152] : memref<26x4096x128xf32, #tpu.memory_space<hbm>> -> memref<1x32x64xf32, #tpu.memory_space<hbm>>
        %dma_wait3A_1154 = tpu.memref_squeeze %dma_wait3A_1153 : memref<1x32x64xf32, #tpu.memory_space<hbm>> -> memref<32x64xf32, #tpu.memory_space<hbm>>
        tpu.wait_dma2 semaphore(%run_scoped3A_1142 : memref<!tpu.dma_semaphore, #tpu.memory_space<semaphore_mem>>) src(%arg9 : memref<32x64xf32, #tpu.memory_space<vmem>>) dst(%dma_wait3A_1154 : memref<32x64xf32, #tpu.memory_space<hbm>>)
        tpu.yield
      }) : () -> ()
      %mul3A_837 = arith.constant 2 : i32
      %mul3A_838 = arith.muli %mul3A_837, %scan3A_258 : i32
      %add3A_839 = arith.constant 1 : i32
      %add3A_840 = arith.addi %mul3A_838, %add3A_839 : i32
      %dma_wait3A_841 = arith.constant 0 : i32
      %dma_wait3A_842 = arith.constant 0 : i32
      %dma_wait3A_843 = arith.constant 0 : i32
      %dma_wait3A_844 = arith.constant 0 : i32
      %dma_wait3A_845 = tpu.memref_slice %arg8[%dma_wait3A_842, %dma_wait3A_843, %dma_wait3A_844] : memref<20x32x64xf32, #tpu.memory_space<vmem>> -> memref<1x32x64xf32, #tpu.memory_space<vmem>>
      %dma_wait3A_846 = tpu.memref_squeeze %dma_wait3A_845 : memref<1x32x64xf32, #tpu.memory_space<vmem>> -> memref<32x64xf32, #tpu.memory_space<vmem>>
      %dma_wait3A_847 = arith.constant 0 : i32
      %dma_wait3A_848 = tpu.memref_slice %arg6[%dma_wait3A_841, %dma_wait3A_847] : memref<20x32xi32, #tpu.memory_space<vmem>> -> memref<1x32xi32, #tpu.memory_space<vmem>>
      %dma_wait3A_849 = tpu.memref_squeeze %dma_wait3A_848 : memref<1x32xi32, #tpu.memory_space<vmem>> -> memref<32xi32, #tpu.memory_space<vmem>>
      %dma_wait3A_850 = arith.constant 0 : i32
      %dma_wait3A_851 = arith.constant 0 : i32
      %dma_wait3A_852 = tpu.memref_slice %arg2[%dma_wait3A_850, %dma_wait3A_851] : memref<1000000x64xf32, #tpu.memory_space<hbm>> -> memref<1000000x64xf32, #tpu.memory_space<hbm>>
      tpu.wait_indirect_dma semaphore(%arg11 : memref<!tpu.dma_semaphore, #tpu.memory_space<semaphore_mem>>) src(%dma_wait3A_852 : memref<1000000x64xf32, #tpu.memory_space<hbm>>) dst(%dma_wait3A_846 : memref<32x64xf32, #tpu.memory_space<vmem>>)
      %dma_wait3A_853 = arith.constant 1 : i32
      %dma_wait3A_854 = arith.constant 1 : i32
      %dma_wait3A_855 = arith.constant 0 : i32
      %dma_wait3A_856 = arith.constant 0 : i32
      %dma_wait3A_857 = tpu.memref_slice %arg8[%dma_wait3A_854, %dma_wait3A_855, %dma_wait3A_856] : memref<20x32x64xf32, #tpu.memory_space<vmem>> -> memref<1x32x64xf32, #tpu.memory_space<vmem>>
      %dma_wait3A_858 = tpu.memref_squeeze %dma_wait3A_857 : memref<1x32x64xf32, #tpu.memory_space<vmem>> -> memref<32x64xf32, #tpu.memory_space<vmem>>
      %dma_wait3A_859 = arith.constant 0 : i32
      %dma_wait3A_860 = tpu.memref_slice %arg6[%dma_wait3A_853, %dma_wait3A_859] : memref<20x32xi32, #tpu.memory_space<vmem>> -> memref<1x32xi32, #tpu.memory_space<vmem>>
      %dma_wait3A_861 = tpu.memref_squeeze %dma_wait3A_860 : memref<1x32xi32, #tpu.memory_space<vmem>> -> memref<32xi32, #tpu.memory_space<vmem>>
      %dma_wait3A_862 = arith.constant 0 : i32
      %dma_wait3A_863 = arith.constant 0 : i32
      %dma_wait3A_864 = tpu.memref_slice %arg2[%dma_wait3A_862, %dma_wait3A_863] : memref<1000000x64xf32, #tpu.memory_space<hbm>> -> memref<1000000x64xf32, #tpu.memory_space<hbm>>
      tpu.wait_indirect_dma semaphore(%arg11 : memref<!tpu.dma_semaphore, #tpu.memory_space<semaphore_mem>>) src(%dma_wait3A_864 : memref<1000000x64xf32, #tpu.memory_space<hbm>>) dst(%dma_wait3A_858 : memref<32x64xf32, #tpu.memory_space<vmem>>)
      %dma_wait3A_865 = arith.constant 2 : i32
      %dma_wait3A_866 = arith.constant 2 : i32
      %dma_wait3A_867 = arith.constant 0 : i32
      %dma_wait3A_868 = arith.constant 0 : i32
      %dma_wait3A_869 = tpu.memref_slice %arg8[%dma_wait3A_866, %dma_wait3A_867, %dma_wait3A_868] : memref<20x32x64xf32, #tpu.memory_space<vmem>> -> memref<1x32x64xf32, #tpu.memory_space<vmem>>
      %dma_wait3A_870 = tpu.memref_squeeze %dma_wait3A_869 : memref<1x32x64xf32, #tpu.memory_space<vmem>> -> memref<32x64xf32, #tpu.memory_space<vmem>>
      %dma_wait3A_871 = arith.constant 0 : i32
      %dma_wait3A_872 = tpu.memref_slice %arg6[%dma_wait3A_865, %dma_wait3A_871] : memref<20x32xi32, #tpu.memory_space<vmem>> -> memref<1x32xi32, #tpu.memory_space<vmem>>
      %dma_wait3A_873 = tpu.memref_squeeze %dma_wait3A_872 : memref<1x32xi32, #tpu.memory_space<vmem>> -> memref<32xi32, #tpu.memory_space<vmem>>
      %dma_wait3A_874 = arith.constant 0 : i32
      %dma_wait3A_875 = arith.constant 0 : i32
      %dma_wait3A_876 = tpu.memref_slice %arg2[%dma_wait3A_874, %dma_wait3A_875] : memref<1000000x64xf32, #tpu.memory_space<hbm>> -> memref<1000000x64xf32, #tpu.memory_space<hbm>>
      tpu.wait_indirect_dma semaphore(%arg11 : memref<!tpu.dma_semaphore, #tpu.memory_space<semaphore_mem>>) src(%dma_wait3A_876 : memref<1000000x64xf32, #tpu.memory_space<hbm>>) dst(%dma_wait3A_870 : memref<32x64xf32, #tpu.memory_space<vmem>>)
      %dma_wait3A_877 = arith.constant 3 : i32
      %dma_wait3A_878 = arith.constant 3 : i32
      %dma_wait3A_879 = arith.constant 0 : i32
      %dma_wait3A_880 = arith.constant 0 : i32
      %dma_wait3A_881 = tpu.memref_slice %arg8[%dma_wait3A_878, %dma_wait3A_879, %dma_wait3A_880] : memref<20x32x64xf32, #tpu.memory_space<vmem>> -> memref<1x32x64xf32, #tpu.memory_space<vmem>>
      %dma_wait3A_882 = tpu.memref_squeeze %dma_wait3A_881 : memref<1x32x64xf32, #tpu.memory_space<vmem>> -> memref<32x64xf32, #tpu.memory_space<vmem>>
      %dma_wait3A_883 = arith.constant 0 : i32
      %dma_wait3A_884 = tpu.memref_slice %arg6[%dma_wait3A_877, %dma_wait3A_883] : memref<20x32xi32, #tpu.memory_space<vmem>> -> memref<1x32xi32, #tpu.memory_space<vmem>>
      %dma_wait3A_885 = tpu.memref_squeeze %dma_wait3A_884 : memref<1x32xi32, #tpu.memory_space<vmem>> -> memref<32xi32, #tpu.memory_space<vmem>>
      %dma_wait3A_886 = arith.constant 0 : i32
      %dma_wait3A_887 = arith.constant 0 : i32
      %dma_wait3A_888 = tpu.memref_slice %arg2[%dma_wait3A_886, %dma_wait3A_887] : memref<1000000x64xf32, #tpu.memory_space<hbm>> -> memref<1000000x64xf32, #tpu.memory_space<hbm>>
      tpu.wait_indirect_dma semaphore(%arg11 : memref<!tpu.dma_semaphore, #tpu.memory_space<semaphore_mem>>) src(%dma_wait3A_888 : memref<1000000x64xf32, #tpu.memory_space<hbm>>) dst(%dma_wait3A_882 : memref<32x64xf32, #tpu.memory_space<vmem>>)
      %dma_wait3A_889 = arith.constant 4 : i32
      %dma_wait3A_890 = arith.constant 4 : i32
      %dma_wait3A_891 = arith.constant 0 : i32
      %dma_wait3A_892 = arith.constant 0 : i32
      %dma_wait3A_893 = tpu.memref_slice %arg8[%dma_wait3A_890, %dma_wait3A_891, %dma_wait3A_892] : memref<20x32x64xf32, #tpu.memory_space<vmem>> -> memref<1x32x64xf32, #tpu.memory_space<vmem>>
      %dma_wait3A_894 = tpu.memref_squeeze %dma_wait3A_893 : memref<1x32x64xf32, #tpu.memory_space<vmem>> -> memref<32x64xf32, #tpu.memory_space<vmem>>
      %dma_wait3A_895 = arith.constant 0 : i32
      %dma_wait3A_896 = tpu.memref_slice %arg6[%dma_wait3A_889, %dma_wait3A_895] : memref<20x32xi32, #tpu.memory_space<vmem>> -> memref<1x32xi32, #tpu.memory_space<vmem>>
      %dma_wait3A_897 = tpu.memref_squeeze %dma_wait3A_896 : memref<1x32xi32, #tpu.memory_space<vmem>> -> memref<32xi32, #tpu.memory_space<vmem>>
      %dma_wait3A_898 = arith.constant 0 : i32
      %dma_wait3A_899 = arith.constant 0 : i32
      %dma_wait3A_900 = tpu.memref_slice %arg2[%dma_wait3A_898, %dma_wait3A_899] : memref<1000000x64xf32, #tpu.memory_space<hbm>> -> memref<1000000x64xf32, #tpu.memory_space<hbm>>
      tpu.wait_indirect_dma semaphore(%arg11 : memref<!tpu.dma_semaphore, #tpu.memory_space<semaphore_mem>>) src(%dma_wait3A_900 : memref<1000000x64xf32, #tpu.memory_space<hbm>>) dst(%dma_wait3A_894 : memref<32x64xf32, #tpu.memory_space<vmem>>)
      %dma_wait3A_901 = arith.constant 5 : i32
      %dma_wait3A_902 = arith.constant 5 : i32
      %dma_wait3A_903 = arith.constant 0 : i32
      %dma_wait3A_904 = arith.constant 0 : i32
      %dma_wait3A_905 = tpu.memref_slice %arg8[%dma_wait3A_902, %dma_wait3A_903, %dma_wait3A_904] : memref<20x32x64xf32, #tpu.memory_space<vmem>> -> memref<1x32x64xf32, #tpu.memory_space<vmem>>
      %dma_wait3A_906 = tpu.memref_squeeze %dma_wait3A_905 : memref<1x32x64xf32, #tpu.memory_space<vmem>> -> memref<32x64xf32, #tpu.memory_space<vmem>>
      %dma_wait3A_907 = arith.constant 0 : i32
      %dma_wait3A_908 = tpu.memref_slice %arg6[%dma_wait3A_901, %dma_wait3A_907] : memref<20x32xi32, #tpu.memory_space<vmem>> -> memref<1x32xi32, #tpu.memory_space<vmem>>
      %dma_wait3A_909 = tpu.memref_squeeze %dma_wait3A_908 : memref<1x32xi32, #tpu.memory_space<vmem>> -> memref<32xi32, #tpu.memory_space<vmem>>
      %dma_wait3A_910 = arith.constant 0 : i32
      %dma_wait3A_911 = arith.constant 0 : i32
      %dma_wait3A_912 = tpu.memref_slice %arg2[%dma_wait3A_910, %dma_wait3A_911] : memref<1000000x64xf32, #tpu.memory_space<hbm>> -> memref<1000000x64xf32, #tpu.memory_space<hbm>>
      tpu.wait_indirect_dma semaphore(%arg11 : memref<!tpu.dma_semaphore, #tpu.memory_space<semaphore_mem>>) src(%dma_wait3A_912 : memref<1000000x64xf32, #tpu.memory_space<hbm>>) dst(%dma_wait3A_906 : memref<32x64xf32, #tpu.memory_space<vmem>>)
      %dma_wait3A_913 = arith.constant 6 : i32
      %dma_wait3A_914 = arith.constant 6 : i32
      %dma_wait3A_915 = arith.constant 0 : i32
      %dma_wait3A_916 = arith.constant 0 : i32
      %dma_wait3A_917 = tpu.memref_slice %arg8[%dma_wait3A_914, %dma_wait3A_915, %dma_wait3A_916] : memref<20x32x64xf32, #tpu.memory_space<vmem>> -> memref<1x32x64xf32, #tpu.memory_space<vmem>>
      %dma_wait3A_918 = tpu.memref_squeeze %dma_wait3A_917 : memref<1x32x64xf32, #tpu.memory_space<vmem>> -> memref<32x64xf32, #tpu.memory_space<vmem>>
      %dma_wait3A_919 = arith.constant 0 : i32
      %dma_wait3A_920 = tpu.memref_slice %arg6[%dma_wait3A_913, %dma_wait3A_919] : memref<20x32xi32, #tpu.memory_space<vmem>> -> memref<1x32xi32, #tpu.memory_space<vmem>>
      %dma_wait3A_921 = tpu.memref_squeeze %dma_wait3A_920 : memref<1x32xi32, #tpu.memory_space<vmem>> -> memref<32xi32, #tpu.memory_space<vmem>>
      %dma_wait3A_922 = arith.constant 0 : i32
      %dma_wait3A_923 = arith.constant 0 : i32
      %dma_wait3A_924 = tpu.memref_slice %arg2[%dma_wait3A_922, %dma_wait3A_923] : memref<1000000x64xf32, #tpu.memory_space<hbm>> -> memref<1000000x64xf32, #tpu.memory_space<hbm>>
      tpu.wait_indirect_dma semaphore(%arg11 : memref<!tpu.dma_semaphore, #tpu.memory_space<semaphore_mem>>) src(%dma_wait3A_924 : memref<1000000x64xf32, #tpu.memory_space<hbm>>) dst(%dma_wait3A_918 : memref<32x64xf32, #tpu.memory_space<vmem>>)
      %dma_wait3A_925 = arith.constant 7 : i32
      %dma_wait3A_926 = arith.constant 7 : i32
      %dma_wait3A_927 = arith.constant 0 : i32
      %dma_wait3A_928 = arith.constant 0 : i32
      %dma_wait3A_929 = tpu.memref_slice %arg8[%dma_wait3A_926, %dma_wait3A_927, %dma_wait3A_928] : memref<20x32x64xf32, #tpu.memory_space<vmem>> -> memref<1x32x64xf32, #tpu.memory_space<vmem>>
      %dma_wait3A_930 = tpu.memref_squeeze %dma_wait3A_929 : memref<1x32x64xf32, #tpu.memory_space<vmem>> -> memref<32x64xf32, #tpu.memory_space<vmem>>
      %dma_wait3A_931 = arith.constant 0 : i32
      %dma_wait3A_932 = tpu.memref_slice %arg6[%dma_wait3A_925, %dma_wait3A_931] : memref<20x32xi32, #tpu.memory_space<vmem>> -> memref<1x32xi32, #tpu.memory_space<vmem>>
      %dma_wait3A_933 = tpu.memref_squeeze %dma_wait3A_932 : memref<1x32xi32, #tpu.memory_space<vmem>> -> memref<32xi32, #tpu.memory_space<vmem>>
      %dma_wait3A_934 = arith.constant 0 : i32
      %dma_wait3A_935 = arith.constant 0 : i32
      %dma_wait3A_936 = tpu.memref_slice %arg2[%dma_wait3A_934, %dma_wait3A_935] : memref<1000000x64xf32, #tpu.memory_space<hbm>> -> memref<1000000x64xf32, #tpu.memory_space<hbm>>
      tpu.wait_indirect_dma semaphore(%arg11 : memref<!tpu.dma_semaphore, #tpu.memory_space<semaphore_mem>>) src(%dma_wait3A_936 : memref<1000000x64xf32, #tpu.memory_space<hbm>>) dst(%dma_wait3A_930 : memref<32x64xf32, #tpu.memory_space<vmem>>)
      %dma_wait3A_937 = arith.constant 8 : i32
      %dma_wait3A_938 = arith.constant 8 : i32
      %dma_wait3A_939 = arith.constant 0 : i32
      %dma_wait3A_940 = arith.constant 0 : i32
      %dma_wait3A_941 = tpu.memref_slice %arg8[%dma_wait3A_938, %dma_wait3A_939, %dma_wait3A_940] : memref<20x32x64xf32, #tpu.memory_space<vmem>> -> memref<1x32x64xf32, #tpu.memory_space<vmem>>
      %dma_wait3A_942 = tpu.memref_squeeze %dma_wait3A_941 : memref<1x32x64xf32, #tpu.memory_space<vmem>> -> memref<32x64xf32, #tpu.memory_space<vmem>>
      %dma_wait3A_943 = arith.constant 0 : i32
      %dma_wait3A_944 = tpu.memref_slice %arg6[%dma_wait3A_937, %dma_wait3A_943] : memref<20x32xi32, #tpu.memory_space<vmem>> -> memref<1x32xi32, #tpu.memory_space<vmem>>
      %dma_wait3A_945 = tpu.memref_squeeze %dma_wait3A_944 : memref<1x32xi32, #tpu.memory_space<vmem>> -> memref<32xi32, #tpu.memory_space<vmem>>
      %dma_wait3A_946 = arith.constant 0 : i32
      %dma_wait3A_947 = arith.constant 0 : i32
      %dma_wait3A_948 = tpu.memref_slice %arg2[%dma_wait3A_946, %dma_wait3A_947] : memref<1000000x64xf32, #tpu.memory_space<hbm>> -> memref<1000000x64xf32, #tpu.memory_space<hbm>>
      tpu.wait_indirect_dma semaphore(%arg11 : memref<!tpu.dma_semaphore, #tpu.memory_space<semaphore_mem>>) src(%dma_wait3A_948 : memref<1000000x64xf32, #tpu.memory_space<hbm>>) dst(%dma_wait3A_942 : memref<32x64xf32, #tpu.memory_space<vmem>>)
      %dma_wait3A_949 = arith.constant 9 : i32
      %dma_wait3A_950 = arith.constant 9 : i32
      %dma_wait3A_951 = arith.constant 0 : i32
      %dma_wait3A_952 = arith.constant 0 : i32
      %dma_wait3A_953 = tpu.memref_slice %arg8[%dma_wait3A_950, %dma_wait3A_951, %dma_wait3A_952] : memref<20x32x64xf32, #tpu.memory_space<vmem>> -> memref<1x32x64xf32, #tpu.memory_space<vmem>>
      %dma_wait3A_954 = tpu.memref_squeeze %dma_wait3A_953 : memref<1x32x64xf32, #tpu.memory_space<vmem>> -> memref<32x64xf32, #tpu.memory_space<vmem>>
      %dma_wait3A_955 = arith.constant 0 : i32
      %dma_wait3A_956 = tpu.memref_slice %arg6[%dma_wait3A_949, %dma_wait3A_955] : memref<20x32xi32, #tpu.memory_space<vmem>> -> memref<1x32xi32, #tpu.memory_space<vmem>>
      %dma_wait3A_957 = tpu.memref_squeeze %dma_wait3A_956 : memref<1x32xi32, #tpu.memory_space<vmem>> -> memref<32xi32, #tpu.memory_space<vmem>>
      %dma_wait3A_958 = arith.constant 0 : i32
      %dma_wait3A_959 = arith.constant 0 : i32
      %dma_wait3A_960 = tpu.memref_slice %arg2[%dma_wait3A_958, %dma_wait3A_959] : memref<1000000x64xf32, #tpu.memory_space<hbm>> -> memref<1000000x64xf32, #tpu.memory_space<hbm>>
      tpu.wait_indirect_dma semaphore(%arg11 : memref<!tpu.dma_semaphore, #tpu.memory_space<semaphore_mem>>) src(%dma_wait3A_960 : memref<1000000x64xf32, #tpu.memory_space<hbm>>) dst(%dma_wait3A_954 : memref<32x64xf32, #tpu.memory_space<vmem>>)
      %dma_wait3A_961 = arith.constant 10 : i32
      %dma_wait3A_962 = arith.constant 10 : i32
      %dma_wait3A_963 = arith.constant 0 : i32
      %dma_wait3A_964 = arith.constant 0 : i32
      %dma_wait3A_965 = tpu.memref_slice %arg8[%dma_wait3A_962, %dma_wait3A_963, %dma_wait3A_964] : memref<20x32x64xf32, #tpu.memory_space<vmem>> -> memref<1x32x64xf32, #tpu.memory_space<vmem>>
      %dma_wait3A_966 = tpu.memref_squeeze %dma_wait3A_965 : memref<1x32x64xf32, #tpu.memory_space<vmem>> -> memref<32x64xf32, #tpu.memory_space<vmem>>
      %dma_wait3A_967 = arith.constant 0 : i32
      %dma_wait3A_968 = tpu.memref_slice %arg6[%dma_wait3A_961, %dma_wait3A_967] : memref<20x32xi32, #tpu.memory_space<vmem>> -> memref<1x32xi32, #tpu.memory_space<vmem>>
      %dma_wait3A_969 = tpu.memref_squeeze %dma_wait3A_968 : memref<1x32xi32, #tpu.memory_space<vmem>> -> memref<32xi32, #tpu.memory_space<vmem>>
      %dma_wait3A_970 = arith.constant 0 : i32
      %dma_wait3A_971 = arith.constant 0 : i32
      %dma_wait3A_972 = tpu.memref_slice %arg2[%dma_wait3A_970, %dma_wait3A_971] : memref<1000000x64xf32, #tpu.memory_space<hbm>> -> memref<1000000x64xf32, #tpu.memory_space<hbm>>
      tpu.wait_indirect_dma semaphore(%arg11 : memref<!tpu.dma_semaphore, #tpu.memory_space<semaphore_mem>>) src(%dma_wait3A_972 : memref<1000000x64xf32, #tpu.memory_space<hbm>>) dst(%dma_wait3A_966 : memref<32x64xf32, #tpu.memory_space<vmem>>)
      %dma_wait3A_973 = arith.constant 11 : i32
      %dma_wait3A_974 = arith.constant 11 : i32
      %dma_wait3A_975 = arith.constant 0 : i32
      %dma_wait3A_976 = arith.constant 0 : i32
      %dma_wait3A_977 = tpu.memref_slice %arg8[%dma_wait3A_974, %dma_wait3A_975, %dma_wait3A_976] : memref<20x32x64xf32, #tpu.memory_space<vmem>> -> memref<1x32x64xf32, #tpu.memory_space<vmem>>
      %dma_wait3A_978 = tpu.memref_squeeze %dma_wait3A_977 : memref<1x32x64xf32, #tpu.memory_space<vmem>> -> memref<32x64xf32, #tpu.memory_space<vmem>>
      %dma_wait3A_979 = arith.constant 0 : i32
      %dma_wait3A_980 = tpu.memref_slice %arg6[%dma_wait3A_973, %dma_wait3A_979] : memref<20x32xi32, #tpu.memory_space<vmem>> -> memref<1x32xi32, #tpu.memory_space<vmem>>
      %dma_wait3A_981 = tpu.memref_squeeze %dma_wait3A_980 : memref<1x32xi32, #tpu.memory_space<vmem>> -> memref<32xi32, #tpu.memory_space<vmem>>
      %dma_wait3A_982 = arith.constant 0 : i32
      %dma_wait3A_983 = arith.constant 0 : i32
      %dma_wait3A_984 = tpu.memref_slice %arg2[%dma_wait3A_982, %dma_wait3A_983] : memref<1000000x64xf32, #tpu.memory_space<hbm>> -> memref<1000000x64xf32, #tpu.memory_space<hbm>>
      tpu.wait_indirect_dma semaphore(%arg11 : memref<!tpu.dma_semaphore, #tpu.memory_space<semaphore_mem>>) src(%dma_wait3A_984 : memref<1000000x64xf32, #tpu.memory_space<hbm>>) dst(%dma_wait3A_978 : memref<32x64xf32, #tpu.memory_space<vmem>>)
      %dma_wait3A_985 = arith.constant 12 : i32
      %dma_wait3A_986 = arith.constant 12 : i32
      %dma_wait3A_987 = arith.constant 0 : i32
      %dma_wait3A_988 = arith.constant 0 : i32
      %dma_wait3A_989 = tpu.memref_slice %arg8[%dma_wait3A_986, %dma_wait3A_987, %dma_wait3A_988] : memref<20x32x64xf32, #tpu.memory_space<vmem>> -> memref<1x32x64xf32, #tpu.memory_space<vmem>>
      %dma_wait3A_990 = tpu.memref_squeeze %dma_wait3A_989 : memref<1x32x64xf32, #tpu.memory_space<vmem>> -> memref<32x64xf32, #tpu.memory_space<vmem>>
      %dma_wait3A_991 = arith.constant 0 : i32
      %dma_wait3A_992 = tpu.memref_slice %arg6[%dma_wait3A_985, %dma_wait3A_991] : memref<20x32xi32, #tpu.memory_space<vmem>> -> memref<1x32xi32, #tpu.memory_space<vmem>>
      %dma_wait3A_993 = tpu.memref_squeeze %dma_wait3A_992 : memref<1x32xi32, #tpu.memory_space<vmem>> -> memref<32xi32, #tpu.memory_space<vmem>>
      %dma_wait3A_994 = arith.constant 0 : i32
      %dma_wait3A_995 = arith.constant 0 : i32
      %dma_wait3A_996 = tpu.memref_slice %arg2[%dma_wait3A_994, %dma_wait3A_995] : memref<1000000x64xf32, #tpu.memory_space<hbm>> -> memref<1000000x64xf32, #tpu.memory_space<hbm>>
      tpu.wait_indirect_dma semaphore(%arg11 : memref<!tpu.dma_semaphore, #tpu.memory_space<semaphore_mem>>) src(%dma_wait3A_996 : memref<1000000x64xf32, #tpu.memory_space<hbm>>) dst(%dma_wait3A_990 : memref<32x64xf32, #tpu.memory_space<vmem>>)
      %dma_wait3A_997 = arith.constant 13 : i32
      %dma_wait3A_998 = arith.constant 13 : i32
      %dma_wait3A_999 = arith.constant 0 : i32
      %dma_wait3A_1000 = arith.constant 0 : i32
      %dma_wait3A_1001 = tpu.memref_slice %arg8[%dma_wait3A_998, %dma_wait3A_999, %dma_wait3A_1000] : memref<20x32x64xf32, #tpu.memory_space<vmem>> -> memref<1x32x64xf32, #tpu.memory_space<vmem>>
      %dma_wait3A_1002 = tpu.memref_squeeze %dma_wait3A_1001 : memref<1x32x64xf32, #tpu.memory_space<vmem>> -> memref<32x64xf32, #tpu.memory_space<vmem>>
      %dma_wait3A_1003 = arith.constant 0 : i32
      %dma_wait3A_1004 = tpu.memref_slice %arg6[%dma_wait3A_997, %dma_wait3A_1003] : memref<20x32xi32, #tpu.memory_space<vmem>> -> memref<1x32xi32, #tpu.memory_space<vmem>>
      %dma_wait3A_1005 = tpu.memref_squeeze %dma_wait3A_1004 : memref<1x32xi32, #tpu.memory_space<vmem>> -> memref<32xi32, #tpu.memory_space<vmem>>
      %dma_wait3A_1006 = arith.constant 0 : i32
      %dma_wait3A_1007 = arith.constant 0 : i32
      %dma_wait3A_1008 = tpu.memref_slice %arg2[%dma_wait3A_1006, %dma_wait3A_1007] : memref<1000000x64xf32, #tpu.memory_space<hbm>> -> memref<1000000x64xf32, #tpu.memory_space<hbm>>
      tpu.wait_indirect_dma semaphore(%arg11 : memref<!tpu.dma_semaphore, #tpu.memory_space<semaphore_mem>>) src(%dma_wait3A_1008 : memref<1000000x64xf32, #tpu.memory_space<hbm>>) dst(%dma_wait3A_1002 : memref<32x64xf32, #tpu.memory_space<vmem>>)
      %dma_wait3A_1009 = arith.constant 14 : i32
      %dma_wait3A_1010 = arith.constant 14 : i32
      %dma_wait3A_1011 = arith.constant 0 : i32
      %dma_wait3A_1012 = arith.constant 0 : i32
      %dma_wait3A_1013 = tpu.memref_slice %arg8[%dma_wait3A_1010, %dma_wait3A_1011, %dma_wait3A_1012] : memref<20x32x64xf32, #tpu.memory_space<vmem>> -> memref<1x32x64xf32, #tpu.memory_space<vmem>>
      %dma_wait3A_1014 = tpu.memref_squeeze %dma_wait3A_1013 : memref<1x32x64xf32, #tpu.memory_space<vmem>> -> memref<32x64xf32, #tpu.memory_space<vmem>>
      %dma_wait3A_1015 = arith.constant 0 : i32
      %dma_wait3A_1016 = tpu.memref_slice %arg6[%dma_wait3A_1009, %dma_wait3A_1015] : memref<20x32xi32, #tpu.memory_space<vmem>> -> memref<1x32xi32, #tpu.memory_space<vmem>>
      %dma_wait3A_1017 = tpu.memref_squeeze %dma_wait3A_1016 : memref<1x32xi32, #tpu.memory_space<vmem>> -> memref<32xi32, #tpu.memory_space<vmem>>
      %dma_wait3A_1018 = arith.constant 0 : i32
      %dma_wait3A_1019 = arith.constant 0 : i32
      %dma_wait3A_1020 = tpu.memref_slice %arg2[%dma_wait3A_1018, %dma_wait3A_1019] : memref<1000000x64xf32, #tpu.memory_space<hbm>> -> memref<1000000x64xf32, #tpu.memory_space<hbm>>
      tpu.wait_indirect_dma semaphore(%arg11 : memref<!tpu.dma_semaphore, #tpu.memory_space<semaphore_mem>>) src(%dma_wait3A_1020 : memref<1000000x64xf32, #tpu.memory_space<hbm>>) dst(%dma_wait3A_1014 : memref<32x64xf32, #tpu.memory_space<vmem>>)
      %dma_wait3A_1021 = arith.constant 15 : i32
      %dma_wait3A_1022 = arith.constant 15 : i32
      %dma_wait3A_1023 = arith.constant 0 : i32
      %dma_wait3A_1024 = arith.constant 0 : i32
      %dma_wait3A_1025 = tpu.memref_slice %arg8[%dma_wait3A_1022, %dma_wait3A_1023, %dma_wait3A_1024] : memref<20x32x64xf32, #tpu.memory_space<vmem>> -> memref<1x32x64xf32, #tpu.memory_space<vmem>>
      %dma_wait3A_1026 = tpu.memref_squeeze %dma_wait3A_1025 : memref<1x32x64xf32, #tpu.memory_space<vmem>> -> memref<32x64xf32, #tpu.memory_space<vmem>>
      %dma_wait3A_1027 = arith.constant 0 : i32
      %dma_wait3A_1028 = tpu.memref_slice %arg6[%dma_wait3A_1021, %dma_wait3A_1027] : memref<20x32xi32, #tpu.memory_space<vmem>> -> memref<1x32xi32, #tpu.memory_space<vmem>>
      %dma_wait3A_1029 = tpu.memref_squeeze %dma_wait3A_1028 : memref<1x32xi32, #tpu.memory_space<vmem>> -> memref<32xi32, #tpu.memory_space<vmem>>
      %dma_wait3A_1030 = arith.constant 0 : i32
      %dma_wait3A_1031 = arith.constant 0 : i32
      %dma_wait3A_1032 = tpu.memref_slice %arg2[%dma_wait3A_1030, %dma_wait3A_1031] : memref<1000000x64xf32, #tpu.memory_space<hbm>> -> memref<1000000x64xf32, #tpu.memory_space<hbm>>
      tpu.wait_indirect_dma semaphore(%arg11 : memref<!tpu.dma_semaphore, #tpu.memory_space<semaphore_mem>>) src(%dma_wait3A_1032 : memref<1000000x64xf32, #tpu.memory_space<hbm>>) dst(%dma_wait3A_1026 : memref<32x64xf32, #tpu.memory_space<vmem>>)
      %dma_wait3A_1033 = arith.constant 16 : i32
      %dma_wait3A_1034 = arith.constant 16 : i32
      %dma_wait3A_1035 = arith.constant 0 : i32
      %dma_wait3A_1036 = arith.constant 0 : i32
      %dma_wait3A_1037 = tpu.memref_slice %arg8[%dma_wait3A_1034, %dma_wait3A_1035, %dma_wait3A_1036] : memref<20x32x64xf32, #tpu.memory_space<vmem>> -> memref<1x32x64xf32, #tpu.memory_space<vmem>>
      %dma_wait3A_1038 = tpu.memref_squeeze %dma_wait3A_1037 : memref<1x32x64xf32, #tpu.memory_space<vmem>> -> memref<32x64xf32, #tpu.memory_space<vmem>>
      %dma_wait3A_1039 = arith.constant 0 : i32
      %dma_wait3A_1040 = tpu.memref_slice %arg6[%dma_wait3A_1033, %dma_wait3A_1039] : memref<20x32xi32, #tpu.memory_space<vmem>> -> memref<1x32xi32, #tpu.memory_space<vmem>>
      %dma_wait3A_1041 = tpu.memref_squeeze %dma_wait3A_1040 : memref<1x32xi32, #tpu.memory_space<vmem>> -> memref<32xi32, #tpu.memory_space<vmem>>
      %dma_wait3A_1042 = arith.constant 0 : i32
      %dma_wait3A_1043 = arith.constant 0 : i32
      %dma_wait3A_1044 = tpu.memref_slice %arg2[%dma_wait3A_1042, %dma_wait3A_1043] : memref<1000000x64xf32, #tpu.memory_space<hbm>> -> memref<1000000x64xf32, #tpu.memory_space<hbm>>
      tpu.wait_indirect_dma semaphore(%arg11 : memref<!tpu.dma_semaphore, #tpu.memory_space<semaphore_mem>>) src(%dma_wait3A_1044 : memref<1000000x64xf32, #tpu.memory_space<hbm>>) dst(%dma_wait3A_1038 : memref<32x64xf32, #tpu.memory_space<vmem>>)
      %dma_wait3A_1045 = arith.constant 17 : i32
      %dma_wait3A_1046 = arith.constant 17 : i32
      %dma_wait3A_1047 = arith.constant 0 : i32
      %dma_wait3A_1048 = arith.constant 0 : i32
      %dma_wait3A_1049 = tpu.memref_slice %arg8[%dma_wait3A_1046, %dma_wait3A_1047, %dma_wait3A_1048] : memref<20x32x64xf32, #tpu.memory_space<vmem>> -> memref<1x32x64xf32, #tpu.memory_space<vmem>>
      %dma_wait3A_1050 = tpu.memref_squeeze %dma_wait3A_1049 : memref<1x32x64xf32, #tpu.memory_space<vmem>> -> memref<32x64xf32, #tpu.memory_space<vmem>>
      %dma_wait3A_1051 = arith.constant 0 : i32
      %dma_wait3A_1052 = tpu.memref_slice %arg6[%dma_wait3A_1045, %dma_wait3A_1051] : memref<20x32xi32, #tpu.memory_space<vmem>> -> memref<1x32xi32, #tpu.memory_space<vmem>>
      %dma_wait3A_1053 = tpu.memref_squeeze %dma_wait3A_1052 : memref<1x32xi32, #tpu.memory_space<vmem>> -> memref<32xi32, #tpu.memory_space<vmem>>
      %dma_wait3A_1054 = arith.constant 0 : i32
      %dma_wait3A_1055 = arith.constant 0 : i32
      %dma_wait3A_1056 = tpu.memref_slice %arg2[%dma_wait3A_1054, %dma_wait3A_1055] : memref<1000000x64xf32, #tpu.memory_space<hbm>> -> memref<1000000x64xf32, #tpu.memory_space<hbm>>
      tpu.wait_indirect_dma semaphore(%arg11 : memref<!tpu.dma_semaphore, #tpu.memory_space<semaphore_mem>>) src(%dma_wait3A_1056 : memref<1000000x64xf32, #tpu.memory_space<hbm>>) dst(%dma_wait3A_1050 : memref<32x64xf32, #tpu.memory_space<vmem>>)
      %dma_wait3A_1057 = arith.constant 18 : i32
      %dma_wait3A_1058 = arith.constant 18 : i32
      %dma_wait3A_1059 = arith.constant 0 : i32
      %dma_wait3A_1060 = arith.constant 0 : i32
      %dma_wait3A_1061 = tpu.memref_slice %arg8[%dma_wait3A_1058, %dma_wait3A_1059, %dma_wait3A_1060] : memref<20x32x64xf32, #tpu.memory_space<vmem>> -> memref<1x32x64xf32, #tpu.memory_space<vmem>>
      %dma_wait3A_1062 = tpu.memref_squeeze %dma_wait3A_1061 : memref<1x32x64xf32, #tpu.memory_space<vmem>> -> memref<32x64xf32, #tpu.memory_space<vmem>>
      %dma_wait3A_1063 = arith.constant 0 : i32
      %dma_wait3A_1064 = tpu.memref_slice %arg6[%dma_wait3A_1057, %dma_wait3A_1063] : memref<20x32xi32, #tpu.memory_space<vmem>> -> memref<1x32xi32, #tpu.memory_space<vmem>>
      %dma_wait3A_1065 = tpu.memref_squeeze %dma_wait3A_1064 : memref<1x32xi32, #tpu.memory_space<vmem>> -> memref<32xi32, #tpu.memory_space<vmem>>
      %dma_wait3A_1066 = arith.constant 0 : i32
      %dma_wait3A_1067 = arith.constant 0 : i32
      %dma_wait3A_1068 = tpu.memref_slice %arg2[%dma_wait3A_1066, %dma_wait3A_1067] : memref<1000000x64xf32, #tpu.memory_space<hbm>> -> memref<1000000x64xf32, #tpu.memory_space<hbm>>
      tpu.wait_indirect_dma semaphore(%arg11 : memref<!tpu.dma_semaphore, #tpu.memory_space<semaphore_mem>>) src(%dma_wait3A_1068 : memref<1000000x64xf32, #tpu.memory_space<hbm>>) dst(%dma_wait3A_1062 : memref<32x64xf32, #tpu.memory_space<vmem>>)
      %dma_wait3A_1069 = arith.constant 19 : i32
      %dma_wait3A_1070 = arith.constant 19 : i32
      %dma_wait3A_1071 = arith.constant 0 : i32
      %dma_wait3A_1072 = arith.constant 0 : i32
      %dma_wait3A_1073 = tpu.memref_slice %arg8[%dma_wait3A_1070, %dma_wait3A_1071, %dma_wait3A_1072] : memref<20x32x64xf32, #tpu.memory_space<vmem>> -> memref<1x32x64xf32, #tpu.memory_space<vmem>>
      %dma_wait3A_1074 = tpu.memref_squeeze %dma_wait3A_1073 : memref<1x32x64xf32, #tpu.memory_space<vmem>> -> memref<32x64xf32, #tpu.memory_space<vmem>>
      %dma_wait3A_1075 = arith.constant 0 : i32
      %dma_wait3A_1076 = tpu.memref_slice %arg6[%dma_wait3A_1069, %dma_wait3A_1075] : memref<20x32xi32, #tpu.memory_space<vmem>> -> memref<1x32xi32, #tpu.memory_space<vmem>>
      %dma_wait3A_1077 = tpu.memref_squeeze %dma_wait3A_1076 : memref<1x32xi32, #tpu.memory_space<vmem>> -> memref<32xi32, #tpu.memory_space<vmem>>
      %dma_wait3A_1078 = arith.constant 0 : i32
      %dma_wait3A_1079 = arith.constant 0 : i32
      %dma_wait3A_1080 = tpu.memref_slice %arg2[%dma_wait3A_1078, %dma_wait3A_1079] : memref<1000000x64xf32, #tpu.memory_space<hbm>> -> memref<1000000x64xf32, #tpu.memory_space<hbm>>
      tpu.wait_indirect_dma semaphore(%arg11 : memref<!tpu.dma_semaphore, #tpu.memory_space<semaphore_mem>>) src(%dma_wait3A_1080 : memref<1000000x64xf32, #tpu.memory_space<hbm>>) dst(%dma_wait3A_1074 : memref<32x64xf32, #tpu.memory_space<vmem>>)
      %lt3A_1081 = arith.constant 103 : i32
      %lt3A_1082 = arith.cmpi slt, %add3A_840, %lt3A_1081 : i32
      %convert_element_type3A_1083 = arith.extui %lt3A_1082 : i1 to i32
      %cond3A_1084 = arith.constant 0 : i32
      %cond3A_1085 = arith.cmpi ne, %convert_element_type3A_1083, %cond3A_1084 : i32
      scf.if %cond3A_1085 {
        %add3A_1142 = arith.constant 1 : i32
        %add3A_1143 = arith.addi %add3A_840, %add3A_1142 : i32
        %jit3A_1144 = arith.constant 4 : i32
        %div3A_1145 = arith.divsi %add3A_1143, %jit3A_1144 : i32
        %sign3A_1146 = arith.constant 0 : i32
        %sign3A_1147 = arith.cmpi sgt, %add3A_1143, %sign3A_1146 : i32
        %sign3A_1148 = arith.extui %sign3A_1147 : i1 to i32
        %sign3A_1149 = arith.constant 0 : i32
        %sign3A_1150 = arith.cmpi slt, %add3A_1143, %sign3A_1149 : i32
        %sign3A_1151 = arith.extui %sign3A_1150 : i1 to i32
        %sign3A_1152 = arith.subi %sign3A_1148, %sign3A_1151 : i32
        %sign3A_1153 = arith.constant 0 : i32
        %sign3A_1154 = arith.cmpi sgt, %jit3A_1144, %sign3A_1153 : i32
        %sign3A_1155 = arith.extui %sign3A_1154 : i1 to i32
        %sign3A_1156 = arith.constant 0 : i32
        %sign3A_1157 = arith.cmpi slt, %jit3A_1144, %sign3A_1156 : i32
        %sign3A_1158 = arith.extui %sign3A_1157 : i1 to i32
        %sign3A_1159 = arith.subi %sign3A_1155, %sign3A_1158 : i32
        %ne3A_1160 = arith.cmpi ne, %sign3A_1152, %sign3A_1159 : i32
        %rem3A_1161 = arith.remsi %add3A_1143, %jit3A_1144 : i32
        %ne3A_1162 = arith.constant 0 : i32
        %ne3A_1163 = arith.cmpi ne, %rem3A_1161, %ne3A_1162 : i32
        %and3A_1164 = arith.andi %ne3A_1160, %ne3A_1163 : i1
        %sub3A_1165 = arith.constant 1 : i32
        %sub3A_1166 = arith.subi %div3A_1145, %sub3A_1165 : i32
        %select_n3A_1167 = arith.select %and3A_1164, %sub3A_1166, %div3A_1145 : i32
        %jit3A_1168 = arith.constant 4 : i32
        %eq3A_1169 = arith.constant 0 : i32
        %eq3A_1170 = arith.cmpi eq, %jit3A_1168, %eq3A_1169 : i32
        %jit3A_1171 = arith.constant 1 : i32
        %select_n3A_1172 = arith.select %eq3A_1170, %jit3A_1171, %jit3A_1168 : i32
        %rem3A_1173 = arith.remsi %add3A_1143, %select_n3A_1172 : i32
        %ne3A_1174 = arith.constant 0 : i32
        %ne3A_1175 = arith.cmpi ne, %rem3A_1173, %ne3A_1174 : i32
        %lt3A_1176 = arith.constant 0 : i32
        %lt3A_1177 = arith.cmpi slt, %rem3A_1173, %lt3A_1176 : i32
        %lt3A_1178 = arith.constant 0 : i32
        %lt3A_1179 = arith.cmpi slt, %select_n3A_1172, %lt3A_1178 : i32
        %ne3A_1180 = arith.xori %lt3A_1177, %lt3A_1179 : i1
        %and3A_1181 = arith.andi %ne3A_1180, %ne3A_1175 : i1
        %add3A_1182 = arith.addi %rem3A_1173, %select_n3A_1172 : i32
        %select_n3A_1183 = arith.select %and3A_1181, %add3A_1182, %rem3A_1173 : i32
        %mul3A_1184 = arith.constant 32 : i32
        %mul3A_1185 = arith.muli %select_n3A_1183, %mul3A_1184 : i32
        %add3A_1186 = arith.addi %mul3A_2, %mul3A_1185 : i32
        %dma_wait3A_1187 = arith.constant 0 : i32
        %dma_wait3A_1188 = tpu.memref_slice %arg3[%select_n3A_1167, %dma_wait3A_1187, %add3A_1186] : memref<26x24x4096xi32, #tpu.memory_space<hbm>> -> memref<1x20x32xi32, #tpu.memory_space<hbm>>
        %dma_wait3A_1189 = tpu.memref_squeeze %dma_wait3A_1188 : memref<1x20x32xi32, #tpu.memory_space<hbm>> -> memref<20x32xi32, #tpu.memory_space<hbm>>
        %dma_wait3A_1190 = arith.constant 0 : i32
        %dma_wait3A_1191 = tpu.memref_slice %arg3[%select_n3A_1167, %dma_wait3A_1190, %add3A_1186] : memref<26x24x4096xi32, #tpu.memory_space<hbm>> -> memref<1x20x32xi32, #tpu.memory_space<hbm>>
        %dma_wait3A_1192 = tpu.memref_squeeze %dma_wait3A_1191 : memref<1x20x32xi32, #tpu.memory_space<hbm>> -> memref<20x32xi32, #tpu.memory_space<hbm>>
        tpu.wait_dma2 semaphore(%arg12 : memref<!tpu.dma_semaphore, #tpu.memory_space<semaphore_mem>>) src(%dma_wait3A_1192 : memref<20x32xi32, #tpu.memory_space<hbm>>) dst(%arg5 : memref<20x32xi32, #tpu.memory_space<vmem>>)
        %dma_start3A_1193 = arith.constant 0 : i32
        %dma_start3A_1194 = arith.constant 0 : i32
        %dma_start3A_1195 = arith.constant 0 : i32
        %dma_start3A_1196 = arith.constant 0 : i32
        %dma_start3A_1197 = tpu.memref_slice %arg7[%dma_start3A_1194, %dma_start3A_1195, %dma_start3A_1196] : memref<20x32x64xf32, #tpu.memory_space<vmem>> -> memref<1x32x64xf32, #tpu.memory_space<vmem>>
        %dma_start3A_1198 = tpu.memref_squeeze %dma_start3A_1197 : memref<1x32x64xf32, #tpu.memory_space<vmem>> -> memref<32x64xf32, #tpu.memory_space<vmem>>
        %dma_start3A_1199 = arith.constant 0 : i32
        %dma_start3A_1200 = tpu.memref_slice %arg5[%dma_start3A_1193, %dma_start3A_1199] : memref<20x32xi32, #tpu.memory_space<vmem>> -> memref<1x32xi32, #tpu.memory_space<vmem>>
        %dma_start3A_1201 = tpu.memref_squeeze %dma_start3A_1200 : memref<1x32xi32, #tpu.memory_space<vmem>> -> memref<32xi32, #tpu.memory_space<vmem>>
        %dma_start3A_1202 = arith.constant 0 : i32
        %dma_start3A_1203 = arith.constant 0 : i32
        %dma_start3A_1204 = tpu.memref_slice %arg2[%dma_start3A_1202, %dma_start3A_1203] : memref<1000000x64xf32, #tpu.memory_space<hbm>> -> memref<1000000x64xf32, #tpu.memory_space<hbm>>
        tpu.enqueue_indirect_dma source(%dma_start3A_1204 : memref<1000000x64xf32, #tpu.memory_space<hbm>>) target(%dma_start3A_1198 : memref<32x64xf32, #tpu.memory_space<vmem>>) offsets(%dma_start3A_1201 : memref<32xi32, #tpu.memory_space<vmem>>) semaphore(%arg10 : memref<!tpu.dma_semaphore, #tpu.memory_space<semaphore_mem>>)
        %dma_start3A_1205 = arith.constant 1 : i32
        %dma_start3A_1206 = arith.constant 1 : i32
        %dma_start3A_1207 = arith.constant 0 : i32
        %dma_start3A_1208 = arith.constant 0 : i32
        %dma_start3A_1209 = tpu.memref_slice %arg7[%dma_start3A_1206, %dma_start3A_1207, %dma_start3A_1208] : memref<20x32x64xf32, #tpu.memory_space<vmem>> -> memref<1x32x64xf32, #tpu.memory_space<vmem>>
        %dma_start3A_1210 = tpu.memref_squeeze %dma_start3A_1209 : memref<1x32x64xf32, #tpu.memory_space<vmem>> -> memref<32x64xf32, #tpu.memory_space<vmem>>
        %dma_start3A_1211 = arith.constant 0 : i32
        %dma_start3A_1212 = tpu.memref_slice %arg5[%dma_start3A_1205, %dma_start3A_1211] : memref<20x32xi32, #tpu.memory_space<vmem>> -> memref<1x32xi32, #tpu.memory_space<vmem>>
        %dma_start3A_1213 = tpu.memref_squeeze %dma_start3A_1212 : memref<1x32xi32, #tpu.memory_space<vmem>> -> memref<32xi32, #tpu.memory_space<vmem>>
        %dma_start3A_1214 = arith.constant 0 : i32
        %dma_start3A_1215 = arith.constant 0 : i32
        %dma_start3A_1216 = tpu.memref_slice %arg2[%dma_start3A_1214, %dma_start3A_1215] : memref<1000000x64xf32, #tpu.memory_space<hbm>> -> memref<1000000x64xf32, #tpu.memory_space<hbm>>
        tpu.enqueue_indirect_dma source(%dma_start3A_1216 : memref<1000000x64xf32, #tpu.memory_space<hbm>>) target(%dma_start3A_1210 : memref<32x64xf32, #tpu.memory_space<vmem>>) offsets(%dma_start3A_1213 : memref<32xi32, #tpu.memory_space<vmem>>) semaphore(%arg10 : memref<!tpu.dma_semaphore, #tpu.memory_space<semaphore_mem>>)
        %dma_start3A_1217 = arith.constant 2 : i32
        %dma_start3A_1218 = arith.constant 2 : i32
        %dma_start3A_1219 = arith.constant 0 : i32
        %dma_start3A_1220 = arith.constant 0 : i32
        %dma_start3A_1221 = tpu.memref_slice %arg7[%dma_start3A_1218, %dma_start3A_1219, %dma_start3A_1220] : memref<20x32x64xf32, #tpu.memory_space<vmem>> -> memref<1x32x64xf32, #tpu.memory_space<vmem>>
        %dma_start3A_1222 = tpu.memref_squeeze %dma_start3A_1221 : memref<1x32x64xf32, #tpu.memory_space<vmem>> -> memref<32x64xf32, #tpu.memory_space<vmem>>
        %dma_start3A_1223 = arith.constant 0 : i32
        %dma_start3A_1224 = tpu.memref_slice %arg5[%dma_start3A_1217, %dma_start3A_1223] : memref<20x32xi32, #tpu.memory_space<vmem>> -> memref<1x32xi32, #tpu.memory_space<vmem>>
        %dma_start3A_1225 = tpu.memref_squeeze %dma_start3A_1224 : memref<1x32xi32, #tpu.memory_space<vmem>> -> memref<32xi32, #tpu.memory_space<vmem>>
        %dma_start3A_1226 = arith.constant 0 : i32
        %dma_start3A_1227 = arith.constant 0 : i32
        %dma_start3A_1228 = tpu.memref_slice %arg2[%dma_start3A_1226, %dma_start3A_1227] : memref<1000000x64xf32, #tpu.memory_space<hbm>> -> memref<1000000x64xf32, #tpu.memory_space<hbm>>
        tpu.enqueue_indirect_dma source(%dma_start3A_1228 : memref<1000000x64xf32, #tpu.memory_space<hbm>>) target(%dma_start3A_1222 : memref<32x64xf32, #tpu.memory_space<vmem>>) offsets(%dma_start3A_1225 : memref<32xi32, #tpu.memory_space<vmem>>) semaphore(%arg10 : memref<!tpu.dma_semaphore, #tpu.memory_space<semaphore_mem>>)
        %dma_start3A_1229 = arith.constant 3 : i32
        %dma_start3A_1230 = arith.constant 3 : i32
        %dma_start3A_1231 = arith.constant 0 : i32
        %dma_start3A_1232 = arith.constant 0 : i32
        %dma_start3A_1233 = tpu.memref_slice %arg7[%dma_start3A_1230, %dma_start3A_1231, %dma_start3A_1232] : memref<20x32x64xf32, #tpu.memory_space<vmem>> -> memref<1x32x64xf32, #tpu.memory_space<vmem>>
        %dma_start3A_1234 = tpu.memref_squeeze %dma_start3A_1233 : memref<1x32x64xf32, #tpu.memory_space<vmem>> -> memref<32x64xf32, #tpu.memory_space<vmem>>
        %dma_start3A_1235 = arith.constant 0 : i32
        %dma_start3A_1236 = tpu.memref_slice %arg5[%dma_start3A_1229, %dma_start3A_1235] : memref<20x32xi32, #tpu.memory_space<vmem>> -> memref<1x32xi32, #tpu.memory_space<vmem>>
        %dma_start3A_1237 = tpu.memref_squeeze %dma_start3A_1236 : memref<1x32xi32, #tpu.memory_space<vmem>> -> memref<32xi32, #tpu.memory_space<vmem>>
        %dma_start3A_1238 = arith.constant 0 : i32
        %dma_start3A_1239 = arith.constant 0 : i32
        %dma_start3A_1240 = tpu.memref_slice %arg2[%dma_start3A_1238, %dma_start3A_1239] : memref<1000000x64xf32, #tpu.memory_space<hbm>> -> memref<1000000x64xf32, #tpu.memory_space<hbm>>
        tpu.enqueue_indirect_dma source(%dma_start3A_1240 : memref<1000000x64xf32, #tpu.memory_space<hbm>>) target(%dma_start3A_1234 : memref<32x64xf32, #tpu.memory_space<vmem>>) offsets(%dma_start3A_1237 : memref<32xi32, #tpu.memory_space<vmem>>) semaphore(%arg10 : memref<!tpu.dma_semaphore, #tpu.memory_space<semaphore_mem>>)
        %dma_start3A_1241 = arith.constant 4 : i32
        %dma_start3A_1242 = arith.constant 4 : i32
        %dma_start3A_1243 = arith.constant 0 : i32
        %dma_start3A_1244 = arith.constant 0 : i32
        %dma_start3A_1245 = tpu.memref_slice %arg7[%dma_start3A_1242, %dma_start3A_1243, %dma_start3A_1244] : memref<20x32x64xf32, #tpu.memory_space<vmem>> -> memref<1x32x64xf32, #tpu.memory_space<vmem>>
        %dma_start3A_1246 = tpu.memref_squeeze %dma_start3A_1245 : memref<1x32x64xf32, #tpu.memory_space<vmem>> -> memref<32x64xf32, #tpu.memory_space<vmem>>
        %dma_start3A_1247 = arith.constant 0 : i32
        %dma_start3A_1248 = tpu.memref_slice %arg5[%dma_start3A_1241, %dma_start3A_1247] : memref<20x32xi32, #tpu.memory_space<vmem>> -> memref<1x32xi32, #tpu.memory_space<vmem>>
        %dma_start3A_1249 = tpu.memref_squeeze %dma_start3A_1248 : memref<1x32xi32, #tpu.memory_space<vmem>> -> memref<32xi32, #tpu.memory_space<vmem>>
        %dma_start3A_1250 = arith.constant 0 : i32
        %dma_start3A_1251 = arith.constant 0 : i32
        %dma_start3A_1252 = tpu.memref_slice %arg2[%dma_start3A_1250, %dma_start3A_1251] : memref<1000000x64xf32, #tpu.memory_space<hbm>> -> memref<1000000x64xf32, #tpu.memory_space<hbm>>
        tpu.enqueue_indirect_dma source(%dma_start3A_1252 : memref<1000000x64xf32, #tpu.memory_space<hbm>>) target(%dma_start3A_1246 : memref<32x64xf32, #tpu.memory_space<vmem>>) offsets(%dma_start3A_1249 : memref<32xi32, #tpu.memory_space<vmem>>) semaphore(%arg10 : memref<!tpu.dma_semaphore, #tpu.memory_space<semaphore_mem>>)
        %dma_start3A_1253 = arith.constant 5 : i32
        %dma_start3A_1254 = arith.constant 5 : i32
        %dma_start3A_1255 = arith.constant 0 : i32
        %dma_start3A_1256 = arith.constant 0 : i32
        %dma_start3A_1257 = tpu.memref_slice %arg7[%dma_start3A_1254, %dma_start3A_1255, %dma_start3A_1256] : memref<20x32x64xf32, #tpu.memory_space<vmem>> -> memref<1x32x64xf32, #tpu.memory_space<vmem>>
        %dma_start3A_1258 = tpu.memref_squeeze %dma_start3A_1257 : memref<1x32x64xf32, #tpu.memory_space<vmem>> -> memref<32x64xf32, #tpu.memory_space<vmem>>
        %dma_start3A_1259 = arith.constant 0 : i32
        %dma_start3A_1260 = tpu.memref_slice %arg5[%dma_start3A_1253, %dma_start3A_1259] : memref<20x32xi32, #tpu.memory_space<vmem>> -> memref<1x32xi32, #tpu.memory_space<vmem>>
        %dma_start3A_1261 = tpu.memref_squeeze %dma_start3A_1260 : memref<1x32xi32, #tpu.memory_space<vmem>> -> memref<32xi32, #tpu.memory_space<vmem>>
        %dma_start3A_1262 = arith.constant 0 : i32
        %dma_start3A_1263 = arith.constant 0 : i32
        %dma_start3A_1264 = tpu.memref_slice %arg2[%dma_start3A_1262, %dma_start3A_1263] : memref<1000000x64xf32, #tpu.memory_space<hbm>> -> memref<1000000x64xf32, #tpu.memory_space<hbm>>
        tpu.enqueue_indirect_dma source(%dma_start3A_1264 : memref<1000000x64xf32, #tpu.memory_space<hbm>>) target(%dma_start3A_1258 : memref<32x64xf32, #tpu.memory_space<vmem>>) offsets(%dma_start3A_1261 : memref<32xi32, #tpu.memory_space<vmem>>) semaphore(%arg10 : memref<!tpu.dma_semaphore, #tpu.memory_space<semaphore_mem>>)
        %dma_start3A_1265 = arith.constant 6 : i32
        %dma_start3A_1266 = arith.constant 6 : i32
        %dma_start3A_1267 = arith.constant 0 : i32
        %dma_start3A_1268 = arith.constant 0 : i32
        %dma_start3A_1269 = tpu.memref_slice %arg7[%dma_start3A_1266, %dma_start3A_1267, %dma_start3A_1268] : memref<20x32x64xf32, #tpu.memory_space<vmem>> -> memref<1x32x64xf32, #tpu.memory_space<vmem>>
        %dma_start3A_1270 = tpu.memref_squeeze %dma_start3A_1269 : memref<1x32x64xf32, #tpu.memory_space<vmem>> -> memref<32x64xf32, #tpu.memory_space<vmem>>
        %dma_start3A_1271 = arith.constant 0 : i32
        %dma_start3A_1272 = tpu.memref_slice %arg5[%dma_start3A_1265, %dma_start3A_1271] : memref<20x32xi32, #tpu.memory_space<vmem>> -> memref<1x32xi32, #tpu.memory_space<vmem>>
        %dma_start3A_1273 = tpu.memref_squeeze %dma_start3A_1272 : memref<1x32xi32, #tpu.memory_space<vmem>> -> memref<32xi32, #tpu.memory_space<vmem>>
        %dma_start3A_1274 = arith.constant 0 : i32
        %dma_start3A_1275 = arith.constant 0 : i32
        %dma_start3A_1276 = tpu.memref_slice %arg2[%dma_start3A_1274, %dma_start3A_1275] : memref<1000000x64xf32, #tpu.memory_space<hbm>> -> memref<1000000x64xf32, #tpu.memory_space<hbm>>
        tpu.enqueue_indirect_dma source(%dma_start3A_1276 : memref<1000000x64xf32, #tpu.memory_space<hbm>>) target(%dma_start3A_1270 : memref<32x64xf32, #tpu.memory_space<vmem>>) offsets(%dma_start3A_1273 : memref<32xi32, #tpu.memory_space<vmem>>) semaphore(%arg10 : memref<!tpu.dma_semaphore, #tpu.memory_space<semaphore_mem>>)
        %dma_start3A_1277 = arith.constant 7 : i32
        %dma_start3A_1278 = arith.constant 7 : i32
        %dma_start3A_1279 = arith.constant 0 : i32
        %dma_start3A_1280 = arith.constant 0 : i32
        %dma_start3A_1281 = tpu.memref_slice %arg7[%dma_start3A_1278, %dma_start3A_1279, %dma_start3A_1280] : memref<20x32x64xf32, #tpu.memory_space<vmem>> -> memref<1x32x64xf32, #tpu.memory_space<vmem>>
        %dma_start3A_1282 = tpu.memref_squeeze %dma_start3A_1281 : memref<1x32x64xf32, #tpu.memory_space<vmem>> -> memref<32x64xf32, #tpu.memory_space<vmem>>
        %dma_start3A_1283 = arith.constant 0 : i32
        %dma_start3A_1284 = tpu.memref_slice %arg5[%dma_start3A_1277, %dma_start3A_1283] : memref<20x32xi32, #tpu.memory_space<vmem>> -> memref<1x32xi32, #tpu.memory_space<vmem>>
        %dma_start3A_1285 = tpu.memref_squeeze %dma_start3A_1284 : memref<1x32xi32, #tpu.memory_space<vmem>> -> memref<32xi32, #tpu.memory_space<vmem>>
        %dma_start3A_1286 = arith.constant 0 : i32
        %dma_start3A_1287 = arith.constant 0 : i32
        %dma_start3A_1288 = tpu.memref_slice %arg2[%dma_start3A_1286, %dma_start3A_1287] : memref<1000000x64xf32, #tpu.memory_space<hbm>> -> memref<1000000x64xf32, #tpu.memory_space<hbm>>
        tpu.enqueue_indirect_dma source(%dma_start3A_1288 : memref<1000000x64xf32, #tpu.memory_space<hbm>>) target(%dma_start3A_1282 : memref<32x64xf32, #tpu.memory_space<vmem>>) offsets(%dma_start3A_1285 : memref<32xi32, #tpu.memory_space<vmem>>) semaphore(%arg10 : memref<!tpu.dma_semaphore, #tpu.memory_space<semaphore_mem>>)
        %dma_start3A_1289 = arith.constant 8 : i32
        %dma_start3A_1290 = arith.constant 8 : i32
        %dma_start3A_1291 = arith.constant 0 : i32
        %dma_start3A_1292 = arith.constant 0 : i32
        %dma_start3A_1293 = tpu.memref_slice %arg7[%dma_start3A_1290, %dma_start3A_1291, %dma_start3A_1292] : memref<20x32x64xf32, #tpu.memory_space<vmem>> -> memref<1x32x64xf32, #tpu.memory_space<vmem>>
        %dma_start3A_1294 = tpu.memref_squeeze %dma_start3A_1293 : memref<1x32x64xf32, #tpu.memory_space<vmem>> -> memref<32x64xf32, #tpu.memory_space<vmem>>
        %dma_start3A_1295 = arith.constant 0 : i32
        %dma_start3A_1296 = tpu.memref_slice %arg5[%dma_start3A_1289, %dma_start3A_1295] : memref<20x32xi32, #tpu.memory_space<vmem>> -> memref<1x32xi32, #tpu.memory_space<vmem>>
        %dma_start3A_1297 = tpu.memref_squeeze %dma_start3A_1296 : memref<1x32xi32, #tpu.memory_space<vmem>> -> memref<32xi32, #tpu.memory_space<vmem>>
        %dma_start3A_1298 = arith.constant 0 : i32
        %dma_start3A_1299 = arith.constant 0 : i32
        %dma_start3A_1300 = tpu.memref_slice %arg2[%dma_start3A_1298, %dma_start3A_1299] : memref<1000000x64xf32, #tpu.memory_space<hbm>> -> memref<1000000x64xf32, #tpu.memory_space<hbm>>
        tpu.enqueue_indirect_dma source(%dma_start3A_1300 : memref<1000000x64xf32, #tpu.memory_space<hbm>>) target(%dma_start3A_1294 : memref<32x64xf32, #tpu.memory_space<vmem>>) offsets(%dma_start3A_1297 : memref<32xi32, #tpu.memory_space<vmem>>) semaphore(%arg10 : memref<!tpu.dma_semaphore, #tpu.memory_space<semaphore_mem>>)
        %dma_start3A_1301 = arith.constant 9 : i32
        %dma_start3A_1302 = arith.constant 9 : i32
        %dma_start3A_1303 = arith.constant 0 : i32
        %dma_start3A_1304 = arith.constant 0 : i32
        %dma_start3A_1305 = tpu.memref_slice %arg7[%dma_start3A_1302, %dma_start3A_1303, %dma_start3A_1304] : memref<20x32x64xf32, #tpu.memory_space<vmem>> -> memref<1x32x64xf32, #tpu.memory_space<vmem>>
        %dma_start3A_1306 = tpu.memref_squeeze %dma_start3A_1305 : memref<1x32x64xf32, #tpu.memory_space<vmem>> -> memref<32x64xf32, #tpu.memory_space<vmem>>
        %dma_start3A_1307 = arith.constant 0 : i32
        %dma_start3A_1308 = tpu.memref_slice %arg5[%dma_start3A_1301, %dma_start3A_1307] : memref<20x32xi32, #tpu.memory_space<vmem>> -> memref<1x32xi32, #tpu.memory_space<vmem>>
        %dma_start3A_1309 = tpu.memref_squeeze %dma_start3A_1308 : memref<1x32xi32, #tpu.memory_space<vmem>> -> memref<32xi32, #tpu.memory_space<vmem>>
        %dma_start3A_1310 = arith.constant 0 : i32
        %dma_start3A_1311 = arith.constant 0 : i32
        %dma_start3A_1312 = tpu.memref_slice %arg2[%dma_start3A_1310, %dma_start3A_1311] : memref<1000000x64xf32, #tpu.memory_space<hbm>> -> memref<1000000x64xf32, #tpu.memory_space<hbm>>
        tpu.enqueue_indirect_dma source(%dma_start3A_1312 : memref<1000000x64xf32, #tpu.memory_space<hbm>>) target(%dma_start3A_1306 : memref<32x64xf32, #tpu.memory_space<vmem>>) offsets(%dma_start3A_1309 : memref<32xi32, #tpu.memory_space<vmem>>) semaphore(%arg10 : memref<!tpu.dma_semaphore, #tpu.memory_space<semaphore_mem>>)
        %dma_start3A_1313 = arith.constant 10 : i32
        %dma_start3A_1314 = arith.constant 10 : i32
        %dma_start3A_1315 = arith.constant 0 : i32
        %dma_start3A_1316 = arith.constant 0 : i32
        %dma_start3A_1317 = tpu.memref_slice %arg7[%dma_start3A_1314, %dma_start3A_1315, %dma_start3A_1316] : memref<20x32x64xf32, #tpu.memory_space<vmem>> -> memref<1x32x64xf32, #tpu.memory_space<vmem>>
        %dma_start3A_1318 = tpu.memref_squeeze %dma_start3A_1317 : memref<1x32x64xf32, #tpu.memory_space<vmem>> -> memref<32x64xf32, #tpu.memory_space<vmem>>
        %dma_start3A_1319 = arith.constant 0 : i32
        %dma_start3A_1320 = tpu.memref_slice %arg5[%dma_start3A_1313, %dma_start3A_1319] : memref<20x32xi32, #tpu.memory_space<vmem>> -> memref<1x32xi32, #tpu.memory_space<vmem>>
        %dma_start3A_1321 = tpu.memref_squeeze %dma_start3A_1320 : memref<1x32xi32, #tpu.memory_space<vmem>> -> memref<32xi32, #tpu.memory_space<vmem>>
        %dma_start3A_1322 = arith.constant 0 : i32
        %dma_start3A_1323 = arith.constant 0 : i32
        %dma_start3A_1324 = tpu.memref_slice %arg2[%dma_start3A_1322, %dma_start3A_1323] : memref<1000000x64xf32, #tpu.memory_space<hbm>> -> memref<1000000x64xf32, #tpu.memory_space<hbm>>
        tpu.enqueue_indirect_dma source(%dma_start3A_1324 : memref<1000000x64xf32, #tpu.memory_space<hbm>>) target(%dma_start3A_1318 : memref<32x64xf32, #tpu.memory_space<vmem>>) offsets(%dma_start3A_1321 : memref<32xi32, #tpu.memory_space<vmem>>) semaphore(%arg10 : memref<!tpu.dma_semaphore, #tpu.memory_space<semaphore_mem>>)
        %dma_start3A_1325 = arith.constant 11 : i32
        %dma_start3A_1326 = arith.constant 11 : i32
        %dma_start3A_1327 = arith.constant 0 : i32
        %dma_start3A_1328 = arith.constant 0 : i32
        %dma_start3A_1329 = tpu.memref_slice %arg7[%dma_start3A_1326, %dma_start3A_1327, %dma_start3A_1328] : memref<20x32x64xf32, #tpu.memory_space<vmem>> -> memref<1x32x64xf32, #tpu.memory_space<vmem>>
        %dma_start3A_1330 = tpu.memref_squeeze %dma_start3A_1329 : memref<1x32x64xf32, #tpu.memory_space<vmem>> -> memref<32x64xf32, #tpu.memory_space<vmem>>
        %dma_start3A_1331 = arith.constant 0 : i32
        %dma_start3A_1332 = tpu.memref_slice %arg5[%dma_start3A_1325, %dma_start3A_1331] : memref<20x32xi32, #tpu.memory_space<vmem>> -> memref<1x32xi32, #tpu.memory_space<vmem>>
        %dma_start3A_1333 = tpu.memref_squeeze %dma_start3A_1332 : memref<1x32xi32, #tpu.memory_space<vmem>> -> memref<32xi32, #tpu.memory_space<vmem>>
        %dma_start3A_1334 = arith.constant 0 : i32
        %dma_start3A_1335 = arith.constant 0 : i32
        %dma_start3A_1336 = tpu.memref_slice %arg2[%dma_start3A_1334, %dma_start3A_1335] : memref<1000000x64xf32, #tpu.memory_space<hbm>> -> memref<1000000x64xf32, #tpu.memory_space<hbm>>
        tpu.enqueue_indirect_dma source(%dma_start3A_1336 : memref<1000000x64xf32, #tpu.memory_space<hbm>>) target(%dma_start3A_1330 : memref<32x64xf32, #tpu.memory_space<vmem>>) offsets(%dma_start3A_1333 : memref<32xi32, #tpu.memory_space<vmem>>) semaphore(%arg10 : memref<!tpu.dma_semaphore, #tpu.memory_space<semaphore_mem>>)
        %dma_start3A_1337 = arith.constant 12 : i32
        %dma_start3A_1338 = arith.constant 12 : i32
        %dma_start3A_1339 = arith.constant 0 : i32
        %dma_start3A_1340 = arith.constant 0 : i32
        %dma_start3A_1341 = tpu.memref_slice %arg7[%dma_start3A_1338, %dma_start3A_1339, %dma_start3A_1340] : memref<20x32x64xf32, #tpu.memory_space<vmem>> -> memref<1x32x64xf32, #tpu.memory_space<vmem>>
        %dma_start3A_1342 = tpu.memref_squeeze %dma_start3A_1341 : memref<1x32x64xf32, #tpu.memory_space<vmem>> -> memref<32x64xf32, #tpu.memory_space<vmem>>
        %dma_start3A_1343 = arith.constant 0 : i32
        %dma_start3A_1344 = tpu.memref_slice %arg5[%dma_start3A_1337, %dma_start3A_1343] : memref<20x32xi32, #tpu.memory_space<vmem>> -> memref<1x32xi32, #tpu.memory_space<vmem>>
        %dma_start3A_1345 = tpu.memref_squeeze %dma_start3A_1344 : memref<1x32xi32, #tpu.memory_space<vmem>> -> memref<32xi32, #tpu.memory_space<vmem>>
        %dma_start3A_1346 = arith.constant 0 : i32
        %dma_start3A_1347 = arith.constant 0 : i32
        %dma_start3A_1348 = tpu.memref_slice %arg2[%dma_start3A_1346, %dma_start3A_1347] : memref<1000000x64xf32, #tpu.memory_space<hbm>> -> memref<1000000x64xf32, #tpu.memory_space<hbm>>
        tpu.enqueue_indirect_dma source(%dma_start3A_1348 : memref<1000000x64xf32, #tpu.memory_space<hbm>>) target(%dma_start3A_1342 : memref<32x64xf32, #tpu.memory_space<vmem>>) offsets(%dma_start3A_1345 : memref<32xi32, #tpu.memory_space<vmem>>) semaphore(%arg10 : memref<!tpu.dma_semaphore, #tpu.memory_space<semaphore_mem>>)
        %dma_start3A_1349 = arith.constant 13 : i32
        %dma_start3A_1350 = arith.constant 13 : i32
        %dma_start3A_1351 = arith.constant 0 : i32
        %dma_start3A_1352 = arith.constant 0 : i32
        %dma_start3A_1353 = tpu.memref_slice %arg7[%dma_start3A_1350, %dma_start3A_1351, %dma_start3A_1352] : memref<20x32x64xf32, #tpu.memory_space<vmem>> -> memref<1x32x64xf32, #tpu.memory_space<vmem>>
        %dma_start3A_1354 = tpu.memref_squeeze %dma_start3A_1353 : memref<1x32x64xf32, #tpu.memory_space<vmem>> -> memref<32x64xf32, #tpu.memory_space<vmem>>
        %dma_start3A_1355 = arith.constant 0 : i32
        %dma_start3A_1356 = tpu.memref_slice %arg5[%dma_start3A_1349, %dma_start3A_1355] : memref<20x32xi32, #tpu.memory_space<vmem>> -> memref<1x32xi32, #tpu.memory_space<vmem>>
        %dma_start3A_1357 = tpu.memref_squeeze %dma_start3A_1356 : memref<1x32xi32, #tpu.memory_space<vmem>> -> memref<32xi32, #tpu.memory_space<vmem>>
        %dma_start3A_1358 = arith.constant 0 : i32
        %dma_start3A_1359 = arith.constant 0 : i32
        %dma_start3A_1360 = tpu.memref_slice %arg2[%dma_start3A_1358, %dma_start3A_1359] : memref<1000000x64xf32, #tpu.memory_space<hbm>> -> memref<1000000x64xf32, #tpu.memory_space<hbm>>
        tpu.enqueue_indirect_dma source(%dma_start3A_1360 : memref<1000000x64xf32, #tpu.memory_space<hbm>>) target(%dma_start3A_1354 : memref<32x64xf32, #tpu.memory_space<vmem>>) offsets(%dma_start3A_1357 : memref<32xi32, #tpu.memory_space<vmem>>) semaphore(%arg10 : memref<!tpu.dma_semaphore, #tpu.memory_space<semaphore_mem>>)
        %dma_start3A_1361 = arith.constant 14 : i32
        %dma_start3A_1362 = arith.constant 14 : i32
        %dma_start3A_1363 = arith.constant 0 : i32
        %dma_start3A_1364 = arith.constant 0 : i32
        %dma_start3A_1365 = tpu.memref_slice %arg7[%dma_start3A_1362, %dma_start3A_1363, %dma_start3A_1364] : memref<20x32x64xf32, #tpu.memory_space<vmem>> -> memref<1x32x64xf32, #tpu.memory_space<vmem>>
        %dma_start3A_1366 = tpu.memref_squeeze %dma_start3A_1365 : memref<1x32x64xf32, #tpu.memory_space<vmem>> -> memref<32x64xf32, #tpu.memory_space<vmem>>
        %dma_start3A_1367 = arith.constant 0 : i32
        %dma_start3A_1368 = tpu.memref_slice %arg5[%dma_start3A_1361, %dma_start3A_1367] : memref<20x32xi32, #tpu.memory_space<vmem>> -> memref<1x32xi32, #tpu.memory_space<vmem>>
        %dma_start3A_1369 = tpu.memref_squeeze %dma_start3A_1368 : memref<1x32xi32, #tpu.memory_space<vmem>> -> memref<32xi32, #tpu.memory_space<vmem>>
        %dma_start3A_1370 = arith.constant 0 : i32
        %dma_start3A_1371 = arith.constant 0 : i32
        %dma_start3A_1372 = tpu.memref_slice %arg2[%dma_start3A_1370, %dma_start3A_1371] : memref<1000000x64xf32, #tpu.memory_space<hbm>> -> memref<1000000x64xf32, #tpu.memory_space<hbm>>
        tpu.enqueue_indirect_dma source(%dma_start3A_1372 : memref<1000000x64xf32, #tpu.memory_space<hbm>>) target(%dma_start3A_1366 : memref<32x64xf32, #tpu.memory_space<vmem>>) offsets(%dma_start3A_1369 : memref<32xi32, #tpu.memory_space<vmem>>) semaphore(%arg10 : memref<!tpu.dma_semaphore, #tpu.memory_space<semaphore_mem>>)
        %dma_start3A_1373 = arith.constant 15 : i32
        %dma_start3A_1374 = arith.constant 15 : i32
        %dma_start3A_1375 = arith.constant 0 : i32
        %dma_start3A_1376 = arith.constant 0 : i32
        %dma_start3A_1377 = tpu.memref_slice %arg7[%dma_start3A_1374, %dma_start3A_1375, %dma_start3A_1376] : memref<20x32x64xf32, #tpu.memory_space<vmem>> -> memref<1x32x64xf32, #tpu.memory_space<vmem>>
        %dma_start3A_1378 = tpu.memref_squeeze %dma_start3A_1377 : memref<1x32x64xf32, #tpu.memory_space<vmem>> -> memref<32x64xf32, #tpu.memory_space<vmem>>
        %dma_start3A_1379 = arith.constant 0 : i32
        %dma_start3A_1380 = tpu.memref_slice %arg5[%dma_start3A_1373, %dma_start3A_1379] : memref<20x32xi32, #tpu.memory_space<vmem>> -> memref<1x32xi32, #tpu.memory_space<vmem>>
        %dma_start3A_1381 = tpu.memref_squeeze %dma_start3A_1380 : memref<1x32xi32, #tpu.memory_space<vmem>> -> memref<32xi32, #tpu.memory_space<vmem>>
        %dma_start3A_1382 = arith.constant 0 : i32
        %dma_start3A_1383 = arith.constant 0 : i32
        %dma_start3A_1384 = tpu.memref_slice %arg2[%dma_start3A_1382, %dma_start3A_1383] : memref<1000000x64xf32, #tpu.memory_space<hbm>> -> memref<1000000x64xf32, #tpu.memory_space<hbm>>
        tpu.enqueue_indirect_dma source(%dma_start3A_1384 : memref<1000000x64xf32, #tpu.memory_space<hbm>>) target(%dma_start3A_1378 : memref<32x64xf32, #tpu.memory_space<vmem>>) offsets(%dma_start3A_1381 : memref<32xi32, #tpu.memory_space<vmem>>) semaphore(%arg10 : memref<!tpu.dma_semaphore, #tpu.memory_space<semaphore_mem>>)
        %dma_start3A_1385 = arith.constant 16 : i32
        %dma_start3A_1386 = arith.constant 16 : i32
        %dma_start3A_1387 = arith.constant 0 : i32
        %dma_start3A_1388 = arith.constant 0 : i32
        %dma_start3A_1389 = tpu.memref_slice %arg7[%dma_start3A_1386, %dma_start3A_1387, %dma_start3A_1388] : memref<20x32x64xf32, #tpu.memory_space<vmem>> -> memref<1x32x64xf32, #tpu.memory_space<vmem>>
        %dma_start3A_1390 = tpu.memref_squeeze %dma_start3A_1389 : memref<1x32x64xf32, #tpu.memory_space<vmem>> -> memref<32x64xf32, #tpu.memory_space<vmem>>
        %dma_start3A_1391 = arith.constant 0 : i32
        %dma_start3A_1392 = tpu.memref_slice %arg5[%dma_start3A_1385, %dma_start3A_1391] : memref<20x32xi32, #tpu.memory_space<vmem>> -> memref<1x32xi32, #tpu.memory_space<vmem>>
        %dma_start3A_1393 = tpu.memref_squeeze %dma_start3A_1392 : memref<1x32xi32, #tpu.memory_space<vmem>> -> memref<32xi32, #tpu.memory_space<vmem>>
        %dma_start3A_1394 = arith.constant 0 : i32
        %dma_start3A_1395 = arith.constant 0 : i32
        %dma_start3A_1396 = tpu.memref_slice %arg2[%dma_start3A_1394, %dma_start3A_1395] : memref<1000000x64xf32, #tpu.memory_space<hbm>> -> memref<1000000x64xf32, #tpu.memory_space<hbm>>
        tpu.enqueue_indirect_dma source(%dma_start3A_1396 : memref<1000000x64xf32, #tpu.memory_space<hbm>>) target(%dma_start3A_1390 : memref<32x64xf32, #tpu.memory_space<vmem>>) offsets(%dma_start3A_1393 : memref<32xi32, #tpu.memory_space<vmem>>) semaphore(%arg10 : memref<!tpu.dma_semaphore, #tpu.memory_space<semaphore_mem>>)
        %dma_start3A_1397 = arith.constant 17 : i32
        %dma_start3A_1398 = arith.constant 17 : i32
        %dma_start3A_1399 = arith.constant 0 : i32
        %dma_start3A_1400 = arith.constant 0 : i32
        %dma_start3A_1401 = tpu.memref_slice %arg7[%dma_start3A_1398, %dma_start3A_1399, %dma_start3A_1400] : memref<20x32x64xf32, #tpu.memory_space<vmem>> -> memref<1x32x64xf32, #tpu.memory_space<vmem>>
        %dma_start3A_1402 = tpu.memref_squeeze %dma_start3A_1401 : memref<1x32x64xf32, #tpu.memory_space<vmem>> -> memref<32x64xf32, #tpu.memory_space<vmem>>
        %dma_start3A_1403 = arith.constant 0 : i32
        %dma_start3A_1404 = tpu.memref_slice %arg5[%dma_start3A_1397, %dma_start3A_1403] : memref<20x32xi32, #tpu.memory_space<vmem>> -> memref<1x32xi32, #tpu.memory_space<vmem>>
        %dma_start3A_1405 = tpu.memref_squeeze %dma_start3A_1404 : memref<1x32xi32, #tpu.memory_space<vmem>> -> memref<32xi32, #tpu.memory_space<vmem>>
        %dma_start3A_1406 = arith.constant 0 : i32
        %dma_start3A_1407 = arith.constant 0 : i32
        %dma_start3A_1408 = tpu.memref_slice %arg2[%dma_start3A_1406, %dma_start3A_1407] : memref<1000000x64xf32, #tpu.memory_space<hbm>> -> memref<1000000x64xf32, #tpu.memory_space<hbm>>
        tpu.enqueue_indirect_dma source(%dma_start3A_1408 : memref<1000000x64xf32, #tpu.memory_space<hbm>>) target(%dma_start3A_1402 : memref<32x64xf32, #tpu.memory_space<vmem>>) offsets(%dma_start3A_1405 : memref<32xi32, #tpu.memory_space<vmem>>) semaphore(%arg10 : memref<!tpu.dma_semaphore, #tpu.memory_space<semaphore_mem>>)
        %dma_start3A_1409 = arith.constant 18 : i32
        %dma_start3A_1410 = arith.constant 18 : i32
        %dma_start3A_1411 = arith.constant 0 : i32
        %dma_start3A_1412 = arith.constant 0 : i32
        %dma_start3A_1413 = tpu.memref_slice %arg7[%dma_start3A_1410, %dma_start3A_1411, %dma_start3A_1412] : memref<20x32x64xf32, #tpu.memory_space<vmem>> -> memref<1x32x64xf32, #tpu.memory_space<vmem>>
        %dma_start3A_1414 = tpu.memref_squeeze %dma_start3A_1413 : memref<1x32x64xf32, #tpu.memory_space<vmem>> -> memref<32x64xf32, #tpu.memory_space<vmem>>
        %dma_start3A_1415 = arith.constant 0 : i32
        %dma_start3A_1416 = tpu.memref_slice %arg5[%dma_start3A_1409, %dma_start3A_1415] : memref<20x32xi32, #tpu.memory_space<vmem>> -> memref<1x32xi32, #tpu.memory_space<vmem>>
        %dma_start3A_1417 = tpu.memref_squeeze %dma_start3A_1416 : memref<1x32xi32, #tpu.memory_space<vmem>> -> memref<32xi32, #tpu.memory_space<vmem>>
        %dma_start3A_1418 = arith.constant 0 : i32
        %dma_start3A_1419 = arith.constant 0 : i32
        %dma_start3A_1420 = tpu.memref_slice %arg2[%dma_start3A_1418, %dma_start3A_1419] : memref<1000000x64xf32, #tpu.memory_space<hbm>> -> memref<1000000x64xf32, #tpu.memory_space<hbm>>
        tpu.enqueue_indirect_dma source(%dma_start3A_1420 : memref<1000000x64xf32, #tpu.memory_space<hbm>>) target(%dma_start3A_1414 : memref<32x64xf32, #tpu.memory_space<vmem>>) offsets(%dma_start3A_1417 : memref<32xi32, #tpu.memory_space<vmem>>) semaphore(%arg10 : memref<!tpu.dma_semaphore, #tpu.memory_space<semaphore_mem>>)
        %dma_start3A_1421 = arith.constant 19 : i32
        %dma_start3A_1422 = arith.constant 19 : i32
        %dma_start3A_1423 = arith.constant 0 : i32
        %dma_start3A_1424 = arith.constant 0 : i32
        %dma_start3A_1425 = tpu.memref_slice %arg7[%dma_start3A_1422, %dma_start3A_1423, %dma_start3A_1424] : memref<20x32x64xf32, #tpu.memory_space<vmem>> -> memref<1x32x64xf32, #tpu.memory_space<vmem>>
        %dma_start3A_1426 = tpu.memref_squeeze %dma_start3A_1425 : memref<1x32x64xf32, #tpu.memory_space<vmem>> -> memref<32x64xf32, #tpu.memory_space<vmem>>
        %dma_start3A_1427 = arith.constant 0 : i32
        %dma_start3A_1428 = tpu.memref_slice %arg5[%dma_start3A_1421, %dma_start3A_1427] : memref<20x32xi32, #tpu.memory_space<vmem>> -> memref<1x32xi32, #tpu.memory_space<vmem>>
        %dma_start3A_1429 = tpu.memref_squeeze %dma_start3A_1428 : memref<1x32xi32, #tpu.memory_space<vmem>> -> memref<32xi32, #tpu.memory_space<vmem>>
        %dma_start3A_1430 = arith.constant 0 : i32
        %dma_start3A_1431 = arith.constant 0 : i32
        %dma_start3A_1432 = tpu.memref_slice %arg2[%dma_start3A_1430, %dma_start3A_1431] : memref<1000000x64xf32, #tpu.memory_space<hbm>> -> memref<1000000x64xf32, #tpu.memory_space<hbm>>
        tpu.enqueue_indirect_dma source(%dma_start3A_1432 : memref<1000000x64xf32, #tpu.memory_space<hbm>>) target(%dma_start3A_1426 : memref<32x64xf32, #tpu.memory_space<vmem>>) offsets(%dma_start3A_1429 : memref<32xi32, #tpu.memory_space<vmem>>) semaphore(%arg10 : memref<!tpu.dma_semaphore, #tpu.memory_space<semaphore_mem>>)
      } else {
      }
      %add3A_1086 = arith.constant 2 : i32
      %add3A_1087 = arith.addi %add3A_840, %add3A_1086 : i32
      %lt3A_1088 = arith.constant 104 : i32
      %lt3A_1089 = arith.cmpi slt, %add3A_1087, %lt3A_1088 : i32
      %convert_element_type3A_1090 = arith.extui %lt3A_1089 : i1 to i32
      %cond3A_1091 = arith.constant 0 : i32
      %cond3A_1092 = arith.cmpi ne, %convert_element_type3A_1090, %cond3A_1091 : i32
      scf.if %cond3A_1092 {
        %add3A_1142 = arith.constant 2 : i32
        %add3A_1143 = arith.addi %add3A_840, %add3A_1142 : i32
        %jit3A_1144 = arith.constant 4 : i32
        %div3A_1145 = arith.divsi %add3A_1143, %jit3A_1144 : i32
        %sign3A_1146 = arith.constant 0 : i32
        %sign3A_1147 = arith.cmpi sgt, %add3A_1143, %sign3A_1146 : i32
        %sign3A_1148 = arith.extui %sign3A_1147 : i1 to i32
        %sign3A_1149 = arith.constant 0 : i32
        %sign3A_1150 = arith.cmpi slt, %add3A_1143, %sign3A_1149 : i32
        %sign3A_1151 = arith.extui %sign3A_1150 : i1 to i32
        %sign3A_1152 = arith.subi %sign3A_1148, %sign3A_1151 : i32
        %sign3A_1153 = arith.constant 0 : i32
        %sign3A_1154 = arith.cmpi sgt, %jit3A_1144, %sign3A_1153 : i32
        %sign3A_1155 = arith.extui %sign3A_1154 : i1 to i32
        %sign3A_1156 = arith.constant 0 : i32
        %sign3A_1157 = arith.cmpi slt, %jit3A_1144, %sign3A_1156 : i32
        %sign3A_1158 = arith.extui %sign3A_1157 : i1 to i32
        %sign3A_1159 = arith.subi %sign3A_1155, %sign3A_1158 : i32
        %ne3A_1160 = arith.cmpi ne, %sign3A_1152, %sign3A_1159 : i32
        %rem3A_1161 = arith.remsi %add3A_1143, %jit3A_1144 : i32
        %ne3A_1162 = arith.constant 0 : i32
        %ne3A_1163 = arith.cmpi ne, %rem3A_1161, %ne3A_1162 : i32
        %and3A_1164 = arith.andi %ne3A_1160, %ne3A_1163 : i1
        %sub3A_1165 = arith.constant 1 : i32
        %sub3A_1166 = arith.subi %div3A_1145, %sub3A_1165 : i32
        %select_n3A_1167 = arith.select %and3A_1164, %sub3A_1166, %div3A_1145 : i32
        %jit3A_1168 = arith.constant 4 : i32
        %eq3A_1169 = arith.constant 0 : i32
        %eq3A_1170 = arith.cmpi eq, %jit3A_1168, %eq3A_1169 : i32
        %jit3A_1171 = arith.constant 1 : i32
        %select_n3A_1172 = arith.select %eq3A_1170, %jit3A_1171, %jit3A_1168 : i32
        %rem3A_1173 = arith.remsi %add3A_1143, %select_n3A_1172 : i32
        %ne3A_1174 = arith.constant 0 : i32
        %ne3A_1175 = arith.cmpi ne, %rem3A_1173, %ne3A_1174 : i32
        %lt3A_1176 = arith.constant 0 : i32
        %lt3A_1177 = arith.cmpi slt, %rem3A_1173, %lt3A_1176 : i32
        %lt3A_1178 = arith.constant 0 : i32
        %lt3A_1179 = arith.cmpi slt, %select_n3A_1172, %lt3A_1178 : i32
        %ne3A_1180 = arith.xori %lt3A_1177, %lt3A_1179 : i1
        %and3A_1181 = arith.andi %ne3A_1180, %ne3A_1175 : i1
        %add3A_1182 = arith.addi %rem3A_1173, %select_n3A_1172 : i32
        %select_n3A_1183 = arith.select %and3A_1181, %add3A_1182, %rem3A_1173 : i32
        %mul3A_1184 = arith.constant 32 : i32
        %mul3A_1185 = arith.muli %select_n3A_1183, %mul3A_1184 : i32
        %add3A_1186 = arith.addi %mul3A_2, %mul3A_1185 : i32
        %dma_start3A_1187 = arith.constant 0 : i32
        %dma_start3A_1188 = tpu.memref_slice %arg3[%select_n3A_1167, %dma_start3A_1187, %add3A_1186] : memref<26x24x4096xi32, #tpu.memory_space<hbm>> -> memref<1x20x32xi32, #tpu.memory_space<hbm>>
        %dma_start3A_1189 = tpu.memref_squeeze %dma_start3A_1188 : memref<1x20x32xi32, #tpu.memory_space<hbm>> -> memref<20x32xi32, #tpu.memory_space<hbm>>
        %dma_start3A_1190 = arith.constant 0 : i32
        %dma_start3A_1191 = tpu.memref_slice %arg3[%select_n3A_1167, %dma_start3A_1190, %add3A_1186] : memref<26x24x4096xi32, #tpu.memory_space<hbm>> -> memref<1x20x32xi32, #tpu.memory_space<hbm>>
        %dma_start3A_1192 = tpu.memref_squeeze %dma_start3A_1191 : memref<1x20x32xi32, #tpu.memory_space<hbm>> -> memref<20x32xi32, #tpu.memory_space<hbm>>
        tpu.enqueue_dma source(%dma_start3A_1192 : memref<20x32xi32, #tpu.memory_space<hbm>>) target(%arg6 : memref<20x32xi32, #tpu.memory_space<vmem>>) target_semaphore(%arg13 : memref<!tpu.dma_semaphore, #tpu.memory_space<semaphore_mem>>)
      } else {
      }
      %jit3A_1093 = arith.constant 4 : i32
      %div3A_1094 = arith.divsi %add3A_840, %jit3A_1093 : i32
      %sign3A_1095 = arith.constant 0 : i32
      %sign3A_1096 = arith.cmpi sgt, %add3A_840, %sign3A_1095 : i32
      %sign3A_1097 = arith.extui %sign3A_1096 : i1 to i32
      %sign3A_1098 = arith.constant 0 : i32
      %sign3A_1099 = arith.cmpi slt, %add3A_840, %sign3A_1098 : i32
      %sign3A_1100 = arith.extui %sign3A_1099 : i1 to i32
      %sign3A_1101 = arith.subi %sign3A_1097, %sign3A_1100 : i32
      %sign3A_1102 = arith.constant 0 : i32
      %sign3A_1103 = arith.cmpi sgt, %jit3A_1093, %sign3A_1102 : i32
      %sign3A_1104 = arith.extui %sign3A_1103 : i1 to i32
      %sign3A_1105 = arith.constant 0 : i32
      %sign3A_1106 = arith.cmpi slt, %jit3A_1093, %sign3A_1105 : i32
      %sign3A_1107 = arith.extui %sign3A_1106 : i1 to i32
      %sign3A_1108 = arith.subi %sign3A_1104, %sign3A_1107 : i32
      %ne3A_1109 = arith.cmpi ne, %sign3A_1101, %sign3A_1108 : i32
      %rem3A_1110 = arith.remsi %add3A_840, %jit3A_1093 : i32
      %ne3A_1111 = arith.constant 0 : i32
      %ne3A_1112 = arith.cmpi ne, %rem3A_1110, %ne3A_1111 : i32
      %and3A_1113 = arith.andi %ne3A_1109, %ne3A_1112 : i1
      %sub3A_1114 = arith.constant 1 : i32
      %sub3A_1115 = arith.subi %div3A_1094, %sub3A_1114 : i32
      %select_n3A_1116 = arith.select %and3A_1113, %sub3A_1115, %div3A_1094 : i32
      %jit3A_1117 = arith.constant 4 : i32
      %eq3A_1118 = arith.constant 0 : i32
      %eq3A_1119 = arith.cmpi eq, %jit3A_1117, %eq3A_1118 : i32
      %jit3A_1120 = arith.constant 1 : i32
      %select_n3A_1121 = arith.select %eq3A_1119, %jit3A_1120, %jit3A_1117 : i32
      %rem3A_1122 = arith.remsi %add3A_840, %select_n3A_1121 : i32
      %ne3A_1123 = arith.constant 0 : i32
      %ne3A_1124 = arith.cmpi ne, %rem3A_1122, %ne3A_1123 : i32
      %lt3A_1125 = arith.constant 0 : i32
      %lt3A_1126 = arith.cmpi slt, %rem3A_1122, %lt3A_1125 : i32
      %lt3A_1127 = arith.constant 0 : i32
      %lt3A_1128 = arith.cmpi slt, %select_n3A_1121, %lt3A_1127 : i32
      %ne3A_1129 = arith.xori %lt3A_1126, %lt3A_1128 : i1
      %and3A_1130 = arith.andi %ne3A_1129, %ne3A_1124 : i1
      %add3A_1131 = arith.addi %rem3A_1122, %select_n3A_1121 : i32
      %select_n3A_1132 = arith.select %and3A_1130, %add3A_1131, %rem3A_1122 : i32
      %mul3A_1133 = arith.constant 32 : i32
      %mul3A_1134 = arith.muli %select_n3A_1132, %mul3A_1133 : i32
      %add3A_1135 = arith.addi %mul3A_2, %mul3A_1134 : i32
      %scan3A_1136 = arith.constant 0 : i32
      %scan3A_1137 = arith.constant 0 : i32
      %scan3A_1138 = arith.constant 32 : i32
      %scan3A_1139 = arith.addi %scan3A_1137, %scan3A_1138 : i32
      %scan3A_1140 = arith.constant 1 : i32
      scf.for %scan3A_1142 = %scan3A_1137 to %scan3A_1139 step %scan3A_1140  : i32 {
        %get3A = arith.constant 0 : i32
        %get3A_1143 = arith.index_cast %get3A : i32 to index
        %get3A_1144 = arith.index_cast %scan3A_1142 : i32 to index
        %get3A_1145 = arith.constant 0 : index
        %get3A_1146 = tpu.vector_load %arg8[%get3A_1143, %get3A_1144, %get3A_1145] {strides = array<i32>} : memref<20x32x64xf32, #tpu.memory_space<vmem>>, vector<1x1x16xf32>,
        %get3A_1147 = vector.shape_cast %get3A_1146 : vector<1x1x16xf32> to vector<16xf32>
        %get3A_1148 = arith.constant 0 : i32
        %get3A_1149 = arith.index_cast %get3A_1148 : i32 to index
        %get3A_1150 = arith.index_cast %scan3A_1142 : i32 to index
        %get3A_1151 = arith.constant 16 : index
        %get3A_1152 = tpu.vector_load %arg8[%get3A_1149, %get3A_1150, %get3A_1151] {strides = array<i32>} : memref<20x32x64xf32, #tpu.memory_space<vmem>>, vector<1x1x16xf32>,
        %get3A_1153 = vector.shape_cast %get3A_1152 : vector<1x1x16xf32> to vector<16xf32>
        %get3A_1154 = arith.constant 0 : i32
        %get3A_1155 = arith.index_cast %get3A_1154 : i32 to index
        %get3A_1156 = arith.index_cast %scan3A_1142 : i32 to index
        %get3A_1157 = arith.constant 32 : index
        %get3A_1158 = tpu.vector_load %arg8[%get3A_1155, %get3A_1156, %get3A_1157] {strides = array<i32>} : memref<20x32x64xf32, #tpu.memory_space<vmem>>, vector<1x1x16xf32>,
        %get3A_1159 = vector.shape_cast %get3A_1158 : vector<1x1x16xf32> to vector<16xf32>
        %get3A_1160 = arith.constant 0 : i32
        %get3A_1161 = arith.index_cast %get3A_1160 : i32 to index
        %get3A_1162 = arith.index_cast %scan3A_1142 : i32 to index
        %get3A_1163 = arith.constant 48 : index
        %get3A_1164 = tpu.vector_load %arg8[%get3A_1161, %get3A_1162, %get3A_1163] {strides = array<i32>} : memref<20x32x64xf32, #tpu.memory_space<vmem>>, vector<1x1x16xf32>,
        %get3A_1165 = vector.shape_cast %get3A_1164 : vector<1x1x16xf32> to vector<16xf32>
        %get3A_1166 = arith.constant 1 : i32
        %get3A_1167 = arith.index_cast %get3A_1166 : i32 to index
        %get3A_1168 = arith.index_cast %scan3A_1142 : i32 to index
        %get3A_1169 = arith.constant 0 : index
        %get3A_1170 = tpu.vector_load %arg8[%get3A_1167, %get3A_1168, %get3A_1169] {strides = array<i32>} : memref<20x32x64xf32, #tpu.memory_space<vmem>>, vector<1x1x16xf32>,
        %get3A_1171 = vector.shape_cast %get3A_1170 : vector<1x1x16xf32> to vector<16xf32>
        %add3A_1172 = arith.addf %get3A_1147, %get3A_1171 : vector<16xf32>
        %get3A_1173 = arith.constant 1 : i32
        %get3A_1174 = arith.index_cast %get3A_1173 : i32 to index
        %get3A_1175 = arith.index_cast %scan3A_1142 : i32 to index
        %get3A_1176 = arith.constant 16 : index
        %get3A_1177 = tpu.vector_load %arg8[%get3A_1174, %get3A_1175, %get3A_1176] {strides = array<i32>} : memref<20x32x64xf32, #tpu.memory_space<vmem>>, vector<1x1x16xf32>,
        %get3A_1178 = vector.shape_cast %get3A_1177 : vector<1x1x16xf32> to vector<16xf32>
        %add3A_1179 = arith.addf %get3A_1153, %get3A_1178 : vector<16xf32>
        %get3A_1180 = arith.constant 1 : i32
        %get3A_1181 = arith.index_cast %get3A_1180 : i32 to index
        %get3A_1182 = arith.index_cast %scan3A_1142 : i32 to index
        %get3A_1183 = arith.constant 32 : index
        %get3A_1184 = tpu.vector_load %arg8[%get3A_1181, %get3A_1182, %get3A_1183] {strides = array<i32>} : memref<20x32x64xf32, #tpu.memory_space<vmem>>, vector<1x1x16xf32>,
        %get3A_1185 = vector.shape_cast %get3A_1184 : vector<1x1x16xf32> to vector<16xf32>
        %add3A_1186 = arith.addf %get3A_1159, %get3A_1185 : vector<16xf32>
        %get3A_1187 = arith.constant 1 : i32
        %get3A_1188 = arith.index_cast %get3A_1187 : i32 to index
        %get3A_1189 = arith.index_cast %scan3A_1142 : i32 to index
        %get3A_1190 = arith.constant 48 : index
        %get3A_1191 = tpu.vector_load %arg8[%get3A_1188, %get3A_1189, %get3A_1190] {strides = array<i32>} : memref<20x32x64xf32, #tpu.memory_space<vmem>>, vector<1x1x16xf32>,
        %get3A_1192 = vector.shape_cast %get3A_1191 : vector<1x1x16xf32> to vector<16xf32>
        %add3A_1193 = arith.addf %get3A_1165, %get3A_1192 : vector<16xf32>
        %get3A_1194 = arith.constant 2 : i32
        %get3A_1195 = arith.index_cast %get3A_1194 : i32 to index
        %get3A_1196 = arith.index_cast %scan3A_1142 : i32 to index
        %get3A_1197 = arith.constant 0 : index
        %get3A_1198 = tpu.vector_load %arg8[%get3A_1195, %get3A_1196, %get3A_1197] {strides = array<i32>} : memref<20x32x64xf32, #tpu.memory_space<vmem>>, vector<1x1x16xf32>,
        %get3A_1199 = vector.shape_cast %get3A_1198 : vector<1x1x16xf32> to vector<16xf32>
        %add3A_1200 = arith.addf %add3A_1172, %get3A_1199 : vector<16xf32>
        %get3A_1201 = arith.constant 2 : i32
        %get3A_1202 = arith.index_cast %get3A_1201 : i32 to index
        %get3A_1203 = arith.index_cast %scan3A_1142 : i32 to index
        %get3A_1204 = arith.constant 16 : index
        %get3A_1205 = tpu.vector_load %arg8[%get3A_1202, %get3A_1203, %get3A_1204] {strides = array<i32>} : memref<20x32x64xf32, #tpu.memory_space<vmem>>, vector<1x1x16xf32>,
        %get3A_1206 = vector.shape_cast %get3A_1205 : vector<1x1x16xf32> to vector<16xf32>
        %add3A_1207 = arith.addf %add3A_1179, %get3A_1206 : vector<16xf32>
        %get3A_1208 = arith.constant 2 : i32
        %get3A_1209 = arith.index_cast %get3A_1208 : i32 to index
        %get3A_1210 = arith.index_cast %scan3A_1142 : i32 to index
        %get3A_1211 = arith.constant 32 : index
        %get3A_1212 = tpu.vector_load %arg8[%get3A_1209, %get3A_1210, %get3A_1211] {strides = array<i32>} : memref<20x32x64xf32, #tpu.memory_space<vmem>>, vector<1x1x16xf32>,
        %get3A_1213 = vector.shape_cast %get3A_1212 : vector<1x1x16xf32> to vector<16xf32>
        %add3A_1214 = arith.addf %add3A_1186, %get3A_1213 : vector<16xf32>
        %get3A_1215 = arith.constant 2 : i32
        %get3A_1216 = arith.index_cast %get3A_1215 : i32 to index
        %get3A_1217 = arith.index_cast %scan3A_1142 : i32 to index
        %get3A_1218 = arith.constant 48 : index
        %get3A_1219 = tpu.vector_load %arg8[%get3A_1216, %get3A_1217, %get3A_1218] {strides = array<i32>} : memref<20x32x64xf32, #tpu.memory_space<vmem>>, vector<1x1x16xf32>,
        %get3A_1220 = vector.shape_cast %get3A_1219 : vector<1x1x16xf32> to vector<16xf32>
        %add3A_1221 = arith.addf %add3A_1193, %get3A_1220 : vector<16xf32>
        %get3A_1222 = arith.constant 3 : i32
        %get3A_1223 = arith.index_cast %get3A_1222 : i32 to index
        %get3A_1224 = arith.index_cast %scan3A_1142 : i32 to index
        %get3A_1225 = arith.constant 0 : index
        %get3A_1226 = tpu.vector_load %arg8[%get3A_1223, %get3A_1224, %get3A_1225] {strides = array<i32>} : memref<20x32x64xf32, #tpu.memory_space<vmem>>, vector<1x1x16xf32>,
        %get3A_1227 = vector.shape_cast %get3A_1226 : vector<1x1x16xf32> to vector<16xf32>
        %add3A_1228 = arith.addf %add3A_1200, %get3A_1227 : vector<16xf32>
        %get3A_1229 = arith.constant 3 : i32
        %get3A_1230 = arith.index_cast %get3A_1229 : i32 to index
        %get3A_1231 = arith.index_cast %scan3A_1142 : i32 to index
        %get3A_1232 = arith.constant 16 : index
        %get3A_1233 = tpu.vector_load %arg8[%get3A_1230, %get3A_1231, %get3A_1232] {strides = array<i32>} : memref<20x32x64xf32, #tpu.memory_space<vmem>>, vector<1x1x16xf32>,
        %get3A_1234 = vector.shape_cast %get3A_1233 : vector<1x1x16xf32> to vector<16xf32>
        %add3A_1235 = arith.addf %add3A_1207, %get3A_1234 : vector<16xf32>
        %get3A_1236 = arith.constant 3 : i32
        %get3A_1237 = arith.index_cast %get3A_1236 : i32 to index
        %get3A_1238 = arith.index_cast %scan3A_1142 : i32 to index
        %get3A_1239 = arith.constant 32 : index
        %get3A_1240 = tpu.vector_load %arg8[%get3A_1237, %get3A_1238, %get3A_1239] {strides = array<i32>} : memref<20x32x64xf32, #tpu.memory_space<vmem>>, vector<1x1x16xf32>,
        %get3A_1241 = vector.shape_cast %get3A_1240 : vector<1x1x16xf32> to vector<16xf32>
        %add3A_1242 = arith.addf %add3A_1214, %get3A_1241 : vector<16xf32>
        %get3A_1243 = arith.constant 3 : i32
        %get3A_1244 = arith.index_cast %get3A_1243 : i32 to index
        %get3A_1245 = arith.index_cast %scan3A_1142 : i32 to index
        %get3A_1246 = arith.constant 48 : index
        %get3A_1247 = tpu.vector_load %arg8[%get3A_1244, %get3A_1245, %get3A_1246] {strides = array<i32>} : memref<20x32x64xf32, #tpu.memory_space<vmem>>, vector<1x1x16xf32>,
        %get3A_1248 = vector.shape_cast %get3A_1247 : vector<1x1x16xf32> to vector<16xf32>
        %add3A_1249 = arith.addf %add3A_1221, %get3A_1248 : vector<16xf32>
        %get3A_1250 = arith.constant 4 : i32
        %get3A_1251 = arith.index_cast %get3A_1250 : i32 to index
        %get3A_1252 = arith.index_cast %scan3A_1142 : i32 to index
        %get3A_1253 = arith.constant 0 : index
        %get3A_1254 = tpu.vector_load %arg8[%get3A_1251, %get3A_1252, %get3A_1253] {strides = array<i32>} : memref<20x32x64xf32, #tpu.memory_space<vmem>>, vector<1x1x16xf32>,
        %get3A_1255 = vector.shape_cast %get3A_1254 : vector<1x1x16xf32> to vector<16xf32>
        %add3A_1256 = arith.addf %add3A_1228, %get3A_1255 : vector<16xf32>
        %get3A_1257 = arith.constant 4 : i32
        %get3A_1258 = arith.index_cast %get3A_1257 : i32 to index
        %get3A_1259 = arith.index_cast %scan3A_1142 : i32 to index
        %get3A_1260 = arith.constant 16 : index
        %get3A_1261 = tpu.vector_load %arg8[%get3A_1258, %get3A_1259, %get3A_1260] {strides = array<i32>} : memref<20x32x64xf32, #tpu.memory_space<vmem>>, vector<1x1x16xf32>,
        %get3A_1262 = vector.shape_cast %get3A_1261 : vector<1x1x16xf32> to vector<16xf32>
        %add3A_1263 = arith.addf %add3A_1235, %get3A_1262 : vector<16xf32>
        %get3A_1264 = arith.constant 4 : i32
        %get3A_1265 = arith.index_cast %get3A_1264 : i32 to index
        %get3A_1266 = arith.index_cast %scan3A_1142 : i32 to index
        %get3A_1267 = arith.constant 32 : index
        %get3A_1268 = tpu.vector_load %arg8[%get3A_1265, %get3A_1266, %get3A_1267] {strides = array<i32>} : memref<20x32x64xf32, #tpu.memory_space<vmem>>, vector<1x1x16xf32>,
        %get3A_1269 = vector.shape_cast %get3A_1268 : vector<1x1x16xf32> to vector<16xf32>
        %add3A_1270 = arith.addf %add3A_1242, %get3A_1269 : vector<16xf32>
        %get3A_1271 = arith.constant 4 : i32
        %get3A_1272 = arith.index_cast %get3A_1271 : i32 to index
        %get3A_1273 = arith.index_cast %scan3A_1142 : i32 to index
        %get3A_1274 = arith.constant 48 : index
        %get3A_1275 = tpu.vector_load %arg8[%get3A_1272, %get3A_1273, %get3A_1274] {strides = array<i32>} : memref<20x32x64xf32, #tpu.memory_space<vmem>>, vector<1x1x16xf32>,
        %get3A_1276 = vector.shape_cast %get3A_1275 : vector<1x1x16xf32> to vector<16xf32>
        %add3A_1277 = arith.addf %add3A_1249, %get3A_1276 : vector<16xf32>
        %get3A_1278 = arith.constant 5 : i32
        %get3A_1279 = arith.index_cast %get3A_1278 : i32 to index
        %get3A_1280 = arith.index_cast %scan3A_1142 : i32 to index
        %get3A_1281 = arith.constant 0 : index
        %get3A_1282 = tpu.vector_load %arg8[%get3A_1279, %get3A_1280, %get3A_1281] {strides = array<i32>} : memref<20x32x64xf32, #tpu.memory_space<vmem>>, vector<1x1x16xf32>,
        %get3A_1283 = vector.shape_cast %get3A_1282 : vector<1x1x16xf32> to vector<16xf32>
        %add3A_1284 = arith.addf %add3A_1256, %get3A_1283 : vector<16xf32>
        %get3A_1285 = arith.constant 5 : i32
        %get3A_1286 = arith.index_cast %get3A_1285 : i32 to index
        %get3A_1287 = arith.index_cast %scan3A_1142 : i32 to index
        %get3A_1288 = arith.constant 16 : index
        %get3A_1289 = tpu.vector_load %arg8[%get3A_1286, %get3A_1287, %get3A_1288] {strides = array<i32>} : memref<20x32x64xf32, #tpu.memory_space<vmem>>, vector<1x1x16xf32>,
        %get3A_1290 = vector.shape_cast %get3A_1289 : vector<1x1x16xf32> to vector<16xf32>
        %add3A_1291 = arith.addf %add3A_1263, %get3A_1290 : vector<16xf32>
        %get3A_1292 = arith.constant 5 : i32
        %get3A_1293 = arith.index_cast %get3A_1292 : i32 to index
        %get3A_1294 = arith.index_cast %scan3A_1142 : i32 to index
        %get3A_1295 = arith.constant 32 : index
        %get3A_1296 = tpu.vector_load %arg8[%get3A_1293, %get3A_1294, %get3A_1295] {strides = array<i32>} : memref<20x32x64xf32, #tpu.memory_space<vmem>>, vector<1x1x16xf32>,
        %get3A_1297 = vector.shape_cast %get3A_1296 : vector<1x1x16xf32> to vector<16xf32>
        %add3A_1298 = arith.addf %add3A_1270, %get3A_1297 : vector<16xf32>
        %get3A_1299 = arith.constant 5 : i32
        %get3A_1300 = arith.index_cast %get3A_1299 : i32 to index
        %get3A_1301 = arith.index_cast %scan3A_1142 : i32 to index
        %get3A_1302 = arith.constant 48 : index
        %get3A_1303 = tpu.vector_load %arg8[%get3A_1300, %get3A_1301, %get3A_1302] {strides = array<i32>} : memref<20x32x64xf32, #tpu.memory_space<vmem>>, vector<1x1x16xf32>,
        %get3A_1304 = vector.shape_cast %get3A_1303 : vector<1x1x16xf32> to vector<16xf32>
        %add3A_1305 = arith.addf %add3A_1277, %get3A_1304 : vector<16xf32>
        %get3A_1306 = arith.constant 6 : i32
        %get3A_1307 = arith.index_cast %get3A_1306 : i32 to index
        %get3A_1308 = arith.index_cast %scan3A_1142 : i32 to index
        %get3A_1309 = arith.constant 0 : index
        %get3A_1310 = tpu.vector_load %arg8[%get3A_1307, %get3A_1308, %get3A_1309] {strides = array<i32>} : memref<20x32x64xf32, #tpu.memory_space<vmem>>, vector<1x1x16xf32>,
        %get3A_1311 = vector.shape_cast %get3A_1310 : vector<1x1x16xf32> to vector<16xf32>
        %add3A_1312 = arith.addf %add3A_1284, %get3A_1311 : vector<16xf32>
        %get3A_1313 = arith.constant 6 : i32
        %get3A_1314 = arith.index_cast %get3A_1313 : i32 to index
        %get3A_1315 = arith.index_cast %scan3A_1142 : i32 to index
        %get3A_1316 = arith.constant 16 : index
        %get3A_1317 = tpu.vector_load %arg8[%get3A_1314, %get3A_1315, %get3A_1316] {strides = array<i32>} : memref<20x32x64xf32, #tpu.memory_space<vmem>>, vector<1x1x16xf32>,
        %get3A_1318 = vector.shape_cast %get3A_1317 : vector<1x1x16xf32> to vector<16xf32>
        %add3A_1319 = arith.addf %add3A_1291, %get3A_1318 : vector<16xf32>
        %get3A_1320 = arith.constant 6 : i32
        %get3A_1321 = arith.index_cast %get3A_1320 : i32 to index
        %get3A_1322 = arith.index_cast %scan3A_1142 : i32 to index
        %get3A_1323 = arith.constant 32 : index
        %get3A_1324 = tpu.vector_load %arg8[%get3A_1321, %get3A_1322, %get3A_1323] {strides = array<i32>} : memref<20x32x64xf32, #tpu.memory_space<vmem>>, vector<1x1x16xf32>,
        %get3A_1325 = vector.shape_cast %get3A_1324 : vector<1x1x16xf32> to vector<16xf32>
        %add3A_1326 = arith.addf %add3A_1298, %get3A_1325 : vector<16xf32>
        %get3A_1327 = arith.constant 6 : i32
        %get3A_1328 = arith.index_cast %get3A_1327 : i32 to index
        %get3A_1329 = arith.index_cast %scan3A_1142 : i32 to index
        %get3A_1330 = arith.constant 48 : index
        %get3A_1331 = tpu.vector_load %arg8[%get3A_1328, %get3A_1329, %get3A_1330] {strides = array<i32>} : memref<20x32x64xf32, #tpu.memory_space<vmem>>, vector<1x1x16xf32>,
        %get3A_1332 = vector.shape_cast %get3A_1331 : vector<1x1x16xf32> to vector<16xf32>
        %add3A_1333 = arith.addf %add3A_1305, %get3A_1332 : vector<16xf32>
        %get3A_1334 = arith.constant 7 : i32
        %get3A_1335 = arith.index_cast %get3A_1334 : i32 to index
        %get3A_1336 = arith.index_cast %scan3A_1142 : i32 to index
        %get3A_1337 = arith.constant 0 : index
        %get3A_1338 = tpu.vector_load %arg8[%get3A_1335, %get3A_1336, %get3A_1337] {strides = array<i32>} : memref<20x32x64xf32, #tpu.memory_space<vmem>>, vector<1x1x16xf32>,
        %get3A_1339 = vector.shape_cast %get3A_1338 : vector<1x1x16xf32> to vector<16xf32>
        %add3A_1340 = arith.addf %add3A_1312, %get3A_1339 : vector<16xf32>
        %get3A_1341 = arith.constant 7 : i32
        %get3A_1342 = arith.index_cast %get3A_1341 : i32 to index
        %get3A_1343 = arith.index_cast %scan3A_1142 : i32 to index
        %get3A_1344 = arith.constant 16 : index
        %get3A_1345 = tpu.vector_load %arg8[%get3A_1342, %get3A_1343, %get3A_1344] {strides = array<i32>} : memref<20x32x64xf32, #tpu.memory_space<vmem>>, vector<1x1x16xf32>,
        %get3A_1346 = vector.shape_cast %get3A_1345 : vector<1x1x16xf32> to vector<16xf32>
        %add3A_1347 = arith.addf %add3A_1319, %get3A_1346 : vector<16xf32>
        %get3A_1348 = arith.constant 7 : i32
        %get3A_1349 = arith.index_cast %get3A_1348 : i32 to index
        %get3A_1350 = arith.index_cast %scan3A_1142 : i32 to index
        %get3A_1351 = arith.constant 32 : index
        %get3A_1352 = tpu.vector_load %arg8[%get3A_1349, %get3A_1350, %get3A_1351] {strides = array<i32>} : memref<20x32x64xf32, #tpu.memory_space<vmem>>, vector<1x1x16xf32>,
        %get3A_1353 = vector.shape_cast %get3A_1352 : vector<1x1x16xf32> to vector<16xf32>
        %add3A_1354 = arith.addf %add3A_1326, %get3A_1353 : vector<16xf32>
        %get3A_1355 = arith.constant 7 : i32
        %get3A_1356 = arith.index_cast %get3A_1355 : i32 to index
        %get3A_1357 = arith.index_cast %scan3A_1142 : i32 to index
        %get3A_1358 = arith.constant 48 : index
        %get3A_1359 = tpu.vector_load %arg8[%get3A_1356, %get3A_1357, %get3A_1358] {strides = array<i32>} : memref<20x32x64xf32, #tpu.memory_space<vmem>>, vector<1x1x16xf32>,
        %get3A_1360 = vector.shape_cast %get3A_1359 : vector<1x1x16xf32> to vector<16xf32>
        %add3A_1361 = arith.addf %add3A_1333, %get3A_1360 : vector<16xf32>
        %get3A_1362 = arith.constant 8 : i32
        %get3A_1363 = arith.index_cast %get3A_1362 : i32 to index
        %get3A_1364 = arith.index_cast %scan3A_1142 : i32 to index
        %get3A_1365 = arith.constant 0 : index
        %get3A_1366 = tpu.vector_load %arg8[%get3A_1363, %get3A_1364, %get3A_1365] {strides = array<i32>} : memref<20x32x64xf32, #tpu.memory_space<vmem>>, vector<1x1x16xf32>,
        %get3A_1367 = vector.shape_cast %get3A_1366 : vector<1x1x16xf32> to vector<16xf32>
        %add3A_1368 = arith.addf %add3A_1340, %get3A_1367 : vector<16xf32>
        %get3A_1369 = arith.constant 8 : i32
        %get3A_1370 = arith.index_cast %get3A_1369 : i32 to index
        %get3A_1371 = arith.index_cast %scan3A_1142 : i32 to index
        %get3A_1372 = arith.constant 16 : index
        %get3A_1373 = tpu.vector_load %arg8[%get3A_1370, %get3A_1371, %get3A_1372] {strides = array<i32>} : memref<20x32x64xf32, #tpu.memory_space<vmem>>, vector<1x1x16xf32>,
        %get3A_1374 = vector.shape_cast %get3A_1373 : vector<1x1x16xf32> to vector<16xf32>
        %add3A_1375 = arith.addf %add3A_1347, %get3A_1374 : vector<16xf32>
        %get3A_1376 = arith.constant 8 : i32
        %get3A_1377 = arith.index_cast %get3A_1376 : i32 to index
        %get3A_1378 = arith.index_cast %scan3A_1142 : i32 to index
        %get3A_1379 = arith.constant 32 : index
        %get3A_1380 = tpu.vector_load %arg8[%get3A_1377, %get3A_1378, %get3A_1379] {strides = array<i32>} : memref<20x32x64xf32, #tpu.memory_space<vmem>>, vector<1x1x16xf32>,
        %get3A_1381 = vector.shape_cast %get3A_1380 : vector<1x1x16xf32> to vector<16xf32>
        %add3A_1382 = arith.addf %add3A_1354, %get3A_1381 : vector<16xf32>
        %get3A_1383 = arith.constant 8 : i32
        %get3A_1384 = arith.index_cast %get3A_1383 : i32 to index
        %get3A_1385 = arith.index_cast %scan3A_1142 : i32 to index
        %get3A_1386 = arith.constant 48 : index
        %get3A_1387 = tpu.vector_load %arg8[%get3A_1384, %get3A_1385, %get3A_1386] {strides = array<i32>} : memref<20x32x64xf32, #tpu.memory_space<vmem>>, vector<1x1x16xf32>,
        %get3A_1388 = vector.shape_cast %get3A_1387 : vector<1x1x16xf32> to vector<16xf32>
        %add3A_1389 = arith.addf %add3A_1361, %get3A_1388 : vector<16xf32>
        %get3A_1390 = arith.constant 9 : i32
        %get3A_1391 = arith.index_cast %get3A_1390 : i32 to index
        %get3A_1392 = arith.index_cast %scan3A_1142 : i32 to index
        %get3A_1393 = arith.constant 0 : index
        %get3A_1394 = tpu.vector_load %arg8[%get3A_1391, %get3A_1392, %get3A_1393] {strides = array<i32>} : memref<20x32x64xf32, #tpu.memory_space<vmem>>, vector<1x1x16xf32>,
        %get3A_1395 = vector.shape_cast %get3A_1394 : vector<1x1x16xf32> to vector<16xf32>
        %add3A_1396 = arith.addf %add3A_1368, %get3A_1395 : vector<16xf32>
        %get3A_1397 = arith.constant 9 : i32
        %get3A_1398 = arith.index_cast %get3A_1397 : i32 to index
        %get3A_1399 = arith.index_cast %scan3A_1142 : i32 to index
        %get3A_1400 = arith.constant 16 : index
        %get3A_1401 = tpu.vector_load %arg8[%get3A_1398, %get3A_1399, %get3A_1400] {strides = array<i32>} : memref<20x32x64xf32, #tpu.memory_space<vmem>>, vector<1x1x16xf32>,
        %get3A_1402 = vector.shape_cast %get3A_1401 : vector<1x1x16xf32> to vector<16xf32>
        %add3A_1403 = arith.addf %add3A_1375, %get3A_1402 : vector<16xf32>
        %get3A_1404 = arith.constant 9 : i32
        %get3A_1405 = arith.index_cast %get3A_1404 : i32 to index
        %get3A_1406 = arith.index_cast %scan3A_1142 : i32 to index
        %get3A_1407 = arith.constant 32 : index
        %get3A_1408 = tpu.vector_load %arg8[%get3A_1405, %get3A_1406, %get3A_1407] {strides = array<i32>} : memref<20x32x64xf32, #tpu.memory_space<vmem>>, vector<1x1x16xf32>,
        %get3A_1409 = vector.shape_cast %get3A_1408 : vector<1x1x16xf32> to vector<16xf32>
        %add3A_1410 = arith.addf %add3A_1382, %get3A_1409 : vector<16xf32>
        %get3A_1411 = arith.constant 9 : i32
        %get3A_1412 = arith.index_cast %get3A_1411 : i32 to index
        %get3A_1413 = arith.index_cast %scan3A_1142 : i32 to index
        %get3A_1414 = arith.constant 48 : index
        %get3A_1415 = tpu.vector_load %arg8[%get3A_1412, %get3A_1413, %get3A_1414] {strides = array<i32>} : memref<20x32x64xf32, #tpu.memory_space<vmem>>, vector<1x1x16xf32>,
        %get3A_1416 = vector.shape_cast %get3A_1415 : vector<1x1x16xf32> to vector<16xf32>
        %add3A_1417 = arith.addf %add3A_1389, %get3A_1416 : vector<16xf32>
        %get3A_1418 = arith.constant 10 : i32
        %get3A_1419 = arith.index_cast %get3A_1418 : i32 to index
        %get3A_1420 = arith.index_cast %scan3A_1142 : i32 to index
        %get3A_1421 = arith.constant 0 : index
        %get3A_1422 = tpu.vector_load %arg8[%get3A_1419, %get3A_1420, %get3A_1421] {strides = array<i32>} : memref<20x32x64xf32, #tpu.memory_space<vmem>>, vector<1x1x16xf32>,
        %get3A_1423 = vector.shape_cast %get3A_1422 : vector<1x1x16xf32> to vector<16xf32>
        %add3A_1424 = arith.addf %add3A_1396, %get3A_1423 : vector<16xf32>
        %get3A_1425 = arith.constant 10 : i32
        %get3A_1426 = arith.index_cast %get3A_1425 : i32 to index
        %get3A_1427 = arith.index_cast %scan3A_1142 : i32 to index
        %get3A_1428 = arith.constant 16 : index
        %get3A_1429 = tpu.vector_load %arg8[%get3A_1426, %get3A_1427, %get3A_1428] {strides = array<i32>} : memref<20x32x64xf32, #tpu.memory_space<vmem>>, vector<1x1x16xf32>,
        %get3A_1430 = vector.shape_cast %get3A_1429 : vector<1x1x16xf32> to vector<16xf32>
        %add3A_1431 = arith.addf %add3A_1403, %get3A_1430 : vector<16xf32>
        %get3A_1432 = arith.constant 10 : i32
        %get3A_1433 = arith.index_cast %get3A_1432 : i32 to index
        %get3A_1434 = arith.index_cast %scan3A_1142 : i32 to index
        %get3A_1435 = arith.constant 32 : index
        %get3A_1436 = tpu.vector_load %arg8[%get3A_1433, %get3A_1434, %get3A_1435] {strides = array<i32>} : memref<20x32x64xf32, #tpu.memory_space<vmem>>, vector<1x1x16xf32>,
        %get3A_1437 = vector.shape_cast %get3A_1436 : vector<1x1x16xf32> to vector<16xf32>
        %add3A_1438 = arith.addf %add3A_1410, %get3A_1437 : vector<16xf32>
        %get3A_1439 = arith.constant 10 : i32
        %get3A_1440 = arith.index_cast %get3A_1439 : i32 to index
        %get3A_1441 = arith.index_cast %scan3A_1142 : i32 to index
        %get3A_1442 = arith.constant 48 : index
        %get3A_1443 = tpu.vector_load %arg8[%get3A_1440, %get3A_1441, %get3A_1442] {strides = array<i32>} : memref<20x32x64xf32, #tpu.memory_space<vmem>>, vector<1x1x16xf32>,
        %get3A_1444 = vector.shape_cast %get3A_1443 : vector<1x1x16xf32> to vector<16xf32>
        %add3A_1445 = arith.addf %add3A_1417, %get3A_1444 : vector<16xf32>
        %get3A_1446 = arith.constant 11 : i32
        %get3A_1447 = arith.index_cast %get3A_1446 : i32 to index
        %get3A_1448 = arith.index_cast %scan3A_1142 : i32 to index
        %get3A_1449 = arith.constant 0 : index
        %get3A_1450 = tpu.vector_load %arg8[%get3A_1447, %get3A_1448, %get3A_1449] {strides = array<i32>} : memref<20x32x64xf32, #tpu.memory_space<vmem>>, vector<1x1x16xf32>,
        %get3A_1451 = vector.shape_cast %get3A_1450 : vector<1x1x16xf32> to vector<16xf32>
        %add3A_1452 = arith.addf %add3A_1424, %get3A_1451 : vector<16xf32>
        %get3A_1453 = arith.constant 11 : i32
        %get3A_1454 = arith.index_cast %get3A_1453 : i32 to index
        %get3A_1455 = arith.index_cast %scan3A_1142 : i32 to index
        %get3A_1456 = arith.constant 16 : index
        %get3A_1457 = tpu.vector_load %arg8[%get3A_1454, %get3A_1455, %get3A_1456] {strides = array<i32>} : memref<20x32x64xf32, #tpu.memory_space<vmem>>, vector<1x1x16xf32>,
        %get3A_1458 = vector.shape_cast %get3A_1457 : vector<1x1x16xf32> to vector<16xf32>
        %add3A_1459 = arith.addf %add3A_1431, %get3A_1458 : vector<16xf32>
        %get3A_1460 = arith.constant 11 : i32
        %get3A_1461 = arith.index_cast %get3A_1460 : i32 to index
        %get3A_1462 = arith.index_cast %scan3A_1142 : i32 to index
        %get3A_1463 = arith.constant 32 : index
        %get3A_1464 = tpu.vector_load %arg8[%get3A_1461, %get3A_1462, %get3A_1463] {strides = array<i32>} : memref<20x32x64xf32, #tpu.memory_space<vmem>>, vector<1x1x16xf32>,
        %get3A_1465 = vector.shape_cast %get3A_1464 : vector<1x1x16xf32> to vector<16xf32>
        %add3A_1466 = arith.addf %add3A_1438, %get3A_1465 : vector<16xf32>
        %get3A_1467 = arith.constant 11 : i32
        %get3A_1468 = arith.index_cast %get3A_1467 : i32 to index
        %get3A_1469 = arith.index_cast %scan3A_1142 : i32 to index
        %get3A_1470 = arith.constant 48 : index
        %get3A_1471 = tpu.vector_load %arg8[%get3A_1468, %get3A_1469, %get3A_1470] {strides = array<i32>} : memref<20x32x64xf32, #tpu.memory_space<vmem>>, vector<1x1x16xf32>,
        %get3A_1472 = vector.shape_cast %get3A_1471 : vector<1x1x16xf32> to vector<16xf32>
        %add3A_1473 = arith.addf %add3A_1445, %get3A_1472 : vector<16xf32>
        %get3A_1474 = arith.constant 12 : i32
        %get3A_1475 = arith.index_cast %get3A_1474 : i32 to index
        %get3A_1476 = arith.index_cast %scan3A_1142 : i32 to index
        %get3A_1477 = arith.constant 0 : index
        %get3A_1478 = tpu.vector_load %arg8[%get3A_1475, %get3A_1476, %get3A_1477] {strides = array<i32>} : memref<20x32x64xf32, #tpu.memory_space<vmem>>, vector<1x1x16xf32>,
        %get3A_1479 = vector.shape_cast %get3A_1478 : vector<1x1x16xf32> to vector<16xf32>
        %add3A_1480 = arith.addf %add3A_1452, %get3A_1479 : vector<16xf32>
        %get3A_1481 = arith.constant 12 : i32
        %get3A_1482 = arith.index_cast %get3A_1481 : i32 to index
        %get3A_1483 = arith.index_cast %scan3A_1142 : i32 to index
        %get3A_1484 = arith.constant 16 : index
        %get3A_1485 = tpu.vector_load %arg8[%get3A_1482, %get3A_1483, %get3A_1484] {strides = array<i32>} : memref<20x32x64xf32, #tpu.memory_space<vmem>>, vector<1x1x16xf32>,
        %get3A_1486 = vector.shape_cast %get3A_1485 : vector<1x1x16xf32> to vector<16xf32>
        %add3A_1487 = arith.addf %add3A_1459, %get3A_1486 : vector<16xf32>
        %get3A_1488 = arith.constant 12 : i32
        %get3A_1489 = arith.index_cast %get3A_1488 : i32 to index
        %get3A_1490 = arith.index_cast %scan3A_1142 : i32 to index
        %get3A_1491 = arith.constant 32 : index
        %get3A_1492 = tpu.vector_load %arg8[%get3A_1489, %get3A_1490, %get3A_1491] {strides = array<i32>} : memref<20x32x64xf32, #tpu.memory_space<vmem>>, vector<1x1x16xf32>,
        %get3A_1493 = vector.shape_cast %get3A_1492 : vector<1x1x16xf32> to vector<16xf32>
        %add3A_1494 = arith.addf %add3A_1466, %get3A_1493 : vector<16xf32>
        %get3A_1495 = arith.constant 12 : i32
        %get3A_1496 = arith.index_cast %get3A_1495 : i32 to index
        %get3A_1497 = arith.index_cast %scan3A_1142 : i32 to index
        %get3A_1498 = arith.constant 48 : index
        %get3A_1499 = tpu.vector_load %arg8[%get3A_1496, %get3A_1497, %get3A_1498] {strides = array<i32>} : memref<20x32x64xf32, #tpu.memory_space<vmem>>, vector<1x1x16xf32>,
        %get3A_1500 = vector.shape_cast %get3A_1499 : vector<1x1x16xf32> to vector<16xf32>
        %add3A_1501 = arith.addf %add3A_1473, %get3A_1500 : vector<16xf32>
        %get3A_1502 = arith.constant 13 : i32
        %get3A_1503 = arith.index_cast %get3A_1502 : i32 to index
        %get3A_1504 = arith.index_cast %scan3A_1142 : i32 to index
        %get3A_1505 = arith.constant 0 : index
        %get3A_1506 = tpu.vector_load %arg8[%get3A_1503, %get3A_1504, %get3A_1505] {strides = array<i32>} : memref<20x32x64xf32, #tpu.memory_space<vmem>>, vector<1x1x16xf32>,
        %get3A_1507 = vector.shape_cast %get3A_1506 : vector<1x1x16xf32> to vector<16xf32>
        %add3A_1508 = arith.addf %add3A_1480, %get3A_1507 : vector<16xf32>
        %get3A_1509 = arith.constant 13 : i32
        %get3A_1510 = arith.index_cast %get3A_1509 : i32 to index
        %get3A_1511 = arith.index_cast %scan3A_1142 : i32 to index
        %get3A_1512 = arith.constant 16 : index
        %get3A_1513 = tpu.vector_load %arg8[%get3A_1510, %get3A_1511, %get3A_1512] {strides = array<i32>} : memref<20x32x64xf32, #tpu.memory_space<vmem>>, vector<1x1x16xf32>,
        %get3A_1514 = vector.shape_cast %get3A_1513 : vector<1x1x16xf32> to vector<16xf32>
        %add3A_1515 = arith.addf %add3A_1487, %get3A_1514 : vector<16xf32>
        %get3A_1516 = arith.constant 13 : i32
        %get3A_1517 = arith.index_cast %get3A_1516 : i32 to index
        %get3A_1518 = arith.index_cast %scan3A_1142 : i32 to index
        %get3A_1519 = arith.constant 32 : index
        %get3A_1520 = tpu.vector_load %arg8[%get3A_1517, %get3A_1518, %get3A_1519] {strides = array<i32>} : memref<20x32x64xf32, #tpu.memory_space<vmem>>, vector<1x1x16xf32>,
        %get3A_1521 = vector.shape_cast %get3A_1520 : vector<1x1x16xf32> to vector<16xf32>
        %add3A_1522 = arith.addf %add3A_1494, %get3A_1521 : vector<16xf32>
        %get3A_1523 = arith.constant 13 : i32
        %get3A_1524 = arith.index_cast %get3A_1523 : i32 to index
        %get3A_1525 = arith.index_cast %scan3A_1142 : i32 to index
        %get3A_1526 = arith.constant 48 : index
        %get3A_1527 = tpu.vector_load %arg8[%get3A_1524, %get3A_1525, %get3A_1526] {strides = array<i32>} : memref<20x32x64xf32, #tpu.memory_space<vmem>>, vector<1x1x16xf32>,
        %get3A_1528 = vector.shape_cast %get3A_1527 : vector<1x1x16xf32> to vector<16xf32>
        %add3A_1529 = arith.addf %add3A_1501, %get3A_1528 : vector<16xf32>
        %get3A_1530 = arith.constant 14 : i32
        %get3A_1531 = arith.index_cast %get3A_1530 : i32 to index
        %get3A_1532 = arith.index_cast %scan3A_1142 : i32 to index
        %get3A_1533 = arith.constant 0 : index
        %get3A_1534 = tpu.vector_load %arg8[%get3A_1531, %get3A_1532, %get3A_1533] {strides = array<i32>} : memref<20x32x64xf32, #tpu.memory_space<vmem>>, vector<1x1x16xf32>,
        %get3A_1535 = vector.shape_cast %get3A_1534 : vector<1x1x16xf32> to vector<16xf32>
        %add3A_1536 = arith.addf %add3A_1508, %get3A_1535 : vector<16xf32>
        %get3A_1537 = arith.constant 14 : i32
        %get3A_1538 = arith.index_cast %get3A_1537 : i32 to index
        %get3A_1539 = arith.index_cast %scan3A_1142 : i32 to index
        %get3A_1540 = arith.constant 16 : index
        %get3A_1541 = tpu.vector_load %arg8[%get3A_1538, %get3A_1539, %get3A_1540] {strides = array<i32>} : memref<20x32x64xf32, #tpu.memory_space<vmem>>, vector<1x1x16xf32>,
        %get3A_1542 = vector.shape_cast %get3A_1541 : vector<1x1x16xf32> to vector<16xf32>
        %add3A_1543 = arith.addf %add3A_1515, %get3A_1542 : vector<16xf32>
        %get3A_1544 = arith.constant 14 : i32
        %get3A_1545 = arith.index_cast %get3A_1544 : i32 to index
        %get3A_1546 = arith.index_cast %scan3A_1142 : i32 to index
        %get3A_1547 = arith.constant 32 : index
        %get3A_1548 = tpu.vector_load %arg8[%get3A_1545, %get3A_1546, %get3A_1547] {strides = array<i32>} : memref<20x32x64xf32, #tpu.memory_space<vmem>>, vector<1x1x16xf32>,
        %get3A_1549 = vector.shape_cast %get3A_1548 : vector<1x1x16xf32> to vector<16xf32>
        %add3A_1550 = arith.addf %add3A_1522, %get3A_1549 : vector<16xf32>
        %get3A_1551 = arith.constant 14 : i32
        %get3A_1552 = arith.index_cast %get3A_1551 : i32 to index
        %get3A_1553 = arith.index_cast %scan3A_1142 : i32 to index
        %get3A_1554 = arith.constant 48 : index
        %get3A_1555 = tpu.vector_load %arg8[%get3A_1552, %get3A_1553, %get3A_1554] {strides = array<i32>} : memref<20x32x64xf32, #tpu.memory_space<vmem>>, vector<1x1x16xf32>,
        %get3A_1556 = vector.shape_cast %get3A_1555 : vector<1x1x16xf32> to vector<16xf32>
        %add3A_1557 = arith.addf %add3A_1529, %get3A_1556 : vector<16xf32>
        %get3A_1558 = arith.constant 15 : i32
        %get3A_1559 = arith.index_cast %get3A_1558 : i32 to index
        %get3A_1560 = arith.index_cast %scan3A_1142 : i32 to index
        %get3A_1561 = arith.constant 0 : index
        %get3A_1562 = tpu.vector_load %arg8[%get3A_1559, %get3A_1560, %get3A_1561] {strides = array<i32>} : memref<20x32x64xf32, #tpu.memory_space<vmem>>, vector<1x1x16xf32>,
        %get3A_1563 = vector.shape_cast %get3A_1562 : vector<1x1x16xf32> to vector<16xf32>
        %add3A_1564 = arith.addf %add3A_1536, %get3A_1563 : vector<16xf32>
        %get3A_1565 = arith.constant 15 : i32
        %get3A_1566 = arith.index_cast %get3A_1565 : i32 to index
        %get3A_1567 = arith.index_cast %scan3A_1142 : i32 to index
        %get3A_1568 = arith.constant 16 : index
        %get3A_1569 = tpu.vector_load %arg8[%get3A_1566, %get3A_1567, %get3A_1568] {strides = array<i32>} : memref<20x32x64xf32, #tpu.memory_space<vmem>>, vector<1x1x16xf32>,
        %get3A_1570 = vector.shape_cast %get3A_1569 : vector<1x1x16xf32> to vector<16xf32>
        %add3A_1571 = arith.addf %add3A_1543, %get3A_1570 : vector<16xf32>
        %get3A_1572 = arith.constant 15 : i32
        %get3A_1573 = arith.index_cast %get3A_1572 : i32 to index
        %get3A_1574 = arith.index_cast %scan3A_1142 : i32 to index
        %get3A_1575 = arith.constant 32 : index
        %get3A_1576 = tpu.vector_load %arg8[%get3A_1573, %get3A_1574, %get3A_1575] {strides = array<i32>} : memref<20x32x64xf32, #tpu.memory_space<vmem>>, vector<1x1x16xf32>,
        %get3A_1577 = vector.shape_cast %get3A_1576 : vector<1x1x16xf32> to vector<16xf32>
        %add3A_1578 = arith.addf %add3A_1550, %get3A_1577 : vector<16xf32>
        %get3A_1579 = arith.constant 15 : i32
        %get3A_1580 = arith.index_cast %get3A_1579 : i32 to index
        %get3A_1581 = arith.index_cast %scan3A_1142 : i32 to index
        %get3A_1582 = arith.constant 48 : index
        %get3A_1583 = tpu.vector_load %arg8[%get3A_1580, %get3A_1581, %get3A_1582] {strides = array<i32>} : memref<20x32x64xf32, #tpu.memory_space<vmem>>, vector<1x1x16xf32>,
        %get3A_1584 = vector.shape_cast %get3A_1583 : vector<1x1x16xf32> to vector<16xf32>
        %add3A_1585 = arith.addf %add3A_1557, %get3A_1584 : vector<16xf32>
        %get3A_1586 = arith.constant 16 : i32
        %get3A_1587 = arith.index_cast %get3A_1586 : i32 to index
        %get3A_1588 = arith.index_cast %scan3A_1142 : i32 to index
        %get3A_1589 = arith.constant 0 : index
        %get3A_1590 = tpu.vector_load %arg8[%get3A_1587, %get3A_1588, %get3A_1589] {strides = array<i32>} : memref<20x32x64xf32, #tpu.memory_space<vmem>>, vector<1x1x16xf32>,
        %get3A_1591 = vector.shape_cast %get3A_1590 : vector<1x1x16xf32> to vector<16xf32>
        %add3A_1592 = arith.addf %add3A_1564, %get3A_1591 : vector<16xf32>
        %get3A_1593 = arith.constant 16 : i32
        %get3A_1594 = arith.index_cast %get3A_1593 : i32 to index
        %get3A_1595 = arith.index_cast %scan3A_1142 : i32 to index
        %get3A_1596 = arith.constant 16 : index
        %get3A_1597 = tpu.vector_load %arg8[%get3A_1594, %get3A_1595, %get3A_1596] {strides = array<i32>} : memref<20x32x64xf32, #tpu.memory_space<vmem>>, vector<1x1x16xf32>,
        %get3A_1598 = vector.shape_cast %get3A_1597 : vector<1x1x16xf32> to vector<16xf32>
        %add3A_1599 = arith.addf %add3A_1571, %get3A_1598 : vector<16xf32>
        %get3A_1600 = arith.constant 16 : i32
        %get3A_1601 = arith.index_cast %get3A_1600 : i32 to index
        %get3A_1602 = arith.index_cast %scan3A_1142 : i32 to index
        %get3A_1603 = arith.constant 32 : index
        %get3A_1604 = tpu.vector_load %arg8[%get3A_1601, %get3A_1602, %get3A_1603] {strides = array<i32>} : memref<20x32x64xf32, #tpu.memory_space<vmem>>, vector<1x1x16xf32>,
        %get3A_1605 = vector.shape_cast %get3A_1604 : vector<1x1x16xf32> to vector<16xf32>
        %add3A_1606 = arith.addf %add3A_1578, %get3A_1605 : vector<16xf32>
        %get3A_1607 = arith.constant 16 : i32
        %get3A_1608 = arith.index_cast %get3A_1607 : i32 to index
        %get3A_1609 = arith.index_cast %scan3A_1142 : i32 to index
        %get3A_1610 = arith.constant 48 : index
        %get3A_1611 = tpu.vector_load %arg8[%get3A_1608, %get3A_1609, %get3A_1610] {strides = array<i32>} : memref<20x32x64xf32, #tpu.memory_space<vmem>>, vector<1x1x16xf32>,
        %get3A_1612 = vector.shape_cast %get3A_1611 : vector<1x1x16xf32> to vector<16xf32>
        %add3A_1613 = arith.addf %add3A_1585, %get3A_1612 : vector<16xf32>
        %get3A_1614 = arith.constant 17 : i32
        %get3A_1615 = arith.index_cast %get3A_1614 : i32 to index
        %get3A_1616 = arith.index_cast %scan3A_1142 : i32 to index
        %get3A_1617 = arith.constant 0 : index
        %get3A_1618 = tpu.vector_load %arg8[%get3A_1615, %get3A_1616, %get3A_1617] {strides = array<i32>} : memref<20x32x64xf32, #tpu.memory_space<vmem>>, vector<1x1x16xf32>,
        %get3A_1619 = vector.shape_cast %get3A_1618 : vector<1x1x16xf32> to vector<16xf32>
        %add3A_1620 = arith.addf %add3A_1592, %get3A_1619 : vector<16xf32>
        %get3A_1621 = arith.constant 17 : i32
        %get3A_1622 = arith.index_cast %get3A_1621 : i32 to index
        %get3A_1623 = arith.index_cast %scan3A_1142 : i32 to index
        %get3A_1624 = arith.constant 16 : index
        %get3A_1625 = tpu.vector_load %arg8[%get3A_1622, %get3A_1623, %get3A_1624] {strides = array<i32>} : memref<20x32x64xf32, #tpu.memory_space<vmem>>, vector<1x1x16xf32>,
        %get3A_1626 = vector.shape_cast %get3A_1625 : vector<1x1x16xf32> to vector<16xf32>
        %add3A_1627 = arith.addf %add3A_1599, %get3A_1626 : vector<16xf32>
        %get3A_1628 = arith.constant 17 : i32
        %get3A_1629 = arith.index_cast %get3A_1628 : i32 to index
        %get3A_1630 = arith.index_cast %scan3A_1142 : i32 to index
        %get3A_1631 = arith.constant 32 : index
        %get3A_1632 = tpu.vector_load %arg8[%get3A_1629, %get3A_1630, %get3A_1631] {strides = array<i32>} : memref<20x32x64xf32, #tpu.memory_space<vmem>>, vector<1x1x16xf32>,
        %get3A_1633 = vector.shape_cast %get3A_1632 : vector<1x1x16xf32> to vector<16xf32>
        %add3A_1634 = arith.addf %add3A_1606, %get3A_1633 : vector<16xf32>
        %get3A_1635 = arith.constant 17 : i32
        %get3A_1636 = arith.index_cast %get3A_1635 : i32 to index
        %get3A_1637 = arith.index_cast %scan3A_1142 : i32 to index
        %get3A_1638 = arith.constant 48 : index
        %get3A_1639 = tpu.vector_load %arg8[%get3A_1636, %get3A_1637, %get3A_1638] {strides = array<i32>} : memref<20x32x64xf32, #tpu.memory_space<vmem>>, vector<1x1x16xf32>,
        %get3A_1640 = vector.shape_cast %get3A_1639 : vector<1x1x16xf32> to vector<16xf32>
        %add3A_1641 = arith.addf %add3A_1613, %get3A_1640 : vector<16xf32>
        %get3A_1642 = arith.constant 18 : i32
        %get3A_1643 = arith.index_cast %get3A_1642 : i32 to index
        %get3A_1644 = arith.index_cast %scan3A_1142 : i32 to index
        %get3A_1645 = arith.constant 0 : index
        %get3A_1646 = tpu.vector_load %arg8[%get3A_1643, %get3A_1644, %get3A_1645] {strides = array<i32>} : memref<20x32x64xf32, #tpu.memory_space<vmem>>, vector<1x1x16xf32>,
        %get3A_1647 = vector.shape_cast %get3A_1646 : vector<1x1x16xf32> to vector<16xf32>
        %add3A_1648 = arith.addf %add3A_1620, %get3A_1647 : vector<16xf32>
        %get3A_1649 = arith.constant 18 : i32
        %get3A_1650 = arith.index_cast %get3A_1649 : i32 to index
        %get3A_1651 = arith.index_cast %scan3A_1142 : i32 to index
        %get3A_1652 = arith.constant 16 : index
        %get3A_1653 = tpu.vector_load %arg8[%get3A_1650, %get3A_1651, %get3A_1652] {strides = array<i32>} : memref<20x32x64xf32, #tpu.memory_space<vmem>>, vector<1x1x16xf32>,
        %get3A_1654 = vector.shape_cast %get3A_1653 : vector<1x1x16xf32> to vector<16xf32>
        %add3A_1655 = arith.addf %add3A_1627, %get3A_1654 : vector<16xf32>
        %get3A_1656 = arith.constant 18 : i32
        %get3A_1657 = arith.index_cast %get3A_1656 : i32 to index
        %get3A_1658 = arith.index_cast %scan3A_1142 : i32 to index
        %get3A_1659 = arith.constant 32 : index
        %get3A_1660 = tpu.vector_load %arg8[%get3A_1657, %get3A_1658, %get3A_1659] {strides = array<i32>} : memref<20x32x64xf32, #tpu.memory_space<vmem>>, vector<1x1x16xf32>,
        %get3A_1661 = vector.shape_cast %get3A_1660 : vector<1x1x16xf32> to vector<16xf32>
        %add3A_1662 = arith.addf %add3A_1634, %get3A_1661 : vector<16xf32>
        %get3A_1663 = arith.constant 18 : i32
        %get3A_1664 = arith.index_cast %get3A_1663 : i32 to index
        %get3A_1665 = arith.index_cast %scan3A_1142 : i32 to index
        %get3A_1666 = arith.constant 48 : index
        %get3A_1667 = tpu.vector_load %arg8[%get3A_1664, %get3A_1665, %get3A_1666] {strides = array<i32>} : memref<20x32x64xf32, #tpu.memory_space<vmem>>, vector<1x1x16xf32>,
        %get3A_1668 = vector.shape_cast %get3A_1667 : vector<1x1x16xf32> to vector<16xf32>
        %add3A_1669 = arith.addf %add3A_1641, %get3A_1668 : vector<16xf32>
        %get3A_1670 = arith.constant 19 : i32
        %get3A_1671 = arith.index_cast %get3A_1670 : i32 to index
        %get3A_1672 = arith.index_cast %scan3A_1142 : i32 to index
        %get3A_1673 = arith.constant 0 : index
        %get3A_1674 = tpu.vector_load %arg8[%get3A_1671, %get3A_1672, %get3A_1673] {strides = array<i32>} : memref<20x32x64xf32, #tpu.memory_space<vmem>>, vector<1x1x16xf32>,
        %get3A_1675 = vector.shape_cast %get3A_1674 : vector<1x1x16xf32> to vector<16xf32>
        %add3A_1676 = arith.addf %add3A_1648, %get3A_1675 : vector<16xf32>
        %get3A_1677 = arith.constant 19 : i32
        %get3A_1678 = arith.index_cast %get3A_1677 : i32 to index
        %get3A_1679 = arith.index_cast %scan3A_1142 : i32 to index
        %get3A_1680 = arith.constant 16 : index
        %get3A_1681 = tpu.vector_load %arg8[%get3A_1678, %get3A_1679, %get3A_1680] {strides = array<i32>} : memref<20x32x64xf32, #tpu.memory_space<vmem>>, vector<1x1x16xf32>,
        %get3A_1682 = vector.shape_cast %get3A_1681 : vector<1x1x16xf32> to vector<16xf32>
        %add3A_1683 = arith.addf %add3A_1655, %get3A_1682 : vector<16xf32>
        %get3A_1684 = arith.constant 19 : i32
        %get3A_1685 = arith.index_cast %get3A_1684 : i32 to index
        %get3A_1686 = arith.index_cast %scan3A_1142 : i32 to index
        %get3A_1687 = arith.constant 32 : index
        %get3A_1688 = tpu.vector_load %arg8[%get3A_1685, %get3A_1686, %get3A_1687] {strides = array<i32>} : memref<20x32x64xf32, #tpu.memory_space<vmem>>, vector<1x1x16xf32>,
        %get3A_1689 = vector.shape_cast %get3A_1688 : vector<1x1x16xf32> to vector<16xf32>
        %add3A_1690 = arith.addf %add3A_1662, %get3A_1689 : vector<16xf32>
        %get3A_1691 = arith.constant 19 : i32
        %get3A_1692 = arith.index_cast %get3A_1691 : i32 to index
        %get3A_1693 = arith.index_cast %scan3A_1142 : i32 to index
        %get3A_1694 = arith.constant 48 : index
        %get3A_1695 = tpu.vector_load %arg8[%get3A_1692, %get3A_1693, %get3A_1694] {strides = array<i32>} : memref<20x32x64xf32, #tpu.memory_space<vmem>>, vector<1x1x16xf32>,
        %get3A_1696 = vector.shape_cast %get3A_1695 : vector<1x1x16xf32> to vector<16xf32>
        %add3A_1697 = arith.addf %add3A_1669, %get3A_1696 : vector<16xf32>
        %swap3A = arith.index_cast %scan3A_1142 : i32 to index
        %swap3A_1698 = arith.constant 0 : index
        %swap3A_1699 = tpu.vector_load %arg9[%swap3A, %swap3A_1698] {strides = array<i32>} : memref<32x64xf32, #tpu.memory_space<vmem>>, vector<1x16xf32>,
        %swap3A_1700 = vector.shape_cast %swap3A_1699 : vector<1x16xf32> to vector<16xf32>
        %swap3A_1701 = vector.shape_cast %add3A_1676 : vector<16xf32> to vector<1x16xf32>
        tpu.vector_store %arg9[%swap3A, %swap3A_1698], %swap3A_1701 {strides = array<i32>} : memref<32x64xf32, #tpu.memory_space<vmem>>, vector<1x16xf32>,
        %swap3A_1702 = arith.index_cast %scan3A_1142 : i32 to index
        %swap3A_1703 = arith.constant 16 : index
        %swap3A_1704 = tpu.vector_load %arg9[%swap3A_1702, %swap3A_1703] {strides = array<i32>} : memref<32x64xf32, #tpu.memory_space<vmem>>, vector<1x16xf32>,
        %swap3A_1705 = vector.shape_cast %swap3A_1704 : vector<1x16xf32> to vector<16xf32>
        %swap3A_1706 = vector.shape_cast %add3A_1683 : vector<16xf32> to vector<1x16xf32>
        tpu.vector_store %arg9[%swap3A_1702, %swap3A_1703], %swap3A_1706 {strides = array<i32>} : memref<32x64xf32, #tpu.memory_space<vmem>>, vector<1x16xf32>,
        %swap3A_1707 = arith.index_cast %scan3A_1142 : i32 to index
        %swap3A_1708 = arith.constant 32 : index
        %swap3A_1709 = tpu.vector_load %arg9[%swap3A_1707, %swap3A_1708] {strides = array<i32>} : memref<32x64xf32, #tpu.memory_space<vmem>>, vector<1x16xf32>,
        %swap3A_1710 = vector.shape_cast %swap3A_1709 : vector<1x16xf32> to vector<16xf32>
        %swap3A_1711 = vector.shape_cast %add3A_1690 : vector<16xf32> to vector<1x16xf32>
        tpu.vector_store %arg9[%swap3A_1707, %swap3A_1708], %swap3A_1711 {strides = array<i32>} : memref<32x64xf32, #tpu.memory_space<vmem>>, vector<1x16xf32>,
        %swap3A_1712 = arith.index_cast %scan3A_1142 : i32 to index
        %swap3A_1713 = arith.constant 48 : index
        %swap3A_1714 = tpu.vector_load %arg9[%swap3A_1712, %swap3A_1713] {strides = array<i32>} : memref<32x64xf32, #tpu.memory_space<vmem>>, vector<1x16xf32>,
        %swap3A_1715 = vector.shape_cast %swap3A_1714 : vector<1x16xf32> to vector<16xf32>
        %swap3A_1716 = vector.shape_cast %add3A_1697 : vector<16xf32> to vector<1x16xf32>
        tpu.vector_store %arg9[%swap3A_1712, %swap3A_1713], %swap3A_1716 {strides = array<i32>} : memref<32x64xf32, #tpu.memory_space<vmem>>, vector<1x16xf32>,
      }
      %scan3A_1141 = arith.constant 32 : i32
      "tpu.region"() ({
        %run_scoped3A_1142 = tpu.sem_alloc : memref<!tpu.dma_semaphore, #tpu.memory_space<semaphore_mem>>
        %dma_start3A_1143 = arith.constant 0 : i32
        %dma_start3A_1144 = tpu.memref_slice %arg4[%select_n3A_1116, %add3A_1135, %dma_start3A_1143] : memref<26x4096x128xf32, #tpu.memory_space<hbm>> -> memref<1x32x64xf32, #tpu.memory_space<hbm>>
        %dma_start3A_1145 = tpu.memref_squeeze %dma_start3A_1144 : memref<1x32x64xf32, #tpu.memory_space<hbm>> -> memref<32x64xf32, #tpu.memory_space<hbm>>
        %dma_start3A_1146 = arith.constant 0 : i32
        %dma_start3A_1147 = tpu.memref_slice %arg4[%select_n3A_1116, %add3A_1135, %dma_start3A_1146] : memref<26x4096x128xf32, #tpu.memory_space<hbm>> -> memref<1x32x64xf32, #tpu.memory_space<hbm>>
        %dma_start3A_1148 = tpu.memref_squeeze %dma_start3A_1147 : memref<1x32x64xf32, #tpu.memory_space<hbm>> -> memref<32x64xf32, #tpu.memory_space<hbm>>
        tpu.enqueue_dma source(%arg9 : memref<32x64xf32, #tpu.memory_space<vmem>>) target(%dma_start3A_1148 : memref<32x64xf32, #tpu.memory_space<hbm>>) target_semaphore(%run_scoped3A_1142 : memref<!tpu.dma_semaphore, #tpu.memory_space<semaphore_mem>>)
        %dma_wait3A_1149 = arith.constant 0 : i32
        %dma_wait3A_1150 = tpu.memref_slice %arg4[%select_n3A_1116, %add3A_1135, %dma_wait3A_1149] : memref<26x4096x128xf32, #tpu.memory_space<hbm>> -> memref<1x32x64xf32, #tpu.memory_space<hbm>>
        %dma_wait3A_1151 = tpu.memref_squeeze %dma_wait3A_1150 : memref<1x32x64xf32, #tpu.memory_space<hbm>> -> memref<32x64xf32, #tpu.memory_space<hbm>>
        %dma_wait3A_1152 = arith.constant 0 : i32
        %dma_wait3A_1153 = tpu.memref_slice %arg4[%select_n3A_1116, %add3A_1135, %dma_wait3A_1152] : memref<26x4096x128xf32, #tpu.memory_space<hbm>> -> memref<1x32x64xf32, #tpu.memory_space<hbm>>
        %dma_wait3A_1154 = tpu.memref_squeeze %dma_wait3A_1153 : memref<1x32x64xf32, #tpu.memory_space<hbm>> -> memref<32x64xf32, #tpu.memory_space<hbm>>
        tpu.wait_dma2 semaphore(%run_scoped3A_1142 : memref<!tpu.dma_semaphore, #tpu.memory_space<semaphore_mem>>) src(%arg9 : memref<32x64xf32, #tpu.memory_space<vmem>>) dst(%dma_wait3A_1154 : memref<32x64xf32, #tpu.memory_space<hbm>>)
        tpu.yield
      }) : () -> ()
    }
    %scan3A_257 = arith.constant 52 : i32
    return
  }
}

module attributes {stable_mosaic.version = 14 : i64} {
  func.func @_mean_body(%arg0: i32, %arg1: i32, %arg2: memref<1x24x2048xi32, #tpu.memory_space<vmem>>, %arg3: memref<1x2048x128xf32, #tpu.memory_space<vmem>>, %arg4: memref<1x64x2048xf32, #tpu.memory_space<vmem>>) attributes {dimension_semantics = [#tpu.dimension_semantics<arbitrary>, #tpu.dimension_semantics<arbitrary>], iteration_bounds = array<i64: 26, 2>, scalar_prefetch = 0 : i64, scratch_operands = 0 : i64, tpu.core_type = #tpu.core_type<tc>, window_params = [{transform_indices = @transform_0, window_bounds = array<i64: 1, 24, 2048>}, {transform_indices = @transform_1, window_bounds = array<i64: 1, 2048, 128>}, {transform_indices = @transform_2, window_bounds = array<i64: 1, 64, 2048>}]} {
    %get3A = arith.constant 0 : index
    %get3A_0 = arith.constant 0 : index
    %get3A_1 = arith.constant 0 : index
    %get3A_2 = vector.load %arg2[%get3A, %get3A_0, %get3A_1] : memref<1x24x2048xi32, #tpu.memory_space<vmem>>, vector<1x24x2048xi32>
    %get3A_3 = vector.shape_cast %get3A_2 : vector<1x24x2048xi32> to vector<24x2048xi32>
    %gt3A = arith.constant 0 : i32
    %gt3A_4 = vector.broadcast %gt3A : i32 to vector<24x2048xi32>
    %gt3A_5 = arith.cmpi sgt, %get3A_3, %gt3A_4 : vector<24x2048xi32>
    %convert_element_type3A = arith.extui %gt3A_5 : vector<24x2048xi1> to vector<24x2048xi32>
    %convert_element_type3A_6 = arith.sitofp %convert_element_type3A : vector<24x2048xi32> to vector<24x2048xf32>
    %reduce_sum3A = arith.constant dense<0.000000e+00> : vector<2048xf32>
    %reduce_sum3A_7 = vector.multi_reduction <add>, %convert_element_type3A_6, %reduce_sum3A [0] : vector<24x2048xf32> to vector<2048xf32>
    %broadcast_in_dim3A = vector.shape_cast %reduce_sum3A_7 : vector<2048xf32> to vector<1x2048xf32>
    %get3A_8 = arith.constant 0 : index
    %get3A_9 = arith.constant 0 : index
    %get3A_10 = arith.constant 0 : index
    %get3A_11 = vector.load %arg3[%get3A_8, %get3A_9, %get3A_10] : memref<1x2048x128xf32, #tpu.memory_space<vmem>>, vector<1x2048x128xf32>
    %get3A_12 = vector.shape_cast %get3A_11 : vector<1x2048x128xf32> to vector<2048x128xf32>
    %slice3A = vector.extract_strided_slice %get3A_12 {offsets = [0, 0], sizes = [2048, 64], strides = [1, 1]} : vector<2048x128xf32> to vector<2048x64xf32>
    %transpose3A = tpu.transpose %slice3A, [1, 0] : vector<2048x64xf32> -> vector<64x2048xf32>
    %max3A = arith.constant 1.000000e+00 : f32
    %max3A_13 = vector.broadcast %max3A : f32 to vector<1x2048xf32>
    %max3A_14 = arith.maximumf %broadcast_in_dim3A, %max3A_13 : vector<1x2048xf32>
    %div3A = arith.constant 1.000000e+00 : f32
    %div3A_15 = vector.broadcast %div3A : f32 to vector<1x2048xf32>
    %div3A_16 = arith.divf %div3A_15, %max3A_14 : vector<1x2048xf32>
    %mul3A = vector.broadcast %div3A_16 : vector<1x2048xf32> to vector<64x2048xf32>
    %mul3A_17 = arith.mulf %transpose3A, %mul3A : vector<64x2048xf32>
    %swap3A = arith.constant 0 : index
    %swap3A_18 = arith.constant 0 : index
    %swap3A_19 = arith.constant 0 : index
    %swap3A_20 = vector.load %arg4[%swap3A, %swap3A_18, %swap3A_19] : memref<1x64x2048xf32, #tpu.memory_space<vmem>>, vector<1x64x2048xf32>
    %swap3A_21 = vector.shape_cast %swap3A_20 : vector<1x64x2048xf32> to vector<64x2048xf32>
    %swap3A_22 = vector.shape_cast %mul3A_17 : vector<64x2048xf32> to vector<1x64x2048xf32>
    tpu.vector_store %arg4[%swap3A, %swap3A_18, %swap3A_19], %swap3A_22 {strides = array<i32>} : memref<1x64x2048xf32, #tpu.memory_space<vmem>>, vector<1x64x2048xf32>,
    return
  }
  func.func @transform_0(%arg0: i32, %arg1: i32) -> (i32, i32, i32) {
    %c0_i32 = arith.constant 0 : i32
    %c0_i32_0 = arith.constant 0 : i32
    return %arg0, %c0_i32, %arg1 : i32, i32, i32
  }
  func.func @transform_1(%arg0: i32, %arg1: i32) -> (i32, i32, i32) {
    %c0_i32 = arith.constant 0 : i32
    %c0_i32_0 = arith.constant 0 : i32
    return %arg0, %arg1, %c0_i32 : i32, i32, i32
  }
  func.func @transform_2(%arg0: i32, %arg1: i32) -> (i32, i32, i32) {
    %c0_i32 = arith.constant 0 : i32
    %c0_i32_0 = arith.constant 0 : i32
    return %arg0, %c0_i32, %arg1 : i32, i32, i32
  }
}

</mosaic_0001>

<sc_bundles>
// kernel: kernel.4.cloned.1.call-start
scs
__scs_entry_jumppad:
0x0: {  	(pc) =	sbr.rel $0x88, $3  }
0x1: {  	(tag) =	ssettag $0x0;
	lr =	simm.s32 $0x1  }
0x2: {  	[smem:$0x3F9F] =	sst lr;
	_ =	strace $0xD0000000  }
0x3: {  	_ = 	snop  }
0x4: {  	_ = 	snop  }
0x5: {  	_ = 	snop  }
0x6: {  	_ = 	snop  }
0x7: {  	_ = 	snop  }
__scs_overlays_trampoline_lowered:
0x8: {  	[smem:$0x3FAE] =	sst s0  }
0x9: {  	[smem:$0x3FAF] =	sst s1  }
0xa: {  	[smem:$0x3FB0] =	sst s2  }
0xb: {  	[smem:$0x3FB1] =	sst s3  }
0xc: {  	[smem:$0x3FB2] =	sst s4  }
0xd: {  	[smem:$0x3FB3] =	sst s5  }
0xe: {  	[smem:$0x3FB4] =	sst s6  }
0xf: {  	[smem:$0x3FB5] =	sst s7  }
0x10: {  	[smem:$0x3FB6] =	sst s8  }
0x11: {  	[smem:$0x3FB7] =	sst s9;
	s0 =	simm.s32 @!p0 $0x0  }
0x12: {  	s1 =	sld [smem:$0x3F9D];
	s0 =	simm.s32 @p0 $0x1  }
0x13: {  	[smem:$0x3FB8] =	sst s0;
	s0 =	simm.s32 @!p1 $0x0  }
0x14: {  	s2 =	sld [smem:$0x3F9C];
	s0 =	simm.s32 @p1 $0x1  }
0x15: {  	[smem:$0x3FB9] =	sst s0;
	s0 =	simm.s32 @!p2 $0x0  }
0x16: {  	s3 =	sld [smem:$0x3FDB];
	s0 =	simm.s32 @p2 $0x1  }
0x17: {  	s4 =	simm.s32 $0x1BF5;
	[smem:$0x3FBB] =	sst s0  }
0x18: {  	s0 =	sld [smem:$0x3F9E];
	_ =	swait.ge [sflag:s4], $0x0  }
0x19: {  	s7 =	sld [smem:$0x3F9F]  }
0x1a: {  	s8 =	sadd.s32 $0xFFFFE003, lr  }
0x1b: {  	s9 =	sadd.s32 $0xFFFFFEF7, lr;
	s5 =	simm.s32 $0xFFFFFFFF;
	p2 =	slt.u32 s8, $0xFFFFF086  }
0x1c: {  	p1 =	slt.u32 s9, $0xF7A;
	s5 =	simm.s32 @!p2 $0x0  }
0x1d: {  	s5 =	simm.s32 @p1 $0x1;
	p0 =	seq.s32 s7, s2  }
0x1e: {  	s7 =	smul.u32 @!p0 $0xF7A, s2;
	p2 =	seq.s32 @!p0 s5, $0x0  }
0x1f: {  	s9 =	smul.u32 $0xF7A, s1;
	s8 =	simm.s32 @!p0 $0x1BF5;
	p2 =	por !p2, p0  }
0x20: {  	[sflag:s8] =	ssyncset.s32 @!p0 $0xFFFFF086;
	s6 =	sadd.s32 @!p0 s3, s7;
	s7 =	simm.s32 @!p0 $0x108  }
0x21: {  	s3 =	sadd.s32 s3, s9;
	s6 =	sadd.s32 @!p0 $0x88, s6;
	s7 =	simm.s32 @p2 $0x1082  }
0x22: {  	[simem:s7], [sflag:s8] =	dma.local @!p0 [hbm:s6], $0xF7A  }
0x23: {  	s9 =	sor.u32 $0xD0000000, s2;
	s6 =	simm.s32 $0x108;
	_ =	swait.ge @!p0 [sflag:s8], $0x0  }
0x24: {  	s3 =	sadd.s32 $0x88, s3;
	s6 =	simm.s32 @!p1 $0x1082;
	[sflag:s4] =	ssyncset.s32 $0xFFFFF086  }
0x25: {  	[simem:s6], [sflag:s4] =	dma.local [hbm:s3], $0xF7A  }
0x26: {  	[smem:$0x3F9F] =	sst s1;
	(tag) =	ssettag s2;
	_ =	strace s9  }
0x27: {  	s1 =	sld [smem:$0x3FAF]  }
0x28: {  	s2 =	sld [smem:$0x3FB0]  }
0x29: {  	s4 =	sld [smem:$0x3FB2]  }
0x2a: {  	p0 =	seq.s32 s5, $0x0;
	s5 =	sld [smem:$0x3FB3]  }
0x2b: {  	s6 =	sld [smem:$0x3FB4]  }
0x2c: {  	s7 =	sld [smem:$0x3FB5]  }
0x2d: {  	s3 =	simm.s32 $0x108;
	s8 =	sld [smem:$0x3FB6]  }
0x2e: {  	s3 =	simm.s32 @!p0 $0x1082;
	s9 =	sld [smem:$0x3FB7]  }
0x2f: {  	lr =	sadd.s32 s0, s3;
	s0 =	sld [smem:$0x3FAE]  }
0x30: {  	s3 =	sld [smem:$0x3FB1]  }
0x31: {  	[smem:$0x3FBA] =	sst s10  }
0x32: {  	s10 =	sld [smem:$0x3FB8];
	_ =	sdelay $0x3  }
0x33: {  	p0 =	seq.s32 s10, $0x1;
	s10 =	sld [smem:$0x3FBA];
	_ =	sdelay $0x3  }
0x34: {  	[smem:$0x3FBA] =	sst s10  }
0x35: {  	s10 =	sld [smem:$0x3FB9];
	_ =	sdelay $0x3  }
0x36: {  	p1 =	seq.s32 s10, $0x1;
	s10 =	sld [smem:$0x3FBA];
	_ =	sdelay $0x3  }
0x37: {  	[smem:$0x3FBA] =	sst s10  }
0x38: {  	s10 =	sld [smem:$0x3FBB]  }
0x39: {  	_ = 	snop;
	(pc) =	sbr.ind lr, $3  }
0x3a: {  	_ = 	snop  }
0x3b: {  	_ = 	snop  }
0x3c: {  	p2 =	seq.s32 s10, $0x1;
	s10 =	sld [smem:$0x3FBA]  }
0x3d: {  	_ =	shalt  }
0x3e: {  	_ =	shalt  }
0x3f: {  	_ =	shalt  }
0x40: {  	_ =	shalt  }
0x41: {  	_ =	shalt  }
0x42: {  	_ =	shalt  }
0x43: {  	_ =	shalt  }
0x44: {  	_ =	shalt  }
0x45: {  	_ =	shalt  }
0x46: {  	_ =	shalt  }
0x47: {  	_ =	shalt  }
0x48: {  	_ =	shalt  }
0x49: {  	_ =	shalt  }
0x4a: {  	_ =	shalt  }
0x4b: {  	_ =	shalt  }
0x4c: {  	_ =	shalt  }
0x4d: {  	_ =	shalt  }
0x4e: {  	_ =	shalt  }
0x4f: {  	_ =	shalt  }
0x50: {  	_ =	shalt  }
0x51: {  	_ =	shalt  }
0x52: {  	_ =	shalt  }
0x53: {  	_ =	shalt  }
0x54: {  	_ =	shalt  }
0x55: {  	_ =	shalt  }
0x56: {  	_ =	shalt  }
0x57: {  	_ =	shalt  }
0x58: {  	_ =	shalt  }
0x59: {  	_ =	shalt  }
0x5a: {  	_ =	shalt  }
0x5b: {  	_ =	shalt  }
0x5c: {  	_ =	shalt  }
0x5d: {  	_ =	shalt  }
0x5e: {  	_ =	shalt  }
0x5f: {  	_ =	shalt  }
0x60: {  	_ =	shalt  }
0x61: {  	_ =	shalt  }
0x62: {  	_ =	shalt  }
0x63: {  	_ =	shalt  }
0x64: {  	_ =	shalt  }
0x65: {  	_ =	shalt  }
0x66: {  	_ =	shalt  }
0x67: {  	_ =	shalt  }
0x68: {  	_ =	shalt  }
0x69: {  	_ =	shalt  }
0x6a: {  	_ =	shalt  }
0x6b: {  	_ =	shalt  }
0x6c: {  	_ =	shalt  }
0x6d: {  	_ =	shalt  }
0x6e: {  	_ =	shalt  }
0x6f: {  	_ =	shalt  }
0x70: {  	_ =	shalt  }
0x71: {  	_ =	shalt  }
0x72: {  	_ =	shalt  }
0x73: {  	_ =	shalt  }
0x74: {  	_ =	shalt  }
0x75: {  	_ =	shalt  }
0x76: {  	_ =	shalt  }
0x77: {  	_ =	shalt  }
0x78: {  	_ =	shalt  }
0x79: {  	_ =	shalt  }
0x7a: {  	_ =	shalt  }
0x7b: {  	_ =	shalt  }
0x7c: {  	_ =	shalt  }
0x7d: {  	_ =	shalt  }
0x7e: {  	_ =	shalt  }
0x7f: {  	_ =	shalt  }
0x80: {  	_ =	shalt  }
0x81: {  	_ =	shalt  }
0x82: {  	_ =	shalt  }
0x83: {  	_ =	shalt  }
0x84: {  	_ =	shalt  }
0x85: {  	_ =	shalt  }
0x86: {  	_ =	shalt  }
0x87: {  	_ =	shalt  }
.Lfunc_end0:
.L_simem_size_0:
called_computation_lowered:
.L_overlay_start_0:
0x88: {  	s2 =	sld [smem:$0x3FD9]  }
0x89: {  	s3 =	sld [smem:$0x3FFE];
	_ =	sdelay $0x1  }
0x8a: {  	s1 =	srdreg.scid  }
0x8b: {  	s0 =	sand.u32 $0x1, s1  }
0x8c: {  	s16 =	sshll.u32 s0, $0xA;
	s2 =	sadd.s32 s3, s2  }
0x8d: {  	s2 =	sadd.s32 s2, s16  }
0x8e: {  	[smem:$0x3FC6] =	sst s2  }
0x8f: {  	_ = 	snop  }
0x90: {  	(tm) =	ssettm $0x1  }
0x91: {  	s17 =	sld [smem:$0x3FFB];
	_ =	sdelay $0x3  }
0x92: {  	_ =	strace s17  }
0x93: {  	s2 =	sld [smem:$0x3FFC];
	_ =	sdelay $0x3  }
0x94: {  	_ =	strace s2  }
0x95: {  	s2 =	sld [smem:$0x3FFD];
	_ =	sdelay $0x3  }
0x96: {  	_ =	strace s2  }
0x97: {  	_ =	strace $0x8FFFFFFF  }
0x98: {  	s18 =	sld [smem:$0x3FDB];
	_ =	sdelay $0x1  }
0x99: {  	s19 =	simm.s32 $_scs_section_size  }
0x9a: {  	s4 =	simm.s32 $_size__tile_overlayer_lowered;
	s5 =	simm.s32 $_tile_overlayer_lowered  }
0x9b: {  	s22 =	simm.s32 $0x1BFF;
	s21 =	sshll.u32 s5, $0x1;
	s2 =	sadd.s32 s19, s18  }
0x9c: {  	s6 =	simm.s32 $0x0;
	s20 =	sshll.u32 s4, $0x1;
	s4 =	sadd.s32 s21, s2  }
0x9d: {  	[timem:s6], [sflag:s22] =	dma.local [hbm:s4], s20  }
0x9e: {  	_ =	swait.ge [sflag:s22], s20  }
0x9f: {  	s3 =	ssub.s32 $0x0, s20;
	[sflag:s22] =	ssyncset.done $0x0  }
0xa0: {  	[sflag:s22] =	ssyncadd.s32 s3;
	_ =	sdelay $0x1  }
0xa1: {  	s23 =	simm.s32 $0x1B8B  }
0xa2: {  	_ =	swait.ge [sflag:s23], $0x1  }
0xa3: {  	[sflag:s23] =	ssyncset.done $0x0  }
0xa4: {  	s25 =	simm.s32 $0x1B8E;
	s24 =	sld [smem:$0x3FFE];
	[sflag:s23] =	ssyncadd.s32 $0xFFFFFFFF  }
0xa5: {  	s26 =	simm.s32 $execute0_lowered;
	[smem:$0x3FD2] =	sst s25  }
0xa6: {  	s4 =	sshll.u32 s26, $0x1;
	_ =	strace $0x80000046;
	[dreg:$0x1] =	wrdreg $0xFFFFFFFF  }
0xa7: {  	s28 =	simm.s32 $_size_execute0_lowered;
	s2 =	sadd.s32 s2, s4;
	[dreg:$0x0] =	wrdreg $0x0  }
0xa8: {  	s4 =	sshll.u32 s28, $0x1;
	[dreg:$0x2] =	wrdreg s2  }
0xa9: {  	[dreg:$0x3] =	wrdreg s4  }
0xaa: {  	[dreg:$0x4] =	wrdreg $0xC0  }
0xab: {  	_ =	task [dreg:s6], $0x5FFFF  }
0xac: {  	[dreg:$0x1] =	wrdreg $0xFFFFFFFF  }
0xad: {  	[dreg:$0x0] =	wrdreg $0x60  }
0xae: {  	[dreg:$0x2] =	wrdreg s24  }
0xaf: {  	[dreg:$0x3] =	wrdreg $0x9  }
0xb0: {  	_ =	task.clear_ibuf [dreg:s6], $0x4FFFF;
	_ =	strace $0x90000046  }
0xb1: {  	s29 =	simm.s32 $0x9;
	_ =	strace $0x80000048  }
0xb2: {  	_ =	swait.ge [sflag:s29], $0x1  }
0xb3: {  	[sflag:s29] =	ssyncadd.s32 $0xFFFFFFFF  }
0xb4: {  	_ =	strace $0x90000048  }
0xb5: {  	_ =	sfence  }
0xb6: {  	s30 =	sld [smem:$0x0];
	_ =	sdelay $0x2  }
0xb7: {  	s31 =	sshll.u32 s1, $0xD;
	s1 =	sshrl.u32 s1, $0x2  }
0xb8: {  	s3 =	sand.u32 $0x4000, s31;
	s1 =	sadd.s32 s1, s30  }
0xb9: {  	s0 =	sor.u32 s3, s0;
	s1 =	sshll.u32 s1, $0x11  }
0xba: {  	s0 =	sor.u32 s1, s0  }
0xbb: {  	s0 =	sadd.s32 $0x8F2B, s0  }
0xbc: {  	[sflag:s0] =	ssyncadd.remote.s32 $0x1  }
0xbd: {  	_ =	sfence.sel $0xFFFF  }
0xbe: {  	[dreg:$0x0] =	wrdreg $0xFFFFFFFF;
	(pc) =	sbr.abs _section_cstart, $3  }
0xbf: {  	[dreg:$0x1] =	wrdreg $0xFFFFFFFF  }
0xc0: {  	_ =	task.clear_ibuf [dreg:s6], $0x2FFFF;
	_ =	strace $0x9FFFFFFF  }
0xc1: {  	(tm) =	ssettm $0x7FFFFFFF  }
tec
execute0_lowered:
.L_overlay_start_1:
0x0: {  	(tag) =	ssettag $0x1  }
0x1: {  	s0 =	rddreg [dreg:$0x0]  }
0x2: {  	s1 =	srdreg.scid;
	s3 =	simm.s32 $0x0;
	s2 =	stileid.u32  }
0x3: {  	s10 =	simm.s32 $0x20;
	s12 =	simm.s32 $0x5;
	s15 =	simm.s32 $0x40  }
0x4: {  	s19 =	simm.s32 $0x80;
	s13 =	simm.s32 $0x280;
	s14 =	simm.s32 $0x1  }
0x5: {  	s16 =	simm.s32 $0x4;
	s28 =	simm.s32 $0x460;
	s29 =	simm.s32 $0x11D00  }
0x6: {  	s30 =	simm.s32 $0x480;
	s31 =	simm.s32 $0x12500;
	s11 =	simm.s32 $0x4C0  }
0x7: {  	s8 =	simm.s32 $0x4E0;
	s9 =	simm.s32 $0x13D00;
	s17 =	simm.s32 $0x2  }
0x8: {  	s20 =	simm.s32 $0x0;
	s1 =	sand.u32 $0x1, s1;
	[smem:$0x7FF] =	sst s3  }
0x9: {  	s2 =	sshll.u32 s2, $0x8;
	s4 =	sadd.s32 $0xA00, s0;
	s24 =	sshll.u32 s1, $0x7  }
0xa: {  	s5 =	sadd.s32 $0xF42E00, s0;
	s1 =	ssub.s32 $0x2, s1;
	s3 =	sor.u32 s24, s2  }
0xb: {  	s7 =	sadd.s32 $0x4EA00, s0;
	s6 =	sshrl.u32 s1, $0x1;
	s2 =	sshrl.u32 s3, $0x3  }
0xc: {  	_ =	strace $0x80000047;
	s25 =	ssub.s32 s1, s6;
	s2 =	sadd.s32 s4, s2  }
0xd: {  	s1 =	simm.s32 $0x12D00;
	s0 =	smax.u32 s25, $0x1;
	[dreg:$0x2] =	wrdreg s2  }
0xe: {  	s6 =	simm.s32 $0x14500;
	s26 =	sadd.s32 $0x4, s2;
	[dreg:$0x4] =	wrdreg s0  }
0xf: {  	s0 =	simm.s32 $0x4A0;
	s2 =	simm.s32 $0x13500;
	[dreg:$0x3] =	wrdreg s26  }
.LBB2_1:
0x10: {  	[dreg:$0x5] =	wrdreg s20  }
0x11: {  	s18 =	simm.s32 $0x0;
	s24 =	rddreg [dreg:$0x2];
	s21 =	simm.s32 $0x1000  }
0x12: {  	[tilespmem:s18], [sflag:$0x5] =	stream.strided.gather [hbm4b:s24+s10], $0x280, s21, s10, $0x38;
	[tilespmem:$0x14D00] =	vst v63  }
0x13: {  	_ =	swait.ge [sflag:s12], $0x280  }
0x14: {  	[sflag:s12] =	ssyncset.done $0x0  }
0x15: {  	s25 =	simm.s32 $0x500;
	[sflag:s12] =	ssyncadd.s32 $0xFFFFFD80  }
0x16: {  	[tilespmem:s25], [sflag:$0x1] =	stream.indirect.gather [hbm4b:s5+s10], $0x40, s18, s10, $0xb8;
	[tilespmem:$0x14D00] =	vst v63  }
0x17: {  	s26 =	simm.s32 $0xD00  }
0x18: {  	[tilespmem:s26], [sflag:$0x1] =	stream.indirect.gather [hbm4b:s5+s10], $0x40, s10, s10, $0xb8;
	[tilespmem:$0x14D00] =	vst v63  }
0x19: {  	s20 =	simm.s32 $0x1500  }
0x1a: {  	[tilespmem:s20], [sflag:$0x1] =	stream.indirect.gather [hbm4b:s5+s10], $0x40, s15, s10, $0xb8;
	[tilespmem:$0x14D00] =	vst v63  }
0x1b: {  	s22 =	simm.s32 $0x60;
	s23 =	simm.s32 $0x1D00  }
0x1c: {  	[tilespmem:s23], [sflag:$0x1] =	stream.indirect.gather [hbm4b:s5+s10], $0x40, s22, s10, $0xb8;
	[tilespmem:$0x14D00] =	vst v63  }
0x1d: {  	s24 =	simm.s32 $0x2500  }
0x1e: {  	[tilespmem:s24], [sflag:$0x1] =	stream.indirect.gather [hbm4b:s5+s10], $0x40, s19, s10, $0xb8;
	[tilespmem:$0x14D00] =	vst v63  }
0x1f: {  	s25 =	simm.s32 $0xA0;
	s26 =	simm.s32 $0x2D00  }
0x20: {  	[tilespmem:s26], [sflag:$0x1] =	stream.indirect.gather [hbm4b:s5+s10], $0x40, s25, s10, $0xb8;
	[tilespmem:$0x14D00] =	vst v63  }
0x21: {  	s20 =	simm.s32 $0xC0;
	s22 =	simm.s32 $0x3500  }
0x22: {  	[tilespmem:s22], [sflag:$0x1] =	stream.indirect.gather [hbm4b:s5+s10], $0x40, s20, s10, $0xb8;
	[tilespmem:$0x14D00] =	vst v63  }
0x23: {  	s23 =	simm.s32 $0xE0;
	s24 =	simm.s32 $0x3D00  }
0x24: {  	[tilespmem:s24], [sflag:$0x1] =	stream.indirect.gather [hbm4b:s5+s10], $0x40, s23, s10, $0xb8;
	[tilespmem:$0x14D00] =	vst v63  }
0x25: {  	s25 =	simm.s32 $0x100;
	s26 =	simm.s32 $0x4500  }
0x26: {  	[tilespmem:s26], [sflag:$0x1] =	stream.indirect.gather [hbm4b:s5+s10], $0x40, s25, s10, $0xb8;
	[tilespmem:$0x14D00] =	vst v63  }
0x27: {  	s20 =	simm.s32 $0x120;
	s22 =	simm.s32 $0x4D00  }
0x28: {  	[tilespmem:s22], [sflag:$0x1] =	stream.indirect.gather [hbm4b:s5+s10], $0x40, s20, s10, $0xb8;
	[tilespmem:$0x14D00] =	vst v63  }
0x29: {  	s23 =	simm.s32 $0x140;
	s24 =	simm.s32 $0x5500  }
0x2a: {  	[tilespmem:s24], [sflag:$0x1] =	stream.indirect.gather [hbm4b:s5+s10], $0x40, s23, s10, $0xb8;
	[tilespmem:$0x14D00] =	vst v63  }
0x2b: {  	s25 =	simm.s32 $0x160;
	s26 =	simm.s32 $0x5D00  }
0x2c: {  	[tilespmem:s26], [sflag:$0x1] =	stream.indirect.gather [hbm4b:s5+s10], $0x40, s25, s10, $0xb8;
	[tilespmem:$0x14D00] =	vst v63  }
0x2d: {  	s20 =	simm.s32 $0x180;
	s22 =	simm.s32 $0x6500  }
0x2e: {  	[tilespmem:s22], [sflag:$0x1] =	stream.indirect.gather [hbm4b:s5+s10], $0x40, s20, s10, $0xb8;
	[tilespmem:$0x14D00] =	vst v63  }
0x2f: {  	s23 =	simm.s32 $0x1A0;
	s24 =	simm.s32 $0x6D00  }
0x30: {  	[tilespmem:s24], [sflag:$0x1] =	stream.indirect.gather [hbm4b:s5+s10], $0x40, s23, s10, $0xb8;
	[tilespmem:$0x14D00] =	vst v63  }
0x31: {  	s25 =	simm.s32 $0x1C0;
	s26 =	simm.s32 $0x7500  }
0x32: {  	[tilespmem:s26], [sflag:$0x1] =	stream.indirect.gather [hbm4b:s5+s10], $0x40, s25, s10, $0xb8;
	[tilespmem:$0x14D00] =	vst v63  }
0x33: {  	s20 =	simm.s32 $0x1E0;
	s22 =	simm.s32 $0x7D00  }
0x34: {  	[tilespmem:s22], [sflag:$0x1] =	stream.indirect.gather [hbm4b:s5+s10], $0x40, s20, s10, $0xb8;
	[tilespmem:$0x14D00] =	vst v63  }
0x35: {  	s23 =	simm.s32 $0x200;
	s24 =	simm.s32 $0x8500  }
0x36: {  	[tilespmem:s24], [sflag:$0x1] =	stream.indirect.gather [hbm4b:s5+s10], $0x40, s23, s10, $0xb8;
	[tilespmem:$0x14D00] =	vst v63  }
0x37: {  	s25 =	simm.s32 $0x220;
	s26 =	simm.s32 $0x8D00  }
0x38: {  	[tilespmem:s26], [sflag:$0x1] =	stream.indirect.gather [hbm4b:s5+s10], $0x40, s25, s10, $0xb8;
	[tilespmem:$0x14D00] =	vst v63  }
0x39: {  	s22 =	simm.s32 $0x240;
	s23 =	simm.s32 $0x9500  }
0x3a: {  	[tilespmem:s23], [sflag:$0x1] =	stream.indirect.gather [hbm4b:s5+s10], $0x40, s22, s10, $0xb8;
	[tilespmem:$0x14D00] =	vst v63  }
0x3b: {  	s24 =	simm.s32 $0x260;
	s25 =	simm.s32 $0x9D00  }
0x3c: {  	[tilespmem:s25], [sflag:$0x1] =	stream.indirect.gather [hbm4b:s5+s10], $0x40, s24, s10, $0xb8;
	[tilespmem:$0x14D00] =	vst v63  }
0x3d: {  	s18 =	simm.s32 $0x0;
	s26 =	rddreg [dreg:$0x3]  }
0x3e: {  	[tilespmem:s13], [sflag:$0x4] =	stream.strided.gather [hbm4b:s26+s10], $0x280, s21, s10, $0x38;
	[tilespmem:$0x14D00] =	vst v63  }
.LBB2_2:
0x3f: {  	_ =	swait.ge [sflag:s14], $0x800  }
0x40: {  	[sflag:s14] =	ssyncset.done $0x0  }
0x41: {  	[sflag:s14] =	ssyncadd.s32 $0xFFFFF800  }
0x42: {  	_ =	swait.ge [sflag:s14], $0x800  }
0x43: {  	[sflag:s14] =	ssyncset.done $0x0  }
0x44: {  	[sflag:s14] =	ssyncadd.s32 $0xFFFFF800  }
0x45: {  	_ =	swait.ge [sflag:s14], $0x800  }
0x46: {  	[sflag:s14] =	ssyncset.done $0x0  }
0x47: {  	[sflag:s14] =	ssyncadd.s32 $0xFFFFF800  }
0x48: {  	_ =	swait.ge [sflag:s14], $0x800  }
0x49: {  	[sflag:s14] =	ssyncset.done $0x0  }
0x4a: {  	[sflag:s14] =	ssyncadd.s32 $0xFFFFF800  }
0x4b: {  	_ =	swait.ge [sflag:s14], $0x800  }
0x4c: {  	[sflag:s14] =	ssyncset.done $0x0  }
0x4d: {  	[sflag:s14] =	ssyncadd.s32 $0xFFFFF800  }
0x4e: {  	_ =	swait.ge [sflag:s14], $0x800  }
0x4f: {  	[sflag:s14] =	ssyncset.done $0x0  }
0x50: {  	[sflag:s14] =	ssyncadd.s32 $0xFFFFF800  }
0x51: {  	_ =	swait.ge [sflag:s14], $0x800  }
0x52: {  	[sflag:s14] =	ssyncset.done $0x0  }
0x53: {  	[sflag:s14] =	ssyncadd.s32 $0xFFFFF800  }
0x54: {  	_ =	swait.ge [sflag:s14], $0x800  }
0x55: {  	[sflag:s14] =	ssyncset.done $0x0  }
0x56: {  	[sflag:s14] =	ssyncadd.s32 $0xFFFFF800  }
0x57: {  	_ =	swait.ge [sflag:s14], $0x800  }
0x58: {  	[sflag:s14] =	ssyncset.done $0x0  }
0x59: {  	[sflag:s14] =	ssyncadd.s32 $0xFFFFF800  }
0x5a: {  	_ =	swait.ge [sflag:s14], $0x800  }
0x5b: {  	[sflag:s14] =	ssyncset.done $0x0  }
0x5c: {  	[sflag:s14] =	ssyncadd.s32 $0xFFFFF800  }
0x5d: {  	_ =	swait.ge [sflag:s14], $0x800  }
0x5e: {  	[sflag:s14] =	ssyncset.done $0x0  }
0x5f: {  	[sflag:s14] =	ssyncadd.s32 $0xFFFFF800  }
0x60: {  	_ =	swait.ge [sflag:s14], $0x800  }
0x61: {  	[sflag:s14] =	ssyncset.done $0x0  }
0x62: {  	[sflag:s14] =	ssyncadd.s32 $0xFFFFF800  }
0x63: {  	_ =	swait.ge [sflag:s14], $0x800  }
0x64: {  	[sflag:s14] =	ssyncset.done $0x0  }
0x65: {  	[sflag:s14] =	ssyncadd.s32 $0xFFFFF800  }
0x66: {  	_ =	swait.ge [sflag:s14], $0x800  }
0x67: {  	[sflag:s14] =	ssyncset.done $0x0  }
0x68: {  	[sflag:s14] =	ssyncadd.s32 $0xFFFFF800  }
0x69: {  	_ =	swait.ge [sflag:s14], $0x800  }
0x6a: {  	[sflag:s14] =	ssyncset.done $0x0  }
0x6b: {  	[sflag:s14] =	ssyncadd.s32 $0xFFFFF800  }
0x6c: {  	_ =	swait.ge [sflag:s14], $0x800  }
0x6d: {  	[sflag:s14] =	ssyncset.done $0x0  }
0x6e: {  	[sflag:s14] =	ssyncadd.s32 $0xFFFFF800  }
0x6f: {  	_ =	swait.ge [sflag:s14], $0x800  }
0x70: {  	[sflag:s14] =	ssyncset.done $0x0  }
0x71: {  	[sflag:s14] =	ssyncadd.s32 $0xFFFFF800  }
0x72: {  	_ =	swait.ge [sflag:s14], $0x800  }
0x73: {  	[sflag:s14] =	ssyncset.done $0x0  }
0x74: {  	[sflag:s14] =	ssyncadd.s32 $0xFFFFF800  }
0x75: {  	_ =	swait.ge [sflag:s14], $0x800  }
0x76: {  	[sflag:s14] =	ssyncset.done $0x0  }
0x77: {  	[sflag:s14] =	ssyncadd.s32 $0xFFFFF800  }
0x78: {  	_ =	swait.ge [sflag:s14], $0x800  }
0x79: {  	[sflag:s14] =	ssyncset.done $0x0  }
0x7a: {  	[sflag:s14] =	ssyncadd.s32 $0xFFFFF800  }
0x7b: {  	_ =	swait.ge [sflag:s16], $0x280  }
0x7c: {  	[sflag:s16] =	ssyncset.done $0x0  }
0x7d: {  	s20 =	simm.s32 $0xA500;
	[sflag:s16] =	ssyncadd.s32 $0xFFFFFD80  }
0x7e: {  	[tilespmem:s20], [sflag:$0x2] =	stream.indirect.gather [hbm4b:s5+s10], $0x40, s13, s10, $0xb8;
	[tilespmem:$0x14D00] =	vst v63  }
0x7f: {  	s22 =	simm.s32 $0x2A0;
	s21 =	simm.s32 $0xAD00  }
0x80: {  	[tilespmem:s21], [sflag:$0x2] =	stream.indirect.gather [hbm4b:s5+s10], $0x40, s22, s10, $0xb8;
	[tilespmem:$0x14D00] =	vst v63  }
0x81: {  	s23 =	simm.s32 $0x2C0;
	s24 =	simm.s32 $0xB500  }
0x82: {  	[tilespmem:s24], [sflag:$0x2] =	stream.indirect.gather [hbm4b:s5+s10], $0x40, s23, s10, $0xb8;
	[tilespmem:$0x14D00] =	vst v63  }
0x83: {  	s25 =	simm.s32 $0x2E0;
	s26 =	simm.s32 $0xBD00  }
0x84: {  	[tilespmem:s26], [sflag:$0x2] =	stream.indirect.gather [hbm4b:s5+s10], $0x40, s25, s10, $0xb8;
	[tilespmem:$0x14D00] =	vst v63  }
0x85: {  	s21 =	simm.s32 $0x300;
	s22 =	simm.s32 $0xC500  }
0x86: {  	[tilespmem:s22], [sflag:$0x2] =	stream.indirect.gather [hbm4b:s5+s10], $0x40, s21, s10, $0xb8;
	[tilespmem:$0x14D00] =	vst v63  }
0x87: {  	s23 =	simm.s32 $0x320;
	s24 =	simm.s32 $0xCD00  }
0x88: {  	[tilespmem:s24], [sflag:$0x2] =	stream.indirect.gather [hbm4b:s5+s10], $0x40, s23, s10, $0xb8;
	[tilespmem:$0x14D00] =	vst v63  }
0x89: {  	s25 =	simm.s32 $0x340;
	s26 =	simm.s32 $0xD500  }
0x8a: {  	[tilespmem:s26], [sflag:$0x2] =	stream.indirect.gather [hbm4b:s5+s10], $0x40, s25, s10, $0xb8;
	[tilespmem:$0x14D00] =	vst v63  }
0x8b: {  	s21 =	simm.s32 $0x360;
	s22 =	simm.s32 $0xDD00  }
0x8c: {  	[tilespmem:s22], [sflag:$0x2] =	stream.indirect.gather [hbm4b:s5+s10], $0x40, s21, s10, $0xb8;
	[tilespmem:$0x14D00] =	vst v63  }
0x8d: {  	s23 =	simm.s32 $0x380;
	s24 =	simm.s32 $0xE500  }
0x8e: {  	[tilespmem:s24], [sflag:$0x2] =	stream.indirect.gather [hbm4b:s5+s10], $0x40, s23, s10, $0xb8;
	[tilespmem:$0x14D00] =	vst v63  }
0x8f: {  	s25 =	simm.s32 $0x3A0;
	s26 =	simm.s32 $0xED00  }
0x90: {  	[tilespmem:s26], [sflag:$0x2] =	stream.indirect.gather [hbm4b:s5+s10], $0x40, s25, s10, $0xb8;
	[tilespmem:$0x14D00] =	vst v63  }
0x91: {  	s21 =	simm.s32 $0x3C0;
	s22 =	simm.s32 $0xF500  }
0x92: {  	[tilespmem:s22], [sflag:$0x2] =	stream.indirect.gather [hbm4b:s5+s10], $0x40, s21, s10, $0xb8;
	[tilespmem:$0x14D00] =	vst v63  }
0x93: {  	s23 =	simm.s32 $0x3E0;
	s24 =	simm.s32 $0xFD00  }
0x94: {  	[tilespmem:s24], [sflag:$0x2] =	stream.indirect.gather [hbm4b:s5+s10], $0x40, s23, s10, $0xb8;
	[tilespmem:$0x14D00] =	vst v63  }
0x95: {  	p0 =	seq.s32 s18, $0x33;
	s25 =	simm.s32 $0x400;
	s26 =	simm.s32 $0x10500  }
0x96: {  	[tilespmem:s26], [sflag:$0x2] =	stream.indirect.gather [hbm4b:s5+s10], $0x40, s25, s10, $0xb8;
	[tilespmem:$0x14D00] =	vst v63  }
0x97: {  	s22 =	simm.s32 $0x420;
	s21 =	sshll.u32 s18, $0x1;
	s23 =	simm.s32 $0x10D00  }
0x98: {  	[tilespmem:s23], [sflag:$0x2] =	stream.indirect.gather [hbm4b:s5+s10], $0x40, s22, s10, $0xb8;
	[tilespmem:$0x14D00] =	vst v63  }
0x99: {  	s20 =	sadd.s32 @!p0 $0x2, s21;
	s24 =	simm.s32 $0x440;
	s25 =	simm.s32 $0x11500  }
0x9a: {  	[tilespmem:s25], [sflag:$0x2] =	stream.indirect.gather [hbm4b:s5+s10], $0x40, s24, s10, $0xb8;
	[tilespmem:$0x14D00] =	vst v63  }
0x9b: {  	s22 =	sshrl.u32 @!p0 s20, $0x2;
	s20 =	sshll.u32 @!p0 s20, $0x5  }
0x9c: {  	[tilespmem:s29], [sflag:$0x2] =	stream.indirect.gather [hbm4b:s5+s10], $0x40, s28, s10, $0xb8;
	[tilespmem:$0x14D00] =	vst v63  }
0x9d: {  	s22 =	smul.u32 @!p0 $0x18000, s22;
	s20 =	sand.u32 @!p0 $0x40, s20  }
0x9e: {  	[tilespmem:s31], [sflag:$0x2] =	stream.indirect.gather [hbm4b:s5+s10], $0x40, s30, s10, $0xb8;
	[tilespmem:$0x14D00] =	vst v63  }
0x9f: {  	s20 =	sor.u32 @!p0 s22, s20  }
0xa0: {  	[tilespmem:s1], [sflag:$0x2] =	stream.indirect.gather [hbm4b:s5+s10], $0x40, s0, s10, $0xb8;
	[tilespmem:$0x14D00] =	vst v63  }
0xa1: {  	s20 =	sor.u32 @!p0 s3, s20  }
0xa2: {  	[tilespmem:s2], [sflag:$0x2] =	stream.indirect.gather [hbm4b:s5+s10], $0x40, s11, s10, $0xb8;
	[tilespmem:$0x14D00] =	vst v63  }
0xa3: {  	s23 =	simm.s32 @!p0 $0x1000;
	s20 =	sshrl.u32 @!p0 s20, $0x3  }
0xa4: {  	[tilespmem:s9], [sflag:$0x2] =	stream.indirect.gather [hbm4b:s5+s10], $0x40, s8, s10, $0xb8;
	[tilespmem:$0x14D00] =	vst v63  }
0xa5: {  	s24 =	simm.s32 @!p0 $0x0;
	s22 =	simm.s32 @!p0 $0x20;
	s20 =	sadd.s32 @!p0 s4, s20  }
0xa6: {  	[tilespmem:s24], [sflag:$0x3] =	stream.strided.gather @!p0 [hbm4b:s20+s22], $0x280, s23, s22, $0x38;
	[tilespmem:$0x14D00] =	vst v63  }
0xa7: {  	s22 =	simm.s32 $0x0  }
0xa8: {  	v0 =	vld [tilespmem:s22+$0x530]  }
0xa9: {  	v1 =	vld [tilespmem:s22+$0xD30]  }
0xaa: {  	v2 =	vld [tilespmem:s22+$0x500]  }
0xab: {  	v3 =	vld [tilespmem:s22+$0x1530]  }
0xac: {  	v4 =	vld [tilespmem:s22+$0x510]  }
0xad: {  	v5 =	vld [tilespmem:s22+$0x1D30]  }
0xae: {  	v6 =	vld [tilespmem:s22+$0x520]  }
0xaf: {  	v7 =	vld [tilespmem:s22+$0xD00]  }
0xb0: {  	v8 =	vld [tilespmem:s22+$0xD10]  }
0xb1: {  	v9 =	vld [tilespmem:s22+$0xD20]  }
0xb2: {  	v10 =	vld [tilespmem:s22+$0x1500]  }
0xb3: {  	v11 =	vld [tilespmem:s22+$0x1510]  }
0xb4: {  	v12 =	vld [tilespmem:s22+$0x1520]  }
0xb5: {  	v13 =	vld [tilespmem:s22+$0x1D00]  }
0xb6: {  	v14 =	vld [tilespmem:s22+$0x1D10]  }
0xb7: {  	v15 =	vld [tilespmem:s22+$0x1D20]  }
0xb8: {  	v16 =	vld [tilespmem:s22+$0x2500]  }
0xb9: {  	v17 =	vld [tilespmem:s22+$0x2510];
	v0 =	vadd.f32 v1, v0  }
0xba: {  	v1 =	vld [tilespmem:s22+$0x2530]  }
0xbb: {  	v18 =	vld [tilespmem:s22+$0x2520];
	v0 =	vadd.f32 v3, v0  }
0xbc: {  	v3 =	vld [tilespmem:s22+$0x2D30]  }
0xbd: {  	v19 =	vld [tilespmem:s22+$0x2D00];
	v0 =	vadd.f32 v5, v0  }
0xbe: {  	v5 =	vld [tilespmem:s22+$0x3530]  }
0xbf: {  	v20 =	vld [tilespmem:s22+$0x2D10];
	v0 =	vadd.f32 v1, v0  }
0xc0: {  	v1 =	vld [tilespmem:s22+$0x3D30]  }
0xc1: {  	v21 =	vld [tilespmem:s22+$0x2D20];
	v0 =	vadd.f32 v3, v0  }
0xc2: {  	v3 =	vld [tilespmem:s22+$0x4530]  }
0xc3: {  	v22 =	vld [tilespmem:s22+$0x3500];
	v0 =	vadd.f32 v5, v0  }
0xc4: {  	v5 =	vld [tilespmem:s22+$0x4D30]  }
0xc5: {  	v23 =	vld [tilespmem:s22+$0x3520];
	v0 =	vadd.f32 v1, v0  }
0xc6: {  	v1 =	vld [tilespmem:s22+$0x5530]  }
0xc7: {  	v24 =	vld [tilespmem:s22+$0x3D10];
	v0 =	vadd.f32 v3, v0  }
0xc8: {  	v3 =	vld [tilespmem:s22+$0x5D30]  }
0xc9: {  	v25 =	vld [tilespmem:s22+$0x4500];
	v0 =	vadd.f32 v5, v0  }
0xca: {  	v5 =	vld [tilespmem:s22+$0x6530]  }
0xcb: {  	v48 =	vld [tilespmem:s22+$0x4D10];
	v0 =	vadd.f32 v1, v0  }
0xcc: {  	v1 =	vld [tilespmem:s22+$0x6D30]  }
0xcd: {  	v49 =	vld [tilespmem:s22+$0x4D20];
	v0 =	vadd.f32 v3, v0  }
0xce: {  	v3 =	vld [tilespmem:s22+$0x7530]  }
0xcf: {  	v50 =	vld [tilespmem:s22+$0x5500];
	v0 =	vadd.f32 v5, v0  }
0xd0: {  	v5 =	vld [tilespmem:s22+$0x7D30]  }
0xd1: {  	v51 =	vld [tilespmem:s22+$0x5510];
	v0 =	vadd.f32 v1, v0  }
0xd2: {  	v1 =	vld [tilespmem:s22+$0x8530]  }
0xd3: {  	v52 =	vld [tilespmem:s22+$0x5520];
	v0 =	vadd.f32 v3, v0  }
0xd4: {  	v3 =	vld [tilespmem:s22+$0x8D30]  }
0xd5: {  	v53 =	vld [tilespmem:s22+$0x5D00];
	v0 =	vadd.f32 v5, v0  }
0xd6: {  	v2 =	vadd.f32 v7, v2;
	v4 =	vadd.f32 v8, v4;
	v5 =	vld [tilespmem:s22+$0x9530]  }
0xd7: {  	v54 =	vld [tilespmem:s22+$0x5D10];
	v6 =	vadd.f32 v9, v6;
	v0 =	vadd.f32 v1, v0  }
0xd8: {  	v2 =	vadd.f32 v10, v2;
	v4 =	vadd.f32 v11, v4;
	v1 =	vld [tilespmem:s22+$0x9D30]  }
0xd9: {  	v55 =	vld [tilespmem:s22+$0x5D20];
	v6 =	vadd.f32 v12, v6;
	v0 =	vadd.f32 v3, v0  }
0xda: {  	v56 =	vld [tilespmem:s22+$0x6510];
	v2 =	vadd.f32 v13, v2;
	v4 =	vadd.f32 v14, v4  }
0xdb: {  	v6 =	vadd.f32 v15, v6;
	v3 =	vld [tilespmem:s22+$0x3510];
	v0 =	vadd.f32 v5, v0  }
0xdc: {  	v57 =	vld [tilespmem:s22+$0x7510];
	v2 =	vadd.f32 v16, v2;
	v4 =	vadd.f32 v17, v4  }
0xdd: {  	v6 =	vadd.f32 v18, v6;
	v5 =	vld [tilespmem:s22+$0x3D00];
	v0 =	vadd.f32 v1, v0  }
0xde: {  	v2 =	vadd.f32 v19, v2;
	v4 =	vadd.f32 v20, v4;
	v1 =	vld [tilespmem:s22+$0x3D20]  }
0xdf: {  	v6 =	vadd.f32 v21, v6;
	[tilespmem:s22+$0x14530] =	vst v0;
	v0 =	vld [tilespmem:s22+$0x4510]  }
0xe0: {  	v7 =	vld [tilespmem:s22+$0x4520];
	v2 =	vadd.f32 v22, v2;
	v3 =	vadd.f32 v3, v4  }
0xe1: {  	v8 =	vld [tilespmem:s22+$0x4D00];
	v6 =	vadd.f32 v23, v6  }
0xe2: {  	v58 =	vld [tilespmem:s22+$0x7520];
	v2 =	vadd.f32 v5, v2;
	v3 =	vadd.f32 v24, v3  }
0xe3: {  	v59 =	vld [tilespmem:s22+$0x7D00];
	v1 =	vadd.f32 v1, v6  }
0xe4: {  	v60 =	vld [tilespmem:s22+$0x7D10];
	v2 =	vadd.f32 v25, v2;
	v0 =	vadd.f32 v0, v3  }
0xe5: {  	v61 =	vld [tilespmem:s22+$0x7D20];
	v1 =	vadd.f32 v7, v1  }
0xe6: {  	v4 =	vld [tilespmem:s22+$0x6500];
	v2 =	vadd.f32 v8, v2;
	v0 =	vadd.f32 v48, v0  }
0xe7: {  	v5 =	vld [tilespmem:s22+$0x6520];
	v1 =	vadd.f32 v49, v1  }
0xe8: {  	v6 =	vld [tilespmem:s22+$0x6D00];
	v2 =	vadd.f32 v50, v2;
	v0 =	vadd.f32 v51, v0  }
0xe9: {  	v3 =	vld [tilespmem:s22+$0x6D10];
	v1 =	vadd.f32 v52, v1  }
0xea: {  	v7 =	vld [tilespmem:s22+$0x6D20];
	v2 =	vadd.f32 v53, v2;
	v0 =	vadd.f32 v54, v0  }
0xeb: {  	v8 =	vld [tilespmem:s22+$0x7500];
	v1 =	vadd.f32 v55, v1  }
0xec: {  	v62 =	vld [tilespmem:s22+$0x9500];
	v2 =	vadd.f32 v4, v2;
	v0 =	vadd.f32 v56, v0  }
0xed: {  	v4 =	vld [tilespmem:s22+$0x8500];
	v1 =	vadd.f32 v5, v1  }
0xee: {  	v5 =	vld [tilespmem:s22+$0x8510];
	v2 =	vadd.f32 v6, v2;
	v0 =	vadd.f32 v3, v0  }
0xef: {  	v6 =	vld [tilespmem:s22+$0x8D00];
	v1 =	vadd.f32 v7, v1  }
0xf0: {  	v3 =	vld [tilespmem:s22+$0x8520];
	v2 =	vadd.f32 v8, v2;
	v0 =	vadd.f32 v57, v0  }
0xf1: {  	v7 =	vld [tilespmem:s22+$0x8D10];
	v1 =	vadd.f32 v58, v1  }
0xf2: {  	v8 =	vld [tilespmem:s22+$0x8D20];
	v2 =	vadd.f32 v59, v2;
	v0 =	vadd.f32 v60, v0  }
0xf3: {  	v63 =	vld [tilespmem:s22+$0x9510];
	v1 =	vadd.f32 v61, v1  }
0xf4: {  	v4 =	vadd.f32 v4, v2;
	v5 =	vadd.f32 v5, v0;
	v0 =	vld [tilespmem:s22+$0x9520]  }
0xf5: {  	s23 =	sshllo.u32 s18, $0x1;
	v2 =	vld [tilespmem:s22+$0x9D00];
	v1 =	vadd.f32 v3, v1  }
0xf6: {  	s26 =	sshll.u32 s23, $0x5;
	v6 =	vadd.f32 v6, v4;
	v3 =	vld [tilespmem:s22+$0x9D10];
	v7 =	vadd.f32 v7, v5  }
0xf7: {  	s25 =	simm.s32 $0x40;
	s20 =	sand.u32 $0x60, s26;
	v4 =	vld [tilespmem:s22+$0x9D20];
	v5 =	vadd.f32 v8, v1  }
0xf8: {  	s24 =	simm.s32 $0x200;
	s20 =	sor.u32 s3, s20;
	v6 =	vadd.f32 v62, v6;
	v1 =	vld [tilespmem:s25+$0x530];
	v7 =	vadd.f32 v63, v7  }
.LBB2_3:
0xf9: {  	p1 =	sne.s32 s24, $0x1F00;
	v8 =	vld [tilespmem:s25+$0xD30];
	v0 =	vadd.f32 v0, v5  }
0xfa: {  	v5 =	vld [tilespmem:s25+$0x500];
	v2 =	vadd.f32 v2, v6  }
0xfb: {  	v6 =	vld [tilespmem:s25+$0x1530];
	v3 =	vadd.f32 v3, v7  }
0xfc: {  	v7 =	vld [tilespmem:s25+$0x510];
	v0 =	vadd.f32 v4, v0;
	[tilespmem:s22+$0x14500] =	vst v2  }
0xfd: {  	v2 =	vld [tilespmem:s25+$0x1D30];
	[tilespmem:s22+$0x14510] =	vst v3  }
0xfe: {  	v3 =	vld [tilespmem:s25+$0x520];
	v1 =	vadd.f32 v8, v1;
	[tilespmem:s22+$0x14520] =	vst v0;
	s22 =	smov.u32 s25  }
0xff: {  	v0 =	vld [tilespmem:s22+$0x2530]  }
0x100: {  	v4 =	vld [tilespmem:s22+$0xD00];
	v1 =	vadd.f32 v6, v1  }
0x101: {  	v6 =	vld [tilespmem:s22+$0x2D30]  }
0x102: {  	v8 =	vld [tilespmem:s22+$0xD10];
	v1 =	vadd.f32 v2, v1  }
0x103: {  	v2 =	vld [tilespmem:s22+$0x3530]  }
0x104: {  	v9 =	vld [tilespmem:s22+$0xD20];
	v0 =	vadd.f32 v0, v1  }
0x105: {  	v1 =	vadd.f32 v4, v5;
	v4 =	vld [tilespmem:s22+$0x3D30]  }
0x106: {  	v5 =	vld [tilespmem:s22+$0x1500];
	v0 =	vadd.f32 v6, v0  }
0x107: {  	v6 =	vadd.f32 v8, v7;
	v7 =	vld [tilespmem:s22+$0x4530]  }
0x108: {  	v8 =	vld [tilespmem:s22+$0x1510];
	v0 =	vadd.f32 v2, v0  }
0x109: {  	v2 =	vadd.f32 v9, v3;
	v3 =	vld [tilespmem:s22+$0x4D30]  }
0x10a: {  	v9 =	vld [tilespmem:s22+$0x1520];
	v0 =	vadd.f32 v4, v0  }
0x10b: {  	v1 =	vadd.f32 v5, v1;
	v4 =	vld [tilespmem:s22+$0x5530]  }
0x10c: {  	v5 =	vld [tilespmem:s22+$0x1D00];
	v0 =	vadd.f32 v7, v0  }
0x10d: {  	v6 =	vadd.f32 v8, v6;
	v7 =	vld [tilespmem:s22+$0x5D30]  }
0x10e: {  	v8 =	vld [tilespmem:s22+$0x1D10];
	v0 =	vadd.f32 v3, v0  }
0x10f: {  	v2 =	vadd.f32 v9, v2;
	v3 =	vld [tilespmem:s22+$0x6530]  }
0x110: {  	v9 =	vld [tilespmem:s22+$0x1D20];
	v0 =	vadd.f32 v4, v0  }
0x111: {  	v1 =	vadd.f32 v5, v1;
	v4 =	vld [tilespmem:s22+$0x6D30]  }
0x112: {  	v5 =	vld [tilespmem:s22+$0x2500];
	v0 =	vadd.f32 v7, v0  }
0x113: {  	v6 =	vadd.f32 v8, v6;
	v7 =	vld [tilespmem:s22+$0x7530]  }
0x114: {  	v8 =	vld [tilespmem:s22+$0x2510];
	v0 =	vadd.f32 v3, v0  }
0x115: {  	v2 =	vadd.f32 v9, v2;
	v3 =	vld [tilespmem:s22+$0x7D30]  }
0x116: {  	v9 =	vld [tilespmem:s22+$0x2520];
	v0 =	vadd.f32 v4, v0  }
0x117: {  	v1 =	vadd.f32 v5, v1;
	v4 =	vld [tilespmem:s22+$0x8530]  }
0x118: {  	v5 =	vld [tilespmem:s22+$0x2D00];
	v0 =	vadd.f32 v7, v0  }
0x119: {  	v6 =	vadd.f32 v8, v6;
	v7 =	vld [tilespmem:s22+$0x8D30]  }
0x11a: {  	v8 =	vld [tilespmem:s22+$0x2D10];
	v0 =	vadd.f32 v3, v0  }
0x11b: {  	v2 =	vadd.f32 v9, v2;
	v3 =	vld [tilespmem:s22+$0x9530]  }
0x11c: {  	v9 =	vld [tilespmem:s22+$0x2D20];
	v0 =	vadd.f32 v4, v0  }
0x11d: {  	v1 =	vadd.f32 v5, v1;
	v4 =	vld [tilespmem:s22+$0x9D30]  }
0x11e: {  	v5 =	vld [tilespmem:s22+$0x3500];
	v0 =	vadd.f32 v7, v0  }
0x11f: {  	v6 =	vadd.f32 v8, v6;
	v7 =	vld [tilespmem:s22+$0x3510]  }
0x120: {  	v8 =	vld [tilespmem:s22+$0x3520];
	v0 =	vadd.f32 v3, v0  }
0x121: {  	v2 =	vadd.f32 v9, v2;
	v3 =	vld [tilespmem:s22+$0x3D00]  }
0x122: {  	v9 =	vld [tilespmem:s22+$0x3D10];
	v0 =	vadd.f32 v4, v0  }
0x123: {  	v1 =	vadd.f32 v5, v1;
	v4 =	vld [tilespmem:s22+$0x3D20]  }
0x124: {  	v5 =	vadd.f32 v7, v6;
	v6 =	vld [tilespmem:s22+$0x4500];
	[tilespmem:s22+$0x14530] =	vst v0  }
0x125: {  	v0 =	vadd.f32 v8, v2;
	v2 =	vld [tilespmem:s22+$0x4510]  }
0x126: {  	v1 =	vadd.f32 v3, v1;
	v3 =	vld [tilespmem:s22+$0x4520]  }
0x127: {  	v5 =	vadd.f32 v9, v5;
	v7 =	vld [tilespmem:s22+$0x4D00]  }
0x128: {  	v0 =	vadd.f32 v4, v0;
	v4 =	vld [tilespmem:s22+$0x4D10]  }
0x129: {  	v1 =	vadd.f32 v6, v1;
	v6 =	vld [tilespmem:s22+$0x4D20]  }
0x12a: {  	v2 =	vadd.f32 v2, v5;
	v5 =	vld [tilespmem:s22+$0x5500]  }
0x12b: {  	v0 =	vadd.f32 v3, v0;
	v3 =	vld [tilespmem:s22+$0x5510]  }
0x12c: {  	v1 =	vadd.f32 v7, v1;
	v7 =	vld [tilespmem:s22+$0x5520]  }
0x12d: {  	v2 =	vadd.f32 v4, v2;
	v4 =	vld [tilespmem:s22+$0x5D00]  }
0x12e: {  	v0 =	vadd.f32 v6, v0;
	v6 =	vld [tilespmem:s22+$0x5D10]  }
0x12f: {  	v1 =	vadd.f32 v5, v1;
	v5 =	vld [tilespmem:s22+$0x5D20]  }
0x130: {  	v2 =	vadd.f32 v3, v2;
	v3 =	vld [tilespmem:s22+$0x6500]  }
0x131: {  	v0 =	vadd.f32 v7, v0;
	v7 =	vld [tilespmem:s22+$0x6510]  }
0x132: {  	v1 =	vadd.f32 v4, v1;
	v4 =	vld [tilespmem:s22+$0x6520]  }
0x133: {  	v2 =	vadd.f32 v6, v2;
	v6 =	vld [tilespmem:s22+$0x6D00]  }
0x134: {  	v0 =	vadd.f32 v5, v0;
	v5 =	vld [tilespmem:s22+$0x6D10]  }
0x135: {  	v1 =	vadd.f32 v3, v1;
	v3 =	vld [tilespmem:s22+$0x6D20]  }
0x136: {  	v2 =	vadd.f32 v7, v2;
	v7 =	vld [tilespmem:s22+$0x7500]  }
0x137: {  	v0 =	vadd.f32 v4, v0;
	v4 =	vld [tilespmem:s22+$0x7510]  }
0x138: {  	v1 =	vadd.f32 v6, v1;
	v6 =	vld [tilespmem:s22+$0x7520]  }
0x139: {  	v2 =	vadd.f32 v5, v2;
	v5 =	vld [tilespmem:s22+$0x7D00]  }
0x13a: {  	v0 =	vadd.f32 v3, v0;
	v3 =	vld [tilespmem:s22+$0x7D10]  }
0x13b: {  	v1 =	vadd.f32 v7, v1;
	v7 =	vld [tilespmem:s22+$0x7D20]  }
0x13c: {  	v2 =	vadd.f32 v4, v2;
	v4 =	vld [tilespmem:s22+$0x8500]  }
0x13d: {  	v0 =	vadd.f32 v6, v0;
	v6 =	vld [tilespmem:s22+$0x8510]  }
0x13e: {  	v1 =	vadd.f32 v5, v1;
	v5 =	vld [tilespmem:s22+$0x8520]  }
0x13f: {  	v2 =	vadd.f32 v3, v2;
	v3 =	vld [tilespmem:s22+$0x8D00]  }
0x140: {  	v0 =	vadd.f32 v7, v0;
	v7 =	vld [tilespmem:s22+$0x8D10]  }
0x141: {  	v1 =	vadd.f32 v4, v1;
	v4 =	vld [tilespmem:s22+$0x8D20]  }
0x142: {  	v2 =	vadd.f32 v6, v2;
	v6 =	vld [tilespmem:s22+$0x9500]  }
0x143: {  	v5 =	vadd.f32 v5, v0;
	v8 =	vld [tilespmem:s22+$0x9510]  }
.Ltmp0:
0x144: {  	v1 =	vadd.f32 v3, v1;
	v0 =	vld [tilespmem:s22+$0x9520];
	(pc) =	sbr.rel @p1 .LBB2_3-.Ltmp0, $4  }
0x145: {  	v7 =	vadd.f32 v7, v2;
	v2 =	vld [tilespmem:s22+$0x9D00]  }
0x146: {  	v5 =	vadd.f32 v4, v5;
	v3 =	vld [tilespmem:s22+$0x9D10]  }
0x147: {  	s25 =	sshra.s32 s24, $0x2;
	v6 =	vadd.f32 v6, v1;
	v4 =	vld [tilespmem:s22+$0x9D20]  }
0x148: {  	s24 =	sadd.s32 $0x100, s24;
	v1 =	vld [tilespmem:s25+$0x530];
	v7 =	vadd.f32 v8, v7  }
0x149: {  	v8 =	vld [tilespmem:s25+$0xD30]  }
0x14a: {  	v9 =	vld [tilespmem:s25+$0x500];
	v0 =	vadd.f32 v0, v5;
	v2 =	vadd.f32 v2, v6  }
0x14b: {  	v10 =	vld [tilespmem:s25+$0x510];
	v3 =	vadd.f32 v3, v7  }
0x14c: {  	v6 =	vld [tilespmem:s25+$0x1530];
	[tilespmem:s22+$0x14500] =	vst v2;
	v0 =	vadd.f32 v4, v0  }
0x14d: {  	v2 =	vld [tilespmem:s25+$0x1D30];
	[tilespmem:s22+$0x14510] =	vst v3  }
0x14e: {  	v3 =	vld [tilespmem:s25+$0x520];
	[tilespmem:s22+$0x14520] =	vst v0  }
0x14f: {  	v0 =	vadd.f32 v8, v1;
	v1 =	vld [tilespmem:s25+$0x2530]  }
0x150: {  	v4 =	vld [tilespmem:s25+$0xD00]  }
0x151: {  	v5 =	vld [tilespmem:s25+$0x2D30]  }
0x152: {  	v7 =	vld [tilespmem:s25+$0xD20]  }
0x153: {  	v8 =	vld [tilespmem:s25+$0x1500]  }
0x154: {  	v11 =	vld [tilespmem:s25+$0x1510]  }
0x155: {  	v12 =	vld [tilespmem:s25+$0x1520]  }
0x156: {  	v13 =	vld [tilespmem:s25+$0x1D00]  }
0x157: {  	v14 =	vld [tilespmem:s25+$0x1D10]  }
0x158: {  	v15 =	vld [tilespmem:s25+$0x1D20]  }
0x159: {  	v16 =	vld [tilespmem:s25+$0x2500]  }
0x15a: {  	v17 =	vld [tilespmem:s25+$0x2510]  }
0x15b: {  	v18 =	vld [tilespmem:s25+$0x2520]  }
0x15c: {  	v19 =	vld [tilespmem:s25+$0x2D00];
	v0 =	vadd.f32 v6, v0  }
0x15d: {  	v20 =	vld [tilespmem:s25+$0x2D10]  }
0x15e: {  	v21 =	vld [tilespmem:s25+$0x2D20];
	v0 =	vadd.f32 v2, v0  }
0x15f: {  	v2 =	vld [tilespmem:s25+$0x3530]  }
0x160: {  	v22 =	vld [tilespmem:s25+$0x3500];
	v0 =	vadd.f32 v1, v0  }
0x161: {  	v1 =	vld [tilespmem:s25+$0x3D30]  }
0x162: {  	v23 =	vld [tilespmem:s25+$0x3520];
	v0 =	vadd.f32 v5, v0  }
0x163: {  	v5 =	vld [tilespmem:s25+$0x4530]  }
0x164: {  	v24 =	vld [tilespmem:s25+$0x3D10];
	v0 =	vadd.f32 v2, v0  }
0x165: {  	v2 =	vld [tilespmem:s25+$0x4D30]  }
0x166: {  	v25 =	vld [tilespmem:s25+$0x4500];
	v0 =	vadd.f32 v1, v0  }
0x167: {  	v1 =	vld [tilespmem:s25+$0x5530]  }
0x168: {  	v56 =	vld [tilespmem:s25+$0x4520];
	v0 =	vadd.f32 v5, v0  }
0x169: {  	v5 =	vld [tilespmem:s25+$0x5D30]  }
0x16a: {  	v57 =	vld [tilespmem:s25+$0x4D00];
	v0 =	vadd.f32 v2, v0  }
0x16b: {  	v2 =	vld [tilespmem:s25+$0x6530]  }
0x16c: {  	v58 =	vld [tilespmem:s25+$0x5500];
	v0 =	vadd.f32 v1, v0  }
0x16d: {  	v1 =	vld [tilespmem:s25+$0x6D30]  }
0x16e: {  	v59 =	vld [tilespmem:s25+$0x5510];
	v0 =	vadd.f32 v5, v0  }
0x16f: {  	v5 =	vld [tilespmem:s25+$0x7530]  }
0x170: {  	v60 =	vld [tilespmem:s25+$0x5520];
	v0 =	vadd.f32 v2, v0  }
0x171: {  	v2 =	vld [tilespmem:s25+$0x7D30]  }
0x172: {  	v6 =	vld [tilespmem:s25+$0xD10];
	v0 =	vadd.f32 v1, v0  }
0x173: {  	v1 =	vld [tilespmem:s25+$0x8530]  }
0x174: {  	v61 =	vld [tilespmem:s25+$0x5D00];
	v0 =	vadd.f32 v5, v0  }
0x175: {  	v5 =	vld [tilespmem:s25+$0x8D30]  }
0x176: {  	v62 =	vld [tilespmem:s25+$0x5D10];
	v4 =	vadd.f32 v4, v9;
	v0 =	vadd.f32 v2, v0  }
0x177: {  	v3 =	vadd.f32 v7, v3;
	v6 =	vadd.f32 v6, v10;
	v2 =	vld [tilespmem:s25+$0x9530]  }
0x178: {  	v63 =	vld [tilespmem:s25+$0x5D20];
	v4 =	vadd.f32 v8, v4;
	v0 =	vadd.f32 v1, v0  }
0x179: {  	v3 =	vadd.f32 v12, v3;
	v6 =	vadd.f32 v11, v6;
	v1 =	vld [tilespmem:s25+$0x9D30]  }
0x17a: {  	v26 =	vld [tilespmem:s25+$0x7D10];
	v4 =	vadd.f32 v13, v4;
	v0 =	vadd.f32 v5, v0  }
0x17b: {  	v27 =	vld [tilespmem:s25+$0x7D20];
	v3 =	vadd.f32 v15, v3;
	v6 =	vadd.f32 v14, v6  }
0x17c: {  	v4 =	vadd.f32 v16, v4;
	v5 =	vld [tilespmem:s25+$0x3510];
	v0 =	vadd.f32 v2, v0  }
0x17d: {  	v3 =	vadd.f32 v18, v3;
	v6 =	vadd.f32 v17, v6;
	v2 =	vld [tilespmem:s25+$0x3D00]  }
0x17e: {  	v28 =	vld [tilespmem:s25+$0x8500];
	v4 =	vadd.f32 v19, v4;
	v0 =	vadd.f32 v1, v0  }
0x17f: {  	v6 =	vadd.f32 v20, v6;
	v1 =	vld [tilespmem:s25+$0x3D20]  }
0x180: {  	v3 =	vadd.f32 v21, v3;
	v4 =	vadd.f32 v22, v4;
	[tilespmem:s25+$0x14530] =	vst v0;
	v0 =	vld [tilespmem:s25+$0x4510]  }
0x181: {  	v29 =	vld [tilespmem:s25+$0x9510];
	v5 =	vadd.f32 v5, v6  }
0x182: {  	v7 =	vld [tilespmem:s25+$0x4D10];
	v3 =	vadd.f32 v23, v3;
	v2 =	vadd.f32 v2, v4  }
0x183: {  	v8 =	vld [tilespmem:s25+$0x4D20];
	v5 =	vadd.f32 v24, v5  }
0x184: {  	v22 =	vld [tilespmem:s25+$0x6500];
	v1 =	vadd.f32 v1, v3;
	v2 =	vadd.f32 v25, v2  }
0x185: {  	v23 =	vld [tilespmem:s25+$0x6D00];
	v0 =	vadd.f32 v0, v5  }
0x186: {  	v6 =	vld [tilespmem:s25+$0x6510];
	v1 =	vadd.f32 v56, v1;
	v2 =	vadd.f32 v57, v2  }
0x187: {  	v4 =	vld [tilespmem:s25+$0x6520];
	v0 =	vadd.f32 v7, v0  }
0x188: {  	v24 =	vld [tilespmem:s25+$0x7500];
	v1 =	vadd.f32 v8, v1;
	v2 =	vadd.f32 v58, v2  }
0x189: {  	v3 =	vld [tilespmem:s25+$0x6D10];
	v0 =	vadd.f32 v59, v0  }
0x18a: {  	v25 =	vld [tilespmem:s25+$0x7D00];
	v1 =	vadd.f32 v60, v1;
	v2 =	vadd.f32 v61, v2  }
0x18b: {  	v5 =	vld [tilespmem:s25+$0x6D20];
	v0 =	vadd.f32 v62, v0  }
0x18c: {  	v7 =	vld [tilespmem:s25+$0x7510];
	v1 =	vadd.f32 v63, v1;
	v2 =	vadd.f32 v22, v2  }
0x18d: {  	v8 =	vld [tilespmem:s25+$0x7520];
	v0 =	vadd.f32 v6, v0  }
0x18e: {  	v6 =	vld [tilespmem:s25+$0x8510];
	v1 =	vadd.f32 v4, v1;
	v2 =	vadd.f32 v23, v2  }
0x18f: {  	v4 =	vld [tilespmem:s25+$0x8520];
	v0 =	vadd.f32 v3, v0  }
0x190: {  	v3 =	vld [tilespmem:s25+$0x8D00];
	v1 =	vadd.f32 v5, v1;
	v2 =	vadd.f32 v24, v2  }
0x191: {  	v5 =	vld [tilespmem:s25+$0x8D10];
	v0 =	vadd.f32 v7, v0  }
0x192: {  	v7 =	vld [tilespmem:s25+$0x8D20];
	v1 =	vadd.f32 v8, v1;
	v2 =	vadd.f32 v25, v2  }
0x193: {  	v8 =	vld [tilespmem:s25+$0x9500];
	v0 =	vadd.f32 v26, v0  }
0x194: {  	v30 =	vld [tilespmem:s25+$0x9520];
	v1 =	vadd.f32 v27, v1;
	v2 =	vadd.f32 v28, v2  }
0x195: {  	v0 =	vadd.f32 v6, v0;
	v6 =	vld [tilespmem:s25+$0x9D00]  }
0x196: {  	v1 =	vadd.f32 v4, v1;
	v2 =	vadd.f32 v3, v2;
	v3 =	vld [tilespmem:s25+$0x9D10]  }
0x197: {  	v4 =	vld [tilespmem:s25+$0x9D20];
	v0 =	vadd.f32 v5, v0  }
0x198: {  	v1 =	vadd.f32 v7, v1;
	v2 =	vadd.f32 v8, v2  }
0x199: {  	v0 =	vadd.f32 v29, v0  }
0x19a: {  	s26 =	sshll.u32 s18, $0x6;
	v1 =	vadd.f32 v30, v1;
	v2 =	vadd.f32 v6, v2  }
0x19b: {  	s24 =	sshll.u32 s18, $0xF;
	s22 =	sand.u32 $0x40, s26;
	v0 =	vadd.f32 v3, v0  }
0x19c: {  	s24 =	sand.u32 $0x1F0000, s24;
	s22 =	sor.u32 s3, s22;
	v1 =	vadd.f32 v4, v1;
	[tilespmem:s25+$0x14500] =	vst v2  }
0x19d: {  	s26 =	sshll.u32 s22, $0x4;
	s22 =	sadd.s32 s7, s24;
	[tilespmem:s25+$0x14510] =	vst v0  }
0x19e: {  	s24 =	sadd.s32 s26, s22;
	[tilespmem:s25+$0x14520] =	vst v1  }
0x19f: {  	[hbm4b:s24+s15] =	stream.strided.scatter [tilespmem:s6], [sflag:$0x5], $0x800, s19, s15, $0x38;
	[tilespmem:$0x14D00] =	vst v63  }
0x1a0: {  	_ =	swait.ge [sflag:s12], $0x800  }
0x1a1: {  	[sflag:s12] =	ssyncset.done $0x0  }
0x1a2: {  	[sflag:s12] =	ssyncadd.s32 $0xFFFFF800  }
0x1a3: {  	_ =	swait.ge [sflag:s17], $0x800  }
0x1a4: {  	[sflag:s17] =	ssyncset.done $0x0  }
0x1a5: {  	[sflag:s17] =	ssyncadd.s32 $0xFFFFF800  }
0x1a6: {  	_ =	swait.ge [sflag:s17], $0x800  }
0x1a7: {  	[sflag:s17] =	ssyncset.done $0x0  }
0x1a8: {  	[sflag:s17] =	ssyncadd.s32 $0xFFFFF800  }
0x1a9: {  	_ =	swait.ge [sflag:s17], $0x800  }
0x1aa: {  	[sflag:s17] =	ssyncset.done $0x0  }
0x1ab: {  	[sflag:s17] =	ssyncadd.s32 $0xFFFFF800  }
0x1ac: {  	_ =	swait.ge [sflag:s17], $0x800  }
0x1ad: {  	[sflag:s17] =	ssyncset.done $0x0  }
0x1ae: {  	[sflag:s17] =	ssyncadd.s32 $0xFFFFF800  }
0x1af: {  	_ =	swait.ge [sflag:s17], $0x800  }
0x1b0: {  	[sflag:s17] =	ssyncset.done $0x0  }
0x1b1: {  	[sflag:s17] =	ssyncadd.s32 $0xFFFFF800  }
0x1b2: {  	_ =	swait.ge [sflag:s17], $0x800  }
0x1b3: {  	[sflag:s17] =	ssyncset.done $0x0  }
0x1b4: {  	[sflag:s17] =	ssyncadd.s32 $0xFFFFF800  }
0x1b5: {  	_ =	swait.ge [sflag:s17], $0x800  }
0x1b6: {  	[sflag:s17] =	ssyncset.done $0x0  }
0x1b7: {  	[sflag:s17] =	ssyncadd.s32 $0xFFFFF800  }
0x1b8: {  	_ =	swait.ge [sflag:s17], $0x800  }
0x1b9: {  	[sflag:s17] =	ssyncset.done $0x0  }
0x1ba: {  	[sflag:s17] =	ssyncadd.s32 $0xFFFFF800  }
0x1bb: {  	_ =	swait.ge [sflag:s17], $0x800  }
0x1bc: {  	[sflag:s17] =	ssyncset.done $0x0  }
0x1bd: {  	[sflag:s17] =	ssyncadd.s32 $0xFFFFF800  }
0x1be: {  	_ =	swait.ge [sflag:s17], $0x800  }
0x1bf: {  	[sflag:s17] =	ssyncset.done $0x0  }
0x1c0: {  	[sflag:s17] =	ssyncadd.s32 $0xFFFFF800  }
0x1c1: {  	_ =	swait.ge [sflag:s17], $0x800  }
0x1c2: {  	[sflag:s17] =	ssyncset.done $0x0  }
0x1c3: {  	[sflag:s17] =	ssyncadd.s32 $0xFFFFF800  }
0x1c4: {  	_ =	swait.ge [sflag:s17], $0x800  }
0x1c5: {  	[sflag:s17] =	ssyncset.done $0x0  }
0x1c6: {  	[sflag:s17] =	ssyncadd.s32 $0xFFFFF800  }
0x1c7: {  	_ =	swait.ge [sflag:s17], $0x800  }
0x1c8: {  	[sflag:s17] =	ssyncset.done $0x0  }
0x1c9: {  	[sflag:s17] =	ssyncadd.s32 $0xFFFFF800  }
0x1ca: {  	_ =	swait.ge [sflag:s17], $0x800  }
0x1cb: {  	[sflag:s17] =	ssyncset.done $0x0  }
0x1cc: {  	[sflag:s17] =	ssyncadd.s32 $0xFFFFF800  }
0x1cd: {  	_ =	swait.ge [sflag:s17], $0x800  }
0x1ce: {  	[sflag:s17] =	ssyncset.done $0x0  }
0x1cf: {  	[sflag:s17] =	ssyncadd.s32 $0xFFFFF800  }
0x1d0: {  	_ =	swait.ge [sflag:s17], $0x800  }
0x1d1: {  	[sflag:s17] =	ssyncset.done $0x0  }
0x1d2: {  	[sflag:s17] =	ssyncadd.s32 $0xFFFFF800  }
0x1d3: {  	_ =	swait.ge [sflag:s17], $0x800  }
0x1d4: {  	[sflag:s17] =	ssyncset.done $0x0  }
0x1d5: {  	[sflag:s17] =	ssyncadd.s32 $0xFFFFF800  }
0x1d6: {  	_ =	swait.ge [sflag:s17], $0x800  }
0x1d7: {  	[sflag:s17] =	ssyncset.done $0x0  }
0x1d8: {  	[sflag:s17] =	ssyncadd.s32 $0xFFFFF800  }
0x1d9: {  	_ =	swait.ge [sflag:s17], $0x800  }
0x1da: {  	[sflag:s17] =	ssyncset.done $0x0  }
0x1db: {  	[sflag:s17] =	ssyncadd.s32 $0xFFFFF800  }
0x1dc: {  	_ =	swait.ge [sflag:s17], $0x800  }
0x1dd: {  	p1 =	sgt.u32 s23, $0x66;
	[sflag:s17] =	ssyncset.done $0x0  }
0x1de: {  	s23 =	simm.s32 @!p1 $0x3;
	[sflag:s17] =	ssyncadd.s32 $0xFFFFF800  }
0x1df: {  	_ =	swait.ge @!p1 [sflag:s23], $0x280  }
0x1e0: {  	s25 =	simm.s32 @!p1 $0x500;
	[sflag:s23] =	ssyncset.done @!p1 $0x0  }
0x1e1: {  	s24 =	simm.s32 @!p1 $0x0;
	[sflag:s23] =	ssyncadd.s32 @!p1 $0xFFFFFD80;
	s23 =	simm.s32 @!p1 $0x20  }
0x1e2: {  	[tilespmem:s25], [sflag:$0x1] =	stream.indirect.gather @!p1 [hbm4b:s5+s23], $0x40, s24, s23, $0xb8;
	[tilespmem:$0x14D00] =	vst v63  }
0x1e3: {  	s24 =	simm.s32 @!p1 $0xD00  }
0x1e4: {  	[tilespmem:s24], [sflag:$0x1] =	stream.indirect.gather @!p1 [hbm4b:s5+s23], $0x40, s23, s23, $0xb8;
	[tilespmem:$0x14D00] =	vst v63  }
0x1e5: {  	s25 =	simm.s32 @!p1 $0x1500;
	s24 =	simm.s32 @!p1 $0x40  }
0x1e6: {  	[tilespmem:s25], [sflag:$0x1] =	stream.indirect.gather @!p1 [hbm4b:s5+s23], $0x40, s24, s23, $0xb8;
	[tilespmem:$0x14D00] =	vst v63  }
0x1e7: {  	s24 =	simm.s32 @!p1 $0x60;
	s25 =	simm.s32 @!p1 $0x1D00  }
0x1e8: {  	[tilespmem:s25], [sflag:$0x1] =	stream.indirect.gather @!p1 [hbm4b:s5+s23], $0x40, s24, s23, $0xb8;
	[tilespmem:$0x14D00] =	vst v63  }
0x1e9: {  	s24 =	simm.s32 @!p1 $0x80;
	s25 =	simm.s32 @!p1 $0x2500  }
0x1ea: {  	[tilespmem:s25], [sflag:$0x1] =	stream.indirect.gather @!p1 [hbm4b:s5+s23], $0x40, s24, s23, $0xb8;
	[tilespmem:$0x14D00] =	vst v63  }
0x1eb: {  	s24 =	simm.s32 @!p1 $0xA0;
	s25 =	simm.s32 @!p1 $0x2D00  }
0x1ec: {  	[tilespmem:s25], [sflag:$0x1] =	stream.indirect.gather @!p1 [hbm4b:s5+s23], $0x40, s24, s23, $0xb8;
	[tilespmem:$0x14D00] =	vst v63  }
0x1ed: {  	s24 =	simm.s32 @!p1 $0xC0;
	s25 =	simm.s32 @!p1 $0x3500  }
0x1ee: {  	[tilespmem:s25], [sflag:$0x1] =	stream.indirect.gather @!p1 [hbm4b:s5+s23], $0x40, s24, s23, $0xb8;
	[tilespmem:$0x14D00] =	vst v63  }
0x1ef: {  	s24 =	simm.s32 @!p1 $0xE0;
	s25 =	simm.s32 @!p1 $0x3D00  }
0x1f0: {  	[tilespmem:s25], [sflag:$0x1] =	stream.indirect.gather @!p1 [hbm4b:s5+s23], $0x40, s24, s23, $0xb8;
	[tilespmem:$0x14D00] =	vst v63  }
0x1f1: {  	s24 =	simm.s32 @!p1 $0x100;
	s25 =	simm.s32 @!p1 $0x4500  }
0x1f2: {  	[tilespmem:s25], [sflag:$0x1] =	stream.indirect.gather @!p1 [hbm4b:s5+s23], $0x40, s24, s23, $0xb8;
	[tilespmem:$0x14D00] =	vst v63  }
0x1f3: {  	s24 =	simm.s32 @!p1 $0x120;
	s25 =	simm.s32 @!p1 $0x4D00  }
0x1f4: {  	[tilespmem:s25], [sflag:$0x1] =	stream.indirect.gather @!p1 [hbm4b:s5+s23], $0x40, s24, s23, $0xb8;
	[tilespmem:$0x14D00] =	vst v63  }
0x1f5: {  	s24 =	simm.s32 @!p1 $0x140;
	s25 =	simm.s32 @!p1 $0x5500  }
0x1f6: {  	[tilespmem:s25], [sflag:$0x1] =	stream.indirect.gather @!p1 [hbm4b:s5+s23], $0x40, s24, s23, $0xb8;
	[tilespmem:$0x14D00] =	vst v63  }
0x1f7: {  	s24 =	simm.s32 @!p1 $0x160;
	s25 =	simm.s32 @!p1 $0x5D00  }
0x1f8: {  	[tilespmem:s25], [sflag:$0x1] =	stream.indirect.gather @!p1 [hbm4b:s5+s23], $0x40, s24, s23, $0xb8;
	[tilespmem:$0x14D00] =	vst v63  }
0x1f9: {  	s24 =	simm.s32 @!p1 $0x180;
	s25 =	simm.s32 @!p1 $0x6500  }
0x1fa: {  	[tilespmem:s25], [sflag:$0x1] =	stream.indirect.gather @!p1 [hbm4b:s5+s23], $0x40, s24, s23, $0xb8;
	[tilespmem:$0x14D00] =	vst v63  }
0x1fb: {  	s24 =	simm.s32 @!p1 $0x1A0;
	s25 =	simm.s32 @!p1 $0x6D00  }
0x1fc: {  	[tilespmem:s25], [sflag:$0x1] =	stream.indirect.gather @!p1 [hbm4b:s5+s23], $0x40, s24, s23, $0xb8;
	[tilespmem:$0x14D00] =	vst v63  }
0x1fd: {  	s24 =	simm.s32 @!p1 $0x1C0;
	s25 =	simm.s32 @!p1 $0x7500  }
0x1fe: {  	[tilespmem:s25], [sflag:$0x1] =	stream.indirect.gather @!p1 [hbm4b:s5+s23], $0x40, s24, s23, $0xb8;
	[tilespmem:$0x14D00] =	vst v63  }
0x1ff: {  	s24 =	simm.s32 @!p1 $0x1E0;
	s25 =	simm.s32 @!p1 $0x7D00  }
0x200: {  	[tilespmem:s25], [sflag:$0x1] =	stream.indirect.gather @!p1 [hbm4b:s5+s23], $0x40, s24, s23, $0xb8;
	[tilespmem:$0x14D00] =	vst v63  }
0x201: {  	s24 =	simm.s32 @!p1 $0x200;
	s25 =	simm.s32 @!p1 $0x8500  }
0x202: {  	[tilespmem:s25], [sflag:$0x1] =	stream.indirect.gather @!p1 [hbm4b:s5+s23], $0x40, s24, s23, $0xb8;
	[tilespmem:$0x14D00] =	vst v63  }
0x203: {  	s24 =	simm.s32 @!p1 $0x220;
	s25 =	simm.s32 @!p1 $0x8D00  }
0x204: {  	[tilespmem:s25], [sflag:$0x1] =	stream.indirect.gather @!p1 [hbm4b:s5+s23], $0x40, s24, s23, $0xb8;
	[tilespmem:$0x14D00] =	vst v63  }
0x205: {  	s24 =	simm.s32 @!p1 $0x240;
	s25 =	simm.s32 @!p1 $0x9500  }
0x206: {  	[tilespmem:s25], [sflag:$0x1] =	stream.indirect.gather @!p1 [hbm4b:s5+s23], $0x40, s24, s23, $0xb8;
	[tilespmem:$0x14D00] =	vst v63  }
0x207: {  	s21 =	sadd.s32 @!p0 $0x3, s21;
	s24 =	simm.s32 @!p1 $0x260;
	s25 =	simm.s32 @!p1 $0x9D00  }
0x208: {  	[tilespmem:s25], [sflag:$0x1] =	stream.indirect.gather @!p1 [hbm4b:s5+s23], $0x40, s24, s23, $0xb8;
	[tilespmem:$0x14D00] =	vst v63  }
0x209: {  	s23 =	sshrl.u32 @!p0 s21, $0x2  }
0x20a: {  	s21 =	sshll.u32 @!p0 s21, $0x5;
	s23 =	smul.u32 @!p0 $0x18000, s23  }
0x20b: {  	s21 =	sand.u32 @!p0 $0x60, s21  }
0x20c: {  	s21 =	sor.u32 @!p0 s23, s21  }
0x20d: {  	s21 =	sor.u32 @!p0 s3, s21  }
0x20e: {  	s24 =	simm.s32 @!p0 $0x1000;
	s21 =	sshrl.u32 @!p0 s21, $0x3  }
0x20f: {  	s25 =	simm.s32 @!p0 $0x280;
	s23 =	simm.s32 @!p0 $0x20;
	s21 =	sadd.s32 @!p0 s4, s21  }
0x210: {  	[tilespmem:s25], [sflag:$0x4] =	stream.strided.gather @!p0 [hbm4b:s21+s23], $0x280, s24, s23, $0x38;
	[tilespmem:$0x14D00] =	vst v63  }
0x211: {  	s21 =	simm.s32 $0x0  }
0x212: {  	v0 =	vld [tilespmem:s21+$0xA530]  }
0x213: {  	v1 =	vld [tilespmem:s21+$0xAD30]  }
0x214: {  	v2 =	vld [tilespmem:s21+$0xA500]  }
0x215: {  	v3 =	vld [tilespmem:s21+$0xB530]  }
0x216: {  	v4 =	vld [tilespmem:s21+$0xA510]  }
0x217: {  	v5 =	vld [tilespmem:s21+$0xBD30]  }
0x218: {  	v6 =	vld [tilespmem:s21+$0xA520]  }
0x219: {  	v7 =	vld [tilespmem:s21+$0xAD00]  }
0x21a: {  	v8 =	vld [tilespmem:s21+$0xAD10]  }
0x21b: {  	v31 =	vld [tilespmem:s21+$0xAD20]  }
0x21c: {  	v32 =	vld [tilespmem:s21+$0xB500]  }
0x21d: {  	v33 =	vld [tilespmem:s21+$0xB510]  }
0x21e: {  	v34 =	vld [tilespmem:s21+$0xB520]  }
0x21f: {  	v35 =	vld [tilespmem:s21+$0xBD00]  }
0x220: {  	v36 =	vld [tilespmem:s21+$0xBD10]  }
0x221: {  	v37 =	vld [tilespmem:s21+$0xBD20]  }
0x222: {  	v38 =	vld [tilespmem:s21+$0xC500]  }
0x223: {  	v39 =	vld [tilespmem:s21+$0xC510];
	v0 =	vadd.f32 v1, v0  }
0x224: {  	v1 =	vld [tilespmem:s21+$0xC530]  }
0x225: {  	v40 =	vld [tilespmem:s21+$0xC520];
	v0 =	vadd.f32 v3, v0  }
0x226: {  	v3 =	vld [tilespmem:s21+$0xCD30]  }
0x227: {  	v41 =	vld [tilespmem:s21+$0xCD00];
	v0 =	vadd.f32 v5, v0  }
0x228: {  	v5 =	vld [tilespmem:s21+$0xD530]  }
0x229: {  	v42 =	vld [tilespmem:s21+$0xCD10];
	v0 =	vadd.f32 v1, v0  }
0x22a: {  	v1 =	vld [tilespmem:s21+$0xDD30]  }
0x22b: {  	v43 =	vld [tilespmem:s21+$0xCD20];
	v0 =	vadd.f32 v3, v0  }
0x22c: {  	v3 =	vld [tilespmem:s21+$0xE530]  }
0x22d: {  	v44 =	vld [tilespmem:s21+$0xD500];
	v0 =	vadd.f32 v5, v0  }
0x22e: {  	v5 =	vld [tilespmem:s21+$0xED30]  }
0x22f: {  	v45 =	vld [tilespmem:s21+$0xD520];
	v0 =	vadd.f32 v1, v0  }
0x230: {  	v1 =	vld [tilespmem:s21+$0xF530]  }
0x231: {  	v46 =	vld [tilespmem:s21+$0xDD10];
	v0 =	vadd.f32 v3, v0  }
0x232: {  	v3 =	vld [tilespmem:s21+$0xFD30]  }
0x233: {  	v47 =	vld [tilespmem:s21+$0xE500];
	v0 =	vadd.f32 v5, v0  }
0x234: {  	v5 =	vld [tilespmem:s21+$0x10530]  }
0x235: {  	v48 =	vld [tilespmem:s21+$0xED10];
	v0 =	vadd.f32 v1, v0  }
0x236: {  	v1 =	vld [tilespmem:s21+$0x10D30]  }
0x237: {  	v49 =	vld [tilespmem:s21+$0xED20];
	v0 =	vadd.f32 v3, v0  }
0x238: {  	v3 =	vld [tilespmem:s21+$0x11530]  }
0x239: {  	v50 =	vld [tilespmem:s21+$0xF500];
	v0 =	vadd.f32 v5, v0  }
0x23a: {  	v5 =	vld [tilespmem:s21+$0x11D30]  }
0x23b: {  	v51 =	vld [tilespmem:s21+$0xF510];
	v0 =	vadd.f32 v1, v0  }
0x23c: {  	v1 =	vld [tilespmem:s21+$0x12530]  }
0x23d: {  	v52 =	vld [tilespmem:s21+$0xF520];
	v0 =	vadd.f32 v3, v0  }
0x23e: {  	v3 =	vld [tilespmem:s21+$0x12D30]  }
0x23f: {  	v53 =	vld [tilespmem:s21+$0xFD00];
	v0 =	vadd.f32 v5, v0  }
0x240: {  	v2 =	vadd.f32 v7, v2;
	v4 =	vadd.f32 v8, v4;
	v5 =	vld [tilespmem:s21+$0x13530]  }
0x241: {  	v54 =	vld [tilespmem:s21+$0xFD10];
	v6 =	vadd.f32 v31, v6;
	v0 =	vadd.f32 v1, v0  }
0x242: {  	v2 =	vadd.f32 v32, v2;
	v4 =	vadd.f32 v33, v4;
	v1 =	vld [tilespmem:s21+$0x13D30]  }
0x243: {  	v55 =	vld [tilespmem:s21+$0xFD20];
	v6 =	vadd.f32 v34, v6;
	v0 =	vadd.f32 v3, v0  }
0x244: {  	v56 =	vld [tilespmem:s21+$0x10510];
	v2 =	vadd.f32 v35, v2;
	v4 =	vadd.f32 v36, v4  }
0x245: {  	v6 =	vadd.f32 v37, v6;
	v3 =	vld [tilespmem:s21+$0xD510];
	v0 =	vadd.f32 v5, v0  }
0x246: {  	v57 =	vld [tilespmem:s21+$0x11510];
	v2 =	vadd.f32 v38, v2;
	v4 =	vadd.f32 v39, v4  }
0x247: {  	v6 =	vadd.f32 v40, v6;
	v5 =	vld [tilespmem:s21+$0xDD00];
	v0 =	vadd.f32 v1, v0  }
0x248: {  	v2 =	vadd.f32 v41, v2;
	v4 =	vadd.f32 v42, v4;
	v1 =	vld [tilespmem:s21+$0xDD20]  }
0x249: {  	v6 =	vadd.f32 v43, v6;
	[tilespmem:s21+$0x14530] =	vst v0;
	v0 =	vld [tilespmem:s21+$0xE510]  }
0x24a: {  	v7 =	vld [tilespmem:s21+$0xE520];
	v2 =	vadd.f32 v44, v2;
	v3 =	vadd.f32 v3, v4  }
0x24b: {  	v8 =	vld [tilespmem:s21+$0xED00];
	v6 =	vadd.f32 v45, v6  }
0x24c: {  	v58 =	vld [tilespmem:s21+$0x11520];
	v2 =	vadd.f32 v5, v2;
	v3 =	vadd.f32 v46, v3  }
0x24d: {  	v59 =	vld [tilespmem:s21+$0x11D00];
	v1 =	vadd.f32 v1, v6  }
0x24e: {  	v60 =	vld [tilespmem:s21+$0x11D10];
	v2 =	vadd.f32 v47, v2;
	v0 =	vadd.f32 v0, v3  }
0x24f: {  	v61 =	vld [tilespmem:s21+$0x11D20];
	v1 =	vadd.f32 v7, v1  }
0x250: {  	v4 =	vld [tilespmem:s21+$0x10500];
	v2 =	vadd.f32 v8, v2;
	v0 =	vadd.f32 v48, v0  }
0x251: {  	v5 =	vld [tilespmem:s21+$0x10520];
	v1 =	vadd.f32 v49, v1  }
0x252: {  	v6 =	vld [tilespmem:s21+$0x10D00];
	v2 =	vadd.f32 v50, v2;
	v0 =	vadd.f32 v51, v0  }
0x253: {  	v3 =	vld [tilespmem:s21+$0x10D10];
	v1 =	vadd.f32 v52, v1  }
0x254: {  	v7 =	vld [tilespmem:s21+$0x10D20];
	v2 =	vadd.f32 v53, v2;
	v0 =	vadd.f32 v54, v0  }
0x255: {  	v8 =	vld [tilespmem:s21+$0x11500];
	v1 =	vadd.f32 v55, v1  }
0x256: {  	v62 =	vld [tilespmem:s21+$0x13500];
	v2 =	vadd.f32 v4, v2;
	v0 =	vadd.f32 v56, v0  }
0x257: {  	v4 =	vld [tilespmem:s21+$0x12500];
	v1 =	vadd.f32 v5, v1  }
0x258: {  	v5 =	vld [tilespmem:s21+$0x12510];
	v2 =	vadd.f32 v6, v2;
	v0 =	vadd.f32 v3, v0  }
0x259: {  	v6 =	vld [tilespmem:s21+$0x12D00];
	v1 =	vadd.f32 v7, v1  }
0x25a: {  	v3 =	vld [tilespmem:s21+$0x12520];
	v2 =	vadd.f32 v8, v2;
	v0 =	vadd.f32 v57, v0  }
0x25b: {  	v7 =	vld [tilespmem:s21+$0x12D10];
	v1 =	vadd.f32 v58, v1  }
0x25c: {  	v8 =	vld [tilespmem:s21+$0x12D20];
	v2 =	vadd.f32 v59, v2;
	v0 =	vadd.f32 v60, v0  }
0x25d: {  	v63 =	vld [tilespmem:s21+$0x13510];
	v10 =	vadd.f32 v61, v1  }
0x25e: {  	v2 =	vadd.f32 v4, v2;
	v1 =	vld [tilespmem:s21+$0x13520];
	v0 =	vadd.f32 v5, v0  }
0x25f: {  	v4 =	vadd.f32 v3, v10;
	v3 =	vld [tilespmem:s21+$0x13D00]  }
0x260: {  	v6 =	vadd.f32 v6, v2;
	v2 =	vld [tilespmem:s21+$0x13D10];
	v7 =	vadd.f32 v7, v0  }
0x261: {  	s24 =	simm.s32 $0x40;
	v5 =	vadd.f32 v8, v4;
	v4 =	vld [tilespmem:s21+$0x13D20]  }
0x262: {  	s23 =	simm.s32 $0x200;
	v6 =	vadd.f32 v62, v6;
	v0 =	vld [tilespmem:s24+$0xA530];
	v7 =	vadd.f32 v63, v7  }
.LBB2_5:
0x263: {  	p0 =	sne.s32 s23, $0x1F00;
	v8 =	vld [tilespmem:s24+$0xAD30];
	v1 =	vadd.f32 v1, v5  }
0x264: {  	v5 =	vld [tilespmem:s24+$0xA500];
	v3 =	vadd.f32 v3, v6  }
0x265: {  	v6 =	vld [tilespmem:s24+$0xB530];
	v2 =	vadd.f32 v2, v7  }
0x266: {  	v7 =	vld [tilespmem:s24+$0xA510];
	v1 =	vadd.f32 v4, v1;
	[tilespmem:s21+$0x14500] =	vst v3  }
0x267: {  	v3 =	vld [tilespmem:s24+$0xBD30];
	[tilespmem:s21+$0x14510] =	vst v2  }
0x268: {  	v2 =	vld [tilespmem:s24+$0xA520];
	v0 =	vadd.f32 v8, v0;
	[tilespmem:s21+$0x14520] =	vst v1;
	s21 =	smov.u32 s24  }
0x269: {  	v1 =	vld [tilespmem:s21+$0xC530]  }
0x26a: {  	v4 =	vld [tilespmem:s21+$0xAD00];
	v0 =	vadd.f32 v6, v0  }
0x26b: {  	v6 =	vld [tilespmem:s21+$0xCD30]  }
0x26c: {  	v8 =	vld [tilespmem:s21+$0xAD10];
	v0 =	vadd.f32 v3, v0  }
0x26d: {  	v3 =	vld [tilespmem:s21+$0xD530]  }
0x26e: {  	v9 =	vld [tilespmem:s21+$0xAD20];
	v0 =	vadd.f32 v1, v0  }
0x26f: {  	v1 =	vadd.f32 v4, v5;
	v4 =	vld [tilespmem:s21+$0xDD30]  }
0x270: {  	v5 =	vld [tilespmem:s21+$0xB500];
	v0 =	vadd.f32 v6, v0  }
0x271: {  	v6 =	vadd.f32 v8, v7;
	v7 =	vld [tilespmem:s21+$0xE530]  }
0x272: {  	v8 =	vld [tilespmem:s21+$0xB510];
	v0 =	vadd.f32 v3, v0  }
0x273: {  	v2 =	vadd.f32 v9, v2;
	v3 =	vld [tilespmem:s21+$0xED30]  }
0x274: {  	v9 =	vld [tilespmem:s21+$0xB520];
	v0 =	vadd.f32 v4, v0  }
0x275: {  	v1 =	vadd.f32 v5, v1;
	v4 =	vld [tilespmem:s21+$0xF530]  }
0x276: {  	v5 =	vld [tilespmem:s21+$0xBD00];
	v0 =	vadd.f32 v7, v0  }
0x277: {  	v6 =	vadd.f32 v8, v6;
	v7 =	vld [tilespmem:s21+$0xFD30]  }
0x278: {  	v8 =	vld [tilespmem:s21+$0xBD10];
	v0 =	vadd.f32 v3, v0  }
0x279: {  	v2 =	vadd.f32 v9, v2;
	v3 =	vld [tilespmem:s21+$0x10530]  }
0x27a: {  	v9 =	vld [tilespmem:s21+$0xBD20];
	v0 =	vadd.f32 v4, v0  }
0x27b: {  	v1 =	vadd.f32 v5, v1;
	v4 =	vld [tilespmem:s21+$0x10D30]  }
0x27c: {  	v5 =	vld [tilespmem:s21+$0xC500];
	v0 =	vadd.f32 v7, v0  }
0x27d: {  	v6 =	vadd.f32 v8, v6;
	v7 =	vld [tilespmem:s21+$0x11530]  }
0x27e: {  	v8 =	vld [tilespmem:s21+$0xC510];
	v0 =	vadd.f32 v3, v0  }
0x27f: {  	v2 =	vadd.f32 v9, v2;
	v3 =	vld [tilespmem:s21+$0x11D30]  }
0x280: {  	v9 =	vld [tilespmem:s21+$0xC520];
	v0 =	vadd.f32 v4, v0  }
0x281: {  	v1 =	vadd.f32 v5, v1;
	v4 =	vld [tilespmem:s21+$0x12530]  }
0x282: {  	v5 =	vld [tilespmem:s21+$0xCD00];
	v0 =	vadd.f32 v7, v0  }
0x283: {  	v6 =	vadd.f32 v8, v6;
	v7 =	vld [tilespmem:s21+$0x12D30]  }
0x284: {  	v8 =	vld [tilespmem:s21+$0xCD10];
	v0 =	vadd.f32 v3, v0  }
0x285: {  	v2 =	vadd.f32 v9, v2;
	v3 =	vld [tilespmem:s21+$0x13530]  }
0x286: {  	v9 =	vld [tilespmem:s21+$0xCD20];
	v0 =	vadd.f32 v4, v0  }
0x287: {  	v1 =	vadd.f32 v5, v1;
	v4 =	vld [tilespmem:s21+$0x13D30]  }
0x288: {  	v5 =	vld [tilespmem:s21+$0xD500];
	v0 =	vadd.f32 v7, v0  }
0x289: {  	v6 =	vadd.f32 v8, v6;
	v7 =	vld [tilespmem:s21+$0xD510]  }
0x28a: {  	v8 =	vld [tilespmem:s21+$0xD520];
	v0 =	vadd.f32 v3, v0  }
0x28b: {  	v2 =	vadd.f32 v9, v2;
	v3 =	vld [tilespmem:s21+$0xDD00]  }
0x28c: {  	v9 =	vld [tilespmem:s21+$0xDD10];
	v0 =	vadd.f32 v4, v0  }
0x28d: {  	v1 =	vadd.f32 v5, v1;
	v4 =	vld [tilespmem:s21+$0xDD20]  }
0x28e: {  	v5 =	vadd.f32 v7, v6;
	v6 =	vld [tilespmem:s21+$0xE500];
	[tilespmem:s21+$0x14530] =	vst v0  }
0x28f: {  	v0 =	vadd.f32 v8, v2;
	v2 =	vld [tilespmem:s21+$0xE510]  }
0x290: {  	v1 =	vadd.f32 v3, v1;
	v3 =	vld [tilespmem:s21+$0xE520]  }
0x291: {  	v5 =	vadd.f32 v9, v5;
	v7 =	vld [tilespmem:s21+$0xED00]  }
0x292: {  	v0 =	vadd.f32 v4, v0;
	v4 =	vld [tilespmem:s21+$0xED10]  }
0x293: {  	v1 =	vadd.f32 v6, v1;
	v6 =	vld [tilespmem:s21+$0xED20]  }
0x294: {  	v2 =	vadd.f32 v2, v5;
	v5 =	vld [tilespmem:s21+$0xF500]  }
0x295: {  	v0 =	vadd.f32 v3, v0;
	v3 =	vld [tilespmem:s21+$0xF510]  }
0x296: {  	v1 =	vadd.f32 v7, v1;
	v7 =	vld [tilespmem:s21+$0xF520]  }
0x297: {  	v2 =	vadd.f32 v4, v2;
	v4 =	vld [tilespmem:s21+$0xFD00]  }
0x298: {  	v0 =	vadd.f32 v6, v0;
	v6 =	vld [tilespmem:s21+$0xFD10]  }
0x299: {  	v1 =	vadd.f32 v5, v1;
	v5 =	vld [tilespmem:s21+$0xFD20]  }
0x29a: {  	v2 =	vadd.f32 v3, v2;
	v3 =	vld [tilespmem:s21+$0x10500]  }
0x29b: {  	v0 =	vadd.f32 v7, v0;
	v7 =	vld [tilespmem:s21+$0x10510]  }
0x29c: {  	v1 =	vadd.f32 v4, v1;
	v4 =	vld [tilespmem:s21+$0x10520]  }
0x29d: {  	v2 =	vadd.f32 v6, v2;
	v6 =	vld [tilespmem:s21+$0x10D00]  }
0x29e: {  	v0 =	vadd.f32 v5, v0;
	v5 =	vld [tilespmem:s21+$0x10D10]  }
0x29f: {  	v1 =	vadd.f32 v3, v1;
	v3 =	vld [tilespmem:s21+$0x10D20]  }
0x2a0: {  	v2 =	vadd.f32 v7, v2;
	v7 =	vld [tilespmem:s21+$0x11500]  }
0x2a1: {  	v0 =	vadd.f32 v4, v0;
	v4 =	vld [tilespmem:s21+$0x11510]  }
0x2a2: {  	v1 =	vadd.f32 v6, v1;
	v6 =	vld [tilespmem:s21+$0x11520]  }
0x2a3: {  	v2 =	vadd.f32 v5, v2;
	v5 =	vld [tilespmem:s21+$0x11D00]  }
0x2a4: {  	v0 =	vadd.f32 v3, v0;
	v3 =	vld [tilespmem:s21+$0x11D10]  }
0x2a5: {  	v1 =	vadd.f32 v7, v1;
	v7 =	vld [tilespmem:s21+$0x11D20]  }
0x2a6: {  	v2 =	vadd.f32 v4, v2;
	v4 =	vld [tilespmem:s21+$0x12500]  }
0x2a7: {  	v0 =	vadd.f32 v6, v0;
	v6 =	vld [tilespmem:s21+$0x12510]  }
0x2a8: {  	v1 =	vadd.f32 v5, v1;
	v5 =	vld [tilespmem:s21+$0x12520]  }
0x2a9: {  	v2 =	vadd.f32 v3, v2;
	v3 =	vld [tilespmem:s21+$0x12D00]  }
0x2aa: {  	v0 =	vadd.f32 v7, v0;
	v7 =	vld [tilespmem:s21+$0x12D10]  }
0x2ab: {  	v1 =	vadd.f32 v4, v1;
	v4 =	vld [tilespmem:s21+$0x12D20]  }
0x2ac: {  	v2 =	vadd.f32 v6, v2;
	v6 =	vld [tilespmem:s21+$0x13500]  }
0x2ad: {  	v0 =	vadd.f32 v5, v0;
	v8 =	vld [tilespmem:s21+$0x13510]  }
.Ltmp1:
0x2ae: {  	v9 =	vadd.f32 v3, v1;
	v1 =	vld [tilespmem:s21+$0x13520];
	(pc) =	sbr.rel @p0 .LBB2_5-.Ltmp1, $4  }
0x2af: {  	v7 =	vadd.f32 v7, v2;
	v3 =	vld [tilespmem:s21+$0x13D00]  }
0x2b0: {  	v5 =	vadd.f32 v4, v0;
	v2 =	vld [tilespmem:s21+$0x13D10]  }
0x2b1: {  	s24 =	sshra.s32 s23, $0x2;
	v6 =	vadd.f32 v6, v9;
	v4 =	vld [tilespmem:s21+$0x13D20]  }
0x2b2: {  	s23 =	sadd.s32 $0x100, s23;
	v0 =	vld [tilespmem:s24+$0xA530];
	v7 =	vadd.f32 v8, v7  }
0x2b3: {  	v8 =	vld [tilespmem:s24+$0xAD30]  }
0x2b4: {  	v9 =	vld [tilespmem:s24+$0xA500];
	v1 =	vadd.f32 v1, v5;
	v3 =	vadd.f32 v3, v6  }
0x2b5: {  	v41 =	vld [tilespmem:s24+$0xB530];
	v2 =	vadd.f32 v2, v7  }
0x2b6: {  	v10 =	vld [tilespmem:s24+$0xA510];
	[tilespmem:s21+$0x14500] =	vst v3;
	v1 =	vadd.f32 v4, v1  }
0x2b7: {  	v3 =	vld [tilespmem:s24+$0xBD30];
	[tilespmem:s21+$0x14510] =	vst v2  }
0x2b8: {  	v2 =	vld [tilespmem:s24+$0xA520];
	[tilespmem:s21+$0x14520] =	vst v1  }
0x2b9: {  	v1 =	vld [tilespmem:s24+$0xC530]  }
0x2ba: {  	v42 =	vld [tilespmem:s24+$0xAD00]  }
0x2bb: {  	v43 =	vld [tilespmem:s24+$0xCD30]  }
0x2bc: {  	v44 =	vld [tilespmem:s24+$0xAD10]  }
0x2bd: {  	v45 =	vld [tilespmem:s24+$0xD530]  }
0x2be: {  	v46 =	vld [tilespmem:s24+$0xAD20]  }
0x2bf: {  	v47 =	vld [tilespmem:s24+$0xDD30]  }
0x2c0: {  	v48 =	vld [tilespmem:s24+$0xB500]  }
0x2c1: {  	v49 =	vld [tilespmem:s24+$0xE530]  }
0x2c2: {  	v11 =	vld [tilespmem:s24+$0xB510]  }
0x2c3: {  	v50 =	vld [tilespmem:s24+$0xED30]  }
0x2c4: {  	v12 =	vld [tilespmem:s24+$0xB520]  }
0x2c5: {  	v51 =	vld [tilespmem:s24+$0xF530]  }
0x2c6: {  	v13 =	vld [tilespmem:s24+$0xBD00]  }
0x2c7: {  	v52 =	vld [tilespmem:s24+$0xFD30]  }
0x2c8: {  	v14 =	vld [tilespmem:s24+$0xBD10]  }
0x2c9: {  	v53 =	vld [tilespmem:s24+$0x10530]  }
0x2ca: {  	v0 =	vadd.f32 v8, v0;
	v15 =	vld [tilespmem:s24+$0xBD20]  }
0x2cb: {  	v54 =	vld [tilespmem:s24+$0x10D30]  }
0x2cc: {  	v16 =	vld [tilespmem:s24+$0xC500];
	v0 =	vadd.f32 v41, v0  }
0x2cd: {  	v55 =	vld [tilespmem:s24+$0x11530]  }
0x2ce: {  	v17 =	vld [tilespmem:s24+$0xC510];
	v0 =	vadd.f32 v3, v0  }
0x2cf: {  	v56 =	vld [tilespmem:s24+$0x11D30]  }
0x2d0: {  	v18 =	vld [tilespmem:s24+$0xC520];
	v0 =	vadd.f32 v1, v0  }
0x2d1: {  	v57 =	vld [tilespmem:s24+$0x12530]  }
0x2d2: {  	v19 =	vld [tilespmem:s24+$0xCD00];
	v0 =	vadd.f32 v43, v0  }
0x2d3: {  	v58 =	vld [tilespmem:s24+$0x12D30]  }
0x2d4: {  	v20 =	vld [tilespmem:s24+$0xCD10];
	v0 =	vadd.f32 v45, v0  }
0x2d5: {  	v59 =	vld [tilespmem:s24+$0x13530]  }
0x2d6: {  	v21 =	vld [tilespmem:s24+$0xCD20];
	v0 =	vadd.f32 v47, v0  }
0x2d7: {  	v60 =	vld [tilespmem:s24+$0x13D30]  }
0x2d8: {  	v22 =	vld [tilespmem:s24+$0xD500];
	v0 =	vadd.f32 v49, v0  }
0x2d9: {  	v61 =	vld [tilespmem:s24+$0xD510]  }
0x2da: {  	v23 =	vld [tilespmem:s24+$0xD520];
	v0 =	vadd.f32 v50, v0  }
0x2db: {  	v62 =	vld [tilespmem:s24+$0xDD00]  }
0x2dc: {  	v24 =	vld [tilespmem:s24+$0xDD10];
	v0 =	vadd.f32 v51, v0  }
0x2dd: {  	v63 =	vld [tilespmem:s24+$0xDD20]  }
0x2de: {  	v25 =	vld [tilespmem:s24+$0xE500];
	v0 =	vadd.f32 v52, v0  }
0x2df: {  	v28 =	vld [tilespmem:s24+$0xE510]  }
0x2e0: {  	v29 =	vld [tilespmem:s24+$0xE520];
	v4 =	vadd.f32 v42, v9;
	v0 =	vadd.f32 v53, v0  }
0x2e1: {  	v30 =	vld [tilespmem:s24+$0xED00];
	v6 =	vadd.f32 v44, v10;
	v2 =	vadd.f32 v46, v2  }
0x2e2: {  	v31 =	vld [tilespmem:s24+$0xED10];
	v4 =	vadd.f32 v48, v4;
	v0 =	vadd.f32 v54, v0  }
0x2e3: {  	v32 =	vld [tilespmem:s24+$0xED20];
	v6 =	vadd.f32 v11, v6;
	v2 =	vadd.f32 v12, v2  }
0x2e4: {  	v33 =	vld [tilespmem:s24+$0xF500];
	v4 =	vadd.f32 v13, v4;
	v0 =	vadd.f32 v55, v0  }
0x2e5: {  	v34 =	vld [tilespmem:s24+$0xF510];
	v6 =	vadd.f32 v14, v6;
	v2 =	vadd.f32 v15, v2  }
0x2e6: {  	v35 =	vld [tilespmem:s24+$0xF520];
	v4 =	vadd.f32 v16, v4;
	v0 =	vadd.f32 v56, v0  }
0x2e7: {  	v36 =	vld [tilespmem:s24+$0xFD00];
	v6 =	vadd.f32 v17, v6;
	v2 =	vadd.f32 v18, v2  }
0x2e8: {  	v37 =	vld [tilespmem:s24+$0xFD10];
	v4 =	vadd.f32 v19, v4;
	v0 =	vadd.f32 v57, v0  }
0x2e9: {  	v38 =	vld [tilespmem:s24+$0xFD20];
	v6 =	vadd.f32 v20, v6;
	v2 =	vadd.f32 v21, v2  }
0x2ea: {  	v39 =	vld [tilespmem:s24+$0x10500];
	v4 =	vadd.f32 v22, v4;
	v0 =	vadd.f32 v58, v0  }
0x2eb: {  	v40 =	vld [tilespmem:s24+$0x10510];
	v5 =	vadd.f32 v61, v6;
	v2 =	vadd.f32 v23, v2  }
0x2ec: {  	v41 =	vld [tilespmem:s24+$0x10520];
	v3 =	vadd.f32 v62, v4;
	v0 =	vadd.f32 v59, v0  }
0x2ed: {  	v42 =	vld [tilespmem:s24+$0x10D00];
	v5 =	vadd.f32 v24, v5;
	v1 =	vadd.f32 v63, v2  }
0x2ee: {  	v44 =	vld [tilespmem:s24+$0x10D10];
	v43 =	vadd.f32 v25, v3;
	v0 =	vadd.f32 v60, v0  }
0x2ef: {  	v46 =	vld [tilespmem:s24+$0x11500];
	v1 =	vadd.f32 v29, v1  }
0x2f0: {  	v48 =	vld [tilespmem:s24+$0x11520];
	v2 =	vadd.f32 v30, v43;
	[tilespmem:s24+$0x14530] =	vst v0;
	v0 =	vadd.f32 v28, v5  }
0x2f1: {  	v45 =	vld [tilespmem:s24+$0x10D20];
	v1 =	vadd.f32 v32, v1  }
0x2f2: {  	v47 =	vld [tilespmem:s24+$0x11510];
	v2 =	vadd.f32 v33, v2;
	v0 =	vadd.f32 v31, v0  }
0x2f3: {  	v49 =	vld [tilespmem:s24+$0x11D00];
	v1 =	vadd.f32 v35, v1  }
0x2f4: {  	v50 =	vld [tilespmem:s24+$0x11D10];
	v2 =	vadd.f32 v36, v2;
	v0 =	vadd.f32 v34, v0  }
0x2f5: {  	v61 =	vld [tilespmem:s24+$0x13D00];
	v1 =	vadd.f32 v38, v1  }
0x2f6: {  	v51 =	vld [tilespmem:s24+$0x11D20];
	v2 =	vadd.f32 v39, v2;
	v0 =	vadd.f32 v37, v0  }
0x2f7: {  	v52 =	vld [tilespmem:s24+$0x12500];
	v1 =	vadd.f32 v41, v1  }
0x2f8: {  	v53 =	vld [tilespmem:s24+$0x12510];
	v2 =	vadd.f32 v42, v2;
	v0 =	vadd.f32 v40, v0  }
0x2f9: {  	v54 =	vld [tilespmem:s24+$0x12520];
	v1 =	vadd.f32 v45, v1  }
0x2fa: {  	v55 =	vld [tilespmem:s24+$0x12D00];
	v2 =	vadd.f32 v46, v2;
	v0 =	vadd.f32 v44, v0  }
0x2fb: {  	v56 =	vld [tilespmem:s24+$0x12D10];
	v1 =	vadd.f32 v48, v1  }
0x2fc: {  	v57 =	vld [tilespmem:s24+$0x12D20];
	v2 =	vadd.f32 v49, v2;
	v0 =	vadd.f32 v47, v0  }
0x2fd: {  	v58 =	vld [tilespmem:s24+$0x13500];
	v1 =	vadd.f32 v51, v1  }
0x2fe: {  	v2 =	vadd.f32 v52, v2;
	v60 =	vld [tilespmem:s24+$0x13520];
	v0 =	vadd.f32 v50, v0  }
0x2ff: {  	v59 =	vld [tilespmem:s24+$0x13510];
	v1 =	vadd.f32 v54, v1  }
0x300: {  	v63 =	vld [tilespmem:s24+$0x13D20];
	v2 =	vadd.f32 v55, v2;
	v0 =	vadd.f32 v53, v0  }
0x301: {  	v62 =	vld [tilespmem:s24+$0x13D10];
	v1 =	vadd.f32 v57, v1  }
0x302: {  	v2 =	vadd.f32 v58, v2;
	v0 =	vadd.f32 v56, v0  }
0x303: {  	v1 =	vadd.f32 v60, v1  }
0x304: {  	v2 =	vadd.f32 v61, v2;
	v0 =	vadd.f32 v59, v0  }
0x305: {  	v1 =	vadd.f32 v63, v1  }
0x306: {  	s18 =	sadd.s32 $0x1, s18;
	[tilespmem:s24+$0x14500] =	vst v2;
	v0 =	vadd.f32 v62, v0  }
0x307: {  	s20 =	sshll.u32 s20, $0x4;
	p0 =	sne.s32 s18, $0x34;
	[tilespmem:s24+$0x14520] =	vst v1  }
.Ltmp2:
0x308: {  	s20 =	sadd.s32 s20, s22;
	[tilespmem:s24+$0x14510] =	vst v0;
	(pc) =	sbr.rel @p0 .LBB2_2-.Ltmp2, $4  }
0x309: {  	[hbm4b:s20+s15] =	stream.strided.scatter [tilespmem:s6], [sflag:$0x5], $0x800, s19, s15, $0x38;
	[tilespmem:$0x14D00] =	vst v63  }
0x30a: {  	_ =	swait.ge [sflag:s12], $0x800  }
0x30b: {  	[sflag:s12] =	ssyncset.done $0x0  }
0x30c: {  	[sflag:s12] =	ssyncadd.s32 $0xFFFFF800  }
0x30d: {  	s20 =	rddreg [dreg:$0x5]  }
0x30e: {  	s18 =	rddreg [dreg:$0x4];
	s20 =	sadd.s32 $0x1, s20  }
0x30f: {  	p0 =	sne.s32 s20, s18  }
.Ltmp3:
0x310: {  	_ = 	snop;
	(pc) =	sbr.rel @p0 .LBB2_1-.Ltmp3, $1  }
0x311: {  	_ =	sdelay $0x3  }
0x312: {  	_ =	sfence.sel $0x180000  }
0x313: {  	[bflag:$0x0] =	sbarrier.arrive $0xFFFF  }
0x314: {  	_ =	strace $0x90000047  }
0x315: {  	s0 =	stileid.u32;
	[bflag:$0x2] =	sbarrier.arrive $0xFFFF  }
0x316: {  	p0 =	sne.s32 s0, $0x0;
	s0 =	rddreg [dreg:$0x1]  }
0x317: {  	s0 =	sadd.s32 @!p0 $0x100000, s0  }
0x318: {  	[sflag:s0] =	ssyncadd.tile.s32 @!p0 $0x1;
	_ =	shalt  }
.Lfunc_end2:
_tile_overlayer_lowered:
.L_overlay_start_2:
0x319: {  	(tag) =	ssettag $0x2  }
0x31a: {  	s0 =	rddreg [dreg:$0x0];
	s2 =	stileid.u32  }
0x31b: {  	s1 =	rddreg [dreg:$0x1];
	p0 =	sne.s32 s2, $0x0  }
0x31c: {  	s3 =	rddreg [dreg:$0x2];
	[bflag:$0x3] =	sbarrier.arrive $0xFFFF;
	s2 =	simm.s32 @!p0 $0x1C05  }
0x31d: {  	[timem:s3], [sflag:s2] =	dma.local @!p0 [hbm:s0], s1  }
0x31e: {  	s0 =	simm.s32 @!p0 $0x5  }
0x31f: {  	_ =	swait.ge @!p0 [sflag:s0], s1  }
0x320: {  	s1 =	ssub.s32 @!p0 $0x0, s1;
	[sflag:s0] =	ssyncset.done @!p0 $0x0  }
0x321: {  	[sflag:s0] =	ssyncadd.s32 @!p0 s1  }
0x322: {  	[bflag:$0x3] =	sbarrier.arrive $0xFFFF  }
0x323: {  	_ =	shalt  }

</sc_bundles>
